<compile_context>
chip_gen: v7x
topology: tpu7x:2x2x1
jax: 0.10.2.dev20260603
libtpu: 0.0.44.dev20260713+nightly
codegen_flags: <defaults>
</compile_context>

<pallas_src>
import functools

import jax
import jax.numpy as jnp
import numpy as np
from jax import lax
from jax.experimental import pallas as pl
from jax.experimental.pallas import tpu as pltpu
from jax.experimental.pallas import tpu_sc as plsc

N = 50000
E = 800000
NB = 2
INV2 = 1.0 / np.sqrt(2.0)
INV3 = 1.0 / np.sqrt(3.0)
INVNB = 1.0 / np.sqrt(NB)

BE = 2000
BN = 2000

_MM = functools.partial(jnp.dot, preferred_element_type=jnp.float32)


def _silu(x):
    return x * (1.0 / (1.0 + jnp.exp(-x)))


def _blockdiag(*ws):
    rows = sum(w.shape[0] for w in ws)
    cols = sum(w.shape[1] for w in ws)
    out = jnp.zeros((rows, cols), jnp.float32)
    r = c = 0
    for w in ws:
        out = lax.dynamic_update_slice(out, w, (r, c))
        r += w.shape[0]
        c += w.shape[1]
    return out


def _blocked_call(body, n_rows, blk, in_arrays, weight_arrays, out_dims):
    grid = (n_rows // blk,)

    def mk_spec(a):
        nd = a.ndim
        return pl.BlockSpec((blk,) + a.shape[1:],
                            lambda i, _nd=nd: (i,) + (0,) * (_nd - 1))

    in_specs = [mk_spec(a) for a in in_arrays]
    in_specs += [pl.BlockSpec(w.shape, lambda i, _nd=w.ndim: (0,) * _nd)
                 for w in weight_arrays]
    out_specs = [pl.BlockSpec((blk, d), lambda i: (i, 0)) for d in out_dims]
    out_shape = [jax.ShapeDtypeStruct((n_rows, d), jnp.float32) for d in out_dims]
    if len(out_dims) == 1:
        out_specs, out_shape = out_specs[0], out_shape[0]
    return pl.pallas_call(
        body,
        grid=grid,
        in_specs=in_specs,
        out_specs=out_specs,
        out_shape=out_shape,
    )(*in_arrays, *weight_arrays)


def _p1_body(m_ref, r_ref, w1_ref, w2_ref, w3_ref, out_ref):
    a = _silu(_MM(m_ref[...], w1_ref[...])) * _MM(r_ref[...], w2_ref[...])
    out_ref[...] = jnp.concatenate(
        [_silu(_MM(a, w3_ref[...])), jnp.zeros((a.shape[0], 32), jnp.float32)],
        axis=1)


def _phase1(m_st, rbf, p):
    w1 = jnp.concatenate([p["W_q_m_rbf"], p["W_t_m_rbf"]], axis=1)
    w2 = jnp.concatenate([p["W_q_rbf"], p["W_t_rbf"]], axis=1)
    w3 = _blockdiag(p["W_q_m_cbf"], p["W_t_m_cbf"])
    return _blocked_call(_p1_body, E, BE, [m_st, rbf], [w1, w2, w3], [128])


def _p3_body(ga_ref, gb_ref, c_ref, s_ref, wc_ref, wm_ref, ws_ref, wd_ref,
             wst_ref, y_ref):
    ga = ga_ref[...]
    gb = gb_ref[...]
    cb = _MM(c_ref[...], wc_ref[...])
    q = jnp.concatenate([ga[:, 0:32] * cb[:, 0:32], gb[:, 0:32] * cb[:, 96:128]],
                        axis=1)
    sbt = _MM(s_ref[...], ws_ref[...])
    q = _silu(_MM(q, wm_ref[...])) * sbt
    xq = (q[:, 0:32] + q[:, 32:64]) * INVNB
    xt = (ga[:, 32:96] * cb[:, 32:96] + gb[:, 32:96] * cb[:, 128:192]) * INVNB
    xqt = _silu(_MM(jnp.concatenate([xq, xt], axis=1), wd_ref[...]))
    y = _silu(_MM(xqt, wst_ref[...]))
    y_ref[...] = jnp.concatenate(
        [y[:, 0:64] + y[:, 128:192], y[:, 64:128] + y[:, 192:256]], axis=1)


def _phase3(ga, gb, cbf2, sbf2, p):
    wcf = jnp.concatenate([p["W_q_cbf"], p["W_t_cbf"]], axis=1)
    wc = _blockdiag(wcf, wcf)
    wm = _blockdiag(p["W_q_m_sbf"], p["W_q_m_sbf"])
    ws = _blockdiag(p["W_q_sbf"], p["W_q_sbf"])
    wd = _blockdiag(p["W_q_dir"], p["W_t_dir"])
    wst = _blockdiag(
        jnp.concatenate([p["W_q_st"], p["W_q_ts"]], axis=1),
        jnp.concatenate([p["W_t_st"], p["W_t_ts"]], axis=1))
    return _blocked_call(_p3_body, E, BE, [ga, gb, cbf2, sbf2],
                         [wc, wm, ws, wd, wst], [128])


def _p5_body(m_ref, r_ref, y_ref, sw_ref, wmr_ref, wres_ref,
             x_ref, xa_ref):
    mr = jnp.concatenate([m_ref[...], r_ref[...]], axis=1)
    da = _MM(mr, wmr_ref[...])
    x = (_silu(da[:, 0:64])
         + (y_ref[...][:, 0:64] + sw_ref[...][:, 64:128]) * INV2) * INV3
    wres = wres_ref[...]
    for r in range(2):
        y = _silu(_MM(x, wres[r, 0]))
        y = _silu(_MM(y, wres[r, 1]))
        x = (x + y) * INV2
    x_ref[...] = x
    xa_ref[...] = x * da[:, 64:128]


def _phase5(m_st, rbf, y, sw, p):
    wmr = _blockdiag(p["W_m_dense"], p["W_a_rbf"])
    wres = jnp.stack([
        jnp.stack([p["W_res_m_0_0"], p["W_res_m_0_1"]]),
        jnp.stack([p["W_res_m_1_0"], p["W_res_m_1_1"]])])
    return _blocked_call(_p5_body, E, BE, [m_st, rbf, y, sw],
                         [wmr, wres], [64, 64])


def _p7_body(hs_ref, h_ref, wa_ref, wres_ref, wself_ref,
             hout_ref, hs12_ref):
    hx = _silu(_MM(hs_ref[...], wa_ref[...]))
    wres = wres_ref[...]
    for r in range(2):
        y = _silu(_MM(hx, wres[r, 0]))
        y = _silu(_MM(y, wres[r, 1]))
        hx = (hx + y) * INV2
    h_out = (h_ref[...] + hx) * INV2
    hout_ref[...] = h_out
    hs12_ref[...] = _MM(h_out, wself_ref[...])


def _phase7(hsum, h, p):
    wres = jnp.stack([
        jnp.stack([p["W_res_a_0_0"], p["W_res_a_0_1"]]),
        jnp.stack([p["W_res_a_1_0"], p["W_res_a_1_1"]])])
    wself = jnp.concatenate([p["W_self"][0:128], p["W_self"][128:256]], axis=1)
    return _blocked_call(_p7_body, N, BN, [hsum, h],
                         [p["W_a_0"], wres, wself], [128, 128])


def _p9_body(e1_ref, e2_ref, x_ref, w3_ref, wres_ref, out_ref):
    m = _silu(e1_ref[...][:, 0:64] + e2_ref[...][:, 64:128]
              + _MM(x_ref[...], w3_ref[...]))
    wres = wres_ref[...]
    for r in range(2):
        y = _silu(_MM(m, wres[r, 0]))
        y = _silu(_MM(y, wres[r, 1]))
        m = (m + y) * INV2
    out_ref[...] = m


def _phase9(e1, e2, x, p):
    wres = jnp.stack([
        jnp.stack([p["W_res_m2_0_0"], p["W_res_m2_0_1"]]),
        jnp.stack([p["W_res_m2_1_0"], p["W_res_m2_1_1"]])])
    return _blocked_call(_p9_body, E, BE, [e1, e2, x],
                         [p["W_self"][256:320], wres], [64])



NW = 32
CH = 128
EPAD = 802816
NBPAD = 102400


def _sc_mesh():
    return plsc.VectorSubcoreMesh(core_axis_name="c", subcore_axis_name="s")


def _worker():
    return lax.axis_index("s") * 2 + lax.axis_index("c")


def _sc_gather(tables, idxs, bpad):
    n = len(tables)
    mc = bpad // (CH * NW)
    out_type = [jax.ShapeDtypeStruct((bpad, 128), jnp.float32)
                for _ in tables]
    scratch = [pltpu.VMEM((mc * CH,), jnp.int32),
               pltpu.VMEM((2, CH, 128), jnp.float32),
               pltpu.SemaphoreType.DMA,
               pltpu.SemaphoreType.DMA]

    @functools.partial(pl.kernel, out_type=out_type, mesh=_sc_mesh(),
                       scratch_types=scratch)
    def run(*refs):
        t_refs, i_refs, o_refs = refs[:n], refs[n:2 * n], refs[2 * n:3 * n]
        idxv, rows, s0, s1 = refs[3 * n:]
        sems = (s0, s1)
        base = _worker() * (mc * CH)
        for k in range(n):
            tab, ih, oh = t_refs[k], i_refs[k], o_refs[k]
            pltpu.sync_copy(ih.at[pl.ds(base, mc * CH)], idxv)
            for b in range(2):
                pltpu.async_copy(tab.at[idxv.at[pl.ds(b * CH, CH)]],
                                 rows.at[b], sems[b])

            def body(i, _, tab=tab, oh=oh, idxv=idxv, rows=rows, sems=sems):
                for b in range(2):
                    cj = 2 * i + b

                    @pl.when(cj < mc)
                    def _():
                        pltpu.make_async_copy(
                            tab.at[idxv.at[pl.ds(cj * CH, CH)]],
                            rows.at[b], sems[b]).wait()
                        pltpu.sync_copy(rows.at[b],
                                        oh.at[pl.ds(base + cj * CH, CH)])

                        @pl.when(cj + 2 < mc)
                        def _():
                            pltpu.async_copy(
                                tab.at[idxv.at[pl.ds((cj + 2) * CH, CH)]],
                                rows.at[b], sems[b])
                return 0

            lax.fori_loop(0, (mc + 1) // 2, body, 0)

    out = run(*tables, *idxs)
    return list(out) if isinstance(out, (list, tuple)) else [out]


def _sc_node_tab(ab, b1p, b2p):
    mc = NBPAD // (CH * NW)

    @functools.partial(
        pl.kernel,
        out_type=jax.ShapeDtypeStruct((NBPAD, 128), jnp.float32),
        mesh=_sc_mesh(),
        scratch_types=[pltpu.VMEM((mc * CH,), jnp.int32),
                       pltpu.VMEM((mc * CH,), jnp.int32),
                       pltpu.VMEM((CH, 128), jnp.float32),
                       pltpu.VMEM((CH, 128), jnp.float32),
                       pltpu.SemaphoreType.DMA,
                       pltpu.SemaphoreType.DMA])
    def run(ab_h, i1h, i2h, oh, i1v, i2v, g1v, g2v, s1, s2):
        base = _worker() * (mc * CH)
        pltpu.sync_copy(i1h.at[pl.ds(base, mc * CH)], i1v)
        pltpu.sync_copy(i2h.at[pl.ds(base, mc * CH)], i2v)

        def body(cj, _):
            pltpu.async_copy(ab_h.at[i1v.at[pl.ds(cj * CH, CH)]], g1v, s1)
            pltpu.async_copy(ab_h.at[i2v.at[pl.ds(cj * CH, CH)]], g2v, s2)
            pltpu.make_async_copy(ab_h.at[i1v.at[pl.ds(cj * CH, CH)]],
                                  g1v, s1).wait()
            pltpu.make_async_copy(ab_h.at[i2v.at[pl.ds(cj * CH, CH)]],
                                  g2v, s2).wait()

            def rowfix(k, _):
                for j in (0, 16):
                    g1v[k, pl.ds(j, 16)] = (
                        g1v[k, pl.ds(j, 16)] + g2v[k, pl.ds(j, 16)]) * INV2
                return 0

            lax.fori_loop(0, CH, rowfix, 0)
            pltpu.sync_copy(g1v, oh.at[pl.ds(base + cj * CH, CH)])
            return 0

        lax.fori_loop(0, mc, body, 0)

    return run(ab, b1p, b2p)


def _pad_idx(idx, n_to):
    return jnp.pad(idx, (0, n_to - idx.shape[0]))


def kernel(h, m_st, rbf, cbf, sbf, idx_s, idx_t, idx_swap,
           basis_idx1, basis_idx2, params):
    p = params
    idx_s = idx_s.astype(jnp.int32)
    idx_t = idx_t.astype(jnp.int32)
    idx_swap = idx_swap.astype(jnp.int32)
    b1p = _pad_idx(basis_idx1.astype(jnp.int32).reshape(-1), NBPAD)
    b2p = _pad_idx(basis_idx2.astype(jnp.int32).reshape(-1), NBPAD)
    ia = _pad_idx(idx_s * 2, EPAD)
    ib = _pad_idx(idx_s * 2 + 1, EPAD)
    idx_s_p = _pad_idx(idx_s, EPAD)
    idx_t_p = _pad_idx(idx_t, EPAD)
    idx_sw_p = _pad_idx(idx_swap, EPAD)

    AB = _phase1(m_st, rbf, p)

    node_tab = _sc_node_tab(AB, b1p, b2p)

    ga, gb = _sc_gather([node_tab, node_tab], [ia, ib], EPAD)

    y = _phase3(ga, gb, cbf.reshape(E, NB * 16),
                sbf.reshape(E, NB * 32), p)

    (sw,) = _sc_gather([y], [idx_sw_p], EPAD)

    x, xa = _phase5(m_st, rbf, y, sw, p)

    hsum = jax.ops.segment_sum(xa, idx_t, num_segments=N)

    h_out, hs = _phase7(hsum, h, p)

    e1, e2 = _sc_gather([hs, hs], [idx_s_p, idx_t_p], EPAD)

    m_new = _phase9(e1, e2, x, p)
    return h_out, m_new

# --- scband reference (transcript-rebuilt; emitter-appended) ---
"""Pipeline reference for scband-interaction-block-14714557956330 (READ-ONLY COPY).

The authoritative reference and input builder live on the scoring server;
editing this copy changes nothing except your own understanding.
"""

import jax, jax.numpy as jnp
import numpy as np

N = 50000
E = 800000
NB = 2
A = 128
ED = 64
R = 16
C = 16
S = 32
T = 64
Q = 32
NRES = 2
INV2 = 1.0 / np.sqrt(2.0)
INV3 = 1.0 / np.sqrt(3.0)
INVNB = 1.0 / np.sqrt(NB)


def _w(key, fin, fout):
    return jax.random.normal(key, (fin, fout), jnp.float32) * (1.0 / np.sqrt(fin))


def setup_inputs(seed: int = 0) -> dict:
    key = jax.random.key(seed)
    ks = jax.random.split(key, 64)
    inp = {}
    inp["h"] = jax.random.normal(ks[0], (N, A), jnp.float32)
    inp["m_st"] = jax.random.normal(ks[1], (E, ED), jnp.float32)
    inp["rbf"] = jax.random.uniform(ks[2], (E, R), jnp.float32)
    inp["cbf"] = jax.random.uniform(ks[3], (E, NB, C), jnp.float32)
    inp["sbf"] = jax.random.uniform(ks[4], (E, NB, S), jnp.float32)
    inp["idx_s"] = jax.random.randint(ks[5], (E,), 0, N)
    inp["idx_t"] = jax.random.randint(ks[6], (E,), 0, N)
    inp["idx_swap"] = jax.random.randint(ks[7], (E,), 0, E)
    inp["basis_idx1"] = jax.random.randint(ks[8], (N, NB), 0, E)
    inp["basis_idx2"] = jax.random.randint(ks[9], (N, NB), 0, E)
    p = {}
    i = 10
    specs = [("W_q_m_rbf", ED, ED), ("W_q_rbf", R, ED), ("W_q_m_cbf", ED, Q), ("W_q_cbf", C, Q), ("W_q_m_sbf", Q, Q), ("W_q_sbf", S, Q), ("W_q_dir", Q, ED), ("W_q_st", ED, ED), ("W_q_ts", ED, ED), ("W_t_m_rbf", ED, ED), ("W_t_rbf", R, ED), ("W_t_m_cbf", ED, T), ("W_t_cbf", C, T), ("W_t_dir", T, ED), ("W_t_st", ED, ED), ("W_t_ts", ED, ED), ("W_m_dense", ED, ED), ("W_a_rbf", R, ED), ("W_a_0", ED, A), ("W_self", 2 * A + ED, ED)]
    for nm, fi, fo in specs:
        p[nm] = _w(ks[i], fi, fo)
        i += 1
    for r in range(NRES):
        for j in range(2):
            p["W_res_m_%d_%d" % (r, j)] = _w(ks[i], ED, ED); i += 1
            p["W_res_a_%d_%d" % (r, j)] = _w(ks[i], A, A); i += 1
            p["W_res_m2_%d_%d" % (r, j)] = _w(ks[i], ED, ED); i += 1
    inp["params"] = p
    return inp


def _residual(x, W1, W2):
    y = jax.nn.silu(x @ W1)
    y = jax.nn.silu(y @ W2)
    return (x + y) * INV2


def _forward(h, m_st, rbf, cbf, sbf, idx_s, idx_t, idx_swap, b1, b2, p):
    act = jax.nn.silu
    b1f = b1[idx_s].reshape(-1)
    b2f = b2[idx_s].reshape(-1)
    # Quadruplet interaction
    mq = act(m_st @ p["W_q_m_rbf"])
    mq = mq * (rbf @ p["W_q_rbf"])
    cbf2 = cbf.reshape(E * NB, C)
    mnb = act(mq @ p["W_q_m_cbf"])
    mnb = (mnb[b1f] + mnb[b2f]) * INV2
    mnb = mnb * (cbf2 @ p["W_q_cbf"])
    sbf2 = sbf.reshape(E * NB, S)
    mnb = act(mnb @ p["W_q_m_sbf"])
    mnb = mnb * (sbf2 @ p["W_q_sbf"])
    xq = mnb.reshape(E, NB, Q).sum(axis=1) * INVNB
    xq = act(xq @ p["W_q_dir"])
    x4 = (act(xq @ p["W_q_st"]) + act(xq @ p["W_q_ts"])[idx_swap]) * INV2
    # Triplet interaction
    mt = act(m_st @ p["W_t_m_rbf"])
    mt = mt * (rbf @ p["W_t_rbf"])
    tnb = act(mt @ p["W_t_m_cbf"])
    tnb = tnb[b1f]
    tnb = tnb * (cbf2 @ p["W_t_cbf"])
    xt = tnb.reshape(E, NB, T).sum(axis=1) * INVNB
    xt = act(xt @ p["W_t_dir"])
    x3 = (act(xt @ p["W_t_st"]) + act(xt @ p["W_t_ts"])[idx_swap]) * INV2
    # Combine edge streams
    x = (act(m_st @ p["W_m_dense"]) + x3 + x4) * INV3
    for r in range(NRES):
        x = _residual(x, p["W_res_m_%d_0" % r], p["W_res_m_%d_1" % r])
    # Atom embedding update (scatter-add over edges)
    xa = x * (rbf @ p["W_a_rbf"])
    hsum = jax.ops.segment_sum(xa, idx_t, num_segments=N)
    hx = act(hsum @ p["W_a_0"])
    for r in range(NRES):
        hx = _residual(hx, p["W_res_a_%d_0" % r], p["W_res_a_%d_1" % r])
    h_out = (h + hx) * INV2
    # Atom self interaction back to edges (gathers)
    mcat = jnp.concatenate([h_out[idx_s], h_out[idx_t], x], axis=-1)
    m_new = act(mcat @ p["W_self"])
    for r in range(NRES):
        m_new = _residual(m_new, p["W_res_m2_%d_0" % r], p["W_res_m2_%d_1" % r])
    return h_out, m_new


def reference(h, m_st, rbf, cbf, sbf, idx_s, idx_t, idx_swap, basis_idx1, basis_idx2, params):
    return _forward(h, m_st, rbf, cbf, sbf, idx_s, idx_t, idx_swap, basis_idx1, basis_idx2, params)

if __name__ == "__main__":
    import jax
    _d = setup_inputs()
    print(jax.jit(kernel)(*tuple(_d.values())))

</pallas_src>

<mosaic_0001>
#map = affine_map<(d0, d1) -> (0, 0)>
#map1 = affine_map<(d0, d1) -> (0)>
module attributes {stable_mosaic.version = 14 : i64} {
  func.func @run(%arg0: i32, %arg1: i32, %arg2: memref<800000x128xf32, #tpu.memory_space<hbm>>, %arg3: memref<102400xi32, #tpu.memory_space<hbm>>, %arg4: memref<102400xi32, #tpu.memory_space<hbm>>, %arg5: memref<102400x128xf32, #tpu.memory_space<hbm>>, %arg6: memref<3200xi32, #tpu.memory_space<vmem>>, %arg7: memref<3200xi32, #tpu.memory_space<vmem>>, %arg8: memref<128x128xf32, #tpu.memory_space<vmem>>, %arg9: memref<128x128xf32, #tpu.memory_space<vmem>>, %arg10: memref<!tpu.dma_semaphore, #tpu.memory_space<semaphore_mem>>, %arg11: memref<!tpu.dma_semaphore, #tpu.memory_space<semaphore_mem>>) attributes {dimension_semantics = [#tpu.dimension_semantics<core_parallel>, #tpu.dimension_semantics<subcore_parallel>], iteration_bounds = array<i64: 2, 16>, scalar_prefetch = 0 : i64, scratch_operands = 6 : i64, tpu.core_type = #tpu.core_type<sc_vector_subcore>, window_params = [{transform_indices = #map}, {transform_indices = #map1}, {transform_indices = #map1}, {transform_indices = #map}]} {
    %mul3A = arith.constant 2 : i32
    %mul3A_0 = arith.muli %arg1, %mul3A : i32
    %add3A = arith.addi %mul3A_0, %arg0 : i32
    %mul3A_1 = arith.constant 3200 : i32
    %mul3A_2 = arith.muli %add3A, %mul3A_1 : i32
    "tpu.region"() ({
      %run_scoped3A = tpu.sem_alloc : memref<!tpu.dma_semaphore, #tpu.memory_space<semaphore_mem>>
      %dma_start3A = tpu.memref_slice %arg3[%mul3A_2] : memref<102400xi32, #tpu.memory_space<hbm>> -> memref<3200xi32, #tpu.memory_space<hbm>>
      %dma_start3A_9 = tpu.memref_slice %arg3[%mul3A_2] : memref<102400xi32, #tpu.memory_space<hbm>> -> memref<3200xi32, #tpu.memory_space<hbm>>
      tpu.enqueue_dma source(%dma_start3A_9 : memref<3200xi32, #tpu.memory_space<hbm>>) target(%arg6 : memref<3200xi32, #tpu.memory_space<vmem>>) target_semaphore(%run_scoped3A : memref<!tpu.dma_semaphore, #tpu.memory_space<semaphore_mem>>)
      %dma_wait3A = tpu.memref_slice %arg3[%mul3A_2] : memref<102400xi32, #tpu.memory_space<hbm>> -> memref<3200xi32, #tpu.memory_space<hbm>>
      %dma_wait3A_10 = tpu.memref_slice %arg3[%mul3A_2] : memref<102400xi32, #tpu.memory_space<hbm>> -> memref<3200xi32, #tpu.memory_space<hbm>>
      tpu.wait_dma2 semaphore(%run_scoped3A : memref<!tpu.dma_semaphore, #tpu.memory_space<semaphore_mem>>) src(%dma_wait3A_10 : memref<3200xi32, #tpu.memory_space<hbm>>) dst(%arg6 : memref<3200xi32, #tpu.memory_space<vmem>>)
      tpu.yield
    }) : () -> ()
    "tpu.region"() ({
      %run_scoped3A = tpu.sem_alloc : memref<!tpu.dma_semaphore, #tpu.memory_space<semaphore_mem>>
      %dma_start3A = tpu.memref_slice %arg4[%mul3A_2] : memref<102400xi32, #tpu.memory_space<hbm>> -> memref<3200xi32, #tpu.memory_space<hbm>>
      %dma_start3A_9 = tpu.memref_slice %arg4[%mul3A_2] : memref<102400xi32, #tpu.memory_space<hbm>> -> memref<3200xi32, #tpu.memory_space<hbm>>
      tpu.enqueue_dma source(%dma_start3A_9 : memref<3200xi32, #tpu.memory_space<hbm>>) target(%arg7 : memref<3200xi32, #tpu.memory_space<vmem>>) target_semaphore(%run_scoped3A : memref<!tpu.dma_semaphore, #tpu.memory_space<semaphore_mem>>)
      %dma_wait3A = tpu.memref_slice %arg4[%mul3A_2] : memref<102400xi32, #tpu.memory_space<hbm>> -> memref<3200xi32, #tpu.memory_space<hbm>>
      %dma_wait3A_10 = tpu.memref_slice %arg4[%mul3A_2] : memref<102400xi32, #tpu.memory_space<hbm>> -> memref<3200xi32, #tpu.memory_space<hbm>>
      tpu.wait_dma2 semaphore(%run_scoped3A : memref<!tpu.dma_semaphore, #tpu.memory_space<semaphore_mem>>) src(%dma_wait3A_10 : memref<3200xi32, #tpu.memory_space<hbm>>) dst(%arg7 : memref<3200xi32, #tpu.memory_space<vmem>>)
      tpu.yield
    }) : () -> ()
    %scan3A = arith.constant 0 : i32
    %scan3A_3 = arith.constant 0 : i32
    %scan3A_4 = arith.constant 25 : i32
    %scan3A_5 = arith.addi %scan3A_3, %scan3A_4 : i32
    %scan3A_6 = arith.constant 1 : i32
    %scan3A_7 = scf.for %scan3A_9 = %scan3A_3 to %scan3A_5 step %scan3A_6 iter_args(%scan3A_10 = %scan3A) -> (i32)  : i32 {
      %mul3A_11 = arith.constant 128 : i32
      %mul3A_12 = arith.muli %scan3A_9, %mul3A_11 : i32
      %dma_start3A = tpu.memref_slice %arg6[%mul3A_12] : memref<3200xi32, #tpu.memory_space<vmem>> -> memref<128xi32, #tpu.memory_space<vmem>>
      %dma_start3A_13 = arith.constant 0 : i32
      %dma_start3A_14 = arith.constant 0 : i32
      %dma_start3A_15 = tpu.memref_slice %arg2[%dma_start3A_13, %dma_start3A_14] : memref<800000x128xf32, #tpu.memory_space<hbm>> -> memref<800000x128xf32, #tpu.memory_space<hbm>>
      tpu.enqueue_indirect_dma source(%dma_start3A_15 : memref<800000x128xf32, #tpu.memory_space<hbm>>) target(%arg8 : memref<128x128xf32, #tpu.memory_space<vmem>>) offsets(%dma_start3A : memref<128xi32, #tpu.memory_space<vmem>>) semaphore(%arg10 : memref<!tpu.dma_semaphore, #tpu.memory_space<semaphore_mem>>)
      %mul3A_16 = arith.constant 128 : i32
      %mul3A_17 = arith.muli %scan3A_9, %mul3A_16 : i32
      %dma_start3A_18 = tpu.memref_slice %arg7[%mul3A_17] : memref<3200xi32, #tpu.memory_space<vmem>> -> memref<128xi32, #tpu.memory_space<vmem>>
      %dma_start3A_19 = arith.constant 0 : i32
      %dma_start3A_20 = arith.constant 0 : i32
      %dma_start3A_21 = tpu.memref_slice %arg2[%dma_start3A_19, %dma_start3A_20] : memref<800000x128xf32, #tpu.memory_space<hbm>> -> memref<800000x128xf32, #tpu.memory_space<hbm>>
      tpu.enqueue_indirect_dma source(%dma_start3A_21 : memref<800000x128xf32, #tpu.memory_space<hbm>>) target(%arg9 : memref<128x128xf32, #tpu.memory_space<vmem>>) offsets(%dma_start3A_18 : memref<128xi32, #tpu.memory_space<vmem>>) semaphore(%arg11 : memref<!tpu.dma_semaphore, #tpu.memory_space<semaphore_mem>>)
      %mul3A_22 = arith.constant 128 : i32
      %mul3A_23 = arith.muli %scan3A_9, %mul3A_22 : i32
      %dma_wait3A = tpu.memref_slice %arg6[%mul3A_23] : memref<3200xi32, #tpu.memory_space<vmem>> -> memref<128xi32, #tpu.memory_space<vmem>>
      %dma_wait3A_24 = arith.constant 0 : i32
      %dma_wait3A_25 = arith.constant 0 : i32
      %dma_wait3A_26 = tpu.memref_slice %arg2[%dma_wait3A_24, %dma_wait3A_25] : memref<800000x128xf32, #tpu.memory_space<hbm>> -> memref<800000x128xf32, #tpu.memory_space<hbm>>
      tpu.wait_indirect_dma semaphore(%arg10 : memref<!tpu.dma_semaphore, #tpu.memory_space<semaphore_mem>>) src(%dma_wait3A_26 : memref<800000x128xf32, #tpu.memory_space<hbm>>) dst(%arg8 : memref<128x128xf32, #tpu.memory_space<vmem>>)
      %mul3A_27 = arith.constant 128 : i32
      %mul3A_28 = arith.muli %scan3A_9, %mul3A_27 : i32
      %dma_wait3A_29 = tpu.memref_slice %arg7[%mul3A_28] : memref<3200xi32, #tpu.memory_space<vmem>> -> memref<128xi32, #tpu.memory_space<vmem>>
      %dma_wait3A_30 = arith.constant 0 : i32
      %dma_wait3A_31 = arith.constant 0 : i32
      %dma_wait3A_32 = tpu.memref_slice %arg2[%dma_wait3A_30, %dma_wait3A_31] : memref<800000x128xf32, #tpu.memory_space<hbm>> -> memref<800000x128xf32, #tpu.memory_space<hbm>>
      tpu.wait_indirect_dma semaphore(%arg11 : memref<!tpu.dma_semaphore, #tpu.memory_space<semaphore_mem>>) src(%dma_wait3A_32 : memref<800000x128xf32, #tpu.memory_space<hbm>>) dst(%arg9 : memref<128x128xf32, #tpu.memory_space<vmem>>)
      %scan3A_33 = arith.constant 0 : i32
      %scan3A_34 = arith.constant 0 : i32
      %scan3A_35 = arith.constant 128 : i32
      %scan3A_36 = arith.addi %scan3A_34, %scan3A_35 : i32
      %scan3A_37 = arith.constant 1 : i32
      %scan3A_38 = scf.for %scan3A_44 = %scan3A_34 to %scan3A_36 step %scan3A_37 iter_args(%scan3A_45 = %scan3A_33) -> (i32)  : i32 {
        %get3A = arith.index_cast %scan3A_44 : i32 to index
        %get3A_46 = arith.constant 0 : index
        %get3A_47 = tpu.vector_load %arg8[%get3A, %get3A_46] {strides = array<i32>} : memref<128x128xf32, #tpu.memory_space<vmem>>, vector<1x16xf32>,
        %get3A_48 = vector.shape_cast %get3A_47 : vector<1x16xf32> to vector<16xf32>
        %get3A_49 = arith.index_cast %scan3A_44 : i32 to index
        %get3A_50 = arith.constant 0 : index
        %get3A_51 = tpu.vector_load %arg9[%get3A_49, %get3A_50] {strides = array<i32>} : memref<128x128xf32, #tpu.memory_space<vmem>>, vector<1x16xf32>,
        %get3A_52 = vector.shape_cast %get3A_51 : vector<1x16xf32> to vector<16xf32>
        %add3A_53 = arith.addf %get3A_48, %get3A_52 : vector<16xf32>
        %mul3A_54 = arith.constant 0.707106769 : f32
        %mul3A_55 = vector.broadcast %mul3A_54 : f32 to vector<16xf32>
        %mul3A_56 = arith.mulf %add3A_53, %mul3A_55 : vector<16xf32>
        %swap3A = arith.index_cast %scan3A_44 : i32 to index
        %swap3A_57 = arith.constant 0 : index
        %swap3A_58 = tpu.vector_load %arg8[%swap3A, %swap3A_57] {strides = array<i32>} : memref<128x128xf32, #tpu.memory_space<vmem>>, vector<1x16xf32>,
        %swap3A_59 = vector.shape_cast %swap3A_58 : vector<1x16xf32> to vector<16xf32>
        %swap3A_60 = vector.shape_cast %mul3A_56 : vector<16xf32> to vector<1x16xf32>
        tpu.vector_store %arg8[%swap3A, %swap3A_57], %swap3A_60 {strides = array<i32>} : memref<128x128xf32, #tpu.memory_space<vmem>>, vector<1x16xf32>,
        %get3A_61 = arith.index_cast %scan3A_44 : i32 to index
        %get3A_62 = arith.constant 16 : index
        %get3A_63 = tpu.vector_load %arg8[%get3A_61, %get3A_62] {strides = array<i32>} : memref<128x128xf32, #tpu.memory_space<vmem>>, vector<1x16xf32>,
        %get3A_64 = vector.shape_cast %get3A_63 : vector<1x16xf32> to vector<16xf32>
        %get3A_65 = arith.index_cast %scan3A_44 : i32 to index
        %get3A_66 = arith.constant 16 : index
        %get3A_67 = tpu.vector_load %arg9[%get3A_65, %get3A_66] {strides = array<i32>} : memref<128x128xf32, #tpu.memory_space<vmem>>, vector<1x16xf32>,
        %get3A_68 = vector.shape_cast %get3A_67 : vector<1x16xf32> to vector<16xf32>
        %add3A_69 = arith.addf %get3A_64, %get3A_68 : vector<16xf32>
        %mul3A_70 = arith.constant 0.707106769 : f32
        %mul3A_71 = vector.broadcast %mul3A_70 : f32 to vector<16xf32>
        %mul3A_72 = arith.mulf %add3A_69, %mul3A_71 : vector<16xf32>
        %swap3A_73 = arith.index_cast %scan3A_44 : i32 to index
        %swap3A_74 = arith.constant 16 : index
        %swap3A_75 = tpu.vector_load %arg8[%swap3A_73, %swap3A_74] {strides = array<i32>} : memref<128x128xf32, #tpu.memory_space<vmem>>, vector<1x16xf32>,
        %swap3A_76 = vector.shape_cast %swap3A_75 : vector<1x16xf32> to vector<16xf32>
        %swap3A_77 = vector.shape_cast %mul3A_72 : vector<16xf32> to vector<1x16xf32>
        tpu.vector_store %arg8[%swap3A_73, %swap3A_74], %swap3A_77 {strides = array<i32>} : memref<128x128xf32, #tpu.memory_space<vmem>>, vector<1x16xf32>,
        %scan3A_78 = arith.constant 0 : i32
        scf.yield %scan3A_78 : i32
      }
      %scan3A_39 = arith.constant 128 : i32
      %mul3A_40 = arith.constant 128 : i32
      %mul3A_41 = arith.muli %scan3A_9, %mul3A_40 : i32
      %add3A_42 = arith.addi %mul3A_2, %mul3A_41 : i32
      "tpu.region"() ({
        %run_scoped3A = tpu.sem_alloc : memref<!tpu.dma_semaphore, #tpu.memory_space<semaphore_mem>>
        %dma_start3A_44 = arith.constant 0 : i32
        %dma_start3A_45 = tpu.memref_slice %arg5[%add3A_42, %dma_start3A_44] : memref<102400x128xf32, #tpu.memory_space<hbm>> -> memref<128x128xf32, #tpu.memory_space<hbm>>
        %dma_start3A_46 = arith.constant 0 : i32
        %dma_start3A_47 = tpu.memref_slice %arg5[%add3A_42, %dma_start3A_46] : memref<102400x128xf32, #tpu.memory_space<hbm>> -> memref<128x128xf32, #tpu.memory_space<hbm>>
        tpu.enqueue_dma source(%arg8 : memref<128x128xf32, #tpu.memory_space<vmem>>) target(%dma_start3A_47 : memref<128x128xf32, #tpu.memory_space<hbm>>) target_semaphore(%run_scoped3A : memref<!tpu.dma_semaphore, #tpu.memory_space<semaphore_mem>>)
        %dma_wait3A_48 = arith.constant 0 : i32
        %dma_wait3A_49 = tpu.memref_slice %arg5[%add3A_42, %dma_wait3A_48] : memref<102400x128xf32, #tpu.memory_space<hbm>> -> memref<128x128xf32, #tpu.memory_space<hbm>>
        %dma_wait3A_50 = arith.constant 0 : i32
        %dma_wait3A_51 = tpu.memref_slice %arg5[%add3A_42, %dma_wait3A_50] : memref<102400x128xf32, #tpu.memory_space<hbm>> -> memref<128x128xf32, #tpu.memory_space<hbm>>
        tpu.wait_dma2 semaphore(%run_scoped3A : memref<!tpu.dma_semaphore, #tpu.memory_space<semaphore_mem>>) src(%arg8 : memref<128x128xf32, #tpu.memory_space<vmem>>) dst(%dma_wait3A_51 : memref<128x128xf32, #tpu.memory_space<hbm>>)
        tpu.yield
      }) : () -> ()
      %scan3A_43 = arith.constant 0 : i32
      scf.yield %scan3A_43 : i32
    }
    %scan3A_8 = arith.constant 25 : i32
    return
  }
}

#map = affine_map<(d0, d1) -> (0, 0)>
#map1 = affine_map<(d0, d1) -> (0)>
module attributes {stable_mosaic.version = 14 : i64} {
  func.func @run(%arg0: i32, %arg1: i32, %arg2: memref<800000x128xf32, #tpu.memory_space<hbm>>, %arg3: memref<802816xi32, #tpu.memory_space<hbm>>, %arg4: memref<802816x128xf32, #tpu.memory_space<hbm>>, %arg5: memref<25088xi32, #tpu.memory_space<vmem>>, %arg6: memref<2x128x128xf32, #tpu.memory_space<vmem>>, %arg7: memref<!tpu.dma_semaphore, #tpu.memory_space<semaphore_mem>>, %arg8: memref<!tpu.dma_semaphore, #tpu.memory_space<semaphore_mem>>) attributes {dimension_semantics = [#tpu.dimension_semantics<core_parallel>, #tpu.dimension_semantics<subcore_parallel>], iteration_bounds = array<i64: 2, 16>, scalar_prefetch = 0 : i64, scratch_operands = 4 : i64, tpu.core_type = #tpu.core_type<sc_vector_subcore>, window_params = [{transform_indices = #map}, {transform_indices = #map1}, {transform_indices = #map}]} {
    %mul3A = arith.constant 2 : i32
    %mul3A_0 = arith.muli %arg1, %mul3A : i32
    %add3A = arith.addi %mul3A_0, %arg0 : i32
    %mul3A_1 = arith.constant 25088 : i32
    %mul3A_2 = arith.muli %add3A, %mul3A_1 : i32
    "tpu.region"() ({
      %run_scoped3A = tpu.sem_alloc : memref<!tpu.dma_semaphore, #tpu.memory_space<semaphore_mem>>
      %dma_start3A_28 = tpu.memref_slice %arg3[%mul3A_2] : memref<802816xi32, #tpu.memory_space<hbm>> -> memref<25088xi32, #tpu.memory_space<hbm>>
      %dma_start3A_29 = tpu.memref_slice %arg3[%mul3A_2] : memref<802816xi32, #tpu.memory_space<hbm>> -> memref<25088xi32, #tpu.memory_space<hbm>>
      tpu.enqueue_dma source(%dma_start3A_29 : memref<25088xi32, #tpu.memory_space<hbm>>) target(%arg5 : memref<25088xi32, #tpu.memory_space<vmem>>) target_semaphore(%run_scoped3A : memref<!tpu.dma_semaphore, #tpu.memory_space<semaphore_mem>>)
      %dma_wait3A = tpu.memref_slice %arg3[%mul3A_2] : memref<802816xi32, #tpu.memory_space<hbm>> -> memref<25088xi32, #tpu.memory_space<hbm>>
      %dma_wait3A_30 = tpu.memref_slice %arg3[%mul3A_2] : memref<802816xi32, #tpu.memory_space<hbm>> -> memref<25088xi32, #tpu.memory_space<hbm>>
      tpu.wait_dma2 semaphore(%run_scoped3A : memref<!tpu.dma_semaphore, #tpu.memory_space<semaphore_mem>>) src(%dma_wait3A_30 : memref<25088xi32, #tpu.memory_space<hbm>>) dst(%arg5 : memref<25088xi32, #tpu.memory_space<vmem>>)
      tpu.yield
    }) : () -> ()
    %dma_start3A = arith.constant 0 : i32
    %dma_start3A_3 = arith.constant 0 : i32
    %dma_start3A_4 = arith.constant 0 : i32
    %dma_start3A_5 = tpu.memref_slice %arg6[%dma_start3A, %dma_start3A_3, %dma_start3A_4] : memref<2x128x128xf32, #tpu.memory_space<vmem>> -> memref<1x128x128xf32, #tpu.memory_space<vmem>>
    %dma_start3A_6 = tpu.memref_squeeze %dma_start3A_5 : memref<1x128x128xf32, #tpu.memory_space<vmem>> -> memref<128x128xf32, #tpu.memory_space<vmem>>
    %dma_start3A_7 = arith.constant 0 : i32
    %dma_start3A_8 = tpu.memref_slice %arg5[%dma_start3A_7] : memref<25088xi32, #tpu.memory_space<vmem>> -> memref<128xi32, #tpu.memory_space<vmem>>
    %dma_start3A_9 = arith.constant 0 : i32
    %dma_start3A_10 = arith.constant 0 : i32
    %dma_start3A_11 = tpu.memref_slice %arg2[%dma_start3A_9, %dma_start3A_10] : memref<800000x128xf32, #tpu.memory_space<hbm>> -> memref<800000x128xf32, #tpu.memory_space<hbm>>
    tpu.enqueue_indirect_dma source(%dma_start3A_11 : memref<800000x128xf32, #tpu.memory_space<hbm>>) target(%dma_start3A_6 : memref<128x128xf32, #tpu.memory_space<vmem>>) offsets(%dma_start3A_8 : memref<128xi32, #tpu.memory_space<vmem>>) semaphore(%arg7 : memref<!tpu.dma_semaphore, #tpu.memory_space<semaphore_mem>>)
    %dma_start3A_12 = arith.constant 1 : i32
    %dma_start3A_13 = arith.constant 0 : i32
    %dma_start3A_14 = arith.constant 0 : i32
    %dma_start3A_15 = tpu.memref_slice %arg6[%dma_start3A_12, %dma_start3A_13, %dma_start3A_14] : memref<2x128x128xf32, #tpu.memory_space<vmem>> -> memref<1x128x128xf32, #tpu.memory_space<vmem>>
    %dma_start3A_16 = tpu.memref_squeeze %dma_start3A_15 : memref<1x128x128xf32, #tpu.memory_space<vmem>> -> memref<128x128xf32, #tpu.memory_space<vmem>>
    %dma_start3A_17 = arith.constant 128 : i32
    %dma_start3A_18 = tpu.memref_slice %arg5[%dma_start3A_17] : memref<25088xi32, #tpu.memory_space<vmem>> -> memref<128xi32, #tpu.memory_space<vmem>>
    %dma_start3A_19 = arith.constant 0 : i32
    %dma_start3A_20 = arith.constant 0 : i32
    %dma_start3A_21 = tpu.memref_slice %arg2[%dma_start3A_19, %dma_start3A_20] : memref<800000x128xf32, #tpu.memory_space<hbm>> -> memref<800000x128xf32, #tpu.memory_space<hbm>>
    tpu.enqueue_indirect_dma source(%dma_start3A_21 : memref<800000x128xf32, #tpu.memory_space<hbm>>) target(%dma_start3A_16 : memref<128x128xf32, #tpu.memory_space<vmem>>) offsets(%dma_start3A_18 : memref<128xi32, #tpu.memory_space<vmem>>) semaphore(%arg8 : memref<!tpu.dma_semaphore, #tpu.memory_space<semaphore_mem>>)
    %scan3A = arith.constant 0 : i32
    %scan3A_22 = arith.constant 0 : i32
    %scan3A_23 = arith.constant 98 : i32
    %scan3A_24 = arith.addi %scan3A_22, %scan3A_23 : i32
    %scan3A_25 = arith.constant 1 : i32
    %scan3A_26 = scf.for %scan3A_28 = %scan3A_22 to %scan3A_24 step %scan3A_25 iter_args(%scan3A_29 = %scan3A) -> (i32)  : i32 {
      %mul3A_30 = arith.constant 2 : i32
      %mul3A_31 = arith.muli %mul3A_30, %scan3A_28 : i32
      %add3A_32 = arith.constant 0 : i32
      %add3A_33 = arith.addi %mul3A_31, %add3A_32 : i32
      %lt3A = arith.constant 196 : i32
      %lt3A_34 = arith.cmpi slt, %add3A_33, %lt3A : i32
      %convert_element_type3A = arith.extui %lt3A_34 : i1 to i32
      %cond3A = arith.constant 0 : i32
      %cond3A_35 = arith.cmpi ne, %convert_element_type3A, %cond3A : i32
      scf.if %cond3A_35 {
        %mul3A_46 = arith.constant 128 : i32
        %mul3A_47 = arith.muli %add3A_33, %mul3A_46 : i32
        %dma_wait3A = arith.constant 0 : i32
        %dma_wait3A_48 = arith.constant 0 : i32
        %dma_wait3A_49 = arith.constant 0 : i32
        %dma_wait3A_50 = tpu.memref_slice %arg6[%dma_wait3A, %dma_wait3A_48, %dma_wait3A_49] : memref<2x128x128xf32, #tpu.memory_space<vmem>> -> memref<1x128x128xf32, #tpu.memory_space<vmem>>
        %dma_wait3A_51 = tpu.memref_squeeze %dma_wait3A_50 : memref<1x128x128xf32, #tpu.memory_space<vmem>> -> memref<128x128xf32, #tpu.memory_space<vmem>>
        %dma_wait3A_52 = tpu.memref_slice %arg5[%mul3A_47] : memref<25088xi32, #tpu.memory_space<vmem>> -> memref<128xi32, #tpu.memory_space<vmem>>
        %dma_wait3A_53 = arith.constant 0 : i32
        %dma_wait3A_54 = arith.constant 0 : i32
        %dma_wait3A_55 = tpu.memref_slice %arg2[%dma_wait3A_53, %dma_wait3A_54] : memref<800000x128xf32, #tpu.memory_space<hbm>> -> memref<800000x128xf32, #tpu.memory_space<hbm>>
        tpu.wait_indirect_dma semaphore(%arg7 : memref<!tpu.dma_semaphore, #tpu.memory_space<semaphore_mem>>) src(%dma_wait3A_55 : memref<800000x128xf32, #tpu.memory_space<hbm>>) dst(%dma_wait3A_51 : memref<128x128xf32, #tpu.memory_space<vmem>>)
        %mul3A_56 = arith.constant 128 : i32
        %mul3A_57 = arith.muli %add3A_33, %mul3A_56 : i32
        %add3A_58 = arith.addi %mul3A_2, %mul3A_57 : i32
        %run_scoped3A = arith.constant 0 : i32
        "tpu.region"() ({
          %run_scoped3A_66 = tpu.sem_alloc : memref<!tpu.dma_semaphore, #tpu.memory_space<semaphore_mem>>
          %dma_start3A_67 = arith.constant 0 : i32
          %dma_start3A_68 = arith.constant 0 : i32
          %dma_start3A_69 = tpu.memref_slice %arg6[%run_scoped3A, %dma_start3A_67, %dma_start3A_68] : memref<2x128x128xf32, #tpu.memory_space<vmem>> -> memref<1x128x128xf32, #tpu.memory_space<vmem>>
          %dma_start3A_70 = tpu.memref_squeeze %dma_start3A_69 : memref<1x128x128xf32, #tpu.memory_space<vmem>> -> memref<128x128xf32, #tpu.memory_space<vmem>>
          %dma_start3A_71 = arith.constant 0 : i32
          %dma_start3A_72 = tpu.memref_slice %arg4[%add3A_58, %dma_start3A_71] : memref<802816x128xf32, #tpu.memory_space<hbm>> -> memref<128x128xf32, #tpu.memory_space<hbm>>
          %dma_start3A_73 = arith.constant 0 : i32
          %dma_start3A_74 = tpu.memref_slice %arg4[%add3A_58, %dma_start3A_73] : memref<802816x128xf32, #tpu.memory_space<hbm>> -> memref<128x128xf32, #tpu.memory_space<hbm>>
          %dma_start3A_75 = arith.constant 0 : i32
          %dma_start3A_76 = arith.constant 0 : i32
          %dma_start3A_77 = tpu.memref_slice %arg6[%run_scoped3A, %dma_start3A_75, %dma_start3A_76] : memref<2x128x128xf32, #tpu.memory_space<vmem>> -> memref<1x128x128xf32, #tpu.memory_space<vmem>>
          %dma_start3A_78 = tpu.memref_squeeze %dma_start3A_77 : memref<1x128x128xf32, #tpu.memory_space<vmem>> -> memref<128x128xf32, #tpu.memory_space<vmem>>
          tpu.enqueue_dma source(%dma_start3A_78 : memref<128x128xf32, #tpu.memory_space<vmem>>) target(%dma_start3A_74 : memref<128x128xf32, #tpu.memory_space<hbm>>) target_semaphore(%run_scoped3A_66 : memref<!tpu.dma_semaphore, #tpu.memory_space<semaphore_mem>>)
          %dma_wait3A_79 = arith.constant 0 : i32
          %dma_wait3A_80 = arith.constant 0 : i32
          %dma_wait3A_81 = tpu.memref_slice %arg6[%run_scoped3A, %dma_wait3A_79, %dma_wait3A_80] : memref<2x128x128xf32, #tpu.memory_space<vmem>> -> memref<1x128x128xf32, #tpu.memory_space<vmem>>
          %dma_wait3A_82 = tpu.memref_squeeze %dma_wait3A_81 : memref<1x128x128xf32, #tpu.memory_space<vmem>> -> memref<128x128xf32, #tpu.memory_space<vmem>>
          %dma_wait3A_83 = arith.constant 0 : i32
          %dma_wait3A_84 = tpu.memref_slice %arg4[%add3A_58, %dma_wait3A_83] : memref<802816x128xf32, #tpu.memory_space<hbm>> -> memref<128x128xf32, #tpu.memory_space<hbm>>
          %dma_wait3A_85 = arith.constant 0 : i32
          %dma_wait3A_86 = tpu.memref_slice %arg4[%add3A_58, %dma_wait3A_85] : memref<802816x128xf32, #tpu.memory_space<hbm>> -> memref<128x128xf32, #tpu.memory_space<hbm>>
          %dma_wait3A_87 = arith.constant 0 : i32
          %dma_wait3A_88 = arith.constant 0 : i32
          %dma_wait3A_89 = tpu.memref_slice %arg6[%run_scoped3A, %dma_wait3A_87, %dma_wait3A_88] : memref<2x128x128xf32, #tpu.memory_space<vmem>> -> memref<1x128x128xf32, #tpu.memory_space<vmem>>
          %dma_wait3A_90 = tpu.memref_squeeze %dma_wait3A_89 : memref<1x128x128xf32, #tpu.memory_space<vmem>> -> memref<128x128xf32, #tpu.memory_space<vmem>>
          tpu.wait_dma2 semaphore(%run_scoped3A_66 : memref<!tpu.dma_semaphore, #tpu.memory_space<semaphore_mem>>) src(%dma_wait3A_90 : memref<128x128xf32, #tpu.memory_space<vmem>>) dst(%dma_wait3A_86 : memref<128x128xf32, #tpu.memory_space<hbm>>)
          tpu.yield
        }) : () -> ()
        %add3A_59 = arith.constant 2 : i32
        %add3A_60 = arith.addi %add3A_33, %add3A_59 : i32
        %lt3A_61 = arith.constant 196 : i32
        %lt3A_62 = arith.cmpi slt, %add3A_60, %lt3A_61 : i32
        %convert_element_type3A_63 = arith.extui %lt3A_62 : i1 to i32
        %cond3A_64 = arith.constant 0 : i32
        %cond3A_65 = arith.cmpi ne, %convert_element_type3A_63, %cond3A_64 : i32
        scf.if %cond3A_65 {
          %add3A_66 = arith.constant 2 : i32
          %add3A_67 = arith.addi %add3A_33, %add3A_66 : i32
          %mul3A_68 = arith.constant 128 : i32
          %mul3A_69 = arith.muli %add3A_67, %mul3A_68 : i32
          %dma_start3A_70 = arith.constant 0 : i32
          %dma_start3A_71 = arith.constant 0 : i32
          %dma_start3A_72 = arith.constant 0 : i32
          %dma_start3A_73 = tpu.memref_slice %arg6[%dma_start3A_70, %dma_start3A_71, %dma_start3A_72] : memref<2x128x128xf32, #tpu.memory_space<vmem>> -> memref<1x128x128xf32, #tpu.memory_space<vmem>>
          %dma_start3A_74 = tpu.memref_squeeze %dma_start3A_73 : memref<1x128x128xf32, #tpu.memory_space<vmem>> -> memref<128x128xf32, #tpu.memory_space<vmem>>
          %dma_start3A_75 = tpu.memref_slice %arg5[%mul3A_69] : memref<25088xi32, #tpu.memory_space<vmem>> -> memref<128xi32, #tpu.memory_space<vmem>>
          %dma_start3A_76 = arith.constant 0 : i32
          %dma_start3A_77 = arith.constant 0 : i32
          %dma_start3A_78 = tpu.memref_slice %arg2[%dma_start3A_76, %dma_start3A_77] : memref<800000x128xf32, #tpu.memory_space<hbm>> -> memref<800000x128xf32, #tpu.memory_space<hbm>>
          tpu.enqueue_indirect_dma source(%dma_start3A_78 : memref<800000x128xf32, #tpu.memory_space<hbm>>) target(%dma_start3A_74 : memref<128x128xf32, #tpu.memory_space<vmem>>) offsets(%dma_start3A_75 : memref<128xi32, #tpu.memory_space<vmem>>) semaphore(%arg7 : memref<!tpu.dma_semaphore, #tpu.memory_space<semaphore_mem>>)
        } else {
        }
      } else {
      }
      %mul3A_36 = arith.constant 2 : i32
      %mul3A_37 = arith.muli %mul3A_36, %scan3A_28 : i32
      %add3A_38 = arith.constant 1 : i32
      %add3A_39 = arith.addi %mul3A_37, %add3A_38 : i32
      %lt3A_40 = arith.constant 196 : i32
      %lt3A_41 = arith.cmpi slt, %add3A_39, %lt3A_40 : i32
      %convert_element_type3A_42 = arith.extui %lt3A_41 : i1 to i32
      %cond3A_43 = arith.constant 0 : i32
      %cond3A_44 = arith.cmpi ne, %convert_element_type3A_42, %cond3A_43 : i32
      scf.if %cond3A_44 {
        %mul3A_46 = arith.constant 128 : i32
        %mul3A_47 = arith.muli %add3A_39, %mul3A_46 : i32
        %dma_wait3A = arith.constant 1 : i32
        %dma_wait3A_48 = arith.constant 0 : i32
        %dma_wait3A_49 = arith.constant 0 : i32
        %dma_wait3A_50 = tpu.memref_slice %arg6[%dma_wait3A, %dma_wait3A_48, %dma_wait3A_49] : memref<2x128x128xf32, #tpu.memory_space<vmem>> -> memref<1x128x128xf32, #tpu.memory_space<vmem>>
        %dma_wait3A_51 = tpu.memref_squeeze %dma_wait3A_50 : memref<1x128x128xf32, #tpu.memory_space<vmem>> -> memref<128x128xf32, #tpu.memory_space<vmem>>
        %dma_wait3A_52 = tpu.memref_slice %arg5[%mul3A_47] : memref<25088xi32, #tpu.memory_space<vmem>> -> memref<128xi32, #tpu.memory_space<vmem>>
        %dma_wait3A_53 = arith.constant 0 : i32
        %dma_wait3A_54 = arith.constant 0 : i32
        %dma_wait3A_55 = tpu.memref_slice %arg2[%dma_wait3A_53, %dma_wait3A_54] : memref<800000x128xf32, #tpu.memory_space<hbm>> -> memref<800000x128xf32, #tpu.memory_space<hbm>>
        tpu.wait_indirect_dma semaphore(%arg8 : memref<!tpu.dma_semaphore, #tpu.memory_space<semaphore_mem>>) src(%dma_wait3A_55 : memref<800000x128xf32, #tpu.memory_space<hbm>>) dst(%dma_wait3A_51 : memref<128x128xf32, #tpu.memory_space<vmem>>)
        %mul3A_56 = arith.constant 128 : i32
        %mul3A_57 = arith.muli %add3A_39, %mul3A_56 : i32
        %add3A_58 = arith.addi %mul3A_2, %mul3A_57 : i32
        %run_scoped3A = arith.constant 1 : i32
        "tpu.region"() ({
          %run_scoped3A_66 = tpu.sem_alloc : memref<!tpu.dma_semaphore, #tpu.memory_space<semaphore_mem>>
          %dma_start3A_67 = arith.constant 0 : i32
          %dma_start3A_68 = arith.constant 0 : i32
          %dma_start3A_69 = tpu.memref_slice %arg6[%run_scoped3A, %dma_start3A_67, %dma_start3A_68] : memref<2x128x128xf32, #tpu.memory_space<vmem>> -> memref<1x128x128xf32, #tpu.memory_space<vmem>>
          %dma_start3A_70 = tpu.memref_squeeze %dma_start3A_69 : memref<1x128x128xf32, #tpu.memory_space<vmem>> -> memref<128x128xf32, #tpu.memory_space<vmem>>
          %dma_start3A_71 = arith.constant 0 : i32
          %dma_start3A_72 = tpu.memref_slice %arg4[%add3A_58, %dma_start3A_71] : memref<802816x128xf32, #tpu.memory_space<hbm>> -> memref<128x128xf32, #tpu.memory_space<hbm>>
          %dma_start3A_73 = arith.constant 0 : i32
          %dma_start3A_74 = tpu.memref_slice %arg4[%add3A_58, %dma_start3A_73] : memref<802816x128xf32, #tpu.memory_space<hbm>> -> memref<128x128xf32, #tpu.memory_space<hbm>>
          %dma_start3A_75 = arith.constant 0 : i32
          %dma_start3A_76 = arith.constant 0 : i32
          %dma_start3A_77 = tpu.memref_slice %arg6[%run_scoped3A, %dma_start3A_75, %dma_start3A_76] : memref<2x128x128xf32, #tpu.memory_space<vmem>> -> memref<1x128x128xf32, #tpu.memory_space<vmem>>
          %dma_start3A_78 = tpu.memref_squeeze %dma_start3A_77 : memref<1x128x128xf32, #tpu.memory_space<vmem>> -> memref<128x128xf32, #tpu.memory_space<vmem>>
          tpu.enqueue_dma source(%dma_start3A_78 : memref<128x128xf32, #tpu.memory_space<vmem>>) target(%dma_start3A_74 : memref<128x128xf32, #tpu.memory_space<hbm>>) target_semaphore(%run_scoped3A_66 : memref<!tpu.dma_semaphore, #tpu.memory_space<semaphore_mem>>)
          %dma_wait3A_79 = arith.constant 0 : i32
          %dma_wait3A_80 = arith.constant 0 : i32
          %dma_wait3A_81 = tpu.memref_slice %arg6[%run_scoped3A, %dma_wait3A_79, %dma_wait3A_80] : memref<2x128x128xf32, #tpu.memory_space<vmem>> -> memref<1x128x128xf32, #tpu.memory_space<vmem>>
          %dma_wait3A_82 = tpu.memref_squeeze %dma_wait3A_81 : memref<1x128x128xf32, #tpu.memory_space<vmem>> -> memref<128x128xf32, #tpu.memory_space<vmem>>
          %dma_wait3A_83 = arith.constant 0 : i32
          %dma_wait3A_84 = tpu.memref_slice %arg4[%add3A_58, %dma_wait3A_83] : memref<802816x128xf32, #tpu.memory_space<hbm>> -> memref<128x128xf32, #tpu.memory_space<hbm>>
          %dma_wait3A_85 = arith.constant 0 : i32
          %dma_wait3A_86 = tpu.memref_slice %arg4[%add3A_58, %dma_wait3A_85] : memref<802816x128xf32, #tpu.memory_space<hbm>> -> memref<128x128xf32, #tpu.memory_space<hbm>>
          %dma_wait3A_87 = arith.constant 0 : i32
          %dma_wait3A_88 = arith.constant 0 : i32
          %dma_wait3A_89 = tpu.memref_slice %arg6[%run_scoped3A, %dma_wait3A_87, %dma_wait3A_88] : memref<2x128x128xf32, #tpu.memory_space<vmem>> -> memref<1x128x128xf32, #tpu.memory_space<vmem>>
          %dma_wait3A_90 = tpu.memref_squeeze %dma_wait3A_89 : memref<1x128x128xf32, #tpu.memory_space<vmem>> -> memref<128x128xf32, #tpu.memory_space<vmem>>
          tpu.wait_dma2 semaphore(%run_scoped3A_66 : memref<!tpu.dma_semaphore, #tpu.memory_space<semaphore_mem>>) src(%dma_wait3A_90 : memref<128x128xf32, #tpu.memory_space<vmem>>) dst(%dma_wait3A_86 : memref<128x128xf32, #tpu.memory_space<hbm>>)
          tpu.yield
        }) : () -> ()
        %add3A_59 = arith.constant 2 : i32
        %add3A_60 = arith.addi %add3A_39, %add3A_59 : i32
        %lt3A_61 = arith.constant 196 : i32
        %lt3A_62 = arith.cmpi slt, %add3A_60, %lt3A_61 : i32
        %convert_element_type3A_63 = arith.extui %lt3A_62 : i1 to i32
        %cond3A_64 = arith.constant 0 : i32
        %cond3A_65 = arith.cmpi ne, %convert_element_type3A_63, %cond3A_64 : i32
        scf.if %cond3A_65 {
          %add3A_66 = arith.constant 2 : i32
          %add3A_67 = arith.addi %add3A_39, %add3A_66 : i32
          %mul3A_68 = arith.constant 128 : i32
          %mul3A_69 = arith.muli %add3A_67, %mul3A_68 : i32
          %dma_start3A_70 = arith.constant 1 : i32
          %dma_start3A_71 = arith.constant 0 : i32
          %dma_start3A_72 = arith.constant 0 : i32
          %dma_start3A_73 = tpu.memref_slice %arg6[%dma_start3A_70, %dma_start3A_71, %dma_start3A_72] : memref<2x128x128xf32, #tpu.memory_space<vmem>> -> memref<1x128x128xf32, #tpu.memory_space<vmem>>
          %dma_start3A_74 = tpu.memref_squeeze %dma_start3A_73 : memref<1x128x128xf32, #tpu.memory_space<vmem>> -> memref<128x128xf32, #tpu.memory_space<vmem>>
          %dma_start3A_75 = tpu.memref_slice %arg5[%mul3A_69] : memref<25088xi32, #tpu.memory_space<vmem>> -> memref<128xi32, #tpu.memory_space<vmem>>
          %dma_start3A_76 = arith.constant 0 : i32
          %dma_start3A_77 = arith.constant 0 : i32
          %dma_start3A_78 = tpu.memref_slice %arg2[%dma_start3A_76, %dma_start3A_77] : memref<800000x128xf32, #tpu.memory_space<hbm>> -> memref<800000x128xf32, #tpu.memory_space<hbm>>
          tpu.enqueue_indirect_dma source(%dma_start3A_78 : memref<800000x128xf32, #tpu.memory_space<hbm>>) target(%dma_start3A_74 : memref<128x128xf32, #tpu.memory_space<vmem>>) offsets(%dma_start3A_75 : memref<128xi32, #tpu.memory_space<vmem>>) semaphore(%arg8 : memref<!tpu.dma_semaphore, #tpu.memory_space<semaphore_mem>>)
        } else {
        }
      } else {
      }
      %scan3A_45 = arith.constant 0 : i32
      scf.yield %scan3A_45 : i32
    }
    %scan3A_27 = arith.constant 98 : i32
    return
  }
}

#map = affine_map<(d0, d1) -> (0, 0)>
#map1 = affine_map<(d0, d1) -> (0)>
module attributes {stable_mosaic.version = 14 : i64} {
  func.func @run(%arg0: i32, %arg1: i32, %arg2: memref<102400x128xf32, #tpu.memory_space<hbm>>, %arg3: memref<102400x128xf32, #tpu.memory_space<hbm>>, %arg4: memref<802816xi32, #tpu.memory_space<hbm>>, %arg5: memref<802816xi32, #tpu.memory_space<hbm>>, %arg6: memref<802816x128xf32, #tpu.memory_space<hbm>>, %arg7: memref<802816x128xf32, #tpu.memory_space<hbm>>, %arg8: memref<25088xi32, #tpu.memory_space<vmem>>, %arg9: memref<2x128x128xf32, #tpu.memory_space<vmem>>, %arg10: memref<!tpu.dma_semaphore, #tpu.memory_space<semaphore_mem>>, %arg11: memref<!tpu.dma_semaphore, #tpu.memory_space<semaphore_mem>>) attributes {dimension_semantics = [#tpu.dimension_semantics<core_parallel>, #tpu.dimension_semantics<subcore_parallel>], iteration_bounds = array<i64: 2, 16>, scalar_prefetch = 0 : i64, scratch_operands = 4 : i64, tpu.core_type = #tpu.core_type<sc_vector_subcore>, window_params = [{transform_indices = #map}, {transform_indices = #map}, {transform_indices = #map1}, {transform_indices = #map1}, {transform_indices = #map}, {transform_indices = #map}]} {
    %mul3A = arith.constant 2 : i32
    %mul3A_0 = arith.muli %arg1, %mul3A : i32
    %add3A = arith.addi %mul3A_0, %arg0 : i32
    %mul3A_1 = arith.constant 25088 : i32
    %mul3A_2 = arith.muli %add3A, %mul3A_1 : i32
    "tpu.region"() ({
      %run_scoped3A = tpu.sem_alloc : memref<!tpu.dma_semaphore, #tpu.memory_space<semaphore_mem>>
      %dma_start3A_55 = tpu.memref_slice %arg4[%mul3A_2] : memref<802816xi32, #tpu.memory_space<hbm>> -> memref<25088xi32, #tpu.memory_space<hbm>>
      %dma_start3A_56 = tpu.memref_slice %arg4[%mul3A_2] : memref<802816xi32, #tpu.memory_space<hbm>> -> memref<25088xi32, #tpu.memory_space<hbm>>
      tpu.enqueue_dma source(%dma_start3A_56 : memref<25088xi32, #tpu.memory_space<hbm>>) target(%arg8 : memref<25088xi32, #tpu.memory_space<vmem>>) target_semaphore(%run_scoped3A : memref<!tpu.dma_semaphore, #tpu.memory_space<semaphore_mem>>)
      %dma_wait3A = tpu.memref_slice %arg4[%mul3A_2] : memref<802816xi32, #tpu.memory_space<hbm>> -> memref<25088xi32, #tpu.memory_space<hbm>>
      %dma_wait3A_57 = tpu.memref_slice %arg4[%mul3A_2] : memref<802816xi32, #tpu.memory_space<hbm>> -> memref<25088xi32, #tpu.memory_space<hbm>>
      tpu.wait_dma2 semaphore(%run_scoped3A : memref<!tpu.dma_semaphore, #tpu.memory_space<semaphore_mem>>) src(%dma_wait3A_57 : memref<25088xi32, #tpu.memory_space<hbm>>) dst(%arg8 : memref<25088xi32, #tpu.memory_space<vmem>>)
      tpu.yield
    }) : () -> ()
    %dma_start3A = arith.constant 0 : i32
    %dma_start3A_3 = arith.constant 0 : i32
    %dma_start3A_4 = arith.constant 0 : i32
    %dma_start3A_5 = tpu.memref_slice %arg9[%dma_start3A, %dma_start3A_3, %dma_start3A_4] : memref<2x128x128xf32, #tpu.memory_space<vmem>> -> memref<1x128x128xf32, #tpu.memory_space<vmem>>
    %dma_start3A_6 = tpu.memref_squeeze %dma_start3A_5 : memref<1x128x128xf32, #tpu.memory_space<vmem>> -> memref<128x128xf32, #tpu.memory_space<vmem>>
    %dma_start3A_7 = arith.constant 0 : i32
    %dma_start3A_8 = tpu.memref_slice %arg8[%dma_start3A_7] : memref<25088xi32, #tpu.memory_space<vmem>> -> memref<128xi32, #tpu.memory_space<vmem>>
    %dma_start3A_9 = arith.constant 0 : i32
    %dma_start3A_10 = arith.constant 0 : i32
    %dma_start3A_11 = tpu.memref_slice %arg2[%dma_start3A_9, %dma_start3A_10] : memref<102400x128xf32, #tpu.memory_space<hbm>> -> memref<102400x128xf32, #tpu.memory_space<hbm>>
    tpu.enqueue_indirect_dma source(%dma_start3A_11 : memref<102400x128xf32, #tpu.memory_space<hbm>>) target(%dma_start3A_6 : memref<128x128xf32, #tpu.memory_space<vmem>>) offsets(%dma_start3A_8 : memref<128xi32, #tpu.memory_space<vmem>>) semaphore(%arg10 : memref<!tpu.dma_semaphore, #tpu.memory_space<semaphore_mem>>)
    %dma_start3A_12 = arith.constant 1 : i32
    %dma_start3A_13 = arith.constant 0 : i32
    %dma_start3A_14 = arith.constant 0 : i32
    %dma_start3A_15 = tpu.memref_slice %arg9[%dma_start3A_12, %dma_start3A_13, %dma_start3A_14] : memref<2x128x128xf32, #tpu.memory_space<vmem>> -> memref<1x128x128xf32, #tpu.memory_space<vmem>>
    %dma_start3A_16 = tpu.memref_squeeze %dma_start3A_15 : memref<1x128x128xf32, #tpu.memory_space<vmem>> -> memref<128x128xf32, #tpu.memory_space<vmem>>
    %dma_start3A_17 = arith.constant 128 : i32
    %dma_start3A_18 = tpu.memref_slice %arg8[%dma_start3A_17] : memref<25088xi32, #tpu.memory_space<vmem>> -> memref<128xi32, #tpu.memory_space<vmem>>
    %dma_start3A_19 = arith.constant 0 : i32
    %dma_start3A_20 = arith.constant 0 : i32
    %dma_start3A_21 = tpu.memref_slice %arg2[%dma_start3A_19, %dma_start3A_20] : memref<102400x128xf32, #tpu.memory_space<hbm>> -> memref<102400x128xf32, #tpu.memory_space<hbm>>
    tpu.enqueue_indirect_dma source(%dma_start3A_21 : memref<102400x128xf32, #tpu.memory_space<hbm>>) target(%dma_start3A_16 : memref<128x128xf32, #tpu.memory_space<vmem>>) offsets(%dma_start3A_18 : memref<128xi32, #tpu.memory_space<vmem>>) semaphore(%arg11 : memref<!tpu.dma_semaphore, #tpu.memory_space<semaphore_mem>>)
    %scan3A = arith.constant 0 : i32
    %scan3A_22 = arith.constant 0 : i32
    %scan3A_23 = arith.constant 98 : i32
    %scan3A_24 = arith.addi %scan3A_22, %scan3A_23 : i32
    %scan3A_25 = arith.constant 1 : i32
    %scan3A_26 = scf.for %scan3A_55 = %scan3A_22 to %scan3A_24 step %scan3A_25 iter_args(%scan3A_56 = %scan3A) -> (i32)  : i32 {
      %mul3A_57 = arith.constant 2 : i32
      %mul3A_58 = arith.muli %mul3A_57, %scan3A_55 : i32
      %add3A_59 = arith.constant 0 : i32
      %add3A_60 = arith.addi %mul3A_58, %add3A_59 : i32
      %lt3A = arith.constant 196 : i32
      %lt3A_61 = arith.cmpi slt, %add3A_60, %lt3A : i32
      %convert_element_type3A = arith.extui %lt3A_61 : i1 to i32
      %cond3A = arith.constant 0 : i32
      %cond3A_62 = arith.cmpi ne, %convert_element_type3A, %cond3A : i32
      scf.if %cond3A_62 {
        %mul3A_73 = arith.constant 128 : i32
        %mul3A_74 = arith.muli %add3A_60, %mul3A_73 : i32
        %dma_wait3A = arith.constant 0 : i32
        %dma_wait3A_75 = arith.constant 0 : i32
        %dma_wait3A_76 = arith.constant 0 : i32
        %dma_wait3A_77 = tpu.memref_slice %arg9[%dma_wait3A, %dma_wait3A_75, %dma_wait3A_76] : memref<2x128x128xf32, #tpu.memory_space<vmem>> -> memref<1x128x128xf32, #tpu.memory_space<vmem>>
        %dma_wait3A_78 = tpu.memref_squeeze %dma_wait3A_77 : memref<1x128x128xf32, #tpu.memory_space<vmem>> -> memref<128x128xf32, #tpu.memory_space<vmem>>
        %dma_wait3A_79 = tpu.memref_slice %arg8[%mul3A_74] : memref<25088xi32, #tpu.memory_space<vmem>> -> memref<128xi32, #tpu.memory_space<vmem>>
        %dma_wait3A_80 = arith.constant 0 : i32
        %dma_wait3A_81 = arith.constant 0 : i32
        %dma_wait3A_82 = tpu.memref_slice %arg2[%dma_wait3A_80, %dma_wait3A_81] : memref<102400x128xf32, #tpu.memory_space<hbm>> -> memref<102400x128xf32, #tpu.memory_space<hbm>>
        tpu.wait_indirect_dma semaphore(%arg10 : memref<!tpu.dma_semaphore, #tpu.memory_space<semaphore_mem>>) src(%dma_wait3A_82 : memref<102400x128xf32, #tpu.memory_space<hbm>>) dst(%dma_wait3A_78 : memref<128x128xf32, #tpu.memory_space<vmem>>)
        %mul3A_83 = arith.constant 128 : i32
        %mul3A_84 = arith.muli %add3A_60, %mul3A_83 : i32
        %add3A_85 = arith.addi %mul3A_2, %mul3A_84 : i32
        %run_scoped3A = arith.constant 0 : i32
        "tpu.region"() ({
          %run_scoped3A_93 = tpu.sem_alloc : memref<!tpu.dma_semaphore, #tpu.memory_space<semaphore_mem>>
          %dma_start3A_94 = arith.constant 0 : i32
          %dma_start3A_95 = arith.constant 0 : i32
          %dma_start3A_96 = tpu.memref_slice %arg9[%run_scoped3A, %dma_start3A_94, %dma_start3A_95] : memref<2x128x128xf32, #tpu.memory_space<vmem>> -> memref<1x128x128xf32, #tpu.memory_space<vmem>>
          %dma_start3A_97 = tpu.memref_squeeze %dma_start3A_96 : memref<1x128x128xf32, #tpu.memory_space<vmem>> -> memref<128x128xf32, #tpu.memory_space<vmem>>
          %dma_start3A_98 = arith.constant 0 : i32
          %dma_start3A_99 = tpu.memref_slice %arg6[%add3A_85, %dma_start3A_98] : memref<802816x128xf32, #tpu.memory_space<hbm>> -> memref<128x128xf32, #tpu.memory_space<hbm>>
          %dma_start3A_100 = arith.constant 0 : i32
          %dma_start3A_101 = tpu.memref_slice %arg6[%add3A_85, %dma_start3A_100] : memref<802816x128xf32, #tpu.memory_space<hbm>> -> memref<128x128xf32, #tpu.memory_space<hbm>>
          %dma_start3A_102 = arith.constant 0 : i32
          %dma_start3A_103 = arith.constant 0 : i32
          %dma_start3A_104 = tpu.memref_slice %arg9[%run_scoped3A, %dma_start3A_102, %dma_start3A_103] : memref<2x128x128xf32, #tpu.memory_space<vmem>> -> memref<1x128x128xf32, #tpu.memory_space<vmem>>
          %dma_start3A_105 = tpu.memref_squeeze %dma_start3A_104 : memref<1x128x128xf32, #tpu.memory_space<vmem>> -> memref<128x128xf32, #tpu.memory_space<vmem>>
          tpu.enqueue_dma source(%dma_start3A_105 : memref<128x128xf32, #tpu.memory_space<vmem>>) target(%dma_start3A_101 : memref<128x128xf32, #tpu.memory_space<hbm>>) target_semaphore(%run_scoped3A_93 : memref<!tpu.dma_semaphore, #tpu.memory_space<semaphore_mem>>)
          %dma_wait3A_106 = arith.constant 0 : i32
          %dma_wait3A_107 = arith.constant 0 : i32
          %dma_wait3A_108 = tpu.memref_slice %arg9[%run_scoped3A, %dma_wait3A_106, %dma_wait3A_107] : memref<2x128x128xf32, #tpu.memory_space<vmem>> -> memref<1x128x128xf32, #tpu.memory_space<vmem>>
          %dma_wait3A_109 = tpu.memref_squeeze %dma_wait3A_108 : memref<1x128x128xf32, #tpu.memory_space<vmem>> -> memref<128x128xf32, #tpu.memory_space<vmem>>
          %dma_wait3A_110 = arith.constant 0 : i32
          %dma_wait3A_111 = tpu.memref_slice %arg6[%add3A_85, %dma_wait3A_110] : memref<802816x128xf32, #tpu.memory_space<hbm>> -> memref<128x128xf32, #tpu.memory_space<hbm>>
          %dma_wait3A_112 = arith.constant 0 : i32
          %dma_wait3A_113 = tpu.memref_slice %arg6[%add3A_85, %dma_wait3A_112] : memref<802816x128xf32, #tpu.memory_space<hbm>> -> memref<128x128xf32, #tpu.memory_space<hbm>>
          %dma_wait3A_114 = arith.constant 0 : i32
          %dma_wait3A_115 = arith.constant 0 : i32
          %dma_wait3A_116 = tpu.memref_slice %arg9[%run_scoped3A, %dma_wait3A_114, %dma_wait3A_115] : memref<2x128x128xf32, #tpu.memory_space<vmem>> -> memref<1x128x128xf32, #tpu.memory_space<vmem>>
          %dma_wait3A_117 = tpu.memref_squeeze %dma_wait3A_116 : memref<1x128x128xf32, #tpu.memory_space<vmem>> -> memref<128x128xf32, #tpu.memory_space<vmem>>
          tpu.wait_dma2 semaphore(%run_scoped3A_93 : memref<!tpu.dma_semaphore, #tpu.memory_space<semaphore_mem>>) src(%dma_wait3A_117 : memref<128x128xf32, #tpu.memory_space<vmem>>) dst(%dma_wait3A_113 : memref<128x128xf32, #tpu.memory_space<hbm>>)
          tpu.yield
        }) : () -> ()
        %add3A_86 = arith.constant 2 : i32
        %add3A_87 = arith.addi %add3A_60, %add3A_86 : i32
        %lt3A_88 = arith.constant 196 : i32
        %lt3A_89 = arith.cmpi slt, %add3A_87, %lt3A_88 : i32
        %convert_element_type3A_90 = arith.extui %lt3A_89 : i1 to i32
        %cond3A_91 = arith.constant 0 : i32
        %cond3A_92 = arith.cmpi ne, %convert_element_type3A_90, %cond3A_91 : i32
        scf.if %cond3A_92 {
          %add3A_93 = arith.constant 2 : i32
          %add3A_94 = arith.addi %add3A_60, %add3A_93 : i32
          %mul3A_95 = arith.constant 128 : i32
          %mul3A_96 = arith.muli %add3A_94, %mul3A_95 : i32
          %dma_start3A_97 = arith.constant 0 : i32
          %dma_start3A_98 = arith.constant 0 : i32
          %dma_start3A_99 = arith.constant 0 : i32
          %dma_start3A_100 = tpu.memref_slice %arg9[%dma_start3A_97, %dma_start3A_98, %dma_start3A_99] : memref<2x128x128xf32, #tpu.memory_space<vmem>> -> memref<1x128x128xf32, #tpu.memory_space<vmem>>
          %dma_start3A_101 = tpu.memref_squeeze %dma_start3A_100 : memref<1x128x128xf32, #tpu.memory_space<vmem>> -> memref<128x128xf32, #tpu.memory_space<vmem>>
          %dma_start3A_102 = tpu.memref_slice %arg8[%mul3A_96] : memref<25088xi32, #tpu.memory_space<vmem>> -> memref<128xi32, #tpu.memory_space<vmem>>
          %dma_start3A_103 = arith.constant 0 : i32
          %dma_start3A_104 = arith.constant 0 : i32
          %dma_start3A_105 = tpu.memref_slice %arg2[%dma_start3A_103, %dma_start3A_104] : memref<102400x128xf32, #tpu.memory_space<hbm>> -> memref<102400x128xf32, #tpu.memory_space<hbm>>
          tpu.enqueue_indirect_dma source(%dma_start3A_105 : memref<102400x128xf32, #tpu.memory_space<hbm>>) target(%dma_start3A_101 : memref<128x128xf32, #tpu.memory_space<vmem>>) offsets(%dma_start3A_102 : memref<128xi32, #tpu.memory_space<vmem>>) semaphore(%arg10 : memref<!tpu.dma_semaphore, #tpu.memory_space<semaphore_mem>>)
        } else {
        }
      } else {
      }
      %mul3A_63 = arith.constant 2 : i32
      %mul3A_64 = arith.muli %mul3A_63, %scan3A_55 : i32
      %add3A_65 = arith.constant 1 : i32
      %add3A_66 = arith.addi %mul3A_64, %add3A_65 : i32
      %lt3A_67 = arith.constant 196 : i32
      %lt3A_68 = arith.cmpi slt, %add3A_66, %lt3A_67 : i32
      %convert_element_type3A_69 = arith.extui %lt3A_68 : i1 to i32
      %cond3A_70 = arith.constant 0 : i32
      %cond3A_71 = arith.cmpi ne, %convert_element_type3A_69, %cond3A_70 : i32
      scf.if %cond3A_71 {
        %mul3A_73 = arith.constant 128 : i32
        %mul3A_74 = arith.muli %add3A_66, %mul3A_73 : i32
        %dma_wait3A = arith.constant 1 : i32
        %dma_wait3A_75 = arith.constant 0 : i32
        %dma_wait3A_76 = arith.constant 0 : i32
        %dma_wait3A_77 = tpu.memref_slice %arg9[%dma_wait3A, %dma_wait3A_75, %dma_wait3A_76] : memref<2x128x128xf32, #tpu.memory_space<vmem>> -> memref<1x128x128xf32, #tpu.memory_space<vmem>>
        %dma_wait3A_78 = tpu.memref_squeeze %dma_wait3A_77 : memref<1x128x128xf32, #tpu.memory_space<vmem>> -> memref<128x128xf32, #tpu.memory_space<vmem>>
        %dma_wait3A_79 = tpu.memref_slice %arg8[%mul3A_74] : memref<25088xi32, #tpu.memory_space<vmem>> -> memref<128xi32, #tpu.memory_space<vmem>>
        %dma_wait3A_80 = arith.constant 0 : i32
        %dma_wait3A_81 = arith.constant 0 : i32
        %dma_wait3A_82 = tpu.memref_slice %arg2[%dma_wait3A_80, %dma_wait3A_81] : memref<102400x128xf32, #tpu.memory_space<hbm>> -> memref<102400x128xf32, #tpu.memory_space<hbm>>
        tpu.wait_indirect_dma semaphore(%arg11 : memref<!tpu.dma_semaphore, #tpu.memory_space<semaphore_mem>>) src(%dma_wait3A_82 : memref<102400x128xf32, #tpu.memory_space<hbm>>) dst(%dma_wait3A_78 : memref<128x128xf32, #tpu.memory_space<vmem>>)
        %mul3A_83 = arith.constant 128 : i32
        %mul3A_84 = arith.muli %add3A_66, %mul3A_83 : i32
        %add3A_85 = arith.addi %mul3A_2, %mul3A_84 : i32
        %run_scoped3A = arith.constant 1 : i32
        "tpu.region"() ({
          %run_scoped3A_93 = tpu.sem_alloc : memref<!tpu.dma_semaphore, #tpu.memory_space<semaphore_mem>>
          %dma_start3A_94 = arith.constant 0 : i32
          %dma_start3A_95 = arith.constant 0 : i32
          %dma_start3A_96 = tpu.memref_slice %arg9[%run_scoped3A, %dma_start3A_94, %dma_start3A_95] : memref<2x128x128xf32, #tpu.memory_space<vmem>> -> memref<1x128x128xf32, #tpu.memory_space<vmem>>
          %dma_start3A_97 = tpu.memref_squeeze %dma_start3A_96 : memref<1x128x128xf32, #tpu.memory_space<vmem>> -> memref<128x128xf32, #tpu.memory_space<vmem>>
          %dma_start3A_98 = arith.constant 0 : i32
          %dma_start3A_99 = tpu.memref_slice %arg6[%add3A_85, %dma_start3A_98] : memref<802816x128xf32, #tpu.memory_space<hbm>> -> memref<128x128xf32, #tpu.memory_space<hbm>>
          %dma_start3A_100 = arith.constant 0 : i32
          %dma_start3A_101 = tpu.memref_slice %arg6[%add3A_85, %dma_start3A_100] : memref<802816x128xf32, #tpu.memory_space<hbm>> -> memref<128x128xf32, #tpu.memory_space<hbm>>
          %dma_start3A_102 = arith.constant 0 : i32
          %dma_start3A_103 = arith.constant 0 : i32
          %dma_start3A_104 = tpu.memref_slice %arg9[%run_scoped3A, %dma_start3A_102, %dma_start3A_103] : memref<2x128x128xf32, #tpu.memory_space<vmem>> -> memref<1x128x128xf32, #tpu.memory_space<vmem>>
          %dma_start3A_105 = tpu.memref_squeeze %dma_start3A_104 : memref<1x128x128xf32, #tpu.memory_space<vmem>> -> memref<128x128xf32, #tpu.memory_space<vmem>>
          tpu.enqueue_dma source(%dma_start3A_105 : memref<128x128xf32, #tpu.memory_space<vmem>>) target(%dma_start3A_101 : memref<128x128xf32, #tpu.memory_space<hbm>>) target_semaphore(%run_scoped3A_93 : memref<!tpu.dma_semaphore, #tpu.memory_space<semaphore_mem>>)
          %dma_wait3A_106 = arith.constant 0 : i32
          %dma_wait3A_107 = arith.constant 0 : i32
          %dma_wait3A_108 = tpu.memref_slice %arg9[%run_scoped3A, %dma_wait3A_106, %dma_wait3A_107] : memref<2x128x128xf32, #tpu.memory_space<vmem>> -> memref<1x128x128xf32, #tpu.memory_space<vmem>>
          %dma_wait3A_109 = tpu.memref_squeeze %dma_wait3A_108 : memref<1x128x128xf32, #tpu.memory_space<vmem>> -> memref<128x128xf32, #tpu.memory_space<vmem>>
          %dma_wait3A_110 = arith.constant 0 : i32
          %dma_wait3A_111 = tpu.memref_slice %arg6[%add3A_85, %dma_wait3A_110] : memref<802816x128xf32, #tpu.memory_space<hbm>> -> memref<128x128xf32, #tpu.memory_space<hbm>>
          %dma_wait3A_112 = arith.constant 0 : i32
          %dma_wait3A_113 = tpu.memref_slice %arg6[%add3A_85, %dma_wait3A_112] : memref<802816x128xf32, #tpu.memory_space<hbm>> -> memref<128x128xf32, #tpu.memory_space<hbm>>
          %dma_wait3A_114 = arith.constant 0 : i32
          %dma_wait3A_115 = arith.constant 0 : i32
          %dma_wait3A_116 = tpu.memref_slice %arg9[%run_scoped3A, %dma_wait3A_114, %dma_wait3A_115] : memref<2x128x128xf32, #tpu.memory_space<vmem>> -> memref<1x128x128xf32, #tpu.memory_space<vmem>>
          %dma_wait3A_117 = tpu.memref_squeeze %dma_wait3A_116 : memref<1x128x128xf32, #tpu.memory_space<vmem>> -> memref<128x128xf32, #tpu.memory_space<vmem>>
          tpu.wait_dma2 semaphore(%run_scoped3A_93 : memref<!tpu.dma_semaphore, #tpu.memory_space<semaphore_mem>>) src(%dma_wait3A_117 : memref<128x128xf32, #tpu.memory_space<vmem>>) dst(%dma_wait3A_113 : memref<128x128xf32, #tpu.memory_space<hbm>>)
          tpu.yield
        }) : () -> ()
        %add3A_86 = arith.constant 2 : i32
        %add3A_87 = arith.addi %add3A_66, %add3A_86 : i32
        %lt3A_88 = arith.constant 196 : i32
        %lt3A_89 = arith.cmpi slt, %add3A_87, %lt3A_88 : i32
        %convert_element_type3A_90 = arith.extui %lt3A_89 : i1 to i32
        %cond3A_91 = arith.constant 0 : i32
        %cond3A_92 = arith.cmpi ne, %convert_element_type3A_90, %cond3A_91 : i32
        scf.if %cond3A_92 {
          %add3A_93 = arith.constant 2 : i32
          %add3A_94 = arith.addi %add3A_66, %add3A_93 : i32
          %mul3A_95 = arith.constant 128 : i32
          %mul3A_96 = arith.muli %add3A_94, %mul3A_95 : i32
          %dma_start3A_97 = arith.constant 1 : i32
          %dma_start3A_98 = arith.constant 0 : i32
          %dma_start3A_99 = arith.constant 0 : i32
          %dma_start3A_100 = tpu.memref_slice %arg9[%dma_start3A_97, %dma_start3A_98, %dma_start3A_99] : memref<2x128x128xf32, #tpu.memory_space<vmem>> -> memref<1x128x128xf32, #tpu.memory_space<vmem>>
          %dma_start3A_101 = tpu.memref_squeeze %dma_start3A_100 : memref<1x128x128xf32, #tpu.memory_space<vmem>> -> memref<128x128xf32, #tpu.memory_space<vmem>>
          %dma_start3A_102 = tpu.memref_slice %arg8[%mul3A_96] : memref<25088xi32, #tpu.memory_space<vmem>> -> memref<128xi32, #tpu.memory_space<vmem>>
          %dma_start3A_103 = arith.constant 0 : i32
          %dma_start3A_104 = arith.constant 0 : i32
          %dma_start3A_105 = tpu.memref_slice %arg2[%dma_start3A_103, %dma_start3A_104] : memref<102400x128xf32, #tpu.memory_space<hbm>> -> memref<102400x128xf32, #tpu.memory_space<hbm>>
          tpu.enqueue_indirect_dma source(%dma_start3A_105 : memref<102400x128xf32, #tpu.memory_space<hbm>>) target(%dma_start3A_101 : memref<128x128xf32, #tpu.memory_space<vmem>>) offsets(%dma_start3A_102 : memref<128xi32, #tpu.memory_space<vmem>>) semaphore(%arg11 : memref<!tpu.dma_semaphore, #tpu.memory_space<semaphore_mem>>)
        } else {
        }
      } else {
      }
      %scan3A_72 = arith.constant 0 : i32
      scf.yield %scan3A_72 : i32
    }
    %scan3A_27 = arith.constant 98 : i32
    "tpu.region"() ({
      %run_scoped3A = tpu.sem_alloc : memref<!tpu.dma_semaphore, #tpu.memory_space<semaphore_mem>>
      %dma_start3A_55 = tpu.memref_slice %arg5[%mul3A_2] : memref<802816xi32, #tpu.memory_space<hbm>> -> memref<25088xi32, #tpu.memory_space<hbm>>
      %dma_start3A_56 = tpu.memref_slice %arg5[%mul3A_2] : memref<802816xi32, #tpu.memory_space<hbm>> -> memref<25088xi32, #tpu.memory_space<hbm>>
      tpu.enqueue_dma source(%dma_start3A_56 : memref<25088xi32, #tpu.memory_space<hbm>>) target(%arg8 : memref<25088xi32, #tpu.memory_space<vmem>>) target_semaphore(%run_scoped3A : memref<!tpu.dma_semaphore, #tpu.memory_space<semaphore_mem>>)
      %dma_wait3A = tpu.memref_slice %arg5[%mul3A_2] : memref<802816xi32, #tpu.memory_space<hbm>> -> memref<25088xi32, #tpu.memory_space<hbm>>
      %dma_wait3A_57 = tpu.memref_slice %arg5[%mul3A_2] : memref<802816xi32, #tpu.memory_space<hbm>> -> memref<25088xi32, #tpu.memory_space<hbm>>
      tpu.wait_dma2 semaphore(%run_scoped3A : memref<!tpu.dma_semaphore, #tpu.memory_space<semaphore_mem>>) src(%dma_wait3A_57 : memref<25088xi32, #tpu.memory_space<hbm>>) dst(%arg8 : memref<25088xi32, #tpu.memory_space<vmem>>)
      tpu.yield
    }) : () -> ()
    %dma_start3A_28 = arith.constant 0 : i32
    %dma_start3A_29 = arith.constant 0 : i32
    %dma_start3A_30 = arith.constant 0 : i32
    %dma_start3A_31 = tpu.memref_slice %arg9[%dma_start3A_28, %dma_start3A_29, %dma_start3A_30] : memref<2x128x128xf32, #tpu.memory_space<vmem>> -> memref<1x128x128xf32, #tpu.memory_space<vmem>>
    %dma_start3A_32 = tpu.memref_squeeze %dma_start3A_31 : memref<1x128x128xf32, #tpu.memory_space<vmem>> -> memref<128x128xf32, #tpu.memory_space<vmem>>
    %dma_start3A_33 = arith.constant 0 : i32
    %dma_start3A_34 = tpu.memref_slice %arg8[%dma_start3A_33] : memref<25088xi32, #tpu.memory_space<vmem>> -> memref<128xi32, #tpu.memory_space<vmem>>
    %dma_start3A_35 = arith.constant 0 : i32
    %dma_start3A_36 = arith.constant 0 : i32
    %dma_start3A_37 = tpu.memref_slice %arg3[%dma_start3A_35, %dma_start3A_36] : memref<102400x128xf32, #tpu.memory_space<hbm>> -> memref<102400x128xf32, #tpu.memory_space<hbm>>
    tpu.enqueue_indirect_dma source(%dma_start3A_37 : memref<102400x128xf32, #tpu.memory_space<hbm>>) target(%dma_start3A_32 : memref<128x128xf32, #tpu.memory_space<vmem>>) offsets(%dma_start3A_34 : memref<128xi32, #tpu.memory_space<vmem>>) semaphore(%arg10 : memref<!tpu.dma_semaphore, #tpu.memory_space<semaphore_mem>>)
    %dma_start3A_38 = arith.constant 1 : i32
    %dma_start3A_39 = arith.constant 0 : i32
    %dma_start3A_40 = arith.constant 0 : i32
    %dma_start3A_41 = tpu.memref_slice %arg9[%dma_start3A_38, %dma_start3A_39, %dma_start3A_40] : memref<2x128x128xf32, #tpu.memory_space<vmem>> -> memref<1x128x128xf32, #tpu.memory_space<vmem>>
    %dma_start3A_42 = tpu.memref_squeeze %dma_start3A_41 : memref<1x128x128xf32, #tpu.memory_space<vmem>> -> memref<128x128xf32, #tpu.memory_space<vmem>>
    %dma_start3A_43 = arith.constant 128 : i32
    %dma_start3A_44 = tpu.memref_slice %arg8[%dma_start3A_43] : memref<25088xi32, #tpu.memory_space<vmem>> -> memref<128xi32, #tpu.memory_space<vmem>>
    %dma_start3A_45 = arith.constant 0 : i32
    %dma_start3A_46 = arith.constant 0 : i32
    %dma_start3A_47 = tpu.memref_slice %arg3[%dma_start3A_45, %dma_start3A_46] : memref<102400x128xf32, #tpu.memory_space<hbm>> -> memref<102400x128xf32, #tpu.memory_space<hbm>>
    tpu.enqueue_indirect_dma source(%dma_start3A_47 : memref<102400x128xf32, #tpu.memory_space<hbm>>) target(%dma_start3A_42 : memref<128x128xf32, #tpu.memory_space<vmem>>) offsets(%dma_start3A_44 : memref<128xi32, #tpu.memory_space<vmem>>) semaphore(%arg11 : memref<!tpu.dma_semaphore, #tpu.memory_space<semaphore_mem>>)
    %scan3A_48 = arith.constant 0 : i32
    %scan3A_49 = arith.constant 0 : i32
    %scan3A_50 = arith.constant 98 : i32
    %scan3A_51 = arith.addi %scan3A_49, %scan3A_50 : i32
    %scan3A_52 = arith.constant 1 : i32
    %scan3A_53 = scf.for %scan3A_55 = %scan3A_49 to %scan3A_51 step %scan3A_52 iter_args(%scan3A_56 = %scan3A_48) -> (i32)  : i32 {
      %mul3A_57 = arith.constant 2 : i32
      %mul3A_58 = arith.muli %mul3A_57, %scan3A_55 : i32
      %add3A_59 = arith.constant 0 : i32
      %add3A_60 = arith.addi %mul3A_58, %add3A_59 : i32
      %lt3A = arith.constant 196 : i32
      %lt3A_61 = arith.cmpi slt, %add3A_60, %lt3A : i32
      %convert_element_type3A = arith.extui %lt3A_61 : i1 to i32
      %cond3A = arith.constant 0 : i32
      %cond3A_62 = arith.cmpi ne, %convert_element_type3A, %cond3A : i32
      scf.if %cond3A_62 {
        %mul3A_73 = arith.constant 128 : i32
        %mul3A_74 = arith.muli %add3A_60, %mul3A_73 : i32
        %dma_wait3A = arith.constant 0 : i32
        %dma_wait3A_75 = arith.constant 0 : i32
        %dma_wait3A_76 = arith.constant 0 : i32
        %dma_wait3A_77 = tpu.memref_slice %arg9[%dma_wait3A, %dma_wait3A_75, %dma_wait3A_76] : memref<2x128x128xf32, #tpu.memory_space<vmem>> -> memref<1x128x128xf32, #tpu.memory_space<vmem>>
        %dma_wait3A_78 = tpu.memref_squeeze %dma_wait3A_77 : memref<1x128x128xf32, #tpu.memory_space<vmem>> -> memref<128x128xf32, #tpu.memory_space<vmem>>
        %dma_wait3A_79 = tpu.memref_slice %arg8[%mul3A_74] : memref<25088xi32, #tpu.memory_space<vmem>> -> memref<128xi32, #tpu.memory_space<vmem>>
        %dma_wait3A_80 = arith.constant 0 : i32
        %dma_wait3A_81 = arith.constant 0 : i32
        %dma_wait3A_82 = tpu.memref_slice %arg3[%dma_wait3A_80, %dma_wait3A_81] : memref<102400x128xf32, #tpu.memory_space<hbm>> -> memref<102400x128xf32, #tpu.memory_space<hbm>>
        tpu.wait_indirect_dma semaphore(%arg10 : memref<!tpu.dma_semaphore, #tpu.memory_space<semaphore_mem>>) src(%dma_wait3A_82 : memref<102400x128xf32, #tpu.memory_space<hbm>>) dst(%dma_wait3A_78 : memref<128x128xf32, #tpu.memory_space<vmem>>)
        %mul3A_83 = arith.constant 128 : i32
        %mul3A_84 = arith.muli %add3A_60, %mul3A_83 : i32
        %add3A_85 = arith.addi %mul3A_2, %mul3A_84 : i32
        %run_scoped3A = arith.constant 0 : i32
        "tpu.region"() ({
          %run_scoped3A_93 = tpu.sem_alloc : memref<!tpu.dma_semaphore, #tpu.memory_space<semaphore_mem>>
          %dma_start3A_94 = arith.constant 0 : i32
          %dma_start3A_95 = arith.constant 0 : i32
          %dma_start3A_96 = tpu.memref_slice %arg9[%run_scoped3A, %dma_start3A_94, %dma_start3A_95] : memref<2x128x128xf32, #tpu.memory_space<vmem>> -> memref<1x128x128xf32, #tpu.memory_space<vmem>>
          %dma_start3A_97 = tpu.memref_squeeze %dma_start3A_96 : memref<1x128x128xf32, #tpu.memory_space<vmem>> -> memref<128x128xf32, #tpu.memory_space<vmem>>
          %dma_start3A_98 = arith.constant 0 : i32
          %dma_start3A_99 = tpu.memref_slice %arg7[%add3A_85, %dma_start3A_98] : memref<802816x128xf32, #tpu.memory_space<hbm>> -> memref<128x128xf32, #tpu.memory_space<hbm>>
          %dma_start3A_100 = arith.constant 0 : i32
          %dma_start3A_101 = tpu.memref_slice %arg7[%add3A_85, %dma_start3A_100] : memref<802816x128xf32, #tpu.memory_space<hbm>> -> memref<128x128xf32, #tpu.memory_space<hbm>>
          %dma_start3A_102 = arith.constant 0 : i32
          %dma_start3A_103 = arith.constant 0 : i32
          %dma_start3A_104 = tpu.memref_slice %arg9[%run_scoped3A, %dma_start3A_102, %dma_start3A_103] : memref<2x128x128xf32, #tpu.memory_space<vmem>> -> memref<1x128x128xf32, #tpu.memory_space<vmem>>
          %dma_start3A_105 = tpu.memref_squeeze %dma_start3A_104 : memref<1x128x128xf32, #tpu.memory_space<vmem>> -> memref<128x128xf32, #tpu.memory_space<vmem>>
          tpu.enqueue_dma source(%dma_start3A_105 : memref<128x128xf32, #tpu.memory_space<vmem>>) target(%dma_start3A_101 : memref<128x128xf32, #tpu.memory_space<hbm>>) target_semaphore(%run_scoped3A_93 : memref<!tpu.dma_semaphore, #tpu.memory_space<semaphore_mem>>)
          %dma_wait3A_106 = arith.constant 0 : i32
          %dma_wait3A_107 = arith.constant 0 : i32
          %dma_wait3A_108 = tpu.memref_slice %arg9[%run_scoped3A, %dma_wait3A_106, %dma_wait3A_107] : memref<2x128x128xf32, #tpu.memory_space<vmem>> -> memref<1x128x128xf32, #tpu.memory_space<vmem>>
          %dma_wait3A_109 = tpu.memref_squeeze %dma_wait3A_108 : memref<1x128x128xf32, #tpu.memory_space<vmem>> -> memref<128x128xf32, #tpu.memory_space<vmem>>
          %dma_wait3A_110 = arith.constant 0 : i32
          %dma_wait3A_111 = tpu.memref_slice %arg7[%add3A_85, %dma_wait3A_110] : memref<802816x128xf32, #tpu.memory_space<hbm>> -> memref<128x128xf32, #tpu.memory_space<hbm>>
          %dma_wait3A_112 = arith.constant 0 : i32
          %dma_wait3A_113 = tpu.memref_slice %arg7[%add3A_85, %dma_wait3A_112] : memref<802816x128xf32, #tpu.memory_space<hbm>> -> memref<128x128xf32, #tpu.memory_space<hbm>>
          %dma_wait3A_114 = arith.constant 0 : i32
          %dma_wait3A_115 = arith.constant 0 : i32
          %dma_wait3A_116 = tpu.memref_slice %arg9[%run_scoped3A, %dma_wait3A_114, %dma_wait3A_115] : memref<2x128x128xf32, #tpu.memory_space<vmem>> -> memref<1x128x128xf32, #tpu.memory_space<vmem>>
          %dma_wait3A_117 = tpu.memref_squeeze %dma_wait3A_116 : memref<1x128x128xf32, #tpu.memory_space<vmem>> -> memref<128x128xf32, #tpu.memory_space<vmem>>
          tpu.wait_dma2 semaphore(%run_scoped3A_93 : memref<!tpu.dma_semaphore, #tpu.memory_space<semaphore_mem>>) src(%dma_wait3A_117 : memref<128x128xf32, #tpu.memory_space<vmem>>) dst(%dma_wait3A_113 : memref<128x128xf32, #tpu.memory_space<hbm>>)
          tpu.yield
        }) : () -> ()
        %add3A_86 = arith.constant 2 : i32
        %add3A_87 = arith.addi %add3A_60, %add3A_86 : i32
        %lt3A_88 = arith.constant 196 : i32
        %lt3A_89 = arith.cmpi slt, %add3A_87, %lt3A_88 : i32
        %convert_element_type3A_90 = arith.extui %lt3A_89 : i1 to i32
        %cond3A_91 = arith.constant 0 : i32
        %cond3A_92 = arith.cmpi ne, %convert_element_type3A_90, %cond3A_91 : i32
        scf.if %cond3A_92 {
          %add3A_93 = arith.constant 2 : i32
          %add3A_94 = arith.addi %add3A_60, %add3A_93 : i32
          %mul3A_95 = arith.constant 128 : i32
          %mul3A_96 = arith.muli %add3A_94, %mul3A_95 : i32
          %dma_start3A_97 = arith.constant 0 : i32
          %dma_start3A_98 = arith.constant 0 : i32
          %dma_start3A_99 = arith.constant 0 : i32
          %dma_start3A_100 = tpu.memref_slice %arg9[%dma_start3A_97, %dma_start3A_98, %dma_start3A_99] : memref<2x128x128xf32, #tpu.memory_space<vmem>> -> memref<1x128x128xf32, #tpu.memory_space<vmem>>
          %dma_start3A_101 = tpu.memref_squeeze %dma_start3A_100 : memref<1x128x128xf32, #tpu.memory_space<vmem>> -> memref<128x128xf32, #tpu.memory_space<vmem>>
          %dma_start3A_102 = tpu.memref_slice %arg8[%mul3A_96] : memref<25088xi32, #tpu.memory_space<vmem>> -> memref<128xi32, #tpu.memory_space<vmem>>
          %dma_start3A_103 = arith.constant 0 : i32
          %dma_start3A_104 = arith.constant 0 : i32
          %dma_start3A_105 = tpu.memref_slice %arg3[%dma_start3A_103, %dma_start3A_104] : memref<102400x128xf32, #tpu.memory_space<hbm>> -> memref<102400x128xf32, #tpu.memory_space<hbm>>
          tpu.enqueue_indirect_dma source(%dma_start3A_105 : memref<102400x128xf32, #tpu.memory_space<hbm>>) target(%dma_start3A_101 : memref<128x128xf32, #tpu.memory_space<vmem>>) offsets(%dma_start3A_102 : memref<128xi32, #tpu.memory_space<vmem>>) semaphore(%arg10 : memref<!tpu.dma_semaphore, #tpu.memory_space<semaphore_mem>>)
        } else {
        }
      } else {
      }
      %mul3A_63 = arith.constant 2 : i32
      %mul3A_64 = arith.muli %mul3A_63, %scan3A_55 : i32
      %add3A_65 = arith.constant 1 : i32
      %add3A_66 = arith.addi %mul3A_64, %add3A_65 : i32
      %lt3A_67 = arith.constant 196 : i32
      %lt3A_68 = arith.cmpi slt, %add3A_66, %lt3A_67 : i32
      %convert_element_type3A_69 = arith.extui %lt3A_68 : i1 to i32
      %cond3A_70 = arith.constant 0 : i32
      %cond3A_71 = arith.cmpi ne, %convert_element_type3A_69, %cond3A_70 : i32
      scf.if %cond3A_71 {
        %mul3A_73 = arith.constant 128 : i32
        %mul3A_74 = arith.muli %add3A_66, %mul3A_73 : i32
        %dma_wait3A = arith.constant 1 : i32
        %dma_wait3A_75 = arith.constant 0 : i32
        %dma_wait3A_76 = arith.constant 0 : i32
        %dma_wait3A_77 = tpu.memref_slice %arg9[%dma_wait3A, %dma_wait3A_75, %dma_wait3A_76] : memref<2x128x128xf32, #tpu.memory_space<vmem>> -> memref<1x128x128xf32, #tpu.memory_space<vmem>>
        %dma_wait3A_78 = tpu.memref_squeeze %dma_wait3A_77 : memref<1x128x128xf32, #tpu.memory_space<vmem>> -> memref<128x128xf32, #tpu.memory_space<vmem>>
        %dma_wait3A_79 = tpu.memref_slice %arg8[%mul3A_74] : memref<25088xi32, #tpu.memory_space<vmem>> -> memref<128xi32, #tpu.memory_space<vmem>>
        %dma_wait3A_80 = arith.constant 0 : i32
        %dma_wait3A_81 = arith.constant 0 : i32
        %dma_wait3A_82 = tpu.memref_slice %arg3[%dma_wait3A_80, %dma_wait3A_81] : memref<102400x128xf32, #tpu.memory_space<hbm>> -> memref<102400x128xf32, #tpu.memory_space<hbm>>
        tpu.wait_indirect_dma semaphore(%arg11 : memref<!tpu.dma_semaphore, #tpu.memory_space<semaphore_mem>>) src(%dma_wait3A_82 : memref<102400x128xf32, #tpu.memory_space<hbm>>) dst(%dma_wait3A_78 : memref<128x128xf32, #tpu.memory_space<vmem>>)
        %mul3A_83 = arith.constant 128 : i32
        %mul3A_84 = arith.muli %add3A_66, %mul3A_83 : i32
        %add3A_85 = arith.addi %mul3A_2, %mul3A_84 : i32
        %run_scoped3A = arith.constant 1 : i32
        "tpu.region"() ({
          %run_scoped3A_93 = tpu.sem_alloc : memref<!tpu.dma_semaphore, #tpu.memory_space<semaphore_mem>>
          %dma_start3A_94 = arith.constant 0 : i32
          %dma_start3A_95 = arith.constant 0 : i32
          %dma_start3A_96 = tpu.memref_slice %arg9[%run_scoped3A, %dma_start3A_94, %dma_start3A_95] : memref<2x128x128xf32, #tpu.memory_space<vmem>> -> memref<1x128x128xf32, #tpu.memory_space<vmem>>
          %dma_start3A_97 = tpu.memref_squeeze %dma_start3A_96 : memref<1x128x128xf32, #tpu.memory_space<vmem>> -> memref<128x128xf32, #tpu.memory_space<vmem>>
          %dma_start3A_98 = arith.constant 0 : i32
          %dma_start3A_99 = tpu.memref_slice %arg7[%add3A_85, %dma_start3A_98] : memref<802816x128xf32, #tpu.memory_space<hbm>> -> memref<128x128xf32, #tpu.memory_space<hbm>>
          %dma_start3A_100 = arith.constant 0 : i32
          %dma_start3A_101 = tpu.memref_slice %arg7[%add3A_85, %dma_start3A_100] : memref<802816x128xf32, #tpu.memory_space<hbm>> -> memref<128x128xf32, #tpu.memory_space<hbm>>
          %dma_start3A_102 = arith.constant 0 : i32
          %dma_start3A_103 = arith.constant 0 : i32
          %dma_start3A_104 = tpu.memref_slice %arg9[%run_scoped3A, %dma_start3A_102, %dma_start3A_103] : memref<2x128x128xf32, #tpu.memory_space<vmem>> -> memref<1x128x128xf32, #tpu.memory_space<vmem>>
          %dma_start3A_105 = tpu.memref_squeeze %dma_start3A_104 : memref<1x128x128xf32, #tpu.memory_space<vmem>> -> memref<128x128xf32, #tpu.memory_space<vmem>>
          tpu.enqueue_dma source(%dma_start3A_105 : memref<128x128xf32, #tpu.memory_space<vmem>>) target(%dma_start3A_101 : memref<128x128xf32, #tpu.memory_space<hbm>>) target_semaphore(%run_scoped3A_93 : memref<!tpu.dma_semaphore, #tpu.memory_space<semaphore_mem>>)
          %dma_wait3A_106 = arith.constant 0 : i32
          %dma_wait3A_107 = arith.constant 0 : i32
          %dma_wait3A_108 = tpu.memref_slice %arg9[%run_scoped3A, %dma_wait3A_106, %dma_wait3A_107] : memref<2x128x128xf32, #tpu.memory_space<vmem>> -> memref<1x128x128xf32, #tpu.memory_space<vmem>>
          %dma_wait3A_109 = tpu.memref_squeeze %dma_wait3A_108 : memref<1x128x128xf32, #tpu.memory_space<vmem>> -> memref<128x128xf32, #tpu.memory_space<vmem>>
          %dma_wait3A_110 = arith.constant 0 : i32
          %dma_wait3A_111 = tpu.memref_slice %arg7[%add3A_85, %dma_wait3A_110] : memref<802816x128xf32, #tpu.memory_space<hbm>> -> memref<128x128xf32, #tpu.memory_space<hbm>>
          %dma_wait3A_112 = arith.constant 0 : i32
          %dma_wait3A_113 = tpu.memref_slice %arg7[%add3A_85, %dma_wait3A_112] : memref<802816x128xf32, #tpu.memory_space<hbm>> -> memref<128x128xf32, #tpu.memory_space<hbm>>
          %dma_wait3A_114 = arith.constant 0 : i32
          %dma_wait3A_115 = arith.constant 0 : i32
          %dma_wait3A_116 = tpu.memref_slice %arg9[%run_scoped3A, %dma_wait3A_114, %dma_wait3A_115] : memref<2x128x128xf32, #tpu.memory_space<vmem>> -> memref<1x128x128xf32, #tpu.memory_space<vmem>>
          %dma_wait3A_117 = tpu.memref_squeeze %dma_wait3A_116 : memref<1x128x128xf32, #tpu.memory_space<vmem>> -> memref<128x128xf32, #tpu.memory_space<vmem>>
          tpu.wait_dma2 semaphore(%run_scoped3A_93 : memref<!tpu.dma_semaphore, #tpu.memory_space<semaphore_mem>>) src(%dma_wait3A_117 : memref<128x128xf32, #tpu.memory_space<vmem>>) dst(%dma_wait3A_113 : memref<128x128xf32, #tpu.memory_space<hbm>>)
          tpu.yield
        }) : () -> ()
        %add3A_86 = arith.constant 2 : i32
        %add3A_87 = arith.addi %add3A_66, %add3A_86 : i32
        %lt3A_88 = arith.constant 196 : i32
        %lt3A_89 = arith.cmpi slt, %add3A_87, %lt3A_88 : i32
        %convert_element_type3A_90 = arith.extui %lt3A_89 : i1 to i32
        %cond3A_91 = arith.constant 0 : i32
        %cond3A_92 = arith.cmpi ne, %convert_element_type3A_90, %cond3A_91 : i32
        scf.if %cond3A_92 {
          %add3A_93 = arith.constant 2 : i32
          %add3A_94 = arith.addi %add3A_66, %add3A_93 : i32
          %mul3A_95 = arith.constant 128 : i32
          %mul3A_96 = arith.muli %add3A_94, %mul3A_95 : i32
          %dma_start3A_97 = arith.constant 1 : i32
          %dma_start3A_98 = arith.constant 0 : i32
          %dma_start3A_99 = arith.constant 0 : i32
          %dma_start3A_100 = tpu.memref_slice %arg9[%dma_start3A_97, %dma_start3A_98, %dma_start3A_99] : memref<2x128x128xf32, #tpu.memory_space<vmem>> -> memref<1x128x128xf32, #tpu.memory_space<vmem>>
          %dma_start3A_101 = tpu.memref_squeeze %dma_start3A_100 : memref<1x128x128xf32, #tpu.memory_space<vmem>> -> memref<128x128xf32, #tpu.memory_space<vmem>>
          %dma_start3A_102 = tpu.memref_slice %arg8[%mul3A_96] : memref<25088xi32, #tpu.memory_space<vmem>> -> memref<128xi32, #tpu.memory_space<vmem>>
          %dma_start3A_103 = arith.constant 0 : i32
          %dma_start3A_104 = arith.constant 0 : i32
          %dma_start3A_105 = tpu.memref_slice %arg3[%dma_start3A_103, %dma_start3A_104] : memref<102400x128xf32, #tpu.memory_space<hbm>> -> memref<102400x128xf32, #tpu.memory_space<hbm>>
          tpu.enqueue_indirect_dma source(%dma_start3A_105 : memref<102400x128xf32, #tpu.memory_space<hbm>>) target(%dma_start3A_101 : memref<128x128xf32, #tpu.memory_space<vmem>>) offsets(%dma_start3A_102 : memref<128xi32, #tpu.memory_space<vmem>>) semaphore(%arg11 : memref<!tpu.dma_semaphore, #tpu.memory_space<semaphore_mem>>)
        } else {
        }
      } else {
      }
      %scan3A_72 = arith.constant 0 : i32
      scf.yield %scan3A_72 : i32
    }
    %scan3A_54 = arith.constant 98 : i32
    return
  }
}

#map = affine_map<(d0, d1) -> (0, 0)>
#map1 = affine_map<(d0, d1) -> (0)>
module attributes {stable_mosaic.version = 14 : i64} {
  func.func @run(%arg0: i32, %arg1: i32, %arg2: memref<50000x128xf32, #tpu.memory_space<hbm>>, %arg3: memref<50000x128xf32, #tpu.memory_space<hbm>>, %arg4: memref<802816xi32, #tpu.memory_space<hbm>>, %arg5: memref<802816xi32, #tpu.memory_space<hbm>>, %arg6: memref<802816x128xf32, #tpu.memory_space<hbm>>, %arg7: memref<802816x128xf32, #tpu.memory_space<hbm>>, %arg8: memref<25088xi32, #tpu.memory_space<vmem>>, %arg9: memref<2x128x128xf32, #tpu.memory_space<vmem>>, %arg10: memref<!tpu.dma_semaphore, #tpu.memory_space<semaphore_mem>>, %arg11: memref<!tpu.dma_semaphore, #tpu.memory_space<semaphore_mem>>) attributes {dimension_semantics = [#tpu.dimension_semantics<core_parallel>, #tpu.dimension_semantics<subcore_parallel>], iteration_bounds = array<i64: 2, 16>, scalar_prefetch = 0 : i64, scratch_operands = 4 : i64, tpu.core_type = #tpu.core_type<sc_vector_subcore>, window_params = [{transform_indices = #map}, {transform_indices = #map}, {transform_indices = #map1}, {transform_indices = #map1}, {transform_indices = #map}, {transform_indices = #map}]} {
    %mul3A = arith.constant 2 : i32
    %mul3A_0 = arith.muli %arg1, %mul3A : i32
    %add3A = arith.addi %mul3A_0, %arg0 : i32
    %mul3A_1 = arith.constant 25088 : i32
    %mul3A_2 = arith.muli %add3A, %mul3A_1 : i32
    "tpu.region"() ({
      %run_scoped3A = tpu.sem_alloc : memref<!tpu.dma_semaphore, #tpu.memory_space<semaphore_mem>>
      %dma_start3A_55 = tpu.memref_slice %arg4[%mul3A_2] : memref<802816xi32, #tpu.memory_space<hbm>> -> memref<25088xi32, #tpu.memory_space<hbm>>
      %dma_start3A_56 = tpu.memref_slice %arg4[%mul3A_2] : memref<802816xi32, #tpu.memory_space<hbm>> -> memref<25088xi32, #tpu.memory_space<hbm>>
      tpu.enqueue_dma source(%dma_start3A_56 : memref<25088xi32, #tpu.memory_space<hbm>>) target(%arg8 : memref<25088xi32, #tpu.memory_space<vmem>>) target_semaphore(%run_scoped3A : memref<!tpu.dma_semaphore, #tpu.memory_space<semaphore_mem>>)
      %dma_wait3A = tpu.memref_slice %arg4[%mul3A_2] : memref<802816xi32, #tpu.memory_space<hbm>> -> memref<25088xi32, #tpu.memory_space<hbm>>
      %dma_wait3A_57 = tpu.memref_slice %arg4[%mul3A_2] : memref<802816xi32, #tpu.memory_space<hbm>> -> memref<25088xi32, #tpu.memory_space<hbm>>
      tpu.wait_dma2 semaphore(%run_scoped3A : memref<!tpu.dma_semaphore, #tpu.memory_space<semaphore_mem>>) src(%dma_wait3A_57 : memref<25088xi32, #tpu.memory_space<hbm>>) dst(%arg8 : memref<25088xi32, #tpu.memory_space<vmem>>)
      tpu.yield
    }) : () -> ()
    %dma_start3A = arith.constant 0 : i32
    %dma_start3A_3 = arith.constant 0 : i32
    %dma_start3A_4 = arith.constant 0 : i32
    %dma_start3A_5 = tpu.memref_slice %arg9[%dma_start3A, %dma_start3A_3, %dma_start3A_4] : memref<2x128x128xf32, #tpu.memory_space<vmem>> -> memref<1x128x128xf32, #tpu.memory_space<vmem>>
    %dma_start3A_6 = tpu.memref_squeeze %dma_start3A_5 : memref<1x128x128xf32, #tpu.memory_space<vmem>> -> memref<128x128xf32, #tpu.memory_space<vmem>>
    %dma_start3A_7 = arith.constant 0 : i32
    %dma_start3A_8 = tpu.memref_slice %arg8[%dma_start3A_7] : memref<25088xi32, #tpu.memory_space<vmem>> -> memref<128xi32, #tpu.memory_space<vmem>>
    %dma_start3A_9 = arith.constant 0 : i32
    %dma_start3A_10 = arith.constant 0 : i32
    %dma_start3A_11 = tpu.memref_slice %arg2[%dma_start3A_9, %dma_start3A_10] : memref<50000x128xf32, #tpu.memory_space<hbm>> -> memref<50000x128xf32, #tpu.memory_space<hbm>>
    tpu.enqueue_indirect_dma source(%dma_start3A_11 : memref<50000x128xf32, #tpu.memory_space<hbm>>) target(%dma_start3A_6 : memref<128x128xf32, #tpu.memory_space<vmem>>) offsets(%dma_start3A_8 : memref<128xi32, #tpu.memory_space<vmem>>) semaphore(%arg10 : memref<!tpu.dma_semaphore, #tpu.memory_space<semaphore_mem>>)
    %dma_start3A_12 = arith.constant 1 : i32
    %dma_start3A_13 = arith.constant 0 : i32
    %dma_start3A_14 = arith.constant 0 : i32
    %dma_start3A_15 = tpu.memref_slice %arg9[%dma_start3A_12, %dma_start3A_13, %dma_start3A_14] : memref<2x128x128xf32, #tpu.memory_space<vmem>> -> memref<1x128x128xf32, #tpu.memory_space<vmem>>
    %dma_start3A_16 = tpu.memref_squeeze %dma_start3A_15 : memref<1x128x128xf32, #tpu.memory_space<vmem>> -> memref<128x128xf32, #tpu.memory_space<vmem>>
    %dma_start3A_17 = arith.constant 128 : i32
    %dma_start3A_18 = tpu.memref_slice %arg8[%dma_start3A_17] : memref<25088xi32, #tpu.memory_space<vmem>> -> memref<128xi32, #tpu.memory_space<vmem>>
    %dma_start3A_19 = arith.constant 0 : i32
    %dma_start3A_20 = arith.constant 0 : i32
    %dma_start3A_21 = tpu.memref_slice %arg2[%dma_start3A_19, %dma_start3A_20] : memref<50000x128xf32, #tpu.memory_space<hbm>> -> memref<50000x128xf32, #tpu.memory_space<hbm>>
    tpu.enqueue_indirect_dma source(%dma_start3A_21 : memref<50000x128xf32, #tpu.memory_space<hbm>>) target(%dma_start3A_16 : memref<128x128xf32, #tpu.memory_space<vmem>>) offsets(%dma_start3A_18 : memref<128xi32, #tpu.memory_space<vmem>>) semaphore(%arg11 : memref<!tpu.dma_semaphore, #tpu.memory_space<semaphore_mem>>)
    %scan3A = arith.constant 0 : i32
    %scan3A_22 = arith.constant 0 : i32
    %scan3A_23 = arith.constant 98 : i32
    %scan3A_24 = arith.addi %scan3A_22, %scan3A_23 : i32
    %scan3A_25 = arith.constant 1 : i32
    %scan3A_26 = scf.for %scan3A_55 = %scan3A_22 to %scan3A_24 step %scan3A_25 iter_args(%scan3A_56 = %scan3A) -> (i32)  : i32 {
      %mul3A_57 = arith.constant 2 : i32
      %mul3A_58 = arith.muli %mul3A_57, %scan3A_55 : i32
      %add3A_59 = arith.constant 0 : i32
      %add3A_60 = arith.addi %mul3A_58, %add3A_59 : i32
      %lt3A = arith.constant 196 : i32
      %lt3A_61 = arith.cmpi slt, %add3A_60, %lt3A : i32
      %convert_element_type3A = arith.extui %lt3A_61 : i1 to i32
      %cond3A = arith.constant 0 : i32
      %cond3A_62 = arith.cmpi ne, %convert_element_type3A, %cond3A : i32
      scf.if %cond3A_62 {
        %mul3A_73 = arith.constant 128 : i32
        %mul3A_74 = arith.muli %add3A_60, %mul3A_73 : i32
        %dma_wait3A = arith.constant 0 : i32
        %dma_wait3A_75 = arith.constant 0 : i32
        %dma_wait3A_76 = arith.constant 0 : i32
        %dma_wait3A_77 = tpu.memref_slice %arg9[%dma_wait3A, %dma_wait3A_75, %dma_wait3A_76] : memref<2x128x128xf32, #tpu.memory_space<vmem>> -> memref<1x128x128xf32, #tpu.memory_space<vmem>>
        %dma_wait3A_78 = tpu.memref_squeeze %dma_wait3A_77 : memref<1x128x128xf32, #tpu.memory_space<vmem>> -> memref<128x128xf32, #tpu.memory_space<vmem>>
        %dma_wait3A_79 = tpu.memref_slice %arg8[%mul3A_74] : memref<25088xi32, #tpu.memory_space<vmem>> -> memref<128xi32, #tpu.memory_space<vmem>>
        %dma_wait3A_80 = arith.constant 0 : i32
        %dma_wait3A_81 = arith.constant 0 : i32
        %dma_wait3A_82 = tpu.memref_slice %arg2[%dma_wait3A_80, %dma_wait3A_81] : memref<50000x128xf32, #tpu.memory_space<hbm>> -> memref<50000x128xf32, #tpu.memory_space<hbm>>
        tpu.wait_indirect_dma semaphore(%arg10 : memref<!tpu.dma_semaphore, #tpu.memory_space<semaphore_mem>>) src(%dma_wait3A_82 : memref<50000x128xf32, #tpu.memory_space<hbm>>) dst(%dma_wait3A_78 : memref<128x128xf32, #tpu.memory_space<vmem>>)
        %mul3A_83 = arith.constant 128 : i32
        %mul3A_84 = arith.muli %add3A_60, %mul3A_83 : i32
        %add3A_85 = arith.addi %mul3A_2, %mul3A_84 : i32
        %run_scoped3A = arith.constant 0 : i32
        "tpu.region"() ({
          %run_scoped3A_93 = tpu.sem_alloc : memref<!tpu.dma_semaphore, #tpu.memory_space<semaphore_mem>>
          %dma_start3A_94 = arith.constant 0 : i32
          %dma_start3A_95 = arith.constant 0 : i32
          %dma_start3A_96 = tpu.memref_slice %arg9[%run_scoped3A, %dma_start3A_94, %dma_start3A_95] : memref<2x128x128xf32, #tpu.memory_space<vmem>> -> memref<1x128x128xf32, #tpu.memory_space<vmem>>
          %dma_start3A_97 = tpu.memref_squeeze %dma_start3A_96 : memref<1x128x128xf32, #tpu.memory_space<vmem>> -> memref<128x128xf32, #tpu.memory_space<vmem>>
          %dma_start3A_98 = arith.constant 0 : i32
          %dma_start3A_99 = tpu.memref_slice %arg6[%add3A_85, %dma_start3A_98] : memref<802816x128xf32, #tpu.memory_space<hbm>> -> memref<128x128xf32, #tpu.memory_space<hbm>>
          %dma_start3A_100 = arith.constant 0 : i32
          %dma_start3A_101 = tpu.memref_slice %arg6[%add3A_85, %dma_start3A_100] : memref<802816x128xf32, #tpu.memory_space<hbm>> -> memref<128x128xf32, #tpu.memory_space<hbm>>
          %dma_start3A_102 = arith.constant 0 : i32
          %dma_start3A_103 = arith.constant 0 : i32
          %dma_start3A_104 = tpu.memref_slice %arg9[%run_scoped3A, %dma_start3A_102, %dma_start3A_103] : memref<2x128x128xf32, #tpu.memory_space<vmem>> -> memref<1x128x128xf32, #tpu.memory_space<vmem>>
          %dma_start3A_105 = tpu.memref_squeeze %dma_start3A_104 : memref<1x128x128xf32, #tpu.memory_space<vmem>> -> memref<128x128xf32, #tpu.memory_space<vmem>>
          tpu.enqueue_dma source(%dma_start3A_105 : memref<128x128xf32, #tpu.memory_space<vmem>>) target(%dma_start3A_101 : memref<128x128xf32, #tpu.memory_space<hbm>>) target_semaphore(%run_scoped3A_93 : memref<!tpu.dma_semaphore, #tpu.memory_space<semaphore_mem>>)
          %dma_wait3A_106 = arith.constant 0 : i32
          %dma_wait3A_107 = arith.constant 0 : i32
          %dma_wait3A_108 = tpu.memref_slice %arg9[%run_scoped3A, %dma_wait3A_106, %dma_wait3A_107] : memref<2x128x128xf32, #tpu.memory_space<vmem>> -> memref<1x128x128xf32, #tpu.memory_space<vmem>>
          %dma_wait3A_109 = tpu.memref_squeeze %dma_wait3A_108 : memref<1x128x128xf32, #tpu.memory_space<vmem>> -> memref<128x128xf32, #tpu.memory_space<vmem>>
          %dma_wait3A_110 = arith.constant 0 : i32
          %dma_wait3A_111 = tpu.memref_slice %arg6[%add3A_85, %dma_wait3A_110] : memref<802816x128xf32, #tpu.memory_space<hbm>> -> memref<128x128xf32, #tpu.memory_space<hbm>>
          %dma_wait3A_112 = arith.constant 0 : i32
          %dma_wait3A_113 = tpu.memref_slice %arg6[%add3A_85, %dma_wait3A_112] : memref<802816x128xf32, #tpu.memory_space<hbm>> -> memref<128x128xf32, #tpu.memory_space<hbm>>
          %dma_wait3A_114 = arith.constant 0 : i32
          %dma_wait3A_115 = arith.constant 0 : i32
          %dma_wait3A_116 = tpu.memref_slice %arg9[%run_scoped3A, %dma_wait3A_114, %dma_wait3A_115] : memref<2x128x128xf32, #tpu.memory_space<vmem>> -> memref<1x128x128xf32, #tpu.memory_space<vmem>>
          %dma_wait3A_117 = tpu.memref_squeeze %dma_wait3A_116 : memref<1x128x128xf32, #tpu.memory_space<vmem>> -> memref<128x128xf32, #tpu.memory_space<vmem>>
          tpu.wait_dma2 semaphore(%run_scoped3A_93 : memref<!tpu.dma_semaphore, #tpu.memory_space<semaphore_mem>>) src(%dma_wait3A_117 : memref<128x128xf32, #tpu.memory_space<vmem>>) dst(%dma_wait3A_113 : memref<128x128xf32, #tpu.memory_space<hbm>>)
          tpu.yield
        }) : () -> ()
        %add3A_86 = arith.constant 2 : i32
        %add3A_87 = arith.addi %add3A_60, %add3A_86 : i32
        %lt3A_88 = arith.constant 196 : i32
        %lt3A_89 = arith.cmpi slt, %add3A_87, %lt3A_88 : i32
        %convert_element_type3A_90 = arith.extui %lt3A_89 : i1 to i32
        %cond3A_91 = arith.constant 0 : i32
        %cond3A_92 = arith.cmpi ne, %convert_element_type3A_90, %cond3A_91 : i32
        scf.if %cond3A_92 {
          %add3A_93 = arith.constant 2 : i32
          %add3A_94 = arith.addi %add3A_60, %add3A_93 : i32
          %mul3A_95 = arith.constant 128 : i32
          %mul3A_96 = arith.muli %add3A_94, %mul3A_95 : i32
          %dma_start3A_97 = arith.constant 0 : i32
          %dma_start3A_98 = arith.constant 0 : i32
          %dma_start3A_99 = arith.constant 0 : i32
          %dma_start3A_100 = tpu.memref_slice %arg9[%dma_start3A_97, %dma_start3A_98, %dma_start3A_99] : memref<2x128x128xf32, #tpu.memory_space<vmem>> -> memref<1x128x128xf32, #tpu.memory_space<vmem>>
          %dma_start3A_101 = tpu.memref_squeeze %dma_start3A_100 : memref<1x128x128xf32, #tpu.memory_space<vmem>> -> memref<128x128xf32, #tpu.memory_space<vmem>>
          %dma_start3A_102 = tpu.memref_slice %arg8[%mul3A_96] : memref<25088xi32, #tpu.memory_space<vmem>> -> memref<128xi32, #tpu.memory_space<vmem>>
          %dma_start3A_103 = arith.constant 0 : i32
          %dma_start3A_104 = arith.constant 0 : i32
          %dma_start3A_105 = tpu.memref_slice %arg2[%dma_start3A_103, %dma_start3A_104] : memref<50000x128xf32, #tpu.memory_space<hbm>> -> memref<50000x128xf32, #tpu.memory_space<hbm>>
          tpu.enqueue_indirect_dma source(%dma_start3A_105 : memref<50000x128xf32, #tpu.memory_space<hbm>>) target(%dma_start3A_101 : memref<128x128xf32, #tpu.memory_space<vmem>>) offsets(%dma_start3A_102 : memref<128xi32, #tpu.memory_space<vmem>>) semaphore(%arg10 : memref<!tpu.dma_semaphore, #tpu.memory_space<semaphore_mem>>)
        } else {
        }
      } else {
      }
      %mul3A_63 = arith.constant 2 : i32
      %mul3A_64 = arith.muli %mul3A_63, %scan3A_55 : i32
      %add3A_65 = arith.constant 1 : i32
      %add3A_66 = arith.addi %mul3A_64, %add3A_65 : i32
      %lt3A_67 = arith.constant 196 : i32
      %lt3A_68 = arith.cmpi slt, %add3A_66, %lt3A_67 : i32
      %convert_element_type3A_69 = arith.extui %lt3A_68 : i1 to i32
      %cond3A_70 = arith.constant 0 : i32
      %cond3A_71 = arith.cmpi ne, %convert_element_type3A_69, %cond3A_70 : i32
      scf.if %cond3A_71 {
        %mul3A_73 = arith.constant 128 : i32
        %mul3A_74 = arith.muli %add3A_66, %mul3A_73 : i32
        %dma_wait3A = arith.constant 1 : i32
        %dma_wait3A_75 = arith.constant 0 : i32
        %dma_wait3A_76 = arith.constant 0 : i32
        %dma_wait3A_77 = tpu.memref_slice %arg9[%dma_wait3A, %dma_wait3A_75, %dma_wait3A_76] : memref<2x128x128xf32, #tpu.memory_space<vmem>> -> memref<1x128x128xf32, #tpu.memory_space<vmem>>
        %dma_wait3A_78 = tpu.memref_squeeze %dma_wait3A_77 : memref<1x128x128xf32, #tpu.memory_space<vmem>> -> memref<128x128xf32, #tpu.memory_space<vmem>>
        %dma_wait3A_79 = tpu.memref_slice %arg8[%mul3A_74] : memref<25088xi32, #tpu.memory_space<vmem>> -> memref<128xi32, #tpu.memory_space<vmem>>
        %dma_wait3A_80 = arith.constant 0 : i32
        %dma_wait3A_81 = arith.constant 0 : i32
        %dma_wait3A_82 = tpu.memref_slice %arg2[%dma_wait3A_80, %dma_wait3A_81] : memref<50000x128xf32, #tpu.memory_space<hbm>> -> memref<50000x128xf32, #tpu.memory_space<hbm>>
        tpu.wait_indirect_dma semaphore(%arg11 : memref<!tpu.dma_semaphore, #tpu.memory_space<semaphore_mem>>) src(%dma_wait3A_82 : memref<50000x128xf32, #tpu.memory_space<hbm>>) dst(%dma_wait3A_78 : memref<128x128xf32, #tpu.memory_space<vmem>>)
        %mul3A_83 = arith.constant 128 : i32
        %mul3A_84 = arith.muli %add3A_66, %mul3A_83 : i32
        %add3A_85 = arith.addi %mul3A_2, %mul3A_84 : i32
        %run_scoped3A = arith.constant 1 : i32
        "tpu.region"() ({
          %run_scoped3A_93 = tpu.sem_alloc : memref<!tpu.dma_semaphore, #tpu.memory_space<semaphore_mem>>
          %dma_start3A_94 = arith.constant 0 : i32
          %dma_start3A_95 = arith.constant 0 : i32
          %dma_start3A_96 = tpu.memref_slice %arg9[%run_scoped3A, %dma_start3A_94, %dma_start3A_95] : memref<2x128x128xf32, #tpu.memory_space<vmem>> -> memref<1x128x128xf32, #tpu.memory_space<vmem>>
          %dma_start3A_97 = tpu.memref_squeeze %dma_start3A_96 : memref<1x128x128xf32, #tpu.memory_space<vmem>> -> memref<128x128xf32, #tpu.memory_space<vmem>>
          %dma_start3A_98 = arith.constant 0 : i32
          %dma_start3A_99 = tpu.memref_slice %arg6[%add3A_85, %dma_start3A_98] : memref<802816x128xf32, #tpu.memory_space<hbm>> -> memref<128x128xf32, #tpu.memory_space<hbm>>
          %dma_start3A_100 = arith.constant 0 : i32
          %dma_start3A_101 = tpu.memref_slice %arg6[%add3A_85, %dma_start3A_100] : memref<802816x128xf32, #tpu.memory_space<hbm>> -> memref<128x128xf32, #tpu.memory_space<hbm>>
          %dma_start3A_102 = arith.constant 0 : i32
          %dma_start3A_103 = arith.constant 0 : i32
          %dma_start3A_104 = tpu.memref_slice %arg9[%run_scoped3A, %dma_start3A_102, %dma_start3A_103] : memref<2x128x128xf32, #tpu.memory_space<vmem>> -> memref<1x128x128xf32, #tpu.memory_space<vmem>>
          %dma_start3A_105 = tpu.memref_squeeze %dma_start3A_104 : memref<1x128x128xf32, #tpu.memory_space<vmem>> -> memref<128x128xf32, #tpu.memory_space<vmem>>
          tpu.enqueue_dma source(%dma_start3A_105 : memref<128x128xf32, #tpu.memory_space<vmem>>) target(%dma_start3A_101 : memref<128x128xf32, #tpu.memory_space<hbm>>) target_semaphore(%run_scoped3A_93 : memref<!tpu.dma_semaphore, #tpu.memory_space<semaphore_mem>>)
          %dma_wait3A_106 = arith.constant 0 : i32
          %dma_wait3A_107 = arith.constant 0 : i32
          %dma_wait3A_108 = tpu.memref_slice %arg9[%run_scoped3A, %dma_wait3A_106, %dma_wait3A_107] : memref<2x128x128xf32, #tpu.memory_space<vmem>> -> memref<1x128x128xf32, #tpu.memory_space<vmem>>
          %dma_wait3A_109 = tpu.memref_squeeze %dma_wait3A_108 : memref<1x128x128xf32, #tpu.memory_space<vmem>> -> memref<128x128xf32, #tpu.memory_space<vmem>>
          %dma_wait3A_110 = arith.constant 0 : i32
          %dma_wait3A_111 = tpu.memref_slice %arg6[%add3A_85, %dma_wait3A_110] : memref<802816x128xf32, #tpu.memory_space<hbm>> -> memref<128x128xf32, #tpu.memory_space<hbm>>
          %dma_wait3A_112 = arith.constant 0 : i32
          %dma_wait3A_113 = tpu.memref_slice %arg6[%add3A_85, %dma_wait3A_112] : memref<802816x128xf32, #tpu.memory_space<hbm>> -> memref<128x128xf32, #tpu.memory_space<hbm>>
          %dma_wait3A_114 = arith.constant 0 : i32
          %dma_wait3A_115 = arith.constant 0 : i32
          %dma_wait3A_116 = tpu.memref_slice %arg9[%run_scoped3A, %dma_wait3A_114, %dma_wait3A_115] : memref<2x128x128xf32, #tpu.memory_space<vmem>> -> memref<1x128x128xf32, #tpu.memory_space<vmem>>
          %dma_wait3A_117 = tpu.memref_squeeze %dma_wait3A_116 : memref<1x128x128xf32, #tpu.memory_space<vmem>> -> memref<128x128xf32, #tpu.memory_space<vmem>>
          tpu.wait_dma2 semaphore(%run_scoped3A_93 : memref<!tpu.dma_semaphore, #tpu.memory_space<semaphore_mem>>) src(%dma_wait3A_117 : memref<128x128xf32, #tpu.memory_space<vmem>>) dst(%dma_wait3A_113 : memref<128x128xf32, #tpu.memory_space<hbm>>)
          tpu.yield
        }) : () -> ()
        %add3A_86 = arith.constant 2 : i32
        %add3A_87 = arith.addi %add3A_66, %add3A_86 : i32
        %lt3A_88 = arith.constant 196 : i32
        %lt3A_89 = arith.cmpi slt, %add3A_87, %lt3A_88 : i32
        %convert_element_type3A_90 = arith.extui %lt3A_89 : i1 to i32
        %cond3A_91 = arith.constant 0 : i32
        %cond3A_92 = arith.cmpi ne, %convert_element_type3A_90, %cond3A_91 : i32
        scf.if %cond3A_92 {
          %add3A_93 = arith.constant 2 : i32
          %add3A_94 = arith.addi %add3A_66, %add3A_93 : i32
          %mul3A_95 = arith.constant 128 : i32
          %mul3A_96 = arith.muli %add3A_94, %mul3A_95 : i32
          %dma_start3A_97 = arith.constant 1 : i32
          %dma_start3A_98 = arith.constant 0 : i32
          %dma_start3A_99 = arith.constant 0 : i32
          %dma_start3A_100 = tpu.memref_slice %arg9[%dma_start3A_97, %dma_start3A_98, %dma_start3A_99] : memref<2x128x128xf32, #tpu.memory_space<vmem>> -> memref<1x128x128xf32, #tpu.memory_space<vmem>>
          %dma_start3A_101 = tpu.memref_squeeze %dma_start3A_100 : memref<1x128x128xf32, #tpu.memory_space<vmem>> -> memref<128x128xf32, #tpu.memory_space<vmem>>
          %dma_start3A_102 = tpu.memref_slice %arg8[%mul3A_96] : memref<25088xi32, #tpu.memory_space<vmem>> -> memref<128xi32, #tpu.memory_space<vmem>>
          %dma_start3A_103 = arith.constant 0 : i32
          %dma_start3A_104 = arith.constant 0 : i32
          %dma_start3A_105 = tpu.memref_slice %arg2[%dma_start3A_103, %dma_start3A_104] : memref<50000x128xf32, #tpu.memory_space<hbm>> -> memref<50000x128xf32, #tpu.memory_space<hbm>>
          tpu.enqueue_indirect_dma source(%dma_start3A_105 : memref<50000x128xf32, #tpu.memory_space<hbm>>) target(%dma_start3A_101 : memref<128x128xf32, #tpu.memory_space<vmem>>) offsets(%dma_start3A_102 : memref<128xi32, #tpu.memory_space<vmem>>) semaphore(%arg11 : memref<!tpu.dma_semaphore, #tpu.memory_space<semaphore_mem>>)
        } else {
        }
      } else {
      }
      %scan3A_72 = arith.constant 0 : i32
      scf.yield %scan3A_72 : i32
    }
    %scan3A_27 = arith.constant 98 : i32
    "tpu.region"() ({
      %run_scoped3A = tpu.sem_alloc : memref<!tpu.dma_semaphore, #tpu.memory_space<semaphore_mem>>
      %dma_start3A_55 = tpu.memref_slice %arg5[%mul3A_2] : memref<802816xi32, #tpu.memory_space<hbm>> -> memref<25088xi32, #tpu.memory_space<hbm>>
      %dma_start3A_56 = tpu.memref_slice %arg5[%mul3A_2] : memref<802816xi32, #tpu.memory_space<hbm>> -> memref<25088xi32, #tpu.memory_space<hbm>>
      tpu.enqueue_dma source(%dma_start3A_56 : memref<25088xi32, #tpu.memory_space<hbm>>) target(%arg8 : memref<25088xi32, #tpu.memory_space<vmem>>) target_semaphore(%run_scoped3A : memref<!tpu.dma_semaphore, #tpu.memory_space<semaphore_mem>>)
      %dma_wait3A = tpu.memref_slice %arg5[%mul3A_2] : memref<802816xi32, #tpu.memory_space<hbm>> -> memref<25088xi32, #tpu.memory_space<hbm>>
      %dma_wait3A_57 = tpu.memref_slice %arg5[%mul3A_2] : memref<802816xi32, #tpu.memory_space<hbm>> -> memref<25088xi32, #tpu.memory_space<hbm>>
      tpu.wait_dma2 semaphore(%run_scoped3A : memref<!tpu.dma_semaphore, #tpu.memory_space<semaphore_mem>>) src(%dma_wait3A_57 : memref<25088xi32, #tpu.memory_space<hbm>>) dst(%arg8 : memref<25088xi32, #tpu.memory_space<vmem>>)
      tpu.yield
    }) : () -> ()
    %dma_start3A_28 = arith.constant 0 : i32
    %dma_start3A_29 = arith.constant 0 : i32
    %dma_start3A_30 = arith.constant 0 : i32
    %dma_start3A_31 = tpu.memref_slice %arg9[%dma_start3A_28, %dma_start3A_29, %dma_start3A_30] : memref<2x128x128xf32, #tpu.memory_space<vmem>> -> memref<1x128x128xf32, #tpu.memory_space<vmem>>
    %dma_start3A_32 = tpu.memref_squeeze %dma_start3A_31 : memref<1x128x128xf32, #tpu.memory_space<vmem>> -> memref<128x128xf32, #tpu.memory_space<vmem>>
    %dma_start3A_33 = arith.constant 0 : i32
    %dma_start3A_34 = tpu.memref_slice %arg8[%dma_start3A_33] : memref<25088xi32, #tpu.memory_space<vmem>> -> memref<128xi32, #tpu.memory_space<vmem>>
    %dma_start3A_35 = arith.constant 0 : i32
    %dma_start3A_36 = arith.constant 0 : i32
    %dma_start3A_37 = tpu.memref_slice %arg3[%dma_start3A_35, %dma_start3A_36] : memref<50000x128xf32, #tpu.memory_space<hbm>> -> memref<50000x128xf32, #tpu.memory_space<hbm>>
    tpu.enqueue_indirect_dma source(%dma_start3A_37 : memref<50000x128xf32, #tpu.memory_space<hbm>>) target(%dma_start3A_32 : memref<128x128xf32, #tpu.memory_space<vmem>>) offsets(%dma_start3A_34 : memref<128xi32, #tpu.memory_space<vmem>>) semaphore(%arg10 : memref<!tpu.dma_semaphore, #tpu.memory_space<semaphore_mem>>)
    %dma_start3A_38 = arith.constant 1 : i32
    %dma_start3A_39 = arith.constant 0 : i32
    %dma_start3A_40 = arith.constant 0 : i32
    %dma_start3A_41 = tpu.memref_slice %arg9[%dma_start3A_38, %dma_start3A_39, %dma_start3A_40] : memref<2x128x128xf32, #tpu.memory_space<vmem>> -> memref<1x128x128xf32, #tpu.memory_space<vmem>>
    %dma_start3A_42 = tpu.memref_squeeze %dma_start3A_41 : memref<1x128x128xf32, #tpu.memory_space<vmem>> -> memref<128x128xf32, #tpu.memory_space<vmem>>
    %dma_start3A_43 = arith.constant 128 : i32
    %dma_start3A_44 = tpu.memref_slice %arg8[%dma_start3A_43] : memref<25088xi32, #tpu.memory_space<vmem>> -> memref<128xi32, #tpu.memory_space<vmem>>
    %dma_start3A_45 = arith.constant 0 : i32
    %dma_start3A_46 = arith.constant 0 : i32
    %dma_start3A_47 = tpu.memref_slice %arg3[%dma_start3A_45, %dma_start3A_46] : memref<50000x128xf32, #tpu.memory_space<hbm>> -> memref<50000x128xf32, #tpu.memory_space<hbm>>
    tpu.enqueue_indirect_dma source(%dma_start3A_47 : memref<50000x128xf32, #tpu.memory_space<hbm>>) target(%dma_start3A_42 : memref<128x128xf32, #tpu.memory_space<vmem>>) offsets(%dma_start3A_44 : memref<128xi32, #tpu.memory_space<vmem>>) semaphore(%arg11 : memref<!tpu.dma_semaphore, #tpu.memory_space<semaphore_mem>>)
    %scan3A_48 = arith.constant 0 : i32
    %scan3A_49 = arith.constant 0 : i32
    %scan3A_50 = arith.constant 98 : i32
    %scan3A_51 = arith.addi %scan3A_49, %scan3A_50 : i32
    %scan3A_52 = arith.constant 1 : i32
    %scan3A_53 = scf.for %scan3A_55 = %scan3A_49 to %scan3A_51 step %scan3A_52 iter_args(%scan3A_56 = %scan3A_48) -> (i32)  : i32 {
      %mul3A_57 = arith.constant 2 : i32
      %mul3A_58 = arith.muli %mul3A_57, %scan3A_55 : i32
      %add3A_59 = arith.constant 0 : i32
      %add3A_60 = arith.addi %mul3A_58, %add3A_59 : i32
      %lt3A = arith.constant 196 : i32
      %lt3A_61 = arith.cmpi slt, %add3A_60, %lt3A : i32
      %convert_element_type3A = arith.extui %lt3A_61 : i1 to i32
      %cond3A = arith.constant 0 : i32
      %cond3A_62 = arith.cmpi ne, %convert_element_type3A, %cond3A : i32
      scf.if %cond3A_62 {
        %mul3A_73 = arith.constant 128 : i32
        %mul3A_74 = arith.muli %add3A_60, %mul3A_73 : i32
        %dma_wait3A = arith.constant 0 : i32
        %dma_wait3A_75 = arith.constant 0 : i32
        %dma_wait3A_76 = arith.constant 0 : i32
        %dma_wait3A_77 = tpu.memref_slice %arg9[%dma_wait3A, %dma_wait3A_75, %dma_wait3A_76] : memref<2x128x128xf32, #tpu.memory_space<vmem>> -> memref<1x128x128xf32, #tpu.memory_space<vmem>>
        %dma_wait3A_78 = tpu.memref_squeeze %dma_wait3A_77 : memref<1x128x128xf32, #tpu.memory_space<vmem>> -> memref<128x128xf32, #tpu.memory_space<vmem>>
        %dma_wait3A_79 = tpu.memref_slice %arg8[%mul3A_74] : memref<25088xi32, #tpu.memory_space<vmem>> -> memref<128xi32, #tpu.memory_space<vmem>>
        %dma_wait3A_80 = arith.constant 0 : i32
        %dma_wait3A_81 = arith.constant 0 : i32
        %dma_wait3A_82 = tpu.memref_slice %arg3[%dma_wait3A_80, %dma_wait3A_81] : memref<50000x128xf32, #tpu.memory_space<hbm>> -> memref<50000x128xf32, #tpu.memory_space<hbm>>
        tpu.wait_indirect_dma semaphore(%arg10 : memref<!tpu.dma_semaphore, #tpu.memory_space<semaphore_mem>>) src(%dma_wait3A_82 : memref<50000x128xf32, #tpu.memory_space<hbm>>) dst(%dma_wait3A_78 : memref<128x128xf32, #tpu.memory_space<vmem>>)
        %mul3A_83 = arith.constant 128 : i32
        %mul3A_84 = arith.muli %add3A_60, %mul3A_83 : i32
        %add3A_85 = arith.addi %mul3A_2, %mul3A_84 : i32
        %run_scoped3A = arith.constant 0 : i32
        "tpu.region"() ({
          %run_scoped3A_93 = tpu.sem_alloc : memref<!tpu.dma_semaphore, #tpu.memory_space<semaphore_mem>>
          %dma_start3A_94 = arith.constant 0 : i32
          %dma_start3A_95 = arith.constant 0 : i32
          %dma_start3A_96 = tpu.memref_slice %arg9[%run_scoped3A, %dma_start3A_94, %dma_start3A_95] : memref<2x128x128xf32, #tpu.memory_space<vmem>> -> memref<1x128x128xf32, #tpu.memory_space<vmem>>
          %dma_start3A_97 = tpu.memref_squeeze %dma_start3A_96 : memref<1x128x128xf32, #tpu.memory_space<vmem>> -> memref<128x128xf32, #tpu.memory_space<vmem>>
          %dma_start3A_98 = arith.constant 0 : i32
          %dma_start3A_99 = tpu.memref_slice %arg7[%add3A_85, %dma_start3A_98] : memref<802816x128xf32, #tpu.memory_space<hbm>> -> memref<128x128xf32, #tpu.memory_space<hbm>>
          %dma_start3A_100 = arith.constant 0 : i32
          %dma_start3A_101 = tpu.memref_slice %arg7[%add3A_85, %dma_start3A_100] : memref<802816x128xf32, #tpu.memory_space<hbm>> -> memref<128x128xf32, #tpu.memory_space<hbm>>
          %dma_start3A_102 = arith.constant 0 : i32
          %dma_start3A_103 = arith.constant 0 : i32
          %dma_start3A_104 = tpu.memref_slice %arg9[%run_scoped3A, %dma_start3A_102, %dma_start3A_103] : memref<2x128x128xf32, #tpu.memory_space<vmem>> -> memref<1x128x128xf32, #tpu.memory_space<vmem>>
          %dma_start3A_105 = tpu.memref_squeeze %dma_start3A_104 : memref<1x128x128xf32, #tpu.memory_space<vmem>> -> memref<128x128xf32, #tpu.memory_space<vmem>>
          tpu.enqueue_dma source(%dma_start3A_105 : memref<128x128xf32, #tpu.memory_space<vmem>>) target(%dma_start3A_101 : memref<128x128xf32, #tpu.memory_space<hbm>>) target_semaphore(%run_scoped3A_93 : memref<!tpu.dma_semaphore, #tpu.memory_space<semaphore_mem>>)
          %dma_wait3A_106 = arith.constant 0 : i32
          %dma_wait3A_107 = arith.constant 0 : i32
          %dma_wait3A_108 = tpu.memref_slice %arg9[%run_scoped3A, %dma_wait3A_106, %dma_wait3A_107] : memref<2x128x128xf32, #tpu.memory_space<vmem>> -> memref<1x128x128xf32, #tpu.memory_space<vmem>>
          %dma_wait3A_109 = tpu.memref_squeeze %dma_wait3A_108 : memref<1x128x128xf32, #tpu.memory_space<vmem>> -> memref<128x128xf32, #tpu.memory_space<vmem>>
          %dma_wait3A_110 = arith.constant 0 : i32
          %dma_wait3A_111 = tpu.memref_slice %arg7[%add3A_85, %dma_wait3A_110] : memref<802816x128xf32, #tpu.memory_space<hbm>> -> memref<128x128xf32, #tpu.memory_space<hbm>>
          %dma_wait3A_112 = arith.constant 0 : i32
          %dma_wait3A_113 = tpu.memref_slice %arg7[%add3A_85, %dma_wait3A_112] : memref<802816x128xf32, #tpu.memory_space<hbm>> -> memref<128x128xf32, #tpu.memory_space<hbm>>
          %dma_wait3A_114 = arith.constant 0 : i32
          %dma_wait3A_115 = arith.constant 0 : i32
          %dma_wait3A_116 = tpu.memref_slice %arg9[%run_scoped3A, %dma_wait3A_114, %dma_wait3A_115] : memref<2x128x128xf32, #tpu.memory_space<vmem>> -> memref<1x128x128xf32, #tpu.memory_space<vmem>>
          %dma_wait3A_117 = tpu.memref_squeeze %dma_wait3A_116 : memref<1x128x128xf32, #tpu.memory_space<vmem>> -> memref<128x128xf32, #tpu.memory_space<vmem>>
          tpu.wait_dma2 semaphore(%run_scoped3A_93 : memref<!tpu.dma_semaphore, #tpu.memory_space<semaphore_mem>>) src(%dma_wait3A_117 : memref<128x128xf32, #tpu.memory_space<vmem>>) dst(%dma_wait3A_113 : memref<128x128xf32, #tpu.memory_space<hbm>>)
          tpu.yield
        }) : () -> ()
        %add3A_86 = arith.constant 2 : i32
        %add3A_87 = arith.addi %add3A_60, %add3A_86 : i32
        %lt3A_88 = arith.constant 196 : i32
        %lt3A_89 = arith.cmpi slt, %add3A_87, %lt3A_88 : i32
        %convert_element_type3A_90 = arith.extui %lt3A_89 : i1 to i32
        %cond3A_91 = arith.constant 0 : i32
        %cond3A_92 = arith.cmpi ne, %convert_element_type3A_90, %cond3A_91 : i32
        scf.if %cond3A_92 {
          %add3A_93 = arith.constant 2 : i32
          %add3A_94 = arith.addi %add3A_60, %add3A_93 : i32
          %mul3A_95 = arith.constant 128 : i32
          %mul3A_96 = arith.muli %add3A_94, %mul3A_95 : i32
          %dma_start3A_97 = arith.constant 0 : i32
          %dma_start3A_98 = arith.constant 0 : i32
          %dma_start3A_99 = arith.constant 0 : i32
          %dma_start3A_100 = tpu.memref_slice %arg9[%dma_start3A_97, %dma_start3A_98, %dma_start3A_99] : memref<2x128x128xf32, #tpu.memory_space<vmem>> -> memref<1x128x128xf32, #tpu.memory_space<vmem>>
          %dma_start3A_101 = tpu.memref_squeeze %dma_start3A_100 : memref<1x128x128xf32, #tpu.memory_space<vmem>> -> memref<128x128xf32, #tpu.memory_space<vmem>>
          %dma_start3A_102 = tpu.memref_slice %arg8[%mul3A_96] : memref<25088xi32, #tpu.memory_space<vmem>> -> memref<128xi32, #tpu.memory_space<vmem>>
          %dma_start3A_103 = arith.constant 0 : i32
          %dma_start3A_104 = arith.constant 0 : i32
          %dma_start3A_105 = tpu.memref_slice %arg3[%dma_start3A_103, %dma_start3A_104] : memref<50000x128xf32, #tpu.memory_space<hbm>> -> memref<50000x128xf32, #tpu.memory_space<hbm>>
          tpu.enqueue_indirect_dma source(%dma_start3A_105 : memref<50000x128xf32, #tpu.memory_space<hbm>>) target(%dma_start3A_101 : memref<128x128xf32, #tpu.memory_space<vmem>>) offsets(%dma_start3A_102 : memref<128xi32, #tpu.memory_space<vmem>>) semaphore(%arg10 : memref<!tpu.dma_semaphore, #tpu.memory_space<semaphore_mem>>)
        } else {
        }
      } else {
      }
      %mul3A_63 = arith.constant 2 : i32
      %mul3A_64 = arith.muli %mul3A_63, %scan3A_55 : i32
      %add3A_65 = arith.constant 1 : i32
      %add3A_66 = arith.addi %mul3A_64, %add3A_65 : i32
      %lt3A_67 = arith.constant 196 : i32
      %lt3A_68 = arith.cmpi slt, %add3A_66, %lt3A_67 : i32
      %convert_element_type3A_69 = arith.extui %lt3A_68 : i1 to i32
      %cond3A_70 = arith.constant 0 : i32
      %cond3A_71 = arith.cmpi ne, %convert_element_type3A_69, %cond3A_70 : i32
      scf.if %cond3A_71 {
        %mul3A_73 = arith.constant 128 : i32
        %mul3A_74 = arith.muli %add3A_66, %mul3A_73 : i32
        %dma_wait3A = arith.constant 1 : i32
        %dma_wait3A_75 = arith.constant 0 : i32
        %dma_wait3A_76 = arith.constant 0 : i32
        %dma_wait3A_77 = tpu.memref_slice %arg9[%dma_wait3A, %dma_wait3A_75, %dma_wait3A_76] : memref<2x128x128xf32, #tpu.memory_space<vmem>> -> memref<1x128x128xf32, #tpu.memory_space<vmem>>
        %dma_wait3A_78 = tpu.memref_squeeze %dma_wait3A_77 : memref<1x128x128xf32, #tpu.memory_space<vmem>> -> memref<128x128xf32, #tpu.memory_space<vmem>>
        %dma_wait3A_79 = tpu.memref_slice %arg8[%mul3A_74] : memref<25088xi32, #tpu.memory_space<vmem>> -> memref<128xi32, #tpu.memory_space<vmem>>
        %dma_wait3A_80 = arith.constant 0 : i32
        %dma_wait3A_81 = arith.constant 0 : i32
        %dma_wait3A_82 = tpu.memref_slice %arg3[%dma_wait3A_80, %dma_wait3A_81] : memref<50000x128xf32, #tpu.memory_space<hbm>> -> memref<50000x128xf32, #tpu.memory_space<hbm>>
        tpu.wait_indirect_dma semaphore(%arg11 : memref<!tpu.dma_semaphore, #tpu.memory_space<semaphore_mem>>) src(%dma_wait3A_82 : memref<50000x128xf32, #tpu.memory_space<hbm>>) dst(%dma_wait3A_78 : memref<128x128xf32, #tpu.memory_space<vmem>>)
        %mul3A_83 = arith.constant 128 : i32
        %mul3A_84 = arith.muli %add3A_66, %mul3A_83 : i32
        %add3A_85 = arith.addi %mul3A_2, %mul3A_84 : i32
        %run_scoped3A = arith.constant 1 : i32
        "tpu.region"() ({
          %run_scoped3A_93 = tpu.sem_alloc : memref<!tpu.dma_semaphore, #tpu.memory_space<semaphore_mem>>
          %dma_start3A_94 = arith.constant 0 : i32
          %dma_start3A_95 = arith.constant 0 : i32
          %dma_start3A_96 = tpu.memref_slice %arg9[%run_scoped3A, %dma_start3A_94, %dma_start3A_95] : memref<2x128x128xf32, #tpu.memory_space<vmem>> -> memref<1x128x128xf32, #tpu.memory_space<vmem>>
          %dma_start3A_97 = tpu.memref_squeeze %dma_start3A_96 : memref<1x128x128xf32, #tpu.memory_space<vmem>> -> memref<128x128xf32, #tpu.memory_space<vmem>>
          %dma_start3A_98 = arith.constant 0 : i32
          %dma_start3A_99 = tpu.memref_slice %arg7[%add3A_85, %dma_start3A_98] : memref<802816x128xf32, #tpu.memory_space<hbm>> -> memref<128x128xf32, #tpu.memory_space<hbm>>
          %dma_start3A_100 = arith.constant 0 : i32
          %dma_start3A_101 = tpu.memref_slice %arg7[%add3A_85, %dma_start3A_100] : memref<802816x128xf32, #tpu.memory_space<hbm>> -> memref<128x128xf32, #tpu.memory_space<hbm>>
          %dma_start3A_102 = arith.constant 0 : i32
          %dma_start3A_103 = arith.constant 0 : i32
          %dma_start3A_104 = tpu.memref_slice %arg9[%run_scoped3A, %dma_start3A_102, %dma_start3A_103] : memref<2x128x128xf32, #tpu.memory_space<vmem>> -> memref<1x128x128xf32, #tpu.memory_space<vmem>>
          %dma_start3A_105 = tpu.memref_squeeze %dma_start3A_104 : memref<1x128x128xf32, #tpu.memory_space<vmem>> -> memref<128x128xf32, #tpu.memory_space<vmem>>
          tpu.enqueue_dma source(%dma_start3A_105 : memref<128x128xf32, #tpu.memory_space<vmem>>) target(%dma_start3A_101 : memref<128x128xf32, #tpu.memory_space<hbm>>) target_semaphore(%run_scoped3A_93 : memref<!tpu.dma_semaphore, #tpu.memory_space<semaphore_mem>>)
          %dma_wait3A_106 = arith.constant 0 : i32
          %dma_wait3A_107 = arith.constant 0 : i32
          %dma_wait3A_108 = tpu.memref_slice %arg9[%run_scoped3A, %dma_wait3A_106, %dma_wait3A_107] : memref<2x128x128xf32, #tpu.memory_space<vmem>> -> memref<1x128x128xf32, #tpu.memory_space<vmem>>
          %dma_wait3A_109 = tpu.memref_squeeze %dma_wait3A_108 : memref<1x128x128xf32, #tpu.memory_space<vmem>> -> memref<128x128xf32, #tpu.memory_space<vmem>>
          %dma_wait3A_110 = arith.constant 0 : i32
          %dma_wait3A_111 = tpu.memref_slice %arg7[%add3A_85, %dma_wait3A_110] : memref<802816x128xf32, #tpu.memory_space<hbm>> -> memref<128x128xf32, #tpu.memory_space<hbm>>
          %dma_wait3A_112 = arith.constant 0 : i32
          %dma_wait3A_113 = tpu.memref_slice %arg7[%add3A_85, %dma_wait3A_112] : memref<802816x128xf32, #tpu.memory_space<hbm>> -> memref<128x128xf32, #tpu.memory_space<hbm>>
          %dma_wait3A_114 = arith.constant 0 : i32
          %dma_wait3A_115 = arith.constant 0 : i32
          %dma_wait3A_116 = tpu.memref_slice %arg9[%run_scoped3A, %dma_wait3A_114, %dma_wait3A_115] : memref<2x128x128xf32, #tpu.memory_space<vmem>> -> memref<1x128x128xf32, #tpu.memory_space<vmem>>
          %dma_wait3A_117 = tpu.memref_squeeze %dma_wait3A_116 : memref<1x128x128xf32, #tpu.memory_space<vmem>> -> memref<128x128xf32, #tpu.memory_space<vmem>>
          tpu.wait_dma2 semaphore(%run_scoped3A_93 : memref<!tpu.dma_semaphore, #tpu.memory_space<semaphore_mem>>) src(%dma_wait3A_117 : memref<128x128xf32, #tpu.memory_space<vmem>>) dst(%dma_wait3A_113 : memref<128x128xf32, #tpu.memory_space<hbm>>)
          tpu.yield
        }) : () -> ()
        %add3A_86 = arith.constant 2 : i32
        %add3A_87 = arith.addi %add3A_66, %add3A_86 : i32
        %lt3A_88 = arith.constant 196 : i32
        %lt3A_89 = arith.cmpi slt, %add3A_87, %lt3A_88 : i32
        %convert_element_type3A_90 = arith.extui %lt3A_89 : i1 to i32
        %cond3A_91 = arith.constant 0 : i32
        %cond3A_92 = arith.cmpi ne, %convert_element_type3A_90, %cond3A_91 : i32
        scf.if %cond3A_92 {
          %add3A_93 = arith.constant 2 : i32
          %add3A_94 = arith.addi %add3A_66, %add3A_93 : i32
          %mul3A_95 = arith.constant 128 : i32
          %mul3A_96 = arith.muli %add3A_94, %mul3A_95 : i32
          %dma_start3A_97 = arith.constant 1 : i32
          %dma_start3A_98 = arith.constant 0 : i32
          %dma_start3A_99 = arith.constant 0 : i32
          %dma_start3A_100 = tpu.memref_slice %arg9[%dma_start3A_97, %dma_start3A_98, %dma_start3A_99] : memref<2x128x128xf32, #tpu.memory_space<vmem>> -> memref<1x128x128xf32, #tpu.memory_space<vmem>>
          %dma_start3A_101 = tpu.memref_squeeze %dma_start3A_100 : memref<1x128x128xf32, #tpu.memory_space<vmem>> -> memref<128x128xf32, #tpu.memory_space<vmem>>
          %dma_start3A_102 = tpu.memref_slice %arg8[%mul3A_96] : memref<25088xi32, #tpu.memory_space<vmem>> -> memref<128xi32, #tpu.memory_space<vmem>>
          %dma_start3A_103 = arith.constant 0 : i32
          %dma_start3A_104 = arith.constant 0 : i32
          %dma_start3A_105 = tpu.memref_slice %arg3[%dma_start3A_103, %dma_start3A_104] : memref<50000x128xf32, #tpu.memory_space<hbm>> -> memref<50000x128xf32, #tpu.memory_space<hbm>>
          tpu.enqueue_indirect_dma source(%dma_start3A_105 : memref<50000x128xf32, #tpu.memory_space<hbm>>) target(%dma_start3A_101 : memref<128x128xf32, #tpu.memory_space<vmem>>) offsets(%dma_start3A_102 : memref<128xi32, #tpu.memory_space<vmem>>) semaphore(%arg11 : memref<!tpu.dma_semaphore, #tpu.memory_space<semaphore_mem>>)
        } else {
        }
      } else {
      }
      %scan3A_72 = arith.constant 0 : i32
      scf.yield %scan3A_72 : i32
    }
    %scan3A_54 = arith.constant 98 : i32
    return
  }
}

module attributes {stable_mosaic.version = 14 : i64} {
  func.func @_p1_body(%arg0: i32, %arg1: memref<2000x64xf32, #tpu.memory_space<vmem>>, %arg2: memref<2000x16xf32, #tpu.memory_space<vmem>>, %arg3: memref<64x128xf32, #tpu.memory_space<vmem>>, %arg4: memref<16x128xf32, #tpu.memory_space<vmem>>, %arg5: memref<128x96xf32, #tpu.memory_space<vmem>>, %arg6: memref<2000x128xf32, #tpu.memory_space<vmem>>) attributes {dimension_semantics = [#tpu.dimension_semantics<arbitrary>], iteration_bounds = array<i64: 400>, scalar_prefetch = 0 : i64, scratch_operands = 0 : i64, tpu.core_type = #tpu.core_type<tc>, window_params = [{transform_indices = @transform_0, window_bounds = array<i64: 2000, 64>}, {transform_indices = @transform_1, window_bounds = array<i64: 2000, 16>}, {pipeline_mode = #tpu.pipeline_mode<synchronous>, transform_indices = @transform_2, window_bounds = array<i64: 64, 128>}, {pipeline_mode = #tpu.pipeline_mode<synchronous>, transform_indices = @transform_3, window_bounds = array<i64: 16, 128>}, {pipeline_mode = #tpu.pipeline_mode<synchronous>, transform_indices = @transform_4, window_bounds = array<i64: 128, 96>}, {transform_indices = @transform_5, window_bounds = array<i64: 2000, 128>}]} {
    %get3A = arith.constant 0 : index
    %get3A_0 = arith.constant 0 : index
    %get3A_1 = vector.load %arg1[%get3A, %get3A_0] : memref<2000x64xf32, #tpu.memory_space<vmem>>, vector<2000x64xf32>
    %get3A_2 = arith.constant 0 : index
    %get3A_3 = arith.constant 0 : index
    %get3A_4 = vector.load %arg3[%get3A_2, %get3A_3] : memref<64x128xf32, #tpu.memory_space<vmem>>, vector<64x128xf32>
    %dot_general3A = arith.constant dense<0.000000e+00> : vector<2000x128xf32>
    %dot_general3A_5 = tpu.matmul %get3A_1, %get3A_4, %dot_general3A {dimension_numbers = #tpu.dot_dimension_numbers<[1], [0], [0], [1], [0, 0, 1, 1], [], []>, transpose_lhs_hint = false} : vector<2000x64xf32>, vector<64x128xf32>, vector<2000x128xf32> -> vector<2000x128xf32>
    %neg3A = arith.constant 0.000000e+00 : f32
    %neg3A_6 = vector.broadcast %neg3A : f32 to vector<2000x128xf32>
    %neg3A_7 = arith.subf %neg3A_6, %dot_general3A_5 : vector<2000x128xf32>
    %exp3A = math.exp %neg3A_7 : vector<2000x128xf32>
    %add3A = arith.constant 1.000000e+00 : f32
    %add3A_8 = vector.broadcast %add3A : f32 to vector<2000x128xf32>
    %add3A_9 = arith.addf %add3A_8, %exp3A : vector<2000x128xf32>
    %div3A = arith.constant 1.000000e+00 : f32
    %div3A_10 = vector.broadcast %div3A : f32 to vector<2000x128xf32>
    %div3A_11 = arith.divf %div3A_10, %add3A_9 : vector<2000x128xf32>
    %mul3A = arith.mulf %dot_general3A_5, %div3A_11 : vector<2000x128xf32>
    %get3A_12 = arith.constant 0 : index
    %get3A_13 = arith.constant 0 : index
    %get3A_14 = vector.load %arg2[%get3A_12, %get3A_13] : memref<2000x16xf32, #tpu.memory_space<vmem>>, vector<2000x16xf32>
    %get3A_15 = arith.constant 0 : index
    %get3A_16 = arith.constant 0 : index
    %get3A_17 = vector.load %arg4[%get3A_15, %get3A_16] : memref<16x128xf32, #tpu.memory_space<vmem>>, vector<16x128xf32>
    %dot_general3A_18 = arith.constant dense<0.000000e+00> : vector<2000x128xf32>
    %dot_general3A_19 = tpu.matmul %get3A_14, %get3A_17, %dot_general3A_18 {dimension_numbers = #tpu.dot_dimension_numbers<[1], [0], [0], [1], [0, 0, 1, 1], [], []>, transpose_lhs_hint = false} : vector<2000x16xf32>, vector<16x128xf32>, vector<2000x128xf32> -> vector<2000x128xf32>
    %mul3A_20 = arith.mulf %mul3A, %dot_general3A_19 : vector<2000x128xf32>
    %get3A_21 = arith.constant 0 : index
    %get3A_22 = arith.constant 0 : index
    %get3A_23 = vector.load %arg5[%get3A_21, %get3A_22] : memref<128x96xf32, #tpu.memory_space<vmem>>, vector<128x96xf32>
    %dot_general3A_24 = arith.constant dense<0.000000e+00> : vector<2000x96xf32>
    %dot_general3A_25 = tpu.matmul %mul3A_20, %get3A_23, %dot_general3A_24 {dimension_numbers = #tpu.dot_dimension_numbers<[1], [0], [0], [1], [0, 0, 1, 1], [], []>, transpose_lhs_hint = false} : vector<2000x128xf32>, vector<128x96xf32>, vector<2000x96xf32> -> vector<2000x96xf32>
    %neg3A_26 = arith.constant 0.000000e+00 : f32
    %neg3A_27 = vector.broadcast %neg3A_26 : f32 to vector<2000x96xf32>
    %neg3A_28 = arith.subf %neg3A_27, %dot_general3A_25 : vector<2000x96xf32>
    %exp3A_29 = math.exp %neg3A_28 : vector<2000x96xf32>
    %add3A_30 = arith.constant 1.000000e+00 : f32
    %add3A_31 = vector.broadcast %add3A_30 : f32 to vector<2000x96xf32>
    %add3A_32 = arith.addf %add3A_31, %exp3A_29 : vector<2000x96xf32>
    %div3A_33 = arith.constant 1.000000e+00 : f32
    %div3A_34 = vector.broadcast %div3A_33 : f32 to vector<2000x96xf32>
    %div3A_35 = arith.divf %div3A_34, %add3A_32 : vector<2000x96xf32>
    %mul3A_36 = arith.mulf %dot_general3A_25, %div3A_35 : vector<2000x96xf32>
    %broadcast_in_dim3A = arith.constant 0.000000e+00 : f32
    %broadcast_in_dim3A_37 = vector.broadcast %broadcast_in_dim3A : f32 to vector<2000x32xf32>
    %concatenate3A = tpu.concatenate %mul3A_36, %broadcast_in_dim3A_37 in 1 : vector<2000x96xf32>, vector<2000x32xf32> -> vector<2000x128xf32>
    %swap3A = arith.constant 0 : index
    %swap3A_38 = arith.constant 0 : index
    %swap3A_39 = vector.load %arg6[%swap3A, %swap3A_38] : memref<2000x128xf32, #tpu.memory_space<vmem>>, vector<2000x128xf32>
    tpu.vector_store %arg6[%swap3A, %swap3A_38], %concatenate3A {strides = array<i32>} : memref<2000x128xf32, #tpu.memory_space<vmem>>, vector<2000x128xf32>,
    return
  }
  func.func @transform_0(%arg0: i32) -> (i32, i32) {
    %c0_i32 = arith.constant 0 : i32
    %c0_i32_0 = arith.constant 0 : i32
    return %arg0, %c0_i32 : i32, i32
  }
  func.func @transform_1(%arg0: i32) -> (i32, i32) {
    %c0_i32 = arith.constant 0 : i32
    %c0_i32_0 = arith.constant 0 : i32
    return %arg0, %c0_i32 : i32, i32
  }
  func.func @transform_2(%arg0: i32) -> (i32, i32) {
    %c0_i32 = arith.constant 0 : i32
    %c0_i32_0 = arith.constant 0 : i32
    %c0_i32_1 = arith.constant 0 : i32
    return %c0_i32, %c0_i32_0 : i32, i32
  }
  func.func @transform_3(%arg0: i32) -> (i32, i32) {
    %c0_i32 = arith.constant 0 : i32
    %c0_i32_0 = arith.constant 0 : i32
    %c0_i32_1 = arith.constant 0 : i32
    return %c0_i32, %c0_i32_0 : i32, i32
  }
  func.func @transform_4(%arg0: i32) -> (i32, i32) {
    %c0_i32 = arith.constant 0 : i32
    %c0_i32_0 = arith.constant 0 : i32
    %c0_i32_1 = arith.constant 0 : i32
    return %c0_i32, %c0_i32_0 : i32, i32
  }
  func.func @transform_5(%arg0: i32) -> (i32, i32) {
    %c0_i32 = arith.constant 0 : i32
    %c0_i32_0 = arith.constant 0 : i32
    return %arg0, %c0_i32 : i32, i32
  }
}

module attributes {stable_mosaic.version = 14 : i64} {
  func.func @_p3_body(%arg0: i32, %arg1: memref<2000x128xf32, #tpu.memory_space<vmem>>, %arg2: memref<2000x128xf32, #tpu.memory_space<vmem>>, %arg3: memref<2000x32xf32, #tpu.memory_space<vmem>>, %arg4: memref<2000x64xf32, #tpu.memory_space<vmem>>, %arg5: memref<32x192xf32, #tpu.memory_space<vmem>>, %arg6: memref<64x64xf32, #tpu.memory_space<vmem>>, %arg7: memref<64x64xf32, #tpu.memory_space<vmem>>, %arg8: memref<96x128xf32, #tpu.memory_space<vmem>>, %arg9: memref<128x256xf32, #tpu.memory_space<vmem>>, %arg10: memref<2000x128xf32, #tpu.memory_space<vmem>>) attributes {dimension_semantics = [#tpu.dimension_semantics<arbitrary>], iteration_bounds = array<i64: 400>, scalar_prefetch = 0 : i64, scratch_operands = 0 : i64, tpu.core_type = #tpu.core_type<tc>, window_params = [{transform_indices = @transform_0, window_bounds = array<i64: 2000, 128>}, {transform_indices = @transform_1, window_bounds = array<i64: 2000, 128>}, {transform_indices = @transform_2, window_bounds = array<i64: 2000, 32>}, {transform_indices = @transform_3, window_bounds = array<i64: 2000, 64>}, {pipeline_mode = #tpu.pipeline_mode<synchronous>, transform_indices = @transform_4, window_bounds = array<i64: 32, 192>}, {pipeline_mode = #tpu.pipeline_mode<synchronous>, transform_indices = @transform_5, window_bounds = array<i64: 64, 64>}, {pipeline_mode = #tpu.pipeline_mode<synchronous>, transform_indices = @transform_6, window_bounds = array<i64: 64, 64>}, {pipeline_mode = #tpu.pipeline_mode<synchronous>, transform_indices = @transform_7, window_bounds = array<i64: 96, 128>}, {pipeline_mode = #tpu.pipeline_mode<synchronous>, transform_indices = @transform_8, window_bounds = array<i64: 128, 256>}, {transform_indices = @transform_9, window_bounds = array<i64: 2000, 128>}]} {
    %get3A = arith.constant 0 : index
    %get3A_0 = arith.constant 0 : index
    %get3A_1 = vector.load %arg1[%get3A, %get3A_0] : memref<2000x128xf32, #tpu.memory_space<vmem>>, vector<2000x128xf32>
    %get3A_2 = arith.constant 0 : index
    %get3A_3 = arith.constant 0 : index
    %get3A_4 = vector.load %arg2[%get3A_2, %get3A_3] : memref<2000x128xf32, #tpu.memory_space<vmem>>, vector<2000x128xf32>
    %get3A_5 = arith.constant 0 : index
    %get3A_6 = arith.constant 0 : index
    %get3A_7 = vector.load %arg3[%get3A_5, %get3A_6] : memref<2000x32xf32, #tpu.memory_space<vmem>>, vector<2000x32xf32>
    %get3A_8 = arith.constant 0 : index
    %get3A_9 = arith.constant 0 : index
    %get3A_10 = vector.load %arg5[%get3A_8, %get3A_9] : memref<32x192xf32, #tpu.memory_space<vmem>>, vector<32x192xf32>
    %dot_general3A = arith.constant dense<0.000000e+00> : vector<2000x192xf32>
    %dot_general3A_11 = tpu.matmul %get3A_7, %get3A_10, %dot_general3A {dimension_numbers = #tpu.dot_dimension_numbers<[1], [0], [0], [1], [0, 0, 1, 1], [], []>, transpose_lhs_hint = false} : vector<2000x32xf32>, vector<32x192xf32>, vector<2000x192xf32> -> vector<2000x192xf32>
    %slice3A = vector.extract_strided_slice %get3A_1 {offsets = [0, 0], sizes = [2000, 32], strides = [1, 1]} : vector<2000x128xf32> to vector<2000x32xf32>
    %slice3A_12 = vector.extract_strided_slice %dot_general3A_11 {offsets = [0, 0], sizes = [2000, 32], strides = [1, 1]} : vector<2000x192xf32> to vector<2000x32xf32>
    %mul3A = arith.mulf %slice3A, %slice3A_12 : vector<2000x32xf32>
    %slice3A_13 = vector.extract_strided_slice %get3A_4 {offsets = [0, 0], sizes = [2000, 32], strides = [1, 1]} : vector<2000x128xf32> to vector<2000x32xf32>
    %slice3A_14 = vector.extract_strided_slice %dot_general3A_11 {offsets = [0, 96], sizes = [2000, 32], strides = [1, 1]} : vector<2000x192xf32> to vector<2000x32xf32>
    %mul3A_15 = arith.mulf %slice3A_13, %slice3A_14 : vector<2000x32xf32>
    %concatenate3A = tpu.concatenate %mul3A, %mul3A_15 in 1 : vector<2000x32xf32>, vector<2000x32xf32> -> vector<2000x64xf32>
    %get3A_16 = arith.constant 0 : index
    %get3A_17 = arith.constant 0 : index
    %get3A_18 = vector.load %arg4[%get3A_16, %get3A_17] : memref<2000x64xf32, #tpu.memory_space<vmem>>, vector<2000x64xf32>
    %get3A_19 = arith.constant 0 : index
    %get3A_20 = arith.constant 0 : index
    %get3A_21 = vector.load %arg7[%get3A_19, %get3A_20] : memref<64x64xf32, #tpu.memory_space<vmem>>, vector<64x64xf32>
    %dot_general3A_22 = arith.constant dense<0.000000e+00> : vector<2000x64xf32>
    %dot_general3A_23 = tpu.matmul %get3A_18, %get3A_21, %dot_general3A_22 {dimension_numbers = #tpu.dot_dimension_numbers<[1], [0], [0], [1], [0, 0, 1, 1], [], []>, transpose_lhs_hint = false} : vector<2000x64xf32>, vector<64x64xf32>, vector<2000x64xf32> -> vector<2000x64xf32>
    %get3A_24 = arith.constant 0 : index
    %get3A_25 = arith.constant 0 : index
    %get3A_26 = vector.load %arg6[%get3A_24, %get3A_25] : memref<64x64xf32, #tpu.memory_space<vmem>>, vector<64x64xf32>
    %dot_general3A_27 = arith.constant dense<0.000000e+00> : vector<2000x64xf32>
    %dot_general3A_28 = tpu.matmul %concatenate3A, %get3A_26, %dot_general3A_27 {dimension_numbers = #tpu.dot_dimension_numbers<[1], [0], [0], [1], [0, 0, 1, 1], [], []>, transpose_lhs_hint = false} : vector<2000x64xf32>, vector<64x64xf32>, vector<2000x64xf32> -> vector<2000x64xf32>
    %neg3A = arith.constant 0.000000e+00 : f32
    %neg3A_29 = vector.broadcast %neg3A : f32 to vector<2000x64xf32>
    %neg3A_30 = arith.subf %neg3A_29, %dot_general3A_28 : vector<2000x64xf32>
    %exp3A = math.exp %neg3A_30 : vector<2000x64xf32>
    %add3A = arith.constant 1.000000e+00 : f32
    %add3A_31 = vector.broadcast %add3A : f32 to vector<2000x64xf32>
    %add3A_32 = arith.addf %add3A_31, %exp3A : vector<2000x64xf32>
    %div3A = arith.constant 1.000000e+00 : f32
    %div3A_33 = vector.broadcast %div3A : f32 to vector<2000x64xf32>
    %div3A_34 = arith.divf %div3A_33, %add3A_32 : vector<2000x64xf32>
    %mul3A_35 = arith.mulf %dot_general3A_28, %div3A_34 : vector<2000x64xf32>
    %mul3A_36 = arith.mulf %mul3A_35, %dot_general3A_23 : vector<2000x64xf32>
    %slice3A_37 = vector.extract_strided_slice %mul3A_36 {offsets = [0, 0], sizes = [2000, 32], strides = [1, 1]} : vector<2000x64xf32> to vector<2000x32xf32>
    %slice3A_38 = vector.extract_strided_slice %mul3A_36 {offsets = [0, 32], sizes = [2000, 32], strides = [1, 1]} : vector<2000x64xf32> to vector<2000x32xf32>
    %add3A_39 = arith.addf %slice3A_37, %slice3A_38 : vector<2000x32xf32>
    %mul3A_40 = arith.constant 0.707106769 : f32
    %mul3A_41 = vector.broadcast %mul3A_40 : f32 to vector<2000x32xf32>
    %mul3A_42 = arith.mulf %add3A_39, %mul3A_41 : vector<2000x32xf32>
    %slice3A_43 = vector.extract_strided_slice %get3A_1 {offsets = [0, 32], sizes = [2000, 64], strides = [1, 1]} : vector<2000x128xf32> to vector<2000x64xf32>
    %slice3A_44 = vector.extract_strided_slice %dot_general3A_11 {offsets = [0, 32], sizes = [2000, 64], strides = [1, 1]} : vector<2000x192xf32> to vector<2000x64xf32>
    %mul3A_45 = arith.mulf %slice3A_43, %slice3A_44 : vector<2000x64xf32>
    %slice3A_46 = vector.extract_strided_slice %get3A_4 {offsets = [0, 32], sizes = [2000, 64], strides = [1, 1]} : vector<2000x128xf32> to vector<2000x64xf32>
    %slice3A_47 = vector.extract_strided_slice %dot_general3A_11 {offsets = [0, 128], sizes = [2000, 64], strides = [1, 1]} : vector<2000x192xf32> to vector<2000x64xf32>
    %mul3A_48 = arith.mulf %slice3A_46, %slice3A_47 : vector<2000x64xf32>
    %add3A_49 = arith.addf %mul3A_45, %mul3A_48 : vector<2000x64xf32>
    %mul3A_50 = arith.constant 0.707106769 : f32
    %mul3A_51 = vector.broadcast %mul3A_50 : f32 to vector<2000x64xf32>
    %mul3A_52 = arith.mulf %add3A_49, %mul3A_51 : vector<2000x64xf32>
    %concatenate3A_53 = tpu.concatenate %mul3A_42, %mul3A_52 in 1 : vector<2000x32xf32>, vector<2000x64xf32> -> vector<2000x96xf32>
    %get3A_54 = arith.constant 0 : index
    %get3A_55 = arith.constant 0 : index
    %get3A_56 = vector.load %arg8[%get3A_54, %get3A_55] : memref<96x128xf32, #tpu.memory_space<vmem>>, vector<96x128xf32>
    %dot_general3A_57 = arith.constant dense<0.000000e+00> : vector<2000x128xf32>
    %dot_general3A_58 = tpu.matmul %concatenate3A_53, %get3A_56, %dot_general3A_57 {dimension_numbers = #tpu.dot_dimension_numbers<[1], [0], [0], [1], [0, 0, 1, 1], [], []>, transpose_lhs_hint = false} : vector<2000x96xf32>, vector<96x128xf32>, vector<2000x128xf32> -> vector<2000x128xf32>
    %neg3A_59 = arith.constant 0.000000e+00 : f32
    %neg3A_60 = vector.broadcast %neg3A_59 : f32 to vector<2000x128xf32>
    %neg3A_61 = arith.subf %neg3A_60, %dot_general3A_58 : vector<2000x128xf32>
    %exp3A_62 = math.exp %neg3A_61 : vector<2000x128xf32>
    %add3A_63 = arith.constant 1.000000e+00 : f32
    %add3A_64 = vector.broadcast %add3A_63 : f32 to vector<2000x128xf32>
    %add3A_65 = arith.addf %add3A_64, %exp3A_62 : vector<2000x128xf32>
    %div3A_66 = arith.constant 1.000000e+00 : f32
    %div3A_67 = vector.broadcast %div3A_66 : f32 to vector<2000x128xf32>
    %div3A_68 = arith.divf %div3A_67, %add3A_65 : vector<2000x128xf32>
    %mul3A_69 = arith.mulf %dot_general3A_58, %div3A_68 : vector<2000x128xf32>
    %get3A_70 = arith.constant 0 : index
    %get3A_71 = arith.constant 0 : index
    %get3A_72 = vector.load %arg9[%get3A_70, %get3A_71] : memref<128x256xf32, #tpu.memory_space<vmem>>, vector<128x256xf32>
    %dot_general3A_73 = arith.constant dense<0.000000e+00> : vector<2000x256xf32>
    %dot_general3A_74 = tpu.matmul %mul3A_69, %get3A_72, %dot_general3A_73 {dimension_numbers = #tpu.dot_dimension_numbers<[1], [0], [0], [1], [0, 0, 1, 1], [], []>, transpose_lhs_hint = false} : vector<2000x128xf32>, vector<128x256xf32>, vector<2000x256xf32> -> vector<2000x256xf32>
    %neg3A_75 = arith.constant 0.000000e+00 : f32
    %neg3A_76 = vector.broadcast %neg3A_75 : f32 to vector<2000x256xf32>
    %neg3A_77 = arith.subf %neg3A_76, %dot_general3A_74 : vector<2000x256xf32>
    %exp3A_78 = math.exp %neg3A_77 : vector<2000x256xf32>
    %add3A_79 = arith.constant 1.000000e+00 : f32
    %add3A_80 = vector.broadcast %add3A_79 : f32 to vector<2000x256xf32>
    %add3A_81 = arith.addf %add3A_80, %exp3A_78 : vector<2000x256xf32>
    %div3A_82 = arith.constant 1.000000e+00 : f32
    %div3A_83 = vector.broadcast %div3A_82 : f32 to vector<2000x256xf32>
    %div3A_84 = arith.divf %div3A_83, %add3A_81 : vector<2000x256xf32>
    %mul3A_85 = arith.mulf %dot_general3A_74, %div3A_84 : vector<2000x256xf32>
    %slice3A_86 = vector.extract_strided_slice %mul3A_85 {offsets = [0, 0], sizes = [2000, 64], strides = [1, 1]} : vector<2000x256xf32> to vector<2000x64xf32>
    %slice3A_87 = vector.extract_strided_slice %mul3A_85 {offsets = [0, 128], sizes = [2000, 64], strides = [1, 1]} : vector<2000x256xf32> to vector<2000x64xf32>
    %add3A_88 = arith.addf %slice3A_86, %slice3A_87 : vector<2000x64xf32>
    %slice3A_89 = vector.extract_strided_slice %mul3A_85 {offsets = [0, 64], sizes = [2000, 64], strides = [1, 1]} : vector<2000x256xf32> to vector<2000x64xf32>
    %slice3A_90 = vector.extract_strided_slice %mul3A_85 {offsets = [0, 192], sizes = [2000, 64], strides = [1, 1]} : vector<2000x256xf32> to vector<2000x64xf32>
    %add3A_91 = arith.addf %slice3A_89, %slice3A_90 : vector<2000x64xf32>
    %concatenate3A_92 = tpu.concatenate %add3A_88, %add3A_91 in 1 : vector<2000x64xf32>, vector<2000x64xf32> -> vector<2000x128xf32>
    %swap3A = arith.constant 0 : index
    %swap3A_93 = arith.constant 0 : index
    %swap3A_94 = vector.load %arg10[%swap3A, %swap3A_93] : memref<2000x128xf32, #tpu.memory_space<vmem>>, vector<2000x128xf32>
    tpu.vector_store %arg10[%swap3A, %swap3A_93], %concatenate3A_92 {strides = array<i32>} : memref<2000x128xf32, #tpu.memory_space<vmem>>, vector<2000x128xf32>,
    return
  }
  func.func @transform_0(%arg0: i32) -> (i32, i32) {
    %c0_i32 = arith.constant 0 : i32
    %c0_i32_0 = arith.constant 0 : i32
    return %arg0, %c0_i32 : i32, i32
  }
  func.func @transform_1(%arg0: i32) -> (i32, i32) {
    %c0_i32 = arith.constant 0 : i32
    %c0_i32_0 = arith.constant 0 : i32
    return %arg0, %c0_i32 : i32, i32
  }
  func.func @transform_2(%arg0: i32) -> (i32, i32) {
    %c0_i32 = arith.constant 0 : i32
    %c0_i32_0 = arith.constant 0 : i32
    return %arg0, %c0_i32 : i32, i32
  }
  func.func @transform_3(%arg0: i32) -> (i32, i32) {
    %c0_i32 = arith.constant 0 : i32
    %c0_i32_0 = arith.constant 0 : i32
    return %arg0, %c0_i32 : i32, i32
  }
  func.func @transform_4(%arg0: i32) -> (i32, i32) {
    %c0_i32 = arith.constant 0 : i32
    %c0_i32_0 = arith.constant 0 : i32
    %c0_i32_1 = arith.constant 0 : i32
    return %c0_i32, %c0_i32_0 : i32, i32
  }
  func.func @transform_5(%arg0: i32) -> (i32, i32) {
    %c0_i32 = arith.constant 0 : i32
    %c0_i32_0 = arith.constant 0 : i32
    %c0_i32_1 = arith.constant 0 : i32
    return %c0_i32, %c0_i32_0 : i32, i32
  }
  func.func @transform_6(%arg0: i32) -> (i32, i32) {
    %c0_i32 = arith.constant 0 : i32
    %c0_i32_0 = arith.constant 0 : i32
    %c0_i32_1 = arith.constant 0 : i32
    return %c0_i32, %c0_i32_0 : i32, i32
  }
  func.func @transform_7(%arg0: i32) -> (i32, i32) {
    %c0_i32 = arith.constant 0 : i32
    %c0_i32_0 = arith.constant 0 : i32
    %c0_i32_1 = arith.constant 0 : i32
    return %c0_i32, %c0_i32_0 : i32, i32
  }
  func.func @transform_8(%arg0: i32) -> (i32, i32) {
    %c0_i32 = arith.constant 0 : i32
    %c0_i32_0 = arith.constant 0 : i32
    %c0_i32_1 = arith.constant 0 : i32
    return %c0_i32, %c0_i32_0 : i32, i32
  }
  func.func @transform_9(%arg0: i32) -> (i32, i32) {
    %c0_i32 = arith.constant 0 : i32
    %c0_i32_0 = arith.constant 0 : i32
    return %arg0, %c0_i32 : i32, i32
  }
}

module attributes {stable_mosaic.version = 14 : i64} {
  func.func @_p5_body(%arg0: i32, %arg1: memref<2000x64xf32, #tpu.memory_space<vmem>>, %arg2: memref<2000x16xf32, #tpu.memory_space<vmem>>, %arg3: memref<2000x128xf32, #tpu.memory_space<vmem>>, %arg4: memref<2000x128xf32, #tpu.memory_space<vmem>>, %arg5: memref<80x128xf32, #tpu.memory_space<vmem>>, %arg6: memref<2x2x64x64xf32, #tpu.memory_space<vmem>>, %arg7: memref<2000x64xf32, #tpu.memory_space<vmem>>, %arg8: memref<2000x64xf32, #tpu.memory_space<vmem>>) attributes {dimension_semantics = [#tpu.dimension_semantics<arbitrary>], iteration_bounds = array<i64: 400>, scalar_prefetch = 0 : i64, scratch_operands = 0 : i64, tpu.core_type = #tpu.core_type<tc>, window_params = [{transform_indices = @transform_0, window_bounds = array<i64: 2000, 64>}, {transform_indices = @transform_1, window_bounds = array<i64: 2000, 16>}, {transform_indices = @transform_2, window_bounds = array<i64: 2000, 128>}, {transform_indices = @transform_3, window_bounds = array<i64: 2000, 128>}, {pipeline_mode = #tpu.pipeline_mode<synchronous>, transform_indices = @transform_4, window_bounds = array<i64: 80, 128>}, {pipeline_mode = #tpu.pipeline_mode<synchronous>, transform_indices = @transform_5, window_bounds = array<i64: 2, 2, 64, 64>}, {transform_indices = @transform_6, window_bounds = array<i64: 2000, 64>}, {transform_indices = @transform_7, window_bounds = array<i64: 2000, 64>}]} {
    %get3A = arith.constant 0 : index
    %get3A_0 = arith.constant 0 : index
    %get3A_1 = vector.load %arg1[%get3A, %get3A_0] : memref<2000x64xf32, #tpu.memory_space<vmem>>, vector<2000x64xf32>
    %get3A_2 = arith.constant 0 : index
    %get3A_3 = arith.constant 0 : index
    %get3A_4 = vector.load %arg2[%get3A_2, %get3A_3] : memref<2000x16xf32, #tpu.memory_space<vmem>>, vector<2000x16xf32>
    %concatenate3A = tpu.concatenate %get3A_1, %get3A_4 in 1 : vector<2000x64xf32>, vector<2000x16xf32> -> vector<2000x80xf32>
    %get3A_5 = arith.constant 0 : index
    %get3A_6 = arith.constant 0 : index
    %get3A_7 = vector.load %arg5[%get3A_5, %get3A_6] : memref<80x128xf32, #tpu.memory_space<vmem>>, vector<80x128xf32>
    %dot_general3A = arith.constant dense<0.000000e+00> : vector<2000x128xf32>
    %dot_general3A_8 = tpu.matmul %concatenate3A, %get3A_7, %dot_general3A {dimension_numbers = #tpu.dot_dimension_numbers<[1], [0], [0], [1], [0, 0, 1, 1], [], []>, transpose_lhs_hint = false} : vector<2000x80xf32>, vector<80x128xf32>, vector<2000x128xf32> -> vector<2000x128xf32>
    %slice3A = vector.extract_strided_slice %dot_general3A_8 {offsets = [0, 0], sizes = [2000, 64], strides = [1, 1]} : vector<2000x128xf32> to vector<2000x64xf32>
    %neg3A = arith.constant 0.000000e+00 : f32
    %neg3A_9 = vector.broadcast %neg3A : f32 to vector<2000x64xf32>
    %neg3A_10 = arith.subf %neg3A_9, %slice3A : vector<2000x64xf32>
    %exp3A = math.exp %neg3A_10 : vector<2000x64xf32>
    %add3A = arith.constant 1.000000e+00 : f32
    %add3A_11 = vector.broadcast %add3A : f32 to vector<2000x64xf32>
    %add3A_12 = arith.addf %add3A_11, %exp3A : vector<2000x64xf32>
    %div3A = arith.constant 1.000000e+00 : f32
    %div3A_13 = vector.broadcast %div3A : f32 to vector<2000x64xf32>
    %div3A_14 = arith.divf %div3A_13, %add3A_12 : vector<2000x64xf32>
    %mul3A = arith.mulf %slice3A, %div3A_14 : vector<2000x64xf32>
    %get3A_15 = arith.constant 0 : index
    %get3A_16 = arith.constant 0 : index
    %get3A_17 = vector.load %arg3[%get3A_15, %get3A_16] : memref<2000x128xf32, #tpu.memory_space<vmem>>, vector<2000x128xf32>
    %slice3A_18 = vector.extract_strided_slice %get3A_17 {offsets = [0, 0], sizes = [2000, 64], strides = [1, 1]} : vector<2000x128xf32> to vector<2000x64xf32>
    %get3A_19 = arith.constant 0 : index
    %get3A_20 = arith.constant 0 : index
    %get3A_21 = vector.load %arg4[%get3A_19, %get3A_20] : memref<2000x128xf32, #tpu.memory_space<vmem>>, vector<2000x128xf32>
    %slice3A_22 = vector.extract_strided_slice %get3A_21 {offsets = [0, 64], sizes = [2000, 64], strides = [1, 1]} : vector<2000x128xf32> to vector<2000x64xf32>
    %add3A_23 = arith.addf %slice3A_18, %slice3A_22 : vector<2000x64xf32>
    %mul3A_24 = arith.constant 0.707106769 : f32
    %mul3A_25 = vector.broadcast %mul3A_24 : f32 to vector<2000x64xf32>
    %mul3A_26 = arith.mulf %add3A_23, %mul3A_25 : vector<2000x64xf32>
    %add3A_27 = arith.addf %mul3A, %mul3A_26 : vector<2000x64xf32>
    %mul3A_28 = arith.constant 0.577350259 : f32
    %mul3A_29 = vector.broadcast %mul3A_28 : f32 to vector<2000x64xf32>
    %mul3A_30 = arith.mulf %add3A_27, %mul3A_29 : vector<2000x64xf32>
    %get3A_31 = arith.constant 0 : index
    %get3A_32 = arith.constant 0 : index
    %get3A_33 = arith.constant 0 : index
    %get3A_34 = arith.constant 0 : index
    %get3A_35 = vector.load %arg6[%get3A_31, %get3A_32, %get3A_33, %get3A_34] : memref<2x2x64x64xf32, #tpu.memory_space<vmem>>, vector<2x2x64x64xf32>
    %slice3A_36 = vector.extract_strided_slice %get3A_35 {offsets = [0, 0, 0, 0], sizes = [1, 1, 64, 64], strides = [1, 1, 1, 1]} : vector<2x2x64x64xf32> to vector<1x1x64x64xf32>
    %squeeze3A = vector.shape_cast %slice3A_36 : vector<1x1x64x64xf32> to vector<64x64xf32>
    %dot_general3A_37 = arith.constant dense<0.000000e+00> : vector<2000x64xf32>
    %dot_general3A_38 = tpu.matmul %mul3A_30, %squeeze3A, %dot_general3A_37 {dimension_numbers = #tpu.dot_dimension_numbers<[1], [0], [0], [1], [0, 0, 1, 1], [], []>, transpose_lhs_hint = false} : vector<2000x64xf32>, vector<64x64xf32>, vector<2000x64xf32> -> vector<2000x64xf32>
    %neg3A_39 = arith.constant 0.000000e+00 : f32
    %neg3A_40 = vector.broadcast %neg3A_39 : f32 to vector<2000x64xf32>
    %neg3A_41 = arith.subf %neg3A_40, %dot_general3A_38 : vector<2000x64xf32>
    %exp3A_42 = math.exp %neg3A_41 : vector<2000x64xf32>
    %add3A_43 = arith.constant 1.000000e+00 : f32
    %add3A_44 = vector.broadcast %add3A_43 : f32 to vector<2000x64xf32>
    %add3A_45 = arith.addf %add3A_44, %exp3A_42 : vector<2000x64xf32>
    %div3A_46 = arith.constant 1.000000e+00 : f32
    %div3A_47 = vector.broadcast %div3A_46 : f32 to vector<2000x64xf32>
    %div3A_48 = arith.divf %div3A_47, %add3A_45 : vector<2000x64xf32>
    %mul3A_49 = arith.mulf %dot_general3A_38, %div3A_48 : vector<2000x64xf32>
    %slice3A_50 = vector.extract_strided_slice %get3A_35 {offsets = [0, 1, 0, 0], sizes = [1, 1, 64, 64], strides = [1, 1, 1, 1]} : vector<2x2x64x64xf32> to vector<1x1x64x64xf32>
    %squeeze3A_51 = vector.shape_cast %slice3A_50 : vector<1x1x64x64xf32> to vector<64x64xf32>
    %dot_general3A_52 = arith.constant dense<0.000000e+00> : vector<2000x64xf32>
    %dot_general3A_53 = tpu.matmul %mul3A_49, %squeeze3A_51, %dot_general3A_52 {dimension_numbers = #tpu.dot_dimension_numbers<[1], [0], [0], [1], [0, 0, 1, 1], [], []>, transpose_lhs_hint = false} : vector<2000x64xf32>, vector<64x64xf32>, vector<2000x64xf32> -> vector<2000x64xf32>
    %neg3A_54 = arith.constant 0.000000e+00 : f32
    %neg3A_55 = vector.broadcast %neg3A_54 : f32 to vector<2000x64xf32>
    %neg3A_56 = arith.subf %neg3A_55, %dot_general3A_53 : vector<2000x64xf32>
    %exp3A_57 = math.exp %neg3A_56 : vector<2000x64xf32>
    %add3A_58 = arith.constant 1.000000e+00 : f32
    %add3A_59 = vector.broadcast %add3A_58 : f32 to vector<2000x64xf32>
    %add3A_60 = arith.addf %add3A_59, %exp3A_57 : vector<2000x64xf32>
    %div3A_61 = arith.constant 1.000000e+00 : f32
    %div3A_62 = vector.broadcast %div3A_61 : f32 to vector<2000x64xf32>
    %div3A_63 = arith.divf %div3A_62, %add3A_60 : vector<2000x64xf32>
    %mul3A_64 = arith.mulf %dot_general3A_53, %div3A_63 : vector<2000x64xf32>
    %add3A_65 = arith.addf %mul3A_30, %mul3A_64 : vector<2000x64xf32>
    %mul3A_66 = arith.constant 0.707106769 : f32
    %mul3A_67 = vector.broadcast %mul3A_66 : f32 to vector<2000x64xf32>
    %mul3A_68 = arith.mulf %add3A_65, %mul3A_67 : vector<2000x64xf32>
    %slice3A_69 = vector.extract_strided_slice %get3A_35 {offsets = [1, 0, 0, 0], sizes = [1, 1, 64, 64], strides = [1, 1, 1, 1]} : vector<2x2x64x64xf32> to vector<1x1x64x64xf32>
    %squeeze3A_70 = vector.shape_cast %slice3A_69 : vector<1x1x64x64xf32> to vector<64x64xf32>
    %dot_general3A_71 = arith.constant dense<0.000000e+00> : vector<2000x64xf32>
    %dot_general3A_72 = tpu.matmul %mul3A_68, %squeeze3A_70, %dot_general3A_71 {dimension_numbers = #tpu.dot_dimension_numbers<[1], [0], [0], [1], [0, 0, 1, 1], [], []>, transpose_lhs_hint = false} : vector<2000x64xf32>, vector<64x64xf32>, vector<2000x64xf32> -> vector<2000x64xf32>
    %neg3A_73 = arith.constant 0.000000e+00 : f32
    %neg3A_74 = vector.broadcast %neg3A_73 : f32 to vector<2000x64xf32>
    %neg3A_75 = arith.subf %neg3A_74, %dot_general3A_72 : vector<2000x64xf32>
    %exp3A_76 = math.exp %neg3A_75 : vector<2000x64xf32>
    %add3A_77 = arith.constant 1.000000e+00 : f32
    %add3A_78 = vector.broadcast %add3A_77 : f32 to vector<2000x64xf32>
    %add3A_79 = arith.addf %add3A_78, %exp3A_76 : vector<2000x64xf32>
    %div3A_80 = arith.constant 1.000000e+00 : f32
    %div3A_81 = vector.broadcast %div3A_80 : f32 to vector<2000x64xf32>
    %div3A_82 = arith.divf %div3A_81, %add3A_79 : vector<2000x64xf32>
    %mul3A_83 = arith.mulf %dot_general3A_72, %div3A_82 : vector<2000x64xf32>
    %slice3A_84 = vector.extract_strided_slice %get3A_35 {offsets = [1, 1, 0, 0], sizes = [1, 1, 64, 64], strides = [1, 1, 1, 1]} : vector<2x2x64x64xf32> to vector<1x1x64x64xf32>
    %squeeze3A_85 = vector.shape_cast %slice3A_84 : vector<1x1x64x64xf32> to vector<64x64xf32>
    %dot_general3A_86 = arith.constant dense<0.000000e+00> : vector<2000x64xf32>
    %dot_general3A_87 = tpu.matmul %mul3A_83, %squeeze3A_85, %dot_general3A_86 {dimension_numbers = #tpu.dot_dimension_numbers<[1], [0], [0], [1], [0, 0, 1, 1], [], []>, transpose_lhs_hint = false} : vector<2000x64xf32>, vector<64x64xf32>, vector<2000x64xf32> -> vector<2000x64xf32>
    %neg3A_88 = arith.constant 0.000000e+00 : f32
    %neg3A_89 = vector.broadcast %neg3A_88 : f32 to vector<2000x64xf32>
    %neg3A_90 = arith.subf %neg3A_89, %dot_general3A_87 : vector<2000x64xf32>
    %exp3A_91 = math.exp %neg3A_90 : vector<2000x64xf32>
    %add3A_92 = arith.constant 1.000000e+00 : f32
    %add3A_93 = vector.broadcast %add3A_92 : f32 to vector<2000x64xf32>
    %add3A_94 = arith.addf %add3A_93, %exp3A_91 : vector<2000x64xf32>
    %div3A_95 = arith.constant 1.000000e+00 : f32
    %div3A_96 = vector.broadcast %div3A_95 : f32 to vector<2000x64xf32>
    %div3A_97 = arith.divf %div3A_96, %add3A_94 : vector<2000x64xf32>
    %mul3A_98 = arith.mulf %dot_general3A_87, %div3A_97 : vector<2000x64xf32>
    %add3A_99 = arith.addf %mul3A_68, %mul3A_98 : vector<2000x64xf32>
    %mul3A_100 = arith.constant 0.707106769 : f32
    %mul3A_101 = vector.broadcast %mul3A_100 : f32 to vector<2000x64xf32>
    %mul3A_102 = arith.mulf %add3A_99, %mul3A_101 : vector<2000x64xf32>
    %swap3A = arith.constant 0 : index
    %swap3A_103 = arith.constant 0 : index
    %swap3A_104 = vector.load %arg7[%swap3A, %swap3A_103] : memref<2000x64xf32, #tpu.memory_space<vmem>>, vector<2000x64xf32>
    tpu.vector_store %arg7[%swap3A, %swap3A_103], %mul3A_102 {strides = array<i32>} : memref<2000x64xf32, #tpu.memory_space<vmem>>, vector<2000x64xf32>,
    %slice3A_105 = vector.extract_strided_slice %dot_general3A_8 {offsets = [0, 64], sizes = [2000, 64], strides = [1, 1]} : vector<2000x128xf32> to vector<2000x64xf32>
    %mul3A_106 = arith.mulf %mul3A_102, %slice3A_105 : vector<2000x64xf32>
    %swap3A_107 = arith.constant 0 : index
    %swap3A_108 = arith.constant 0 : index
    %swap3A_109 = vector.load %arg8[%swap3A_107, %swap3A_108] : memref<2000x64xf32, #tpu.memory_space<vmem>>, vector<2000x64xf32>
    tpu.vector_store %arg8[%swap3A_107, %swap3A_108], %mul3A_106 {strides = array<i32>} : memref<2000x64xf32, #tpu.memory_space<vmem>>, vector<2000x64xf32>,
    return
  }
  func.func @transform_0(%arg0: i32) -> (i32, i32) {
    %c0_i32 = arith.constant 0 : i32
    %c0_i32_0 = arith.constant 0 : i32
    return %arg0, %c0_i32 : i32, i32
  }
  func.func @transform_1(%arg0: i32) -> (i32, i32) {
    %c0_i32 = arith.constant 0 : i32
    %c0_i32_0 = arith.constant 0 : i32
    return %arg0, %c0_i32 : i32, i32
  }
  func.func @transform_2(%arg0: i32) -> (i32, i32) {
    %c0_i32 = arith.constant 0 : i32
    %c0_i32_0 = arith.constant 0 : i32
    return %arg0, %c0_i32 : i32, i32
  }
  func.func @transform_3(%arg0: i32) -> (i32, i32) {
    %c0_i32 = arith.constant 0 : i32
    %c0_i32_0 = arith.constant 0 : i32
    return %arg0, %c0_i32 : i32, i32
  }
  func.func @transform_4(%arg0: i32) -> (i32, i32) {
    %c0_i32 = arith.constant 0 : i32
    %c0_i32_0 = arith.constant 0 : i32
    %c0_i32_1 = arith.constant 0 : i32
    return %c0_i32, %c0_i32_0 : i32, i32
  }
  func.func @transform_5(%arg0: i32) -> (i32, i32, i32, i32) {
    %c0_i32 = arith.constant 0 : i32
    %c0_i32_0 = arith.constant 0 : i32
    %c0_i32_1 = arith.constant 0 : i32
    %c0_i32_2 = arith.constant 0 : i32
    %c0_i32_3 = arith.constant 0 : i32
    return %c0_i32, %c0_i32_0, %c0_i32_1, %c0_i32_2 : i32, i32, i32, i32
  }
  func.func @transform_6(%arg0: i32) -> (i32, i32) {
    %c0_i32 = arith.constant 0 : i32
    %c0_i32_0 = arith.constant 0 : i32
    return %arg0, %c0_i32 : i32, i32
  }
  func.func @transform_7(%arg0: i32) -> (i32, i32) {
    %c0_i32 = arith.constant 0 : i32
    %c0_i32_0 = arith.constant 0 : i32
    return %arg0, %c0_i32 : i32, i32
  }
}

module attributes {stable_mosaic.version = 14 : i64} {
  func.func @_p7_body(%arg0: i32, %arg1: memref<2000x64xf32, #tpu.memory_space<vmem>>, %arg2: memref<2000x128xf32, #tpu.memory_space<vmem>>, %arg3: memref<64x128xf32, #tpu.memory_space<vmem>>, %arg4: memref<2x2x128x128xf32, #tpu.memory_space<vmem>>, %arg5: memref<128x128xf32, #tpu.memory_space<vmem>>, %arg6: memref<2000x128xf32, #tpu.memory_space<vmem>>, %arg7: memref<2000x128xf32, #tpu.memory_space<vmem>>) attributes {dimension_semantics = [#tpu.dimension_semantics<arbitrary>], iteration_bounds = array<i64: 25>, scalar_prefetch = 0 : i64, scratch_operands = 0 : i64, tpu.core_type = #tpu.core_type<tc>, window_params = [{transform_indices = @transform_0, window_bounds = array<i64: 2000, 64>}, {transform_indices = @transform_1, window_bounds = array<i64: 2000, 128>}, {pipeline_mode = #tpu.pipeline_mode<synchronous>, transform_indices = @transform_2, window_bounds = array<i64: 64, 128>}, {pipeline_mode = #tpu.pipeline_mode<synchronous>, transform_indices = @transform_3, window_bounds = array<i64: 2, 2, 128, 128>}, {pipeline_mode = #tpu.pipeline_mode<synchronous>, transform_indices = @transform_4, window_bounds = array<i64: 128, 128>}, {transform_indices = @transform_5, window_bounds = array<i64: 2000, 128>}, {transform_indices = @transform_6, window_bounds = array<i64: 2000, 128>}]} {
    %get3A = arith.constant 0 : index
    %get3A_0 = arith.constant 0 : index
    %get3A_1 = vector.load %arg1[%get3A, %get3A_0] : memref<2000x64xf32, #tpu.memory_space<vmem>>, vector<2000x64xf32>
    %get3A_2 = arith.constant 0 : index
    %get3A_3 = arith.constant 0 : index
    %get3A_4 = vector.load %arg3[%get3A_2, %get3A_3] : memref<64x128xf32, #tpu.memory_space<vmem>>, vector<64x128xf32>
    %dot_general3A = arith.constant dense<0.000000e+00> : vector<2000x128xf32>
    %dot_general3A_5 = tpu.matmul %get3A_1, %get3A_4, %dot_general3A {dimension_numbers = #tpu.dot_dimension_numbers<[1], [0], [0], [1], [0, 0, 1, 1], [], []>, transpose_lhs_hint = false} : vector<2000x64xf32>, vector<64x128xf32>, vector<2000x128xf32> -> vector<2000x128xf32>
    %neg3A = arith.constant 0.000000e+00 : f32
    %neg3A_6 = vector.broadcast %neg3A : f32 to vector<2000x128xf32>
    %neg3A_7 = arith.subf %neg3A_6, %dot_general3A_5 : vector<2000x128xf32>
    %exp3A = math.exp %neg3A_7 : vector<2000x128xf32>
    %add3A = arith.constant 1.000000e+00 : f32
    %add3A_8 = vector.broadcast %add3A : f32 to vector<2000x128xf32>
    %add3A_9 = arith.addf %add3A_8, %exp3A : vector<2000x128xf32>
    %div3A = arith.constant 1.000000e+00 : f32
    %div3A_10 = vector.broadcast %div3A : f32 to vector<2000x128xf32>
    %div3A_11 = arith.divf %div3A_10, %add3A_9 : vector<2000x128xf32>
    %mul3A = arith.mulf %dot_general3A_5, %div3A_11 : vector<2000x128xf32>
    %get3A_12 = arith.constant 0 : index
    %get3A_13 = arith.constant 0 : index
    %get3A_14 = arith.constant 0 : index
    %get3A_15 = arith.constant 0 : index
    %get3A_16 = vector.load %arg4[%get3A_12, %get3A_13, %get3A_14, %get3A_15] : memref<2x2x128x128xf32, #tpu.memory_space<vmem>>, vector<2x2x128x128xf32>
    %slice3A = vector.extract_strided_slice %get3A_16 {offsets = [0, 0, 0, 0], sizes = [1, 1, 128, 128], strides = [1, 1, 1, 1]} : vector<2x2x128x128xf32> to vector<1x1x128x128xf32>
    %squeeze3A = vector.shape_cast %slice3A : vector<1x1x128x128xf32> to vector<128x128xf32>
    %dot_general3A_17 = arith.constant dense<0.000000e+00> : vector<2000x128xf32>
    %dot_general3A_18 = tpu.matmul %mul3A, %squeeze3A, %dot_general3A_17 {dimension_numbers = #tpu.dot_dimension_numbers<[1], [0], [0], [1], [0, 0, 1, 1], [], []>, transpose_lhs_hint = false} : vector<2000x128xf32>, vector<128x128xf32>, vector<2000x128xf32> -> vector<2000x128xf32>
    %neg3A_19 = arith.constant 0.000000e+00 : f32
    %neg3A_20 = vector.broadcast %neg3A_19 : f32 to vector<2000x128xf32>
    %neg3A_21 = arith.subf %neg3A_20, %dot_general3A_18 : vector<2000x128xf32>
    %exp3A_22 = math.exp %neg3A_21 : vector<2000x128xf32>
    %add3A_23 = arith.constant 1.000000e+00 : f32
    %add3A_24 = vector.broadcast %add3A_23 : f32 to vector<2000x128xf32>
    %add3A_25 = arith.addf %add3A_24, %exp3A_22 : vector<2000x128xf32>
    %div3A_26 = arith.constant 1.000000e+00 : f32
    %div3A_27 = vector.broadcast %div3A_26 : f32 to vector<2000x128xf32>
    %div3A_28 = arith.divf %div3A_27, %add3A_25 : vector<2000x128xf32>
    %mul3A_29 = arith.mulf %dot_general3A_18, %div3A_28 : vector<2000x128xf32>
    %slice3A_30 = vector.extract_strided_slice %get3A_16 {offsets = [0, 1, 0, 0], sizes = [1, 1, 128, 128], strides = [1, 1, 1, 1]} : vector<2x2x128x128xf32> to vector<1x1x128x128xf32>
    %squeeze3A_31 = vector.shape_cast %slice3A_30 : vector<1x1x128x128xf32> to vector<128x128xf32>
    %dot_general3A_32 = arith.constant dense<0.000000e+00> : vector<2000x128xf32>
    %dot_general3A_33 = tpu.matmul %mul3A_29, %squeeze3A_31, %dot_general3A_32 {dimension_numbers = #tpu.dot_dimension_numbers<[1], [0], [0], [1], [0, 0, 1, 1], [], []>, transpose_lhs_hint = false} : vector<2000x128xf32>, vector<128x128xf32>, vector<2000x128xf32> -> vector<2000x128xf32>
    %neg3A_34 = arith.constant 0.000000e+00 : f32
    %neg3A_35 = vector.broadcast %neg3A_34 : f32 to vector<2000x128xf32>
    %neg3A_36 = arith.subf %neg3A_35, %dot_general3A_33 : vector<2000x128xf32>
    %exp3A_37 = math.exp %neg3A_36 : vector<2000x128xf32>
    %add3A_38 = arith.constant 1.000000e+00 : f32
    %add3A_39 = vector.broadcast %add3A_38 : f32 to vector<2000x128xf32>
    %add3A_40 = arith.addf %add3A_39, %exp3A_37 : vector<2000x128xf32>
    %div3A_41 = arith.constant 1.000000e+00 : f32
    %div3A_42 = vector.broadcast %div3A_41 : f32 to vector<2000x128xf32>
    %div3A_43 = arith.divf %div3A_42, %add3A_40 : vector<2000x128xf32>
    %mul3A_44 = arith.mulf %dot_general3A_33, %div3A_43 : vector<2000x128xf32>
    %add3A_45 = arith.addf %mul3A, %mul3A_44 : vector<2000x128xf32>
    %mul3A_46 = arith.constant 0.707106769 : f32
    %mul3A_47 = vector.broadcast %mul3A_46 : f32 to vector<2000x128xf32>
    %mul3A_48 = arith.mulf %add3A_45, %mul3A_47 : vector<2000x128xf32>
    %slice3A_49 = vector.extract_strided_slice %get3A_16 {offsets = [1, 0, 0, 0], sizes = [1, 1, 128, 128], strides = [1, 1, 1, 1]} : vector<2x2x128x128xf32> to vector<1x1x128x128xf32>
    %squeeze3A_50 = vector.shape_cast %slice3A_49 : vector<1x1x128x128xf32> to vector<128x128xf32>
    %dot_general3A_51 = arith.constant dense<0.000000e+00> : vector<2000x128xf32>
    %dot_general3A_52 = tpu.matmul %mul3A_48, %squeeze3A_50, %dot_general3A_51 {dimension_numbers = #tpu.dot_dimension_numbers<[1], [0], [0], [1], [0, 0, 1, 1], [], []>, transpose_lhs_hint = false} : vector<2000x128xf32>, vector<128x128xf32>, vector<2000x128xf32> -> vector<2000x128xf32>
    %neg3A_53 = arith.constant 0.000000e+00 : f32
    %neg3A_54 = vector.broadcast %neg3A_53 : f32 to vector<2000x128xf32>
    %neg3A_55 = arith.subf %neg3A_54, %dot_general3A_52 : vector<2000x128xf32>
    %exp3A_56 = math.exp %neg3A_55 : vector<2000x128xf32>
    %add3A_57 = arith.constant 1.000000e+00 : f32
    %add3A_58 = vector.broadcast %add3A_57 : f32 to vector<2000x128xf32>
    %add3A_59 = arith.addf %add3A_58, %exp3A_56 : vector<2000x128xf32>
    %div3A_60 = arith.constant 1.000000e+00 : f32
    %div3A_61 = vector.broadcast %div3A_60 : f32 to vector<2000x128xf32>
    %div3A_62 = arith.divf %div3A_61, %add3A_59 : vector<2000x128xf32>
    %mul3A_63 = arith.mulf %dot_general3A_52, %div3A_62 : vector<2000x128xf32>
    %slice3A_64 = vector.extract_strided_slice %get3A_16 {offsets = [1, 1, 0, 0], sizes = [1, 1, 128, 128], strides = [1, 1, 1, 1]} : vector<2x2x128x128xf32> to vector<1x1x128x128xf32>
    %squeeze3A_65 = vector.shape_cast %slice3A_64 : vector<1x1x128x128xf32> to vector<128x128xf32>
    %dot_general3A_66 = arith.constant dense<0.000000e+00> : vector<2000x128xf32>
    %dot_general3A_67 = tpu.matmul %mul3A_63, %squeeze3A_65, %dot_general3A_66 {dimension_numbers = #tpu.dot_dimension_numbers<[1], [0], [0], [1], [0, 0, 1, 1], [], []>, transpose_lhs_hint = false} : vector<2000x128xf32>, vector<128x128xf32>, vector<2000x128xf32> -> vector<2000x128xf32>
    %neg3A_68 = arith.constant 0.000000e+00 : f32
    %neg3A_69 = vector.broadcast %neg3A_68 : f32 to vector<2000x128xf32>
    %neg3A_70 = arith.subf %neg3A_69, %dot_general3A_67 : vector<2000x128xf32>
    %exp3A_71 = math.exp %neg3A_70 : vector<2000x128xf32>
    %add3A_72 = arith.constant 1.000000e+00 : f32
    %add3A_73 = vector.broadcast %add3A_72 : f32 to vector<2000x128xf32>
    %add3A_74 = arith.addf %add3A_73, %exp3A_71 : vector<2000x128xf32>
    %div3A_75 = arith.constant 1.000000e+00 : f32
    %div3A_76 = vector.broadcast %div3A_75 : f32 to vector<2000x128xf32>
    %div3A_77 = arith.divf %div3A_76, %add3A_74 : vector<2000x128xf32>
    %mul3A_78 = arith.mulf %dot_general3A_67, %div3A_77 : vector<2000x128xf32>
    %add3A_79 = arith.addf %mul3A_48, %mul3A_78 : vector<2000x128xf32>
    %mul3A_80 = arith.constant 0.707106769 : f32
    %mul3A_81 = vector.broadcast %mul3A_80 : f32 to vector<2000x128xf32>
    %mul3A_82 = arith.mulf %add3A_79, %mul3A_81 : vector<2000x128xf32>
    %get3A_83 = arith.constant 0 : index
    %get3A_84 = arith.constant 0 : index
    %get3A_85 = vector.load %arg2[%get3A_83, %get3A_84] : memref<2000x128xf32, #tpu.memory_space<vmem>>, vector<2000x128xf32>
    %add3A_86 = arith.addf %get3A_85, %mul3A_82 : vector<2000x128xf32>
    %mul3A_87 = arith.constant 0.707106769 : f32
    %mul3A_88 = vector.broadcast %mul3A_87 : f32 to vector<2000x128xf32>
    %mul3A_89 = arith.mulf %add3A_86, %mul3A_88 : vector<2000x128xf32>
    %swap3A = arith.constant 0 : index
    %swap3A_90 = arith.constant 0 : index
    %swap3A_91 = vector.load %arg6[%swap3A, %swap3A_90] : memref<2000x128xf32, #tpu.memory_space<vmem>>, vector<2000x128xf32>
    tpu.vector_store %arg6[%swap3A, %swap3A_90], %mul3A_89 {strides = array<i32>} : memref<2000x128xf32, #tpu.memory_space<vmem>>, vector<2000x128xf32>,
    %get3A_92 = arith.constant 0 : index
    %get3A_93 = arith.constant 0 : index
    %get3A_94 = vector.load %arg5[%get3A_92, %get3A_93] : memref<128x128xf32, #tpu.memory_space<vmem>>, vector<128x128xf32>
    %dot_general3A_95 = arith.constant dense<0.000000e+00> : vector<2000x128xf32>
    %dot_general3A_96 = tpu.matmul %mul3A_89, %get3A_94, %dot_general3A_95 {dimension_numbers = #tpu.dot_dimension_numbers<[1], [0], [0], [1], [0, 0, 1, 1], [], []>, transpose_lhs_hint = false} : vector<2000x128xf32>, vector<128x128xf32>, vector<2000x128xf32> -> vector<2000x128xf32>
    %swap3A_97 = arith.constant 0 : index
    %swap3A_98 = arith.constant 0 : index
    %swap3A_99 = vector.load %arg7[%swap3A_97, %swap3A_98] : memref<2000x128xf32, #tpu.memory_space<vmem>>, vector<2000x128xf32>
    tpu.vector_store %arg7[%swap3A_97, %swap3A_98], %dot_general3A_96 {strides = array<i32>} : memref<2000x128xf32, #tpu.memory_space<vmem>>, vector<2000x128xf32>,
    return
  }
  func.func @transform_0(%arg0: i32) -> (i32, i32) {
    %c0_i32 = arith.constant 0 : i32
    %c0_i32_0 = arith.constant 0 : i32
    return %arg0, %c0_i32 : i32, i32
  }
  func.func @transform_1(%arg0: i32) -> (i32, i32) {
    %c0_i32 = arith.constant 0 : i32
    %c0_i32_0 = arith.constant 0 : i32
    return %arg0, %c0_i32 : i32, i32
  }
  func.func @transform_2(%arg0: i32) -> (i32, i32) {
    %c0_i32 = arith.constant 0 : i32
    %c0_i32_0 = arith.constant 0 : i32
    %c0_i32_1 = arith.constant 0 : i32
    return %c0_i32, %c0_i32_0 : i32, i32
  }
  func.func @transform_3(%arg0: i32) -> (i32, i32, i32, i32) {
    %c0_i32 = arith.constant 0 : i32
    %c0_i32_0 = arith.constant 0 : i32
    %c0_i32_1 = arith.constant 0 : i32
    %c0_i32_2 = arith.constant 0 : i32
    %c0_i32_3 = arith.constant 0 : i32
    return %c0_i32, %c0_i32_0, %c0_i32_1, %c0_i32_2 : i32, i32, i32, i32
  }
  func.func @transform_4(%arg0: i32) -> (i32, i32) {
    %c0_i32 = arith.constant 0 : i32
    %c0_i32_0 = arith.constant 0 : i32
    %c0_i32_1 = arith.constant 0 : i32
    return %c0_i32, %c0_i32_0 : i32, i32
  }
  func.func @transform_5(%arg0: i32) -> (i32, i32) {
    %c0_i32 = arith.constant 0 : i32
    %c0_i32_0 = arith.constant 0 : i32
    return %arg0, %c0_i32 : i32, i32
  }
  func.func @transform_6(%arg0: i32) -> (i32, i32) {
    %c0_i32 = arith.constant 0 : i32
    %c0_i32_0 = arith.constant 0 : i32
    return %arg0, %c0_i32 : i32, i32
  }
}

module attributes {stable_mosaic.version = 14 : i64} {
  func.func @_p9_body(%arg0: i32, %arg1: memref<2000x128xf32, #tpu.memory_space<vmem>>, %arg2: memref<2000x128xf32, #tpu.memory_space<vmem>>, %arg3: memref<2000x64xf32, #tpu.memory_space<vmem>>, %arg4: memref<64x64xf32, #tpu.memory_space<vmem>>, %arg5: memref<2x2x64x64xf32, #tpu.memory_space<vmem>>, %arg6: memref<2000x64xf32, #tpu.memory_space<vmem>>) attributes {dimension_semantics = [#tpu.dimension_semantics<arbitrary>], iteration_bounds = array<i64: 400>, scalar_prefetch = 0 : i64, scratch_operands = 0 : i64, tpu.core_type = #tpu.core_type<tc>, window_params = [{transform_indices = @transform_0, window_bounds = array<i64: 2000, 128>}, {transform_indices = @transform_1, window_bounds = array<i64: 2000, 128>}, {transform_indices = @transform_2, window_bounds = array<i64: 2000, 64>}, {pipeline_mode = #tpu.pipeline_mode<synchronous>, transform_indices = @transform_3, window_bounds = array<i64: 64, 64>}, {pipeline_mode = #tpu.pipeline_mode<synchronous>, transform_indices = @transform_4, window_bounds = array<i64: 2, 2, 64, 64>}, {transform_indices = @transform_5, window_bounds = array<i64: 2000, 64>}]} {
    %get3A = arith.constant 0 : index
    %get3A_0 = arith.constant 0 : index
    %get3A_1 = vector.load %arg1[%get3A, %get3A_0] : memref<2000x128xf32, #tpu.memory_space<vmem>>, vector<2000x128xf32>
    %slice3A = vector.extract_strided_slice %get3A_1 {offsets = [0, 0], sizes = [2000, 64], strides = [1, 1]} : vector<2000x128xf32> to vector<2000x64xf32>
    %get3A_2 = arith.constant 0 : index
    %get3A_3 = arith.constant 0 : index
    %get3A_4 = vector.load %arg2[%get3A_2, %get3A_3] : memref<2000x128xf32, #tpu.memory_space<vmem>>, vector<2000x128xf32>
    %slice3A_5 = vector.extract_strided_slice %get3A_4 {offsets = [0, 64], sizes = [2000, 64], strides = [1, 1]} : vector<2000x128xf32> to vector<2000x64xf32>
    %add3A = arith.addf %slice3A, %slice3A_5 : vector<2000x64xf32>
    %get3A_6 = arith.constant 0 : index
    %get3A_7 = arith.constant 0 : index
    %get3A_8 = vector.load %arg3[%get3A_6, %get3A_7] : memref<2000x64xf32, #tpu.memory_space<vmem>>, vector<2000x64xf32>
    %get3A_9 = arith.constant 0 : index
    %get3A_10 = arith.constant 0 : index
    %get3A_11 = vector.load %arg4[%get3A_9, %get3A_10] : memref<64x64xf32, #tpu.memory_space<vmem>>, vector<64x64xf32>
    %dot_general3A = arith.constant dense<0.000000e+00> : vector<2000x64xf32>
    %dot_general3A_12 = tpu.matmul %get3A_8, %get3A_11, %dot_general3A {dimension_numbers = #tpu.dot_dimension_numbers<[1], [0], [0], [1], [0, 0, 1, 1], [], []>, transpose_lhs_hint = false} : vector<2000x64xf32>, vector<64x64xf32>, vector<2000x64xf32> -> vector<2000x64xf32>
    %add3A_13 = arith.addf %add3A, %dot_general3A_12 : vector<2000x64xf32>
    %neg3A = arith.constant 0.000000e+00 : f32
    %neg3A_14 = vector.broadcast %neg3A : f32 to vector<2000x64xf32>
    %neg3A_15 = arith.subf %neg3A_14, %add3A_13 : vector<2000x64xf32>
    %exp3A = math.exp %neg3A_15 : vector<2000x64xf32>
    %add3A_16 = arith.constant 1.000000e+00 : f32
    %add3A_17 = vector.broadcast %add3A_16 : f32 to vector<2000x64xf32>
    %add3A_18 = arith.addf %add3A_17, %exp3A : vector<2000x64xf32>
    %div3A = arith.constant 1.000000e+00 : f32
    %div3A_19 = vector.broadcast %div3A : f32 to vector<2000x64xf32>
    %div3A_20 = arith.divf %div3A_19, %add3A_18 : vector<2000x64xf32>
    %mul3A = arith.mulf %add3A_13, %div3A_20 : vector<2000x64xf32>
    %get3A_21 = arith.constant 0 : index
    %get3A_22 = arith.constant 0 : index
    %get3A_23 = arith.constant 0 : index
    %get3A_24 = arith.constant 0 : index
    %get3A_25 = vector.load %arg5[%get3A_21, %get3A_22, %get3A_23, %get3A_24] : memref<2x2x64x64xf32, #tpu.memory_space<vmem>>, vector<2x2x64x64xf32>
    %slice3A_26 = vector.extract_strided_slice %get3A_25 {offsets = [0, 0, 0, 0], sizes = [1, 1, 64, 64], strides = [1, 1, 1, 1]} : vector<2x2x64x64xf32> to vector<1x1x64x64xf32>
    %squeeze3A = vector.shape_cast %slice3A_26 : vector<1x1x64x64xf32> to vector<64x64xf32>
    %dot_general3A_27 = arith.constant dense<0.000000e+00> : vector<2000x64xf32>
    %dot_general3A_28 = tpu.matmul %mul3A, %squeeze3A, %dot_general3A_27 {dimension_numbers = #tpu.dot_dimension_numbers<[1], [0], [0], [1], [0, 0, 1, 1], [], []>, transpose_lhs_hint = false} : vector<2000x64xf32>, vector<64x64xf32>, vector<2000x64xf32> -> vector<2000x64xf32>
    %neg3A_29 = arith.constant 0.000000e+00 : f32
    %neg3A_30 = vector.broadcast %neg3A_29 : f32 to vector<2000x64xf32>
    %neg3A_31 = arith.subf %neg3A_30, %dot_general3A_28 : vector<2000x64xf32>
    %exp3A_32 = math.exp %neg3A_31 : vector<2000x64xf32>
    %add3A_33 = arith.constant 1.000000e+00 : f32
    %add3A_34 = vector.broadcast %add3A_33 : f32 to vector<2000x64xf32>
    %add3A_35 = arith.addf %add3A_34, %exp3A_32 : vector<2000x64xf32>
    %div3A_36 = arith.constant 1.000000e+00 : f32
    %div3A_37 = vector.broadcast %div3A_36 : f32 to vector<2000x64xf32>
    %div3A_38 = arith.divf %div3A_37, %add3A_35 : vector<2000x64xf32>
    %mul3A_39 = arith.mulf %dot_general3A_28, %div3A_38 : vector<2000x64xf32>
    %slice3A_40 = vector.extract_strided_slice %get3A_25 {offsets = [0, 1, 0, 0], sizes = [1, 1, 64, 64], strides = [1, 1, 1, 1]} : vector<2x2x64x64xf32> to vector<1x1x64x64xf32>
    %squeeze3A_41 = vector.shape_cast %slice3A_40 : vector<1x1x64x64xf32> to vector<64x64xf32>
    %dot_general3A_42 = arith.constant dense<0.000000e+00> : vector<2000x64xf32>
    %dot_general3A_43 = tpu.matmul %mul3A_39, %squeeze3A_41, %dot_general3A_42 {dimension_numbers = #tpu.dot_dimension_numbers<[1], [0], [0], [1], [0, 0, 1, 1], [], []>, transpose_lhs_hint = false} : vector<2000x64xf32>, vector<64x64xf32>, vector<2000x64xf32> -> vector<2000x64xf32>
    %neg3A_44 = arith.constant 0.000000e+00 : f32
    %neg3A_45 = vector.broadcast %neg3A_44 : f32 to vector<2000x64xf32>
    %neg3A_46 = arith.subf %neg3A_45, %dot_general3A_43 : vector<2000x64xf32>
    %exp3A_47 = math.exp %neg3A_46 : vector<2000x64xf32>
    %add3A_48 = arith.constant 1.000000e+00 : f32
    %add3A_49 = vector.broadcast %add3A_48 : f32 to vector<2000x64xf32>
    %add3A_50 = arith.addf %add3A_49, %exp3A_47 : vector<2000x64xf32>
    %div3A_51 = arith.constant 1.000000e+00 : f32
    %div3A_52 = vector.broadcast %div3A_51 : f32 to vector<2000x64xf32>
    %div3A_53 = arith.divf %div3A_52, %add3A_50 : vector<2000x64xf32>
    %mul3A_54 = arith.mulf %dot_general3A_43, %div3A_53 : vector<2000x64xf32>
    %add3A_55 = arith.addf %mul3A, %mul3A_54 : vector<2000x64xf32>
    %mul3A_56 = arith.constant 0.707106769 : f32
    %mul3A_57 = vector.broadcast %mul3A_56 : f32 to vector<2000x64xf32>
    %mul3A_58 = arith.mulf %add3A_55, %mul3A_57 : vector<2000x64xf32>
    %slice3A_59 = vector.extract_strided_slice %get3A_25 {offsets = [1, 0, 0, 0], sizes = [1, 1, 64, 64], strides = [1, 1, 1, 1]} : vector<2x2x64x64xf32> to vector<1x1x64x64xf32>
    %squeeze3A_60 = vector.shape_cast %slice3A_59 : vector<1x1x64x64xf32> to vector<64x64xf32>
    %dot_general3A_61 = arith.constant dense<0.000000e+00> : vector<2000x64xf32>
    %dot_general3A_62 = tpu.matmul %mul3A_58, %squeeze3A_60, %dot_general3A_61 {dimension_numbers = #tpu.dot_dimension_numbers<[1], [0], [0], [1], [0, 0, 1, 1], [], []>, transpose_lhs_hint = false} : vector<2000x64xf32>, vector<64x64xf32>, vector<2000x64xf32> -> vector<2000x64xf32>
    %neg3A_63 = arith.constant 0.000000e+00 : f32
    %neg3A_64 = vector.broadcast %neg3A_63 : f32 to vector<2000x64xf32>
    %neg3A_65 = arith.subf %neg3A_64, %dot_general3A_62 : vector<2000x64xf32>
    %exp3A_66 = math.exp %neg3A_65 : vector<2000x64xf32>
    %add3A_67 = arith.constant 1.000000e+00 : f32
    %add3A_68 = vector.broadcast %add3A_67 : f32 to vector<2000x64xf32>
    %add3A_69 = arith.addf %add3A_68, %exp3A_66 : vector<2000x64xf32>
    %div3A_70 = arith.constant 1.000000e+00 : f32
    %div3A_71 = vector.broadcast %div3A_70 : f32 to vector<2000x64xf32>
    %div3A_72 = arith.divf %div3A_71, %add3A_69 : vector<2000x64xf32>
    %mul3A_73 = arith.mulf %dot_general3A_62, %div3A_72 : vector<2000x64xf32>
    %slice3A_74 = vector.extract_strided_slice %get3A_25 {offsets = [1, 1, 0, 0], sizes = [1, 1, 64, 64], strides = [1, 1, 1, 1]} : vector<2x2x64x64xf32> to vector<1x1x64x64xf32>
    %squeeze3A_75 = vector.shape_cast %slice3A_74 : vector<1x1x64x64xf32> to vector<64x64xf32>
    %dot_general3A_76 = arith.constant dense<0.000000e+00> : vector<2000x64xf32>
    %dot_general3A_77 = tpu.matmul %mul3A_73, %squeeze3A_75, %dot_general3A_76 {dimension_numbers = #tpu.dot_dimension_numbers<[1], [0], [0], [1], [0, 0, 1, 1], [], []>, transpose_lhs_hint = false} : vector<2000x64xf32>, vector<64x64xf32>, vector<2000x64xf32> -> vector<2000x64xf32>
    %neg3A_78 = arith.constant 0.000000e+00 : f32
    %neg3A_79 = vector.broadcast %neg3A_78 : f32 to vector<2000x64xf32>
    %neg3A_80 = arith.subf %neg3A_79, %dot_general3A_77 : vector<2000x64xf32>
    %exp3A_81 = math.exp %neg3A_80 : vector<2000x64xf32>
    %add3A_82 = arith.constant 1.000000e+00 : f32
    %add3A_83 = vector.broadcast %add3A_82 : f32 to vector<2000x64xf32>
    %add3A_84 = arith.addf %add3A_83, %exp3A_81 : vector<2000x64xf32>
    %div3A_85 = arith.constant 1.000000e+00 : f32
    %div3A_86 = vector.broadcast %div3A_85 : f32 to vector<2000x64xf32>
    %div3A_87 = arith.divf %div3A_86, %add3A_84 : vector<2000x64xf32>
    %mul3A_88 = arith.mulf %dot_general3A_77, %div3A_87 : vector<2000x64xf32>
    %add3A_89 = arith.addf %mul3A_58, %mul3A_88 : vector<2000x64xf32>
    %mul3A_90 = arith.constant 0.707106769 : f32
    %mul3A_91 = vector.broadcast %mul3A_90 : f32 to vector<2000x64xf32>
    %mul3A_92 = arith.mulf %add3A_89, %mul3A_91 : vector<2000x64xf32>
    %swap3A = arith.constant 0 : index
    %swap3A_93 = arith.constant 0 : index
    %swap3A_94 = vector.load %arg6[%swap3A, %swap3A_93] : memref<2000x64xf32, #tpu.memory_space<vmem>>, vector<2000x64xf32>
    tpu.vector_store %arg6[%swap3A, %swap3A_93], %mul3A_92 {strides = array<i32>} : memref<2000x64xf32, #tpu.memory_space<vmem>>, vector<2000x64xf32>,
    return
  }
  func.func @transform_0(%arg0: i32) -> (i32, i32) {
    %c0_i32 = arith.constant 0 : i32
    %c0_i32_0 = arith.constant 0 : i32
    return %arg0, %c0_i32 : i32, i32
  }
  func.func @transform_1(%arg0: i32) -> (i32, i32) {
    %c0_i32 = arith.constant 0 : i32
    %c0_i32_0 = arith.constant 0 : i32
    return %arg0, %c0_i32 : i32, i32
  }
  func.func @transform_2(%arg0: i32) -> (i32, i32) {
    %c0_i32 = arith.constant 0 : i32
    %c0_i32_0 = arith.constant 0 : i32
    return %arg0, %c0_i32 : i32, i32
  }
  func.func @transform_3(%arg0: i32) -> (i32, i32) {
    %c0_i32 = arith.constant 0 : i32
    %c0_i32_0 = arith.constant 0 : i32
    %c0_i32_1 = arith.constant 0 : i32
    return %c0_i32, %c0_i32_0 : i32, i32
  }
  func.func @transform_4(%arg0: i32) -> (i32, i32, i32, i32) {
    %c0_i32 = arith.constant 0 : i32
    %c0_i32_0 = arith.constant 0 : i32
    %c0_i32_1 = arith.constant 0 : i32
    %c0_i32_2 = arith.constant 0 : i32
    %c0_i32_3 = arith.constant 0 : i32
    return %c0_i32, %c0_i32_0, %c0_i32_1, %c0_i32_2 : i32, i32, i32, i32
  }
  func.func @transform_5(%arg0: i32) -> (i32, i32) {
    %c0_i32 = arith.constant 0 : i32
    %c0_i32_0 = arith.constant 0 : i32
    return %arg0, %c0_i32 : i32, i32
  }
}

</mosaic_0001>

<sc_bundles>
// kernel: kernel.11.cloned.1.call-start
scs
__scs_entry_jumppad:
0x0: {  	(pc) =	sbr.rel $0x88, $3  }
0x1: {  	(tag) =	ssettag $0x0;
	lr =	simm.s32 $0x1  }
0x2: {  	[smem:$0x3F77] =	sst lr;
	_ =	strace $0xD0000000  }
0x3: {  	_ = 	snop  }
0x4: {  	_ = 	snop  }
0x5: {  	_ = 	snop  }
0x6: {  	_ = 	snop  }
0x7: {  	_ = 	snop  }
__scs_overlays_trampoline_lowered:
0x8: {  	[smem:$0x3F86] =	sst s0  }
0x9: {  	[smem:$0x3F87] =	sst s1  }
0xa: {  	[smem:$0x3F88] =	sst s2  }
0xb: {  	[smem:$0x3F89] =	sst s3  }
0xc: {  	[smem:$0x3F8A] =	sst s4  }
0xd: {  	[smem:$0x3F8B] =	sst s5  }
0xe: {  	[smem:$0x3F8C] =	sst s6  }
0xf: {  	[smem:$0x3F8D] =	sst s7  }
0x10: {  	[smem:$0x3F8E] =	sst s8  }
0x11: {  	[smem:$0x3F8F] =	sst s9;
	s0 =	simm.s32 @!p0 $0x0  }
0x12: {  	s1 =	sld [smem:$0x3F75];
	s0 =	simm.s32 @p0 $0x1  }
0x13: {  	[smem:$0x3F90] =	sst s0;
	s0 =	simm.s32 @!p1 $0x0  }
0x14: {  	s2 =	sld [smem:$0x3F74];
	s0 =	simm.s32 @p1 $0x1  }
0x15: {  	[smem:$0x3F91] =	sst s0;
	s0 =	simm.s32 @!p2 $0x0  }
0x16: {  	s3 =	sld [smem:$0x3FDB];
	s0 =	simm.s32 @p2 $0x1  }
0x17: {  	s4 =	simm.s32 $0x1BF5;
	[smem:$0x3F93] =	sst s0  }
0x18: {  	s0 =	sld [smem:$0x3F76];
	_ =	swait.ge [sflag:s4], $0x0  }
0x19: {  	s7 =	sld [smem:$0x3F77]  }
0x1a: {  	s8 =	sadd.s32 $0xFFFFE003, lr  }
0x1b: {  	s9 =	sadd.s32 $0xFFFFFEF7, lr;
	s5 =	simm.s32 $0xFFFFFFFF;
	p2 =	slt.u32 s8, $0xFFFFF086  }
0x1c: {  	p1 =	slt.u32 s9, $0xF7A;
	s5 =	simm.s32 @!p2 $0x0  }
0x1d: {  	s5 =	simm.s32 @p1 $0x1;
	p0 =	seq.s32 s7, s2  }
0x1e: {  	s7 =	smul.u32 @!p0 $0xF7A, s2;
	p2 =	seq.s32 @!p0 s5, $0x0  }
0x1f: {  	s9 =	smul.u32 $0xF7A, s1;
	s8 =	simm.s32 @!p0 $0x1BF5;
	p2 =	por !p2, p0  }
0x20: {  	[sflag:s8] =	ssyncset.s32 @!p0 $0xFFFFF086;
	s6 =	sadd.s32 @!p0 s3, s7;
	s7 =	simm.s32 @!p0 $0x108  }
0x21: {  	s3 =	sadd.s32 s3, s9;
	s6 =	sadd.s32 @!p0 $0x88, s6;
	s7 =	simm.s32 @p2 $0x1082  }
0x22: {  	[simem:s7], [sflag:s8] =	dma.local @!p0 [hbm:s6], $0xF7A  }
0x23: {  	s9 =	sor.u32 $0xD0000000, s2;
	s6 =	simm.s32 $0x108;
	_ =	swait.ge @!p0 [sflag:s8], $0x0  }
0x24: {  	s3 =	sadd.s32 $0x88, s3;
	s6 =	simm.s32 @!p1 $0x1082;
	[sflag:s4] =	ssyncset.s32 $0xFFFFF086  }
0x25: {  	[simem:s6], [sflag:s4] =	dma.local [hbm:s3], $0xF7A  }
0x26: {  	[smem:$0x3F77] =	sst s1;
	(tag) =	ssettag s2;
	_ =	strace s9  }
0x27: {  	s1 =	sld [smem:$0x3F87]  }
0x28: {  	s2 =	sld [smem:$0x3F88]  }
0x29: {  	s4 =	sld [smem:$0x3F8A]  }
0x2a: {  	p0 =	seq.s32 s5, $0x0;
	s5 =	sld [smem:$0x3F8B]  }
0x2b: {  	s6 =	sld [smem:$0x3F8C]  }
0x2c: {  	s7 =	sld [smem:$0x3F8D]  }
0x2d: {  	s3 =	simm.s32 $0x108;
	s8 =	sld [smem:$0x3F8E]  }
0x2e: {  	s3 =	simm.s32 @!p0 $0x1082;
	s9 =	sld [smem:$0x3F8F]  }
0x2f: {  	lr =	sadd.s32 s0, s3;
	s0 =	sld [smem:$0x3F86]  }
0x30: {  	s3 =	sld [smem:$0x3F89]  }
0x31: {  	[smem:$0x3F92] =	sst s10  }
0x32: {  	s10 =	sld [smem:$0x3F90];
	_ =	sdelay $0x3  }
0x33: {  	p0 =	seq.s32 s10, $0x1;
	s10 =	sld [smem:$0x3F92];
	_ =	sdelay $0x3  }
0x34: {  	[smem:$0x3F92] =	sst s10  }
0x35: {  	s10 =	sld [smem:$0x3F91];
	_ =	sdelay $0x3  }
0x36: {  	p1 =	seq.s32 s10, $0x1;
	s10 =	sld [smem:$0x3F92];
	_ =	sdelay $0x3  }
0x37: {  	[smem:$0x3F92] =	sst s10  }
0x38: {  	s10 =	sld [smem:$0x3F93]  }
0x39: {  	_ = 	snop;
	(pc) =	sbr.ind lr, $3  }
0x3a: {  	_ = 	snop  }
0x3b: {  	_ = 	snop  }
0x3c: {  	p2 =	seq.s32 s10, $0x1;
	s10 =	sld [smem:$0x3F92]  }
0x3d: {  	_ =	shalt  }
0x3e: {  	_ =	shalt  }
0x3f: {  	_ =	shalt  }
0x40: {  	_ =	shalt  }
0x41: {  	_ =	shalt  }
0x42: {  	_ =	shalt  }
0x43: {  	_ =	shalt  }
0x44: {  	_ =	shalt  }
0x45: {  	_ =	shalt  }
0x46: {  	_ =	shalt  }
0x47: {  	_ =	shalt  }
0x48: {  	_ =	shalt  }
0x49: {  	_ =	shalt  }
0x4a: {  	_ =	shalt  }
0x4b: {  	_ =	shalt  }
0x4c: {  	_ =	shalt  }
0x4d: {  	_ =	shalt  }
0x4e: {  	_ =	shalt  }
0x4f: {  	_ =	shalt  }
0x50: {  	_ =	shalt  }
0x51: {  	_ =	shalt  }
0x52: {  	_ =	shalt  }
0x53: {  	_ =	shalt  }
0x54: {  	_ =	shalt  }
0x55: {  	_ =	shalt  }
0x56: {  	_ =	shalt  }
0x57: {  	_ =	shalt  }
0x58: {  	_ =	shalt  }
0x59: {  	_ =	shalt  }
0x5a: {  	_ =	shalt  }
0x5b: {  	_ =	shalt  }
0x5c: {  	_ =	shalt  }
0x5d: {  	_ =	shalt  }
0x5e: {  	_ =	shalt  }
0x5f: {  	_ =	shalt  }
0x60: {  	_ =	shalt  }
0x61: {  	_ =	shalt  }
0x62: {  	_ =	shalt  }
0x63: {  	_ =	shalt  }
0x64: {  	_ =	shalt  }
0x65: {  	_ =	shalt  }
0x66: {  	_ =	shalt  }
0x67: {  	_ =	shalt  }
0x68: {  	_ =	shalt  }
0x69: {  	_ =	shalt  }
0x6a: {  	_ =	shalt  }
0x6b: {  	_ =	shalt  }
0x6c: {  	_ =	shalt  }
0x6d: {  	_ =	shalt  }
0x6e: {  	_ =	shalt  }
0x6f: {  	_ =	shalt  }
0x70: {  	_ =	shalt  }
0x71: {  	_ =	shalt  }
0x72: {  	_ =	shalt  }
0x73: {  	_ =	shalt  }
0x74: {  	_ =	shalt  }
0x75: {  	_ =	shalt  }
0x76: {  	_ =	shalt  }
0x77: {  	_ =	shalt  }
0x78: {  	_ =	shalt  }
0x79: {  	_ =	shalt  }
0x7a: {  	_ =	shalt  }
0x7b: {  	_ =	shalt  }
0x7c: {  	_ =	shalt  }
0x7d: {  	_ =	shalt  }
0x7e: {  	_ =	shalt  }
0x7f: {  	_ =	shalt  }
0x80: {  	_ =	shalt  }
0x81: {  	_ =	shalt  }
0x82: {  	_ =	shalt  }
0x83: {  	_ =	shalt  }
0x84: {  	_ =	shalt  }
0x85: {  	_ =	shalt  }
0x86: {  	_ =	shalt  }
0x87: {  	_ =	shalt  }
.Lfunc_end0:
.L_simem_size_0:
called_computation.1_lowered:
.L_overlay_start_0:
0x88: {  	s2 =	sld [smem:$0x3FD9]  }
0x89: {  	s3 =	sld [smem:$0x3FFE];
	_ =	sdelay $0x1  }
0x8a: {  	s1 =	srdreg.scid  }
0x8b: {  	s0 =	sand.u32 $0x1, s1  }
0x8c: {  	s14 =	sshll.u32 s0, $0xA;
	s2 =	sadd.s32 s3, s2  }
0x8d: {  	s2 =	sadd.s32 s2, s14  }
0x8e: {  	[smem:$0x3F9E] =	sst s2  }
0x8f: {  	_ = 	snop  }
0x90: {  	s2 =	sld [smem:$0x3FD0];
	_ =	sdelay $0x2  }
0x91: {  	s15 =	simm.s32 $0xA;
	s4 =	simm.s32 $0x10  }
0x92: {  	[smem:s4], [sflag:s15] =	dma.local [hbm:s2], $0x1  }
0x93: {  	_ =	swait.eq [sflag:s15], $0x1  }
0x94: {  	[sflag:s15] =	ssyncset.done $0x0  }
0x95: {  	[sflag:s15] =	ssyncadd.s32 $0xFFFFFFFF  }
0x96: {  	s16 =	sld [smem:$0x11];
	(tm) =	ssettm $0x1  }
0x97: {  	s17 =	sld [smem:$0x3FFB];
	_ =	sdelay $0x3  }
0x98: {  	_ =	strace s17  }
0x99: {  	s3 =	sld [smem:$0x3FFC];
	_ =	sdelay $0x3  }
0x9a: {  	_ =	strace s3  }
0x9b: {  	s3 =	sld [smem:$0x3FFD];
	_ =	sdelay $0x3  }
0x9c: {  	_ =	strace s3  }
0x9d: {  	_ =	strace $0x8FFFFFFF  }
0x9e: {  	s18 =	sld [smem:$0x3FDB];
	_ =	sdelay $0x1  }
0x9f: {  	s19 =	simm.s32 $_scs_section_size  }
0xa0: {  	s5 =	simm.s32 $_size__tile_overlayer_lowered;
	s6 =	simm.s32 $_tile_overlayer_lowered  }
0xa1: {  	s22 =	simm.s32 $0x1BFF;
	s21 =	sshll.u32 s6, $0x1;
	s3 =	sadd.s32 s19, s18  }
0xa2: {  	s7 =	simm.s32 $0x0;
	s20 =	sshll.u32 s5, $0x1;
	s5 =	sadd.s32 s21, s3  }
0xa3: {  	[timem:s7], [sflag:s22] =	dma.local [hbm:s5], s20  }
0xa4: {  	_ =	swait.ge [sflag:s22], s20  }
0xa5: {  	s4 =	ssub.s32 $0x0, s20;
	[sflag:s22] =	ssyncset.done $0x0  }
0xa6: {  	[sflag:s22] =	ssyncadd.s32 s4;
	_ =	sdelay $0x1  }
0xa7: {  	s23 =	simm.s32 $0x1B8B  }
0xa8: {  	_ =	swait.ge [sflag:s23], $0x1  }
0xa9: {  	[sflag:s23] =	ssyncset.done $0x0  }
0xaa: {  	s25 =	simm.s32 $0x1B8E;
	s24 =	sld [smem:$0x3FFE];
	[sflag:s23] =	ssyncadd.s32 $0xFFFFFFFF  }
0xab: {  	s26 =	simm.s32 $execute0_lowered;
	[smem:$0x3FD2] =	sst s25  }
0xac: {  	s5 =	sshll.u32 s26, $0x1;
	_ =	strace $0x80000046;
	[dreg:$0x1] =	wrdreg $0xFFFFFFFF  }
0xad: {  	s28 =	simm.s32 $_size_execute0_lowered;
	s3 =	sadd.s32 s3, s5;
	[dreg:$0x0] =	wrdreg $0x0  }
0xae: {  	s5 =	sshll.u32 s28, $0x1;
	[dreg:$0x2] =	wrdreg s3  }
0xaf: {  	[dreg:$0x3] =	wrdreg s5  }
0xb0: {  	[dreg:$0x4] =	wrdreg $0xC0  }
0xb1: {  	_ =	task [dreg:s7], $0x5FFFF  }
0xb2: {  	[dreg:$0x1] =	wrdreg $0xFFFFFFFF  }
0xb3: {  	[dreg:$0x0] =	wrdreg $0x60  }
0xb4: {  	[dreg:$0x2] =	wrdreg s24  }
0xb5: {  	[dreg:$0x3] =	wrdreg s16  }
0xb6: {  	[dreg:$0x4] =	wrdreg $0x9  }
0xb7: {  	_ =	task.clear_ibuf [dreg:s7], $0x5FFFF;
	_ =	strace $0x90000046  }
0xb8: {  	s29 =	simm.s32 $0x9;
	_ =	strace $0x80000048  }
0xb9: {  	_ =	swait.ge [sflag:s29], $0x1  }
0xba: {  	[sflag:s29] =	ssyncadd.s32 $0xFFFFFFFF  }
0xbb: {  	_ =	strace $0x90000048  }
0xbc: {  	_ =	sfence  }
0xbd: {  	s30 =	sld [smem:$0x0];
	_ =	sdelay $0x2  }
0xbe: {  	s31 =	sshll.u32 s1, $0xD;
	s1 =	sshrl.u32 s1, $0x2  }
0xbf: {  	s3 =	sand.u32 $0x4000, s31;
	s1 =	sadd.s32 s1, s30  }
0xc0: {  	s0 =	sor.u32 s3, s0;
	s1 =	sshll.u32 s1, $0x11  }
0xc1: {  	s0 =	sor.u32 s1, s0  }
0xc2: {  	s0 =	sadd.s32 $0x8F2B, s0  }
0xc3: {  	[sflag:s0] =	ssyncadd.remote.s32 $0x1  }
0xc4: {  	_ =	sfence.sel $0xFFFF  }
0xc5: {  	[dreg:$0x0] =	wrdreg $0xFFFFFFFF;
	(pc) =	sbr.abs _section_cstart, $3  }
0xc6: {  	[dreg:$0x1] =	wrdreg $0xFFFFFFFF  }
0xc7: {  	_ =	task.clear_ibuf [dreg:s7], $0x2FFFF;
	_ =	strace $0x9FFFFFFF  }
0xc8: {  	(tm) =	ssettm $0x7FFFFFFF  }
0xc9: {  	_ =	shalt  }
tec
execute0_lowered:
.L_overlay_start_1:
0x0: {  	(tag) =	ssettag $0x1  }
0x1: {  	s5 =	rddreg [dreg:$0x0];
	s1 =	srdreg.scid  }
0x2: {  	s0 =	stileid.u32;
	s2 =	rddreg [dreg:$0x1];
	s3 =	simm.s32 $0x0  }
0x3: {  	s10 =	simm.s32 $0xC80;
	s11 =	simm.s32 $0x80;
	s12 =	simm.s32 $0x1900  }
0x4: {  	s13 =	simm.s32 $0x5900;
	s14 =	simm.s32 $0x1;
	s15 =	simm.s32 $0x2  }
0x5: {  	s4 =	sand.u32 $0x1, s1;
	s6 =	sshll.u32 s0, $0x1;
	s1 =	rddreg [dreg:$0x2]  }
0x6: {  	s16 =	simm.s32 $0x0;
	[smem:$0x7FF] =	sst s3;
	s7 =	sor.u32 s4, s6  }
0x7: {  	s8 =	ssub.s32 $0x2, s4;
	_ =	strace $0x80000047;
	s6 =	smul.u32 $0x190, s7  }
0x8: {  	s4 =	sadd.s32 $0x1877400, s5;
	s9 =	sshrl.u32 s8, $0x1;
	s7 =	smul.u32 $0x64000, s7  }
0x9: {  	s8 =	ssub.s32 s8, s9;
	s9 =	simm.s32 $0x3;
	s6 =	sadd.s32 s6, s5  }
0xa: {  	s8 =	smax.u32 s8, $0x1;
	s5 =	sadd.s32 $0x1871000, s6;
	s6 =	sadd.s32 $0x1874200, s6  }
.LBB2_1:
0xb: {  	[tilespmem:s3], [sflag:$0x3] =	stream.linear.gather [hbm4b:s5+s3], $0xC80, $0x38;
	[tilespmem:$0x9900] =	vst v63  }
0xc: {  	_ =	swait.ge [sflag:s9], $0xC80  }
0xd: {  	[sflag:s9] =	ssyncset.done $0x0  }
0xe: {  	[sflag:s9] =	ssyncadd.s32 $0xFFFFF380  }
0xf: {  	[tilespmem:s10], [sflag:$0x3] =	stream.linear.gather [hbm4b:s6+s3], $0xC80, $0x38;
	[tilespmem:$0x9900] =	vst v63  }
0x10: {  	_ =	swait.ge [sflag:s9], $0xC80  }
0x11: {  	[sflag:s9] =	ssyncset.done $0x0  }
0x12: {  	s17 =	simm.s32 $0x0;
	[sflag:s9] =	ssyncadd.s32 $0xFFFFF380  }
.LBB2_2:
0x13: {  	s18 =	sshll.u32 s17, $0x7  }
0x14: {  	[tilespmem:s12], [sflag:$0x1] =	stream.indirect.gather [hbm4b:s4+s11], $0x80, s18, s11, $0xb8;
	[tilespmem:$0x9900] =	vst v63  }
0x15: {  	s18 =	sadd.s32 $0xC80, s18  }
0x16: {  	[tilespmem:s13], [sflag:$0x2] =	stream.indirect.gather [hbm4b:s4+s11], $0x80, s18, s11, $0xb8;
	[tilespmem:$0x9900] =	vst v63  }
0x17: {  	_ =	swait.ge [sflag:s14], $0x4000  }
0x18: {  	[sflag:s14] =	ssyncset.done $0x0  }
0x19: {  	[sflag:s14] =	ssyncadd.s32 $0xFFFFC000  }
0x1a: {  	_ =	swait.ge [sflag:s15], $0x4000  }
0x1b: {  	[sflag:s15] =	ssyncset.done $0x0  }
0x1c: {  	s18 =	simm.s32 $0x0;
	[sflag:s15] =	ssyncadd.s32 $0xFFFFC000  }
0x1d: {  	v0 =	vld [tilespmem:s18+$0x5900]  }
0x1e: {  	v1 =	vld [tilespmem:s18+$0x5910]  }
0x1f: {  	s19 =	simm.s32 $0x200;
	v2 =	vld [tilespmem:s18+$0x1900]  }
.LBB2_3:
0x20: {  	p0 =	sne.s32 s19, $0xFE00;
	v3 =	vld [tilespmem:s18+$0x1910];
	_ =	sdelay $0x3  }
0x21: {  	v0 =	vadd.f32 v0, v2  }
.Ltmp0:
0x22: {  	v1 =	vadd.f32 v1, v3;
	(pc) =	sbr.rel @p0 .LBB2_3-.Ltmp0, $4  }
0x23: {  	s20 =	sshra.s32 s19, $0x2;
	v2 =	vmul.f32 $7.071067690e-01, v0  }
0x24: {  	v0 =	vld [tilespmem:s20+$0x5900];
	v3 =	vmul.f32 $7.071067690e-01, v1  }
0x25: {  	v1 =	vld [tilespmem:s20+$0x5910];
	[tilespmem:s18+$0x1900] =	vst v2  }
0x26: {  	s19 =	sadd.s32 $0x200, s19;
	v2 =	vld [tilespmem:s20+$0x1900];
	[tilespmem:s18+$0x1910] =	vst v3;
	s18 =	smov.u32 s20  }
0x27: {  	v3 =	vld [tilespmem:s18+$0x1910];
	_ =	sdelay $0x3  }
0x28: {  	v0 =	vadd.f32 v0, v2  }
0x29: {  	v1 =	vadd.f32 v1, v3  }
0x2a: {  	s19 =	sshll.u32 s17, $0xE;
	v0 =	vmul.f32 $7.071067690e-01, v0  }
0x2b: {  	s17 =	sadd.s32 $0x1, s17;
	s19 =	sadd.s32 s7, s19;
	v1 =	vmul.f32 $7.071067690e-01, v1  }
0x2c: {  	p0 =	sne.s32 s17, $0x19;
	s19 =	sshrl.u32 s19, $0x3;
	[tilespmem:s18+$0x1900] =	vst v0  }
.Ltmp1:
0x2d: {  	s31 =	sadd.s32 s2, s19;
	[tilespmem:s18+$0x1910] =	vst v1;
	(pc) =	sbr.rel @p0 .LBB2_2-.Ltmp1, $4  }
0x2e: {  	[hbm4b:s31+s3] =	stream.linear.scatter [tilespmem:s12], [sflag:$0x3], $0x4000, $0x38;
	[tilespmem:$0x9900] =	vst v63  }
0x2f: {  	_ =	swait.ge [sflag:s9], $0x4000  }
0x30: {  	[sflag:s9] =	ssyncset.done $0x0  }
0x31: {  	[sflag:s9] =	ssyncadd.s32 $0xFFFFC000  }
0x32: {  	s16 =	sadd.s32 $0x1, s16  }
0x33: {  	p0 =	sne.s32 s16, s8  }
.Ltmp2:
0x34: {  	_ = 	snop;
	(pc) =	sbr.rel @p0 .LBB2_1-.Ltmp2, $1  }
0x35: {  	_ =	sdelay $0x3  }
0x36: {  	_ =	sfence.sel $0x180000  }
0x37: {  	[bflag:$0x0] =	sbarrier.arrive $0xFFFF  }
0x38: {  	p0 =	sne.s32 s0, $0x0;
	_ =	strace $0x90000047  }
0x39: {  	s0 =	sadd.s32 @!p0 $0x100000, s1;
	[bflag:$0x2] =	sbarrier.arrive $0xFFFF  }
0x3a: {  	[sflag:s0] =	ssyncadd.tile.s32 @!p0 $0x1;
	_ =	shalt  }
.Lfunc_end2:
_tile_overlayer_lowered:
.L_overlay_start_2:
0x3b: {  	(tag) =	ssettag $0x2  }
0x3c: {  	s0 =	rddreg [dreg:$0x0];
	s2 =	stileid.u32  }
0x3d: {  	s1 =	rddreg [dreg:$0x1];
	p0 =	sne.s32 s2, $0x0  }
0x3e: {  	s3 =	rddreg [dreg:$0x2];
	[bflag:$0x3] =	sbarrier.arrive $0xFFFF;
	s2 =	simm.s32 @!p0 $0x1C03  }
0x3f: {  	[timem:s3], [sflag:s2] =	dma.local @!p0 [hbm:s0], s1  }
0x40: {  	s0 =	simm.s32 @!p0 $0x3  }
0x41: {  	_ =	swait.ge @!p0 [sflag:s0], s1  }
0x42: {  	s1 =	ssub.s32 @!p0 $0x0, s1;
	[sflag:s0] =	ssyncset.done @!p0 $0x0  }
0x43: {  	[sflag:s0] =	ssyncadd.s32 @!p0 s1  }
0x44: {  	[bflag:$0x3] =	sbarrier.arrive $0xFFFF  }
0x45: {  	_ =	shalt  }

// kernel: kernel.14.cloned.1.call-start
scs
__scs_entry_jumppad:
0x0: {  	(pc) =	sbr.rel $0x88, $3  }
0x1: {  	(tag) =	ssettag $0x0;
	lr =	simm.s32 $0x1  }
0x2: {  	[smem:$0x3F77] =	sst lr;
	_ =	strace $0xD0000000  }
0x3: {  	_ = 	snop  }
0x4: {  	_ = 	snop  }
0x5: {  	_ = 	snop  }
0x6: {  	_ = 	snop  }
0x7: {  	_ = 	snop  }
__scs_overlays_trampoline_lowered:
0x8: {  	[smem:$0x3F86] =	sst s0  }
0x9: {  	[smem:$0x3F87] =	sst s1  }
0xa: {  	[smem:$0x3F88] =	sst s2  }
0xb: {  	[smem:$0x3F89] =	sst s3  }
0xc: {  	[smem:$0x3F8A] =	sst s4  }
0xd: {  	[smem:$0x3F8B] =	sst s5  }
0xe: {  	[smem:$0x3F8C] =	sst s6  }
0xf: {  	[smem:$0x3F8D] =	sst s7  }
0x10: {  	[smem:$0x3F8E] =	sst s8  }
0x11: {  	[smem:$0x3F8F] =	sst s9;
	s0 =	simm.s32 @!p0 $0x0  }
0x12: {  	s1 =	sld [smem:$0x3F75];
	s0 =	simm.s32 @p0 $0x1  }
0x13: {  	[smem:$0x3F90] =	sst s0;
	s0 =	simm.s32 @!p1 $0x0  }
0x14: {  	s2 =	sld [smem:$0x3F74];
	s0 =	simm.s32 @p1 $0x1  }
0x15: {  	[smem:$0x3F91] =	sst s0;
	s0 =	simm.s32 @!p2 $0x0  }
0x16: {  	s3 =	sld [smem:$0x3FDB];
	s0 =	simm.s32 @p2 $0x1  }
0x17: {  	s4 =	simm.s32 $0x1BF5;
	[smem:$0x3F93] =	sst s0  }
0x18: {  	s0 =	sld [smem:$0x3F76];
	_ =	swait.ge [sflag:s4], $0x0  }
0x19: {  	s7 =	sld [smem:$0x3F77]  }
0x1a: {  	s8 =	sadd.s32 $0xFFFFE003, lr  }
0x1b: {  	s9 =	sadd.s32 $0xFFFFFEF7, lr;
	s5 =	simm.s32 $0xFFFFFFFF;
	p2 =	slt.u32 s8, $0xFFFFF086  }
0x1c: {  	p1 =	slt.u32 s9, $0xF7A;
	s5 =	simm.s32 @!p2 $0x0  }
0x1d: {  	s5 =	simm.s32 @p1 $0x1;
	p0 =	seq.s32 s7, s2  }
0x1e: {  	s7 =	smul.u32 @!p0 $0xF7A, s2;
	p2 =	seq.s32 @!p0 s5, $0x0  }
0x1f: {  	s9 =	smul.u32 $0xF7A, s1;
	s8 =	simm.s32 @!p0 $0x1BF5;
	p2 =	por !p2, p0  }
0x20: {  	[sflag:s8] =	ssyncset.s32 @!p0 $0xFFFFF086;
	s6 =	sadd.s32 @!p0 s3, s7;
	s7 =	simm.s32 @!p0 $0x108  }
0x21: {  	s3 =	sadd.s32 s3, s9;
	s6 =	sadd.s32 @!p0 $0x88, s6;
	s7 =	simm.s32 @p2 $0x1082  }
0x22: {  	[simem:s7], [sflag:s8] =	dma.local @!p0 [hbm:s6], $0xF7A  }
0x23: {  	s9 =	sor.u32 $0xD0000000, s2;
	s6 =	simm.s32 $0x108;
	_ =	swait.ge @!p0 [sflag:s8], $0x0  }
0x24: {  	s3 =	sadd.s32 $0x88, s3;
	s6 =	simm.s32 @!p1 $0x1082;
	[sflag:s4] =	ssyncset.s32 $0xFFFFF086  }
0x25: {  	[simem:s6], [sflag:s4] =	dma.local [hbm:s3], $0xF7A  }
0x26: {  	[smem:$0x3F77] =	sst s1;
	(tag) =	ssettag s2;
	_ =	strace s9  }
0x27: {  	s1 =	sld [smem:$0x3F87]  }
0x28: {  	s2 =	sld [smem:$0x3F88]  }
0x29: {  	s4 =	sld [smem:$0x3F8A]  }
0x2a: {  	p0 =	seq.s32 s5, $0x0;
	s5 =	sld [smem:$0x3F8B]  }
0x2b: {  	s6 =	sld [smem:$0x3F8C]  }
0x2c: {  	s7 =	sld [smem:$0x3F8D]  }
0x2d: {  	s3 =	simm.s32 $0x108;
	s8 =	sld [smem:$0x3F8E]  }
0x2e: {  	s3 =	simm.s32 @!p0 $0x1082;
	s9 =	sld [smem:$0x3F8F]  }
0x2f: {  	lr =	sadd.s32 s0, s3;
	s0 =	sld [smem:$0x3F86]  }
0x30: {  	s3 =	sld [smem:$0x3F89]  }
0x31: {  	[smem:$0x3F92] =	sst s10  }
0x32: {  	s10 =	sld [smem:$0x3F90];
	_ =	sdelay $0x3  }
0x33: {  	p0 =	seq.s32 s10, $0x1;
	s10 =	sld [smem:$0x3F92];
	_ =	sdelay $0x3  }
0x34: {  	[smem:$0x3F92] =	sst s10  }
0x35: {  	s10 =	sld [smem:$0x3F91];
	_ =	sdelay $0x3  }
0x36: {  	p1 =	seq.s32 s10, $0x1;
	s10 =	sld [smem:$0x3F92];
	_ =	sdelay $0x3  }
0x37: {  	[smem:$0x3F92] =	sst s10  }
0x38: {  	s10 =	sld [smem:$0x3F93]  }
0x39: {  	_ = 	snop;
	(pc) =	sbr.ind lr, $3  }
0x3a: {  	_ = 	snop  }
0x3b: {  	_ = 	snop  }
0x3c: {  	p2 =	seq.s32 s10, $0x1;
	s10 =	sld [smem:$0x3F92]  }
0x3d: {  	_ =	shalt  }
0x3e: {  	_ =	shalt  }
0x3f: {  	_ =	shalt  }
0x40: {  	_ =	shalt  }
0x41: {  	_ =	shalt  }
0x42: {  	_ =	shalt  }
0x43: {  	_ =	shalt  }
0x44: {  	_ =	shalt  }
0x45: {  	_ =	shalt  }
0x46: {  	_ =	shalt  }
0x47: {  	_ =	shalt  }
0x48: {  	_ =	shalt  }
0x49: {  	_ =	shalt  }
0x4a: {  	_ =	shalt  }
0x4b: {  	_ =	shalt  }
0x4c: {  	_ =	shalt  }
0x4d: {  	_ =	shalt  }
0x4e: {  	_ =	shalt  }
0x4f: {  	_ =	shalt  }
0x50: {  	_ =	shalt  }
0x51: {  	_ =	shalt  }
0x52: {  	_ =	shalt  }
0x53: {  	_ =	shalt  }
0x54: {  	_ =	shalt  }
0x55: {  	_ =	shalt  }
0x56: {  	_ =	shalt  }
0x57: {  	_ =	shalt  }
0x58: {  	_ =	shalt  }
0x59: {  	_ =	shalt  }
0x5a: {  	_ =	shalt  }
0x5b: {  	_ =	shalt  }
0x5c: {  	_ =	shalt  }
0x5d: {  	_ =	shalt  }
0x5e: {  	_ =	shalt  }
0x5f: {  	_ =	shalt  }
0x60: {  	_ =	shalt  }
0x61: {  	_ =	shalt  }
0x62: {  	_ =	shalt  }
0x63: {  	_ =	shalt  }
0x64: {  	_ =	shalt  }
0x65: {  	_ =	shalt  }
0x66: {  	_ =	shalt  }
0x67: {  	_ =	shalt  }
0x68: {  	_ =	shalt  }
0x69: {  	_ =	shalt  }
0x6a: {  	_ =	shalt  }
0x6b: {  	_ =	shalt  }
0x6c: {  	_ =	shalt  }
0x6d: {  	_ =	shalt  }
0x6e: {  	_ =	shalt  }
0x6f: {  	_ =	shalt  }
0x70: {  	_ =	shalt  }
0x71: {  	_ =	shalt  }
0x72: {  	_ =	shalt  }
0x73: {  	_ =	shalt  }
0x74: {  	_ =	shalt  }
0x75: {  	_ =	shalt  }
0x76: {  	_ =	shalt  }
0x77: {  	_ =	shalt  }
0x78: {  	_ =	shalt  }
0x79: {  	_ =	shalt  }
0x7a: {  	_ =	shalt  }
0x7b: {  	_ =	shalt  }
0x7c: {  	_ =	shalt  }
0x7d: {  	_ =	shalt  }
0x7e: {  	_ =	shalt  }
0x7f: {  	_ =	shalt  }
0x80: {  	_ =	shalt  }
0x81: {  	_ =	shalt  }
0x82: {  	_ =	shalt  }
0x83: {  	_ =	shalt  }
0x84: {  	_ =	shalt  }
0x85: {  	_ =	shalt  }
0x86: {  	_ =	shalt  }
0x87: {  	_ =	shalt  }
.Lfunc_end0:
.L_simem_size_0:
called_computation.2_lowered:
.L_overlay_start_0:
0x88: {  	s2 =	sld [smem:$0x3FD9]  }
0x89: {  	s3 =	sld [smem:$0x3FFE];
	_ =	sdelay $0x1  }
0x8a: {  	s1 =	srdreg.scid  }
0x8b: {  	s0 =	sand.u32 $0x1, s1  }
0x8c: {  	s14 =	sshll.u32 s0, $0xA;
	s2 =	sadd.s32 s3, s2  }
0x8d: {  	s2 =	sadd.s32 s2, s14  }
0x8e: {  	[smem:$0x3F9E] =	sst s2  }
0x8f: {  	_ = 	snop  }
0x90: {  	s2 =	sld [smem:$0x3FD0];
	_ =	sdelay $0x2  }
0x91: {  	s15 =	simm.s32 $0xA;
	s4 =	simm.s32 $0x10  }
0x92: {  	[smem:s4], [sflag:s15] =	dma.local [hbm:s2], $0x1  }
0x93: {  	_ =	swait.eq [sflag:s15], $0x1  }
0x94: {  	[sflag:s15] =	ssyncset.done $0x0  }
0x95: {  	s16 =	sld [smem:$0x10];
	[sflag:s15] =	ssyncadd.s32 $0xFFFFFFFF  }
0x96: {  	s17 =	sld [smem:$0x11];
	(tm) =	ssettm $0x1  }
0x97: {  	s18 =	sld [smem:$0x3FFB];
	_ =	sdelay $0x3  }
0x98: {  	_ =	strace s18  }
0x99: {  	s4 =	sld [smem:$0x3FFC];
	_ =	sdelay $0x3  }
0x9a: {  	_ =	strace s4  }
0x9b: {  	s4 =	sld [smem:$0x3FFD];
	_ =	sdelay $0x3  }
0x9c: {  	_ =	strace s4  }
0x9d: {  	_ =	strace $0x8FFFFFFF  }
0x9e: {  	s19 =	sld [smem:$0x3FDB];
	_ =	sdelay $0x1  }
0x9f: {  	s5 =	simm.s32 $_scs_section_size  }
0xa0: {  	s6 =	simm.s32 $_size__tile_overlayer_lowered;
	s7 =	simm.s32 $_tile_overlayer_lowered  }
0xa1: {  	s22 =	simm.s32 $0x1BFF;
	s21 =	sshll.u32 s7, $0x1;
	s4 =	sadd.s32 s5, s19  }
0xa2: {  	s8 =	simm.s32 $0x0;
	s20 =	sshll.u32 s6, $0x1;
	s6 =	sadd.s32 s21, s4  }
0xa3: {  	[timem:s8], [sflag:s22] =	dma.local [hbm:s6], s20  }
0xa4: {  	_ =	swait.ge [sflag:s22], s20  }
0xa5: {  	s5 =	ssub.s32 $0x0, s20;
	[sflag:s22] =	ssyncset.done $0x0  }
0xa6: {  	[sflag:s22] =	ssyncadd.s32 s5;
	_ =	sdelay $0x1  }
0xa7: {  	s23 =	simm.s32 $0x1B8B  }
0xa8: {  	_ =	swait.ge [sflag:s23], $0x1  }
0xa9: {  	[sflag:s23] =	ssyncset.done $0x0  }
0xaa: {  	s25 =	simm.s32 $0x1B8E;
	s24 =	sld [smem:$0x3FFE];
	[sflag:s23] =	ssyncadd.s32 $0xFFFFFFFF  }
0xab: {  	s26 =	simm.s32 $execute0_lowered;
	[smem:$0x3FD2] =	sst s25  }
0xac: {  	s6 =	sshll.u32 s26, $0x1;
	_ =	strace $0x80000049;
	[dreg:$0x1] =	wrdreg $0xFFFFFFFF  }
0xad: {  	s28 =	simm.s32 $_size_execute0_lowered;
	s4 =	sadd.s32 s4, s6;
	[dreg:$0x0] =	wrdreg $0x0  }
0xae: {  	s6 =	sshll.u32 s28, $0x1;
	[dreg:$0x2] =	wrdreg s4  }
0xaf: {  	[dreg:$0x3] =	wrdreg s6  }
0xb0: {  	[dreg:$0x4] =	wrdreg $0xC0  }
0xb1: {  	_ =	task [dreg:s8], $0x5FFFF  }
0xb2: {  	[dreg:$0x1] =	wrdreg $0xFFFFFFFF  }
0xb3: {  	[dreg:$0x0] =	wrdreg $0x60  }
0xb4: {  	[dreg:$0x2] =	wrdreg s17  }
0xb5: {  	[dreg:$0x3] =	wrdreg s16  }
0xb6: {  	[dreg:$0x4] =	wrdreg s24  }
0xb7: {  	[dreg:$0x5] =	wrdreg $0x9  }
0xb8: {  	_ =	task.clear_ibuf [dreg:s8], $0x6FFFF;
	_ =	strace $0x90000049  }
0xb9: {  	s29 =	simm.s32 $0x9;
	_ =	strace $0x8000004B  }
0xba: {  	_ =	swait.ge [sflag:s29], $0x1  }
0xbb: {  	[sflag:s29] =	ssyncadd.s32 $0xFFFFFFFF  }
0xbc: {  	_ =	strace $0x9000004B  }
0xbd: {  	_ =	sfence  }
0xbe: {  	s30 =	sld [smem:$0x0];
	_ =	sdelay $0x2  }
0xbf: {  	s31 =	sshll.u32 s1, $0xD;
	s1 =	sshrl.u32 s1, $0x2  }
0xc0: {  	s3 =	sand.u32 $0x4000, s31;
	s1 =	sadd.s32 s1, s30  }
0xc1: {  	s0 =	sor.u32 s3, s0;
	s1 =	sshll.u32 s1, $0x11  }
0xc2: {  	s0 =	sor.u32 s1, s0  }
0xc3: {  	s0 =	sadd.s32 $0x8F2B, s0  }
0xc4: {  	[sflag:s0] =	ssyncadd.remote.s32 $0x1  }
0xc5: {  	_ =	sfence.sel $0xFFFF  }
0xc6: {  	[dreg:$0x0] =	wrdreg $0xFFFFFFFF;
	(pc) =	sbr.abs _section_cstart, $3  }
0xc7: {  	[dreg:$0x1] =	wrdreg $0xFFFFFFFF  }
0xc8: {  	_ =	task.clear_ibuf [dreg:s8], $0x2FFFF;
	_ =	strace $0x9FFFFFFF  }
0xc9: {  	(tm) =	ssettm $0x7FFFFFFF  }
tec
execute0_lowered:
.L_overlay_start_1:
0x0: {  	(tag) =	ssettag $0x1  }
0x1: {  	s1 =	rddreg [dreg:$0x0]  }
0x2: {  	s2 =	srdreg.scid;
	s4 =	rddreg [dreg:$0x1]  }
0x3: {  	s0 =	stileid.u32;
	s6 =	rddreg [dreg:$0x2]  }
0x4: {  	s3 =	simm.s32 $0x0;
	s16 =	simm.s32 $0x80;
	s17 =	simm.s32 $0x6200  }
0x5: {  	s18 =	simm.s32 $0xA200;
	s19 =	simm.s32 $0x1;
	s20 =	simm.s32 $0x2  }
0x6: {  	s21 =	simm.s32 $0x0;
	s5 =	sand.u32 $0x1, s2;
	s2 =	rddreg [dreg:$0x3]  }
0x7: {  	s26 =	sshll.u32 s0, $0x1;
	[smem:$0x7FF] =	sst s3;
	s11 =	smul.u32 $0x620000, s0  }
0x8: {  	s12 =	sadd.s32 $0x24C4C00, s6;
	s7 =	sor.u32 s5, s26;
	s29 =	smul.u32 $0x310000, s5  }
0x9: {  	s14 =	sadd.s32 $0x3104C00, s6;
	s10 =	ssub.s32 $0x2, s5;
	s8 =	smul.u32 $0xC40, s7  }
0xa: {  	_ =	strace $0x8000004A;
	s7 =	smul.u32 $0x310000, s7;
	s28 =	sshrl.u32 s10, $0x1  }
0xb: {  	s11 =	sadd.s32 s29, s11;
	s9 =	sadd.s32 s8, s6;
	s6 =	ssub.s32 s10, s28  }
0xc: {  	s4 =	sadd.s32 s4, s8;
	s7 =	sshrl.u32 s7, $0x3;
	s13 =	sor.u32 $0x4000, s11  }
0xd: {  	s15 =	sshrl.u32 s11, $0x3;
	s5 =	sadd.s32 $0x24AC400, s9;
	s6 =	smax.u32 s6, $0x1  }
0xe: {  	s30 =	sadd.s32 $0x61000, s7;
	s31 =	sadd.s32 $0x61800, s7;
	s13 =	sshrl.u32 s13, $0x3  }
0xf: {  	s7 =	sadd.s32 s12, s30;
	s8 =	sadd.s32 s12, s31;
	s9 =	sadd.s32 s14, s30  }
0x10: {  	s10 =	sadd.s32 s14, s31;
	s11 =	sadd.s32 s13, s12;
	s12 =	sadd.s32 s15, s12  }
0x11: {  	s13 =	sadd.s32 s13, s14;
	s14 =	sadd.s32 s15, s14;
	s15 =	simm.s32 $0x3  }
.LBB2_1:
0x12: {  	[tilespmem:s3], [sflag:$0x3] =	stream.linear.gather [hbm4b:s4+s3], $0x6200, $0x38;
	[tilespmem:$0xE200] =	vst v63  }
0x13: {  	_ =	swait.ge [sflag:s15], $0x6200  }
0x14: {  	[sflag:s15] =	ssyncset.done $0x0  }
0x15: {  	[sflag:s15] =	ssyncadd.s32 $0xFFFF9E00  }
0x16: {  	[tilespmem:s17], [sflag:$0x1] =	stream.indirect.gather [hbm4b:s1+s16], $0x80, s3, s16, $0xb8;
	[tilespmem:$0xE200] =	vst v63  }
0x17: {  	_ = 	snop  }
0x18: {  	[tilespmem:s18], [sflag:$0x2] =	stream.indirect.gather [hbm4b:s1+s16], $0x80, s16, s16, $0xb8;
	[tilespmem:$0xE200] =	vst v63  }
0x19: {  	_ =	swait.ge [sflag:s19], $0x4000  }
0x1a: {  	[sflag:s19] =	ssyncset.done $0x0  }
0x1b: {  	s22 =	sadd.s32 $0x0, s12;
	[sflag:s19] =	ssyncadd.s32 $0xFFFFC000  }
0x1c: {  	[hbm4b:s22+s3] =	stream.linear.scatter [tilespmem:s17], [sflag:$0x3], $0x4000, $0x38;
	[tilespmem:$0xE200] =	vst v63  }
0x1d: {  	_ =	swait.ge [sflag:s15], $0x4000  }
0x1e: {  	[sflag:s15] =	ssyncset.done $0x0  }
0x1f: {  	s30 =	simm.s32 $0x100;
	[sflag:s15] =	ssyncadd.s32 $0xFFFFC000  }
0x20: {  	[tilespmem:s17], [sflag:$0x1] =	stream.indirect.gather [hbm4b:s1+s16], $0x80, s30, s16, $0xb8;
	[tilespmem:$0xE200] =	vst v63  }
0x21: {  	_ =	swait.ge [sflag:s20], $0x4000  }
0x22: {  	[sflag:s20] =	ssyncset.done $0x0  }
0x23: {  	s31 =	sadd.s32 $0x0, s11;
	[sflag:s20] =	ssyncadd.s32 $0xFFFFC000  }
0x24: {  	[hbm4b:s31+s3] =	stream.linear.scatter [tilespmem:s18], [sflag:$0x3], $0x4000, $0x38;
	[tilespmem:$0xE200] =	vst v63  }
0x25: {  	_ =	swait.ge [sflag:s15], $0x4000  }
0x26: {  	s23 =	simm.s32 $0x1000;
	[sflag:s15] =	ssyncset.done $0x0  }
0x27: {  	s24 =	simm.s32 $0x280;
	s22 =	simm.s32 $0x180;
	[sflag:s15] =	ssyncadd.s32 $0xFFFFC000  }
.LBB2_2:
0x28: {  	[tilespmem:s18], [sflag:$0x2] =	stream.indirect.gather [hbm4b:s1+s16], $0x80, s22, s16, $0xb8;
	[tilespmem:$0xE200] =	vst v63  }
0x29: {  	s25 =	smov.u32 s23;
	s22 =	smov.u32 s24  }
0x2a: {  	p0 =	sne.s32 s23, $0x60000;
	s23 =	sadd.s32 $0x1000, s23;
	_ =	swait.ge [sflag:s19], $0x4000  }
0x2b: {  	[sflag:s19] =	ssyncset.done $0x0  }
0x2c: {  	s26 =	sadd.s32 s25, s12;
	[sflag:s19] =	ssyncadd.s32 $0xFFFFC000  }
0x2d: {  	[hbm4b:s26+s3] =	stream.linear.scatter [tilespmem:s17], [sflag:$0x3], $0x4000, $0x38;
	[tilespmem:$0xE200] =	vst v63  }
0x2e: {  	_ =	swait.ge [sflag:s15], $0x4000  }
0x2f: {  	[sflag:s15] =	ssyncset.done $0x0  }
0x30: {  	s26 =	sadd.s32 $0xFFFFFF80, s24;
	[sflag:s15] =	ssyncadd.s32 $0xFFFFC000  }
0x31: {  	[tilespmem:s17], [sflag:$0x1] =	stream.indirect.gather [hbm4b:s1+s16], $0x80, s26, s16, $0xb8;
	[tilespmem:$0xE200] =	vst v63  }
0x32: {  	_ =	swait.ge [sflag:s20], $0x4000  }
0x33: {  	[sflag:s20] =	ssyncset.done $0x0  }
.Ltmp0:
0x34: {  	s25 =	sadd.s32 s25, s11;
	[sflag:s20] =	ssyncadd.s32 $0xFFFFC000;
	(pc) =	sbr.rel @p0 .LBB2_2-.Ltmp0, $4  }
0x35: {  	[hbm4b:s25+s3] =	stream.linear.scatter [tilespmem:s18], [sflag:$0x3], $0x4000, $0x38;
	[tilespmem:$0xE200] =	vst v63  }
0x36: {  	_ =	swait.ge [sflag:s15], $0x4000  }
0x37: {  	[sflag:s15] =	ssyncset.done $0x0  }
0x38: {  	s24 =	sadd.s32 $0x100, s24;
	[sflag:s15] =	ssyncadd.s32 $0xFFFFC000  }
0x39: {  	[tilespmem:s18], [sflag:$0x2] =	stream.indirect.gather [hbm4b:s1+s16], $0x80, s22, s16, $0xb8;
	[tilespmem:$0xE200] =	vst v63  }
0x3a: {  	_ =	swait.ge [sflag:s19], $0x4000  }
0x3b: {  	[sflag:s19] =	ssyncset.done $0x0  }
0x3c: {  	s28 =	simm.s32 $0x0;
	[sflag:s19] =	ssyncadd.s32 $0xFFFFC000  }
0x3d: {  	[hbm4b:s7+s28] =	stream.linear.scatter [tilespmem:s17], [sflag:$0x3], $0x4000, $0x38;
	[tilespmem:$0xE200] =	vst v63  }
0x3e: {  	_ =	swait.ge [sflag:s15], $0x4000  }
0x3f: {  	[sflag:s15] =	ssyncset.done $0x0  }
0x40: {  	[sflag:s15] =	ssyncadd.s32 $0xFFFFC000  }
0x41: {  	_ =	swait.ge [sflag:s20], $0x4000  }
0x42: {  	[sflag:s20] =	ssyncset.done $0x0  }
0x43: {  	[sflag:s20] =	ssyncadd.s32 $0xFFFFC000  }
0x44: {  	[hbm4b:s8+s28] =	stream.linear.scatter [tilespmem:s18], [sflag:$0x3], $0x4000, $0x38;
	[tilespmem:$0xE200] =	vst v63  }
0x45: {  	_ =	swait.ge [sflag:s15], $0x4000  }
0x46: {  	[sflag:s15] =	ssyncset.done $0x0  }
0x47: {  	[sflag:s15] =	ssyncadd.s32 $0xFFFFC000  }
0x48: {  	[tilespmem:s28], [sflag:$0x3] =	stream.linear.gather [hbm4b:s5+s28], $0x6200, $0x38;
	[tilespmem:$0xE200] =	vst v63  }
0x49: {  	_ =	swait.ge [sflag:s15], $0x6200  }
0x4a: {  	[sflag:s15] =	ssyncset.done $0x0  }
0x4b: {  	[sflag:s15] =	ssyncadd.s32 $0xFFFF9E00  }
0x4c: {  	[tilespmem:s17], [sflag:$0x1] =	stream.indirect.gather [hbm4b:s1+s16], $0x80, s28, s16, $0xb8;
	[tilespmem:$0xE200] =	vst v63  }
0x4d: {  	_ = 	snop  }
0x4e: {  	[tilespmem:s18], [sflag:$0x2] =	stream.indirect.gather [hbm4b:s1+s16], $0x80, s16, s16, $0xb8;
	[tilespmem:$0xE200] =	vst v63  }
0x4f: {  	_ =	swait.ge [sflag:s19], $0x4000  }
0x50: {  	[sflag:s19] =	ssyncset.done $0x0  }
0x51: {  	s29 =	sadd.s32 $0x0, s14;
	[sflag:s19] =	ssyncadd.s32 $0xFFFFC000  }
0x52: {  	[hbm4b:s29+s3] =	stream.linear.scatter [tilespmem:s17], [sflag:$0x3], $0x4000, $0x38;
	[tilespmem:$0xE200] =	vst v63  }
0x53: {  	_ =	swait.ge [sflag:s15], $0x4000  }
0x54: {  	[sflag:s15] =	ssyncset.done $0x0  }
0x55: {  	s30 =	simm.s32 $0x100;
	[sflag:s15] =	ssyncadd.s32 $0xFFFFC000  }
0x56: {  	[tilespmem:s17], [sflag:$0x1] =	stream.indirect.gather [hbm4b:s1+s16], $0x80, s30, s16, $0xb8;
	[tilespmem:$0xE200] =	vst v63  }
0x57: {  	_ =	swait.ge [sflag:s20], $0x4000  }
0x58: {  	[sflag:s20] =	ssyncset.done $0x0  }
0x59: {  	s31 =	sadd.s32 $0x0, s13;
	[sflag:s20] =	ssyncadd.s32 $0xFFFFC000  }
0x5a: {  	[hbm4b:s31+s3] =	stream.linear.scatter [tilespmem:s18], [sflag:$0x3], $0x4000, $0x38;
	[tilespmem:$0xE200] =	vst v63  }
0x5b: {  	_ =	swait.ge [sflag:s15], $0x4000  }
0x5c: {  	s22 =	simm.s32 $0x180;
	[sflag:s15] =	ssyncset.done $0x0  }
0x5d: {  	s23 =	simm.s32 $0x1000;
	s24 =	simm.s32 $0x280;
	[sflag:s15] =	ssyncadd.s32 $0xFFFFC000  }
.LBB2_4:
0x5e: {  	[tilespmem:s18], [sflag:$0x2] =	stream.indirect.gather [hbm4b:s1+s16], $0x80, s22, s16, $0xb8;
	[tilespmem:$0xE200] =	vst v63  }
0x5f: {  	s25 =	smov.u32 s23;
	s22 =	smov.u32 s24  }
0x60: {  	p0 =	sne.s32 s23, $0x60000;
	s23 =	sadd.s32 $0x1000, s23;
	_ =	swait.ge [sflag:s19], $0x4000  }
0x61: {  	[sflag:s19] =	ssyncset.done $0x0  }
0x62: {  	s26 =	sadd.s32 s25, s14;
	[sflag:s19] =	ssyncadd.s32 $0xFFFFC000  }
0x63: {  	[hbm4b:s26+s3] =	stream.linear.scatter [tilespmem:s17], [sflag:$0x3], $0x4000, $0x38;
	[tilespmem:$0xE200] =	vst v63  }
0x64: {  	_ =	swait.ge [sflag:s15], $0x4000  }
0x65: {  	[sflag:s15] =	ssyncset.done $0x0  }
0x66: {  	s26 =	sadd.s32 $0xFFFFFF80, s24;
	[sflag:s15] =	ssyncadd.s32 $0xFFFFC000  }
0x67: {  	[tilespmem:s17], [sflag:$0x1] =	stream.indirect.gather [hbm4b:s1+s16], $0x80, s26, s16, $0xb8;
	[tilespmem:$0xE200] =	vst v63  }
0x68: {  	_ =	swait.ge [sflag:s20], $0x4000  }
0x69: {  	[sflag:s20] =	ssyncset.done $0x0  }
.Ltmp1:
0x6a: {  	s25 =	sadd.s32 s25, s13;
	[sflag:s20] =	ssyncadd.s32 $0xFFFFC000;
	(pc) =	sbr.rel @p0 .LBB2_4-.Ltmp1, $4  }
0x6b: {  	[hbm4b:s25+s3] =	stream.linear.scatter [tilespmem:s18], [sflag:$0x3], $0x4000, $0x38;
	[tilespmem:$0xE200] =	vst v63  }
0x6c: {  	_ =	swait.ge [sflag:s15], $0x4000  }
0x6d: {  	[sflag:s15] =	ssyncset.done $0x0  }
0x6e: {  	s24 =	sadd.s32 $0x100, s24;
	[sflag:s15] =	ssyncadd.s32 $0xFFFFC000  }
0x6f: {  	[tilespmem:s18], [sflag:$0x2] =	stream.indirect.gather [hbm4b:s1+s16], $0x80, s22, s16, $0xb8;
	[tilespmem:$0xE200] =	vst v63  }
0x70: {  	_ =	swait.ge [sflag:s19], $0x4000  }
0x71: {  	[sflag:s19] =	ssyncset.done $0x0  }
0x72: {  	[sflag:s19] =	ssyncadd.s32 $0xFFFFC000  }
0x73: {  	[hbm4b:s9+s3] =	stream.linear.scatter [tilespmem:s17], [sflag:$0x3], $0x4000, $0x38;
	[tilespmem:$0xE200] =	vst v63  }
0x74: {  	_ =	swait.ge [sflag:s15], $0x4000  }
0x75: {  	[sflag:s15] =	ssyncset.done $0x0  }
0x76: {  	[sflag:s15] =	ssyncadd.s32 $0xFFFFC000  }
0x77: {  	s21 =	sadd.s32 $0x1, s21;
	_ =	swait.ge [sflag:s20], $0x4000  }
0x78: {  	p0 =	sne.s32 s21, s6;
	[sflag:s20] =	ssyncset.done $0x0  }
.Ltmp2:
0x79: {  	[sflag:s20] =	ssyncadd.s32 $0xFFFFC000;
	(pc) =	sbr.rel @p0 .LBB2_1-.Ltmp2, $4  }
0x7a: {  	[hbm4b:s10+s3] =	stream.linear.scatter [tilespmem:s18], [sflag:$0x3], $0x4000, $0x38;
	[tilespmem:$0xE200] =	vst v63  }
0x7b: {  	_ =	swait.ge [sflag:s15], $0x4000  }
0x7c: {  	[sflag:s15] =	ssyncset.done $0x0  }
0x7d: {  	[sflag:s15] =	ssyncadd.s32 $0xFFFFC000  }
0x7e: {  	_ =	sfence.sel $0x180000  }
0x7f: {  	[bflag:$0x0] =	sbarrier.arrive $0xFFFF  }
0x80: {  	p0 =	sne.s32 s0, $0x0;
	_ =	strace $0x9000004A  }
0x81: {  	s0 =	sadd.s32 @!p0 $0x100000, s2;
	[bflag:$0x2] =	sbarrier.arrive $0xFFFF  }
0x82: {  	[sflag:s0] =	ssyncadd.tile.s32 @!p0 $0x1;
	_ =	shalt  }
.Lfunc_end2:
_tile_overlayer_lowered:
.L_overlay_start_2:
0x83: {  	(tag) =	ssettag $0x2  }
0x84: {  	s0 =	rddreg [dreg:$0x0];
	s2 =	stileid.u32  }
0x85: {  	s1 =	rddreg [dreg:$0x1];
	p0 =	sne.s32 s2, $0x0  }
0x86: {  	s3 =	rddreg [dreg:$0x2];
	[bflag:$0x3] =	sbarrier.arrive $0xFFFF;
	s2 =	simm.s32 @!p0 $0x1C03  }
0x87: {  	[timem:s3], [sflag:s2] =	dma.local @!p0 [hbm:s0], s1  }
0x88: {  	s0 =	simm.s32 @!p0 $0x3  }
0x89: {  	_ =	swait.ge @!p0 [sflag:s0], s1  }
0x8a: {  	s1 =	ssub.s32 @!p0 $0x0, s1;
	[sflag:s0] =	ssyncset.done @!p0 $0x0  }
0x8b: {  	[sflag:s0] =	ssyncadd.s32 @!p0 s1  }
0x8c: {  	[bflag:$0x3] =	sbarrier.arrive $0xFFFF  }
0x8d: {  	_ =	shalt  }

// kernel: kernel.17.cloned.1.call-start
scs
__scs_entry_jumppad:
0x0: {  	(pc) =	sbr.rel $0x88, $3  }
0x1: {  	(tag) =	ssettag $0x0;
	lr =	simm.s32 $0x1  }
0x2: {  	[smem:$0x3F77] =	sst lr;
	_ =	strace $0xD0000000  }
0x3: {  	_ = 	snop  }
0x4: {  	_ = 	snop  }
0x5: {  	_ = 	snop  }
0x6: {  	_ = 	snop  }
0x7: {  	_ = 	snop  }
__scs_overlays_trampoline_lowered:
0x8: {  	[smem:$0x3F86] =	sst s0  }
0x9: {  	[smem:$0x3F87] =	sst s1  }
0xa: {  	[smem:$0x3F88] =	sst s2  }
0xb: {  	[smem:$0x3F89] =	sst s3  }
0xc: {  	[smem:$0x3F8A] =	sst s4  }
0xd: {  	[smem:$0x3F8B] =	sst s5  }
0xe: {  	[smem:$0x3F8C] =	sst s6  }
0xf: {  	[smem:$0x3F8D] =	sst s7  }
0x10: {  	[smem:$0x3F8E] =	sst s8  }
0x11: {  	[smem:$0x3F8F] =	sst s9;
	s0 =	simm.s32 @!p0 $0x0  }
0x12: {  	s1 =	sld [smem:$0x3F75];
	s0 =	simm.s32 @p0 $0x1  }
0x13: {  	[smem:$0x3F90] =	sst s0;
	s0 =	simm.s32 @!p1 $0x0  }
0x14: {  	s2 =	sld [smem:$0x3F74];
	s0 =	simm.s32 @p1 $0x1  }
0x15: {  	[smem:$0x3F91] =	sst s0;
	s0 =	simm.s32 @!p2 $0x0  }
0x16: {  	s3 =	sld [smem:$0x3FDB];
	s0 =	simm.s32 @p2 $0x1  }
0x17: {  	s4 =	simm.s32 $0x1BF5;
	[smem:$0x3F93] =	sst s0  }
0x18: {  	s0 =	sld [smem:$0x3F76];
	_ =	swait.ge [sflag:s4], $0x0  }
0x19: {  	s7 =	sld [smem:$0x3F77]  }
0x1a: {  	s8 =	sadd.s32 $0xFFFFE003, lr  }
0x1b: {  	s9 =	sadd.s32 $0xFFFFFEF7, lr;
	s5 =	simm.s32 $0xFFFFFFFF;
	p2 =	slt.u32 s8, $0xFFFFF086  }
0x1c: {  	p1 =	slt.u32 s9, $0xF7A;
	s5 =	simm.s32 @!p2 $0x0  }
0x1d: {  	s5 =	simm.s32 @p1 $0x1;
	p0 =	seq.s32 s7, s2  }
0x1e: {  	s7 =	smul.u32 @!p0 $0xF7A, s2;
	p2 =	seq.s32 @!p0 s5, $0x0  }
0x1f: {  	s9 =	smul.u32 $0xF7A, s1;
	s8 =	simm.s32 @!p0 $0x1BF5;
	p2 =	por !p2, p0  }
0x20: {  	[sflag:s8] =	ssyncset.s32 @!p0 $0xFFFFF086;
	s6 =	sadd.s32 @!p0 s3, s7;
	s7 =	simm.s32 @!p0 $0x108  }
0x21: {  	s3 =	sadd.s32 s3, s9;
	s6 =	sadd.s32 @!p0 $0x88, s6;
	s7 =	simm.s32 @p2 $0x1082  }
0x22: {  	[simem:s7], [sflag:s8] =	dma.local @!p0 [hbm:s6], $0xF7A  }
0x23: {  	s9 =	sor.u32 $0xD0000000, s2;
	s6 =	simm.s32 $0x108;
	_ =	swait.ge @!p0 [sflag:s8], $0x0  }
0x24: {  	s3 =	sadd.s32 $0x88, s3;
	s6 =	simm.s32 @!p1 $0x1082;
	[sflag:s4] =	ssyncset.s32 $0xFFFFF086  }
0x25: {  	[simem:s6], [sflag:s4] =	dma.local [hbm:s3], $0xF7A  }
0x26: {  	[smem:$0x3F77] =	sst s1;
	(tag) =	ssettag s2;
	_ =	strace s9  }
0x27: {  	s1 =	sld [smem:$0x3F87]  }
0x28: {  	s2 =	sld [smem:$0x3F88]  }
0x29: {  	s4 =	sld [smem:$0x3F8A]  }
0x2a: {  	p0 =	seq.s32 s5, $0x0;
	s5 =	sld [smem:$0x3F8B]  }
0x2b: {  	s6 =	sld [smem:$0x3F8C]  }
0x2c: {  	s7 =	sld [smem:$0x3F8D]  }
0x2d: {  	s3 =	simm.s32 $0x108;
	s8 =	sld [smem:$0x3F8E]  }
0x2e: {  	s3 =	simm.s32 @!p0 $0x1082;
	s9 =	sld [smem:$0x3F8F]  }
0x2f: {  	lr =	sadd.s32 s0, s3;
	s0 =	sld [smem:$0x3F86]  }
0x30: {  	s3 =	sld [smem:$0x3F89]  }
0x31: {  	[smem:$0x3F92] =	sst s10  }
0x32: {  	s10 =	sld [smem:$0x3F90];
	_ =	sdelay $0x3  }
0x33: {  	p0 =	seq.s32 s10, $0x1;
	s10 =	sld [smem:$0x3F92];
	_ =	sdelay $0x3  }
0x34: {  	[smem:$0x3F92] =	sst s10  }
0x35: {  	s10 =	sld [smem:$0x3F91];
	_ =	sdelay $0x3  }
0x36: {  	p1 =	seq.s32 s10, $0x1;
	s10 =	sld [smem:$0x3F92];
	_ =	sdelay $0x3  }
0x37: {  	[smem:$0x3F92] =	sst s10  }
0x38: {  	s10 =	sld [smem:$0x3F93]  }
0x39: {  	_ = 	snop;
	(pc) =	sbr.ind lr, $3  }
0x3a: {  	_ = 	snop  }
0x3b: {  	_ = 	snop  }
0x3c: {  	p2 =	seq.s32 s10, $0x1;
	s10 =	sld [smem:$0x3F92]  }
0x3d: {  	_ =	shalt  }
0x3e: {  	_ =	shalt  }
0x3f: {  	_ =	shalt  }
0x40: {  	_ =	shalt  }
0x41: {  	_ =	shalt  }
0x42: {  	_ =	shalt  }
0x43: {  	_ =	shalt  }
0x44: {  	_ =	shalt  }
0x45: {  	_ =	shalt  }
0x46: {  	_ =	shalt  }
0x47: {  	_ =	shalt  }
0x48: {  	_ =	shalt  }
0x49: {  	_ =	shalt  }
0x4a: {  	_ =	shalt  }
0x4b: {  	_ =	shalt  }
0x4c: {  	_ =	shalt  }
0x4d: {  	_ =	shalt  }
0x4e: {  	_ =	shalt  }
0x4f: {  	_ =	shalt  }
0x50: {  	_ =	shalt  }
0x51: {  	_ =	shalt  }
0x52: {  	_ =	shalt  }
0x53: {  	_ =	shalt  }
0x54: {  	_ =	shalt  }
0x55: {  	_ =	shalt  }
0x56: {  	_ =	shalt  }
0x57: {  	_ =	shalt  }
0x58: {  	_ =	shalt  }
0x59: {  	_ =	shalt  }
0x5a: {  	_ =	shalt  }
0x5b: {  	_ =	shalt  }
0x5c: {  	_ =	shalt  }
0x5d: {  	_ =	shalt  }
0x5e: {  	_ =	shalt  }
0x5f: {  	_ =	shalt  }
0x60: {  	_ =	shalt  }
0x61: {  	_ =	shalt  }
0x62: {  	_ =	shalt  }
0x63: {  	_ =	shalt  }
0x64: {  	_ =	shalt  }
0x65: {  	_ =	shalt  }
0x66: {  	_ =	shalt  }
0x67: {  	_ =	shalt  }
0x68: {  	_ =	shalt  }
0x69: {  	_ =	shalt  }
0x6a: {  	_ =	shalt  }
0x6b: {  	_ =	shalt  }
0x6c: {  	_ =	shalt  }
0x6d: {  	_ =	shalt  }
0x6e: {  	_ =	shalt  }
0x6f: {  	_ =	shalt  }
0x70: {  	_ =	shalt  }
0x71: {  	_ =	shalt  }
0x72: {  	_ =	shalt  }
0x73: {  	_ =	shalt  }
0x74: {  	_ =	shalt  }
0x75: {  	_ =	shalt  }
0x76: {  	_ =	shalt  }
0x77: {  	_ =	shalt  }
0x78: {  	_ =	shalt  }
0x79: {  	_ =	shalt  }
0x7a: {  	_ =	shalt  }
0x7b: {  	_ =	shalt  }
0x7c: {  	_ =	shalt  }
0x7d: {  	_ =	shalt  }
0x7e: {  	_ =	shalt  }
0x7f: {  	_ =	shalt  }
0x80: {  	_ =	shalt  }
0x81: {  	_ =	shalt  }
0x82: {  	_ =	shalt  }
0x83: {  	_ =	shalt  }
0x84: {  	_ =	shalt  }
0x85: {  	_ =	shalt  }
0x86: {  	_ =	shalt  }
0x87: {  	_ =	shalt  }
.Lfunc_end0:
.L_simem_size_0:
called_computation.3_lowered:
.L_overlay_start_0:
0x88: {  	s2 =	sld [smem:$0x3FD9]  }
0x89: {  	s3 =	sld [smem:$0x3FFE];
	_ =	sdelay $0x1  }
0x8a: {  	s1 =	srdreg.scid  }
0x8b: {  	s0 =	sand.u32 $0x1, s1  }
0x8c: {  	s16 =	sshll.u32 s0, $0xA;
	s2 =	sadd.s32 s3, s2  }
0x8d: {  	s2 =	sadd.s32 s2, s16  }
0x8e: {  	[smem:$0x3F9E] =	sst s2  }
0x8f: {  	_ = 	snop  }
0x90: {  	(tm) =	ssettm $0x1  }
0x91: {  	s17 =	sld [smem:$0x3FFB];
	_ =	sdelay $0x3  }
0x92: {  	_ =	strace s17  }
0x93: {  	s2 =	sld [smem:$0x3FFC];
	_ =	sdelay $0x3  }
0x94: {  	_ =	strace s2  }
0x95: {  	s2 =	sld [smem:$0x3FFD];
	_ =	sdelay $0x3  }
0x96: {  	_ =	strace s2  }
0x97: {  	_ =	strace $0x8FFFFFFF  }
0x98: {  	s18 =	sld [smem:$0x3FDB];
	_ =	sdelay $0x1  }
0x99: {  	s19 =	simm.s32 $_scs_section_size  }
0x9a: {  	s4 =	simm.s32 $_size__tile_overlayer_lowered;
	s5 =	simm.s32 $_tile_overlayer_lowered  }
0x9b: {  	s22 =	simm.s32 $0x1BFF;
	s21 =	sshll.u32 s5, $0x1;
	s2 =	sadd.s32 s19, s18  }
0x9c: {  	s6 =	simm.s32 $0x0;
	s20 =	sshll.u32 s4, $0x1;
	s4 =	sadd.s32 s21, s2  }
0x9d: {  	[timem:s6], [sflag:s22] =	dma.local [hbm:s4], s20  }
0x9e: {  	_ =	swait.ge [sflag:s22], s20  }
0x9f: {  	s3 =	ssub.s32 $0x0, s20;
	[sflag:s22] =	ssyncset.done $0x0  }
0xa0: {  	[sflag:s22] =	ssyncadd.s32 s3;
	_ =	sdelay $0x1  }
0xa1: {  	s23 =	simm.s32 $0x1B8B  }
0xa2: {  	_ =	swait.ge [sflag:s23], $0x1  }
0xa3: {  	[sflag:s23] =	ssyncset.done $0x0  }
0xa4: {  	s25 =	simm.s32 $0x1B8E;
	s24 =	sld [smem:$0x3FFE];
	[sflag:s23] =	ssyncadd.s32 $0xFFFFFFFF  }
0xa5: {  	s26 =	simm.s32 $execute0_lowered;
	[smem:$0x3FD2] =	sst s25  }
0xa6: {  	s4 =	sshll.u32 s26, $0x1;
	_ =	strace $0x8000004C;
	[dreg:$0x1] =	wrdreg $0xFFFFFFFF  }
0xa7: {  	s28 =	simm.s32 $_size_execute0_lowered;
	s2 =	sadd.s32 s2, s4;
	[dreg:$0x0] =	wrdreg $0x0  }
0xa8: {  	s4 =	sshll.u32 s28, $0x1;
	[dreg:$0x2] =	wrdreg s2  }
0xa9: {  	[dreg:$0x3] =	wrdreg s4  }
0xaa: {  	[dreg:$0x4] =	wrdreg $0xC0  }
0xab: {  	_ =	task [dreg:s6], $0x5FFFF  }
0xac: {  	[dreg:$0x1] =	wrdreg $0xFFFFFFFF  }
0xad: {  	[dreg:$0x0] =	wrdreg $0x60  }
0xae: {  	[dreg:$0x2] =	wrdreg s24  }
0xaf: {  	[dreg:$0x3] =	wrdreg $0x9  }
0xb0: {  	_ =	task.clear_ibuf [dreg:s6], $0x4FFFF;
	_ =	strace $0x9000004C  }
0xb1: {  	s29 =	simm.s32 $0x9;
	_ =	strace $0x8000004E  }
0xb2: {  	_ =	swait.ge [sflag:s29], $0x1  }
0xb3: {  	[sflag:s29] =	ssyncadd.s32 $0xFFFFFFFF  }
0xb4: {  	_ =	strace $0x9000004E  }
0xb5: {  	_ =	sfence  }
0xb6: {  	s30 =	sld [smem:$0x0];
	_ =	sdelay $0x2  }
0xb7: {  	s31 =	sshll.u32 s1, $0xD;
	s1 =	sshrl.u32 s1, $0x2  }
0xb8: {  	s3 =	sand.u32 $0x4000, s31;
	s1 =	sadd.s32 s1, s30  }
0xb9: {  	s0 =	sor.u32 s3, s0;
	s1 =	sshll.u32 s1, $0x11  }
0xba: {  	s0 =	sor.u32 s1, s0  }
0xbb: {  	s0 =	sadd.s32 $0x8F2B, s0  }
0xbc: {  	[sflag:s0] =	ssyncadd.remote.s32 $0x1  }
0xbd: {  	_ =	sfence.sel $0xFFFF  }
0xbe: {  	[dreg:$0x0] =	wrdreg $0xFFFFFFFF;
	(pc) =	sbr.abs _section_cstart, $3  }
0xbf: {  	[dreg:$0x1] =	wrdreg $0xFFFFFFFF  }
0xc0: {  	_ =	task.clear_ibuf [dreg:s6], $0x2FFFF;
	_ =	strace $0x9FFFFFFF  }
0xc1: {  	(tm) =	ssettm $0x7FFFFFFF  }
tec
execute0_lowered:
.L_overlay_start_1:
0x0: {  	(tag) =	ssettag $0x1  }
0x1: {  	s1 =	srdreg.scid  }
0x2: {  	s0 =	stileid.u32;
	s4 =	rddreg [dreg:$0x0]  }
0x3: {  	s2 =	simm.s32 $0x0;
	s12 =	simm.s32 $0x6200;
	s13 =	simm.s32 $0xA200  }
0x4: {  	s14 =	simm.s32 $0x1;
	s15 =	simm.s32 $0x2;
	s16 =	simm.s32 $0x0  }
0x5: {  	s5 =	sand.u32 $0x1, s1;
	s3 =	sshll.u32 s0, $0x1;
	s1 =	rddreg [dreg:$0x1]  }
0x6: {  	[smem:$0x7FF] =	sst s2;
	s9 =	smul.u32 $0x620000, s0;
	s11 =	sadd.s32 $0x1871000, s4  }
0x7: {  	s3 =	sor.u32 s5, s3;
	s8 =	ssub.s32 $0x2, s5;
	s5 =	smul.u32 $0x310000, s5  }
0x8: {  	_ =	strace $0x8000004D;
	s6 =	smul.u32 $0xC40, s3;
	s10 =	sshrl.u32 s8, $0x1  }
0x9: {  	s7 =	smul.u32 $0x310000, s3;
	s3 =	sadd.s32 $0x4992400, s4;
	s8 =	ssub.s32 s8, s10  }
0xa: {  	s9 =	sadd.s32 s5, s9;
	s10 =	simm.s32 $0x3;
	s6 =	sadd.s32 s6, s4  }
0xb: {  	s7 =	sshrl.u32 s7, $0x3;
	s5 =	smax.u32 s8, $0x1;
	s31 =	sor.u32 $0x4000, s9  }
0xc: {  	s9 =	sshrl.u32 s9, $0x3;
	s4 =	sadd.s32 $0x4979C00, s6;
	s7 =	sadd.s32 s11, s7  }
0xd: {  	s8 =	sshrl.u32 s31, $0x3;
	s9 =	sadd.s32 s9, s11;
	s6 =	sadd.s32 $0x61000, s7  }
0xe: {  	s7 =	sadd.s32 $0x61800, s7;
	s8 =	sadd.s32 s8, s11;
	s11 =	simm.s32 $0x80  }
.LBB2_1:
0xf: {  	[tilespmem:s2], [sflag:$0x3] =	stream.linear.gather [hbm4b:s4+s2], $0x6200, $0x38;
	[tilespmem:$0xE200] =	vst v63  }
0x10: {  	_ =	swait.ge [sflag:s10], $0x6200  }
0x11: {  	[sflag:s10] =	ssyncset.done $0x0  }
0x12: {  	[sflag:s10] =	ssyncadd.s32 $0xFFFF9E00  }
0x13: {  	[tilespmem:s12], [sflag:$0x1] =	stream.indirect.gather [hbm4b:s3+s11], $0x80, s2, s11, $0xb8;
	[tilespmem:$0xE200] =	vst v63  }
0x14: {  	_ = 	snop  }
0x15: {  	[tilespmem:s13], [sflag:$0x2] =	stream.indirect.gather [hbm4b:s3+s11], $0x80, s11, s11, $0xb8;
	[tilespmem:$0xE200] =	vst v63  }
0x16: {  	_ =	swait.ge [sflag:s14], $0x4000  }
0x17: {  	[sflag:s14] =	ssyncset.done $0x0  }
0x18: {  	s17 =	sadd.s32 $0x0, s9;
	[sflag:s14] =	ssyncadd.s32 $0xFFFFC000  }
0x19: {  	[hbm4b:s17+s2] =	stream.linear.scatter [tilespmem:s12], [sflag:$0x3], $0x4000, $0x38;
	[tilespmem:$0xE200] =	vst v63  }
0x1a: {  	_ =	swait.ge [sflag:s10], $0x4000  }
0x1b: {  	[sflag:s10] =	ssyncset.done $0x0  }
0x1c: {  	s30 =	simm.s32 $0x100;
	[sflag:s10] =	ssyncadd.s32 $0xFFFFC000  }
0x1d: {  	[tilespmem:s12], [sflag:$0x1] =	stream.indirect.gather [hbm4b:s3+s11], $0x80, s30, s11, $0xb8;
	[tilespmem:$0xE200] =	vst v63  }
0x1e: {  	_ =	swait.ge [sflag:s15], $0x4000  }
0x1f: {  	[sflag:s15] =	ssyncset.done $0x0  }
0x20: {  	s31 =	sadd.s32 $0x0, s8;
	[sflag:s15] =	ssyncadd.s32 $0xFFFFC000  }
0x21: {  	[hbm4b:s31+s2] =	stream.linear.scatter [tilespmem:s13], [sflag:$0x3], $0x4000, $0x38;
	[tilespmem:$0xE200] =	vst v63  }
0x22: {  	_ =	swait.ge [sflag:s10], $0x4000  }
0x23: {  	s18 =	simm.s32 $0x1000;
	[sflag:s10] =	ssyncset.done $0x0  }
0x24: {  	s19 =	simm.s32 $0x280;
	s17 =	simm.s32 $0x180;
	[sflag:s10] =	ssyncadd.s32 $0xFFFFC000  }
.LBB2_2:
0x25: {  	[tilespmem:s13], [sflag:$0x2] =	stream.indirect.gather [hbm4b:s3+s11], $0x80, s17, s11, $0xb8;
	[tilespmem:$0xE200] =	vst v63  }
0x26: {  	s20 =	smov.u32 s18;
	s17 =	smov.u32 s19  }
0x27: {  	p0 =	sne.s32 s18, $0x60000;
	s18 =	sadd.s32 $0x1000, s18;
	_ =	swait.ge [sflag:s14], $0x4000  }
0x28: {  	[sflag:s14] =	ssyncset.done $0x0  }
0x29: {  	s21 =	sadd.s32 s20, s9;
	[sflag:s14] =	ssyncadd.s32 $0xFFFFC000  }
0x2a: {  	[hbm4b:s21+s2] =	stream.linear.scatter [tilespmem:s12], [sflag:$0x3], $0x4000, $0x38;
	[tilespmem:$0xE200] =	vst v63  }
0x2b: {  	_ =	swait.ge [sflag:s10], $0x4000  }
0x2c: {  	[sflag:s10] =	ssyncset.done $0x0  }
0x2d: {  	s21 =	sadd.s32 $0xFFFFFF80, s19;
	[sflag:s10] =	ssyncadd.s32 $0xFFFFC000  }
0x2e: {  	[tilespmem:s12], [sflag:$0x1] =	stream.indirect.gather [hbm4b:s3+s11], $0x80, s21, s11, $0xb8;
	[tilespmem:$0xE200] =	vst v63  }
0x2f: {  	_ =	swait.ge [sflag:s15], $0x4000  }
0x30: {  	[sflag:s15] =	ssyncset.done $0x0  }
.Ltmp0:
0x31: {  	s20 =	sadd.s32 s20, s8;
	[sflag:s15] =	ssyncadd.s32 $0xFFFFC000;
	(pc) =	sbr.rel @p0 .LBB2_2-.Ltmp0, $4  }
0x32: {  	[hbm4b:s20+s2] =	stream.linear.scatter [tilespmem:s13], [sflag:$0x3], $0x4000, $0x38;
	[tilespmem:$0xE200] =	vst v63  }
0x33: {  	_ =	swait.ge [sflag:s10], $0x4000  }
0x34: {  	[sflag:s10] =	ssyncset.done $0x0  }
0x35: {  	s19 =	sadd.s32 $0x100, s19;
	[sflag:s10] =	ssyncadd.s32 $0xFFFFC000  }
0x36: {  	[tilespmem:s13], [sflag:$0x2] =	stream.indirect.gather [hbm4b:s3+s11], $0x80, s17, s11, $0xb8;
	[tilespmem:$0xE200] =	vst v63  }
0x37: {  	_ =	swait.ge [sflag:s14], $0x4000  }
0x38: {  	[sflag:s14] =	ssyncset.done $0x0  }
0x39: {  	[sflag:s14] =	ssyncadd.s32 $0xFFFFC000  }
0x3a: {  	[hbm4b:s6+s2] =	stream.linear.scatter [tilespmem:s12], [sflag:$0x3], $0x4000, $0x38;
	[tilespmem:$0xE200] =	vst v63  }
0x3b: {  	_ =	swait.ge [sflag:s10], $0x4000  }
0x3c: {  	[sflag:s10] =	ssyncset.done $0x0  }
0x3d: {  	[sflag:s10] =	ssyncadd.s32 $0xFFFFC000  }
0x3e: {  	s16 =	sadd.s32 $0x1, s16;
	_ =	swait.ge [sflag:s15], $0x4000  }
0x3f: {  	p0 =	sne.s32 s16, s5;
	[sflag:s15] =	ssyncset.done $0x0  }
.Ltmp1:
0x40: {  	[sflag:s15] =	ssyncadd.s32 $0xFFFFC000;
	(pc) =	sbr.rel @p0 .LBB2_1-.Ltmp1, $4  }
0x41: {  	[hbm4b:s7+s2] =	stream.linear.scatter [tilespmem:s13], [sflag:$0x3], $0x4000, $0x38;
	[tilespmem:$0xE200] =	vst v63  }
0x42: {  	_ =	swait.ge [sflag:s10], $0x4000  }
0x43: {  	[sflag:s10] =	ssyncset.done $0x0  }
0x44: {  	[sflag:s10] =	ssyncadd.s32 $0xFFFFC000  }
0x45: {  	_ =	sfence.sel $0x180000  }
0x46: {  	[bflag:$0x0] =	sbarrier.arrive $0xFFFF  }
0x47: {  	p0 =	sne.s32 s0, $0x0;
	_ =	strace $0x9000004D  }
0x48: {  	s0 =	sadd.s32 @!p0 $0x100000, s1;
	[bflag:$0x2] =	sbarrier.arrive $0xFFFF  }
0x49: {  	[sflag:s0] =	ssyncadd.tile.s32 @!p0 $0x1;
	_ =	shalt  }
.Lfunc_end2:
_tile_overlayer_lowered:
.L_overlay_start_2:
0x4a: {  	(tag) =	ssettag $0x2  }
0x4b: {  	s0 =	rddreg [dreg:$0x0];
	s2 =	stileid.u32  }
0x4c: {  	s1 =	rddreg [dreg:$0x1];
	p0 =	sne.s32 s2, $0x0  }
0x4d: {  	s3 =	rddreg [dreg:$0x2];
	[bflag:$0x3] =	sbarrier.arrive $0xFFFF;
	s2 =	simm.s32 @!p0 $0x1C03  }
0x4e: {  	[timem:s3], [sflag:s2] =	dma.local @!p0 [hbm:s0], s1  }
0x4f: {  	s0 =	simm.s32 @!p0 $0x3  }
0x50: {  	_ =	swait.ge @!p0 [sflag:s0], s1  }
0x51: {  	s1 =	ssub.s32 @!p0 $0x0, s1;
	[sflag:s0] =	ssyncset.done @!p0 $0x0  }
0x52: {  	[sflag:s0] =	ssyncadd.s32 @!p0 s1  }
0x53: {  	[bflag:$0x3] =	sbarrier.arrive $0xFFFF  }
0x54: {  	_ =	shalt  }

// kernel: kernel.20.cloned.1.call-start
scs
__scs_entry_jumppad:
0x0: {  	(pc) =	sbr.rel $0x88, $3  }
0x1: {  	(tag) =	ssettag $0x0;
	lr =	simm.s32 $0x1  }
0x2: {  	[smem:$0x3F77] =	sst lr;
	_ =	strace $0xD0000000  }
0x3: {  	_ = 	snop  }
0x4: {  	_ = 	snop  }
0x5: {  	_ = 	snop  }
0x6: {  	_ = 	snop  }
0x7: {  	_ = 	snop  }
__scs_overlays_trampoline_lowered:
0x8: {  	[smem:$0x3F86] =	sst s0  }
0x9: {  	[smem:$0x3F87] =	sst s1  }
0xa: {  	[smem:$0x3F88] =	sst s2  }
0xb: {  	[smem:$0x3F89] =	sst s3  }
0xc: {  	[smem:$0x3F8A] =	sst s4  }
0xd: {  	[smem:$0x3F8B] =	sst s5  }
0xe: {  	[smem:$0x3F8C] =	sst s6  }
0xf: {  	[smem:$0x3F8D] =	sst s7  }
0x10: {  	[smem:$0x3F8E] =	sst s8  }
0x11: {  	[smem:$0x3F8F] =	sst s9;
	s0 =	simm.s32 @!p0 $0x0  }
0x12: {  	s1 =	sld [smem:$0x3F75];
	s0 =	simm.s32 @p0 $0x1  }
0x13: {  	[smem:$0x3F90] =	sst s0;
	s0 =	simm.s32 @!p1 $0x0  }
0x14: {  	s2 =	sld [smem:$0x3F74];
	s0 =	simm.s32 @p1 $0x1  }
0x15: {  	[smem:$0x3F91] =	sst s0;
	s0 =	simm.s32 @!p2 $0x0  }
0x16: {  	s3 =	sld [smem:$0x3FDB];
	s0 =	simm.s32 @p2 $0x1  }
0x17: {  	s4 =	simm.s32 $0x1BF5;
	[smem:$0x3F93] =	sst s0  }
0x18: {  	s0 =	sld [smem:$0x3F76];
	_ =	swait.ge [sflag:s4], $0x0  }
0x19: {  	s7 =	sld [smem:$0x3F77]  }
0x1a: {  	s8 =	sadd.s32 $0xFFFFE003, lr  }
0x1b: {  	s9 =	sadd.s32 $0xFFFFFEF7, lr;
	s5 =	simm.s32 $0xFFFFFFFF;
	p2 =	slt.u32 s8, $0xFFFFF086  }
0x1c: {  	p1 =	slt.u32 s9, $0xF7A;
	s5 =	simm.s32 @!p2 $0x0  }
0x1d: {  	s5 =	simm.s32 @p1 $0x1;
	p0 =	seq.s32 s7, s2  }
0x1e: {  	s7 =	smul.u32 @!p0 $0xF7A, s2;
	p2 =	seq.s32 @!p0 s5, $0x0  }
0x1f: {  	s9 =	smul.u32 $0xF7A, s1;
	s8 =	simm.s32 @!p0 $0x1BF5;
	p2 =	por !p2, p0  }
0x20: {  	[sflag:s8] =	ssyncset.s32 @!p0 $0xFFFFF086;
	s6 =	sadd.s32 @!p0 s3, s7;
	s7 =	simm.s32 @!p0 $0x108  }
0x21: {  	s3 =	sadd.s32 s3, s9;
	s6 =	sadd.s32 @!p0 $0x88, s6;
	s7 =	simm.s32 @p2 $0x1082  }
0x22: {  	[simem:s7], [sflag:s8] =	dma.local @!p0 [hbm:s6], $0xF7A  }
0x23: {  	s9 =	sor.u32 $0xD0000000, s2;
	s6 =	simm.s32 $0x108;
	_ =	swait.ge @!p0 [sflag:s8], $0x0  }
0x24: {  	s3 =	sadd.s32 $0x88, s3;
	s6 =	simm.s32 @!p1 $0x1082;
	[sflag:s4] =	ssyncset.s32 $0xFFFFF086  }
0x25: {  	[simem:s6], [sflag:s4] =	dma.local [hbm:s3], $0xF7A  }
0x26: {  	[smem:$0x3F77] =	sst s1;
	(tag) =	ssettag s2;
	_ =	strace s9  }
0x27: {  	s1 =	sld [smem:$0x3F87]  }
0x28: {  	s2 =	sld [smem:$0x3F88]  }
0x29: {  	s4 =	sld [smem:$0x3F8A]  }
0x2a: {  	p0 =	seq.s32 s5, $0x0;
	s5 =	sld [smem:$0x3F8B]  }
0x2b: {  	s6 =	sld [smem:$0x3F8C]  }
0x2c: {  	s7 =	sld [smem:$0x3F8D]  }
0x2d: {  	s3 =	simm.s32 $0x108;
	s8 =	sld [smem:$0x3F8E]  }
0x2e: {  	s3 =	simm.s32 @!p0 $0x1082;
	s9 =	sld [smem:$0x3F8F]  }
0x2f: {  	lr =	sadd.s32 s0, s3;
	s0 =	sld [smem:$0x3F86]  }
0x30: {  	s3 =	sld [smem:$0x3F89]  }
0x31: {  	[smem:$0x3F92] =	sst s10  }
0x32: {  	s10 =	sld [smem:$0x3F90];
	_ =	sdelay $0x3  }
0x33: {  	p0 =	seq.s32 s10, $0x1;
	s10 =	sld [smem:$0x3F92];
	_ =	sdelay $0x3  }
0x34: {  	[smem:$0x3F92] =	sst s10  }
0x35: {  	s10 =	sld [smem:$0x3F91];
	_ =	sdelay $0x3  }
0x36: {  	p1 =	seq.s32 s10, $0x1;
	s10 =	sld [smem:$0x3F92];
	_ =	sdelay $0x3  }
0x37: {  	[smem:$0x3F92] =	sst s10  }
0x38: {  	s10 =	sld [smem:$0x3F93]  }
0x39: {  	_ = 	snop;
	(pc) =	sbr.ind lr, $3  }
0x3a: {  	_ = 	snop  }
0x3b: {  	_ = 	snop  }
0x3c: {  	p2 =	seq.s32 s10, $0x1;
	s10 =	sld [smem:$0x3F92]  }
0x3d: {  	_ =	shalt  }
0x3e: {  	_ =	shalt  }
0x3f: {  	_ =	shalt  }
0x40: {  	_ =	shalt  }
0x41: {  	_ =	shalt  }
0x42: {  	_ =	shalt  }
0x43: {  	_ =	shalt  }
0x44: {  	_ =	shalt  }
0x45: {  	_ =	shalt  }
0x46: {  	_ =	shalt  }
0x47: {  	_ =	shalt  }
0x48: {  	_ =	shalt  }
0x49: {  	_ =	shalt  }
0x4a: {  	_ =	shalt  }
0x4b: {  	_ =	shalt  }
0x4c: {  	_ =	shalt  }
0x4d: {  	_ =	shalt  }
0x4e: {  	_ =	shalt  }
0x4f: {  	_ =	shalt  }
0x50: {  	_ =	shalt  }
0x51: {  	_ =	shalt  }
0x52: {  	_ =	shalt  }
0x53: {  	_ =	shalt  }
0x54: {  	_ =	shalt  }
0x55: {  	_ =	shalt  }
0x56: {  	_ =	shalt  }
0x57: {  	_ =	shalt  }
0x58: {  	_ =	shalt  }
0x59: {  	_ =	shalt  }
0x5a: {  	_ =	shalt  }
0x5b: {  	_ =	shalt  }
0x5c: {  	_ =	shalt  }
0x5d: {  	_ =	shalt  }
0x5e: {  	_ =	shalt  }
0x5f: {  	_ =	shalt  }
0x60: {  	_ =	shalt  }
0x61: {  	_ =	shalt  }
0x62: {  	_ =	shalt  }
0x63: {  	_ =	shalt  }
0x64: {  	_ =	shalt  }
0x65: {  	_ =	shalt  }
0x66: {  	_ =	shalt  }
0x67: {  	_ =	shalt  }
0x68: {  	_ =	shalt  }
0x69: {  	_ =	shalt  }
0x6a: {  	_ =	shalt  }
0x6b: {  	_ =	shalt  }
0x6c: {  	_ =	shalt  }
0x6d: {  	_ =	shalt  }
0x6e: {  	_ =	shalt  }
0x6f: {  	_ =	shalt  }
0x70: {  	_ =	shalt  }
0x71: {  	_ =	shalt  }
0x72: {  	_ =	shalt  }
0x73: {  	_ =	shalt  }
0x74: {  	_ =	shalt  }
0x75: {  	_ =	shalt  }
0x76: {  	_ =	shalt  }
0x77: {  	_ =	shalt  }
0x78: {  	_ =	shalt  }
0x79: {  	_ =	shalt  }
0x7a: {  	_ =	shalt  }
0x7b: {  	_ =	shalt  }
0x7c: {  	_ =	shalt  }
0x7d: {  	_ =	shalt  }
0x7e: {  	_ =	shalt  }
0x7f: {  	_ =	shalt  }
0x80: {  	_ =	shalt  }
0x81: {  	_ =	shalt  }
0x82: {  	_ =	shalt  }
0x83: {  	_ =	shalt  }
0x84: {  	_ =	shalt  }
0x85: {  	_ =	shalt  }
0x86: {  	_ =	shalt  }
0x87: {  	_ =	shalt  }
.Lfunc_end0:
.L_simem_size_0:
called_computation.4_lowered:
.L_overlay_start_0:
0x88: {  	s2 =	sld [smem:$0x3FD9]  }
0x89: {  	s3 =	sld [smem:$0x3FFE];
	_ =	sdelay $0x1  }
0x8a: {  	s1 =	srdreg.scid  }
0x8b: {  	s0 =	sand.u32 $0x1, s1  }
0x8c: {  	s16 =	sshll.u32 s0, $0xA;
	s2 =	sadd.s32 s3, s2  }
0x8d: {  	s2 =	sadd.s32 s2, s16  }
0x8e: {  	[smem:$0x3F9E] =	sst s2  }
0x8f: {  	_ = 	snop  }
0x90: {  	(tm) =	ssettm $0x1  }
0x91: {  	s17 =	sld [smem:$0x3FFB];
	_ =	sdelay $0x3  }
0x92: {  	_ =	strace s17  }
0x93: {  	s2 =	sld [smem:$0x3FFC];
	_ =	sdelay $0x3  }
0x94: {  	_ =	strace s2  }
0x95: {  	s2 =	sld [smem:$0x3FFD];
	_ =	sdelay $0x3  }
0x96: {  	_ =	strace s2  }
0x97: {  	_ =	strace $0x8FFFFFFF  }
0x98: {  	s18 =	sld [smem:$0x3FDB];
	_ =	sdelay $0x1  }
0x99: {  	s19 =	simm.s32 $_scs_section_size  }
0x9a: {  	s4 =	simm.s32 $_size__tile_overlayer_lowered;
	s5 =	simm.s32 $_tile_overlayer_lowered  }
0x9b: {  	s22 =	simm.s32 $0x1BFF;
	s21 =	sshll.u32 s5, $0x1;
	s2 =	sadd.s32 s19, s18  }
0x9c: {  	s6 =	simm.s32 $0x0;
	s20 =	sshll.u32 s4, $0x1;
	s4 =	sadd.s32 s21, s2  }
0x9d: {  	[timem:s6], [sflag:s22] =	dma.local [hbm:s4], s20  }
0x9e: {  	_ =	swait.ge [sflag:s22], s20  }
0x9f: {  	s3 =	ssub.s32 $0x0, s20;
	[sflag:s22] =	ssyncset.done $0x0  }
0xa0: {  	[sflag:s22] =	ssyncadd.s32 s3;
	_ =	sdelay $0x1  }
0xa1: {  	s23 =	simm.s32 $0x1B8B  }
0xa2: {  	_ =	swait.ge [sflag:s23], $0x1  }
0xa3: {  	[sflag:s23] =	ssyncset.done $0x0  }
0xa4: {  	s25 =	simm.s32 $0x1B8E;
	s24 =	sld [smem:$0x3FFE];
	[sflag:s23] =	ssyncadd.s32 $0xFFFFFFFF  }
0xa5: {  	s26 =	simm.s32 $execute0_lowered;
	[smem:$0x3FD2] =	sst s25  }
0xa6: {  	s4 =	sshll.u32 s26, $0x1;
	_ =	strace $0x80000052;
	[dreg:$0x1] =	wrdreg $0xFFFFFFFF  }
0xa7: {  	s28 =	simm.s32 $_size_execute0_lowered;
	s2 =	sadd.s32 s2, s4;
	[dreg:$0x0] =	wrdreg $0x0  }
0xa8: {  	s4 =	sshll.u32 s28, $0x1;
	[dreg:$0x2] =	wrdreg s2  }
0xa9: {  	[dreg:$0x3] =	wrdreg s4  }
0xaa: {  	[dreg:$0x4] =	wrdreg $0xC0  }
0xab: {  	_ =	task [dreg:s6], $0x5FFFF  }
0xac: {  	[dreg:$0x1] =	wrdreg $0xFFFFFFFF  }
0xad: {  	[dreg:$0x0] =	wrdreg $0x60  }
0xae: {  	[dreg:$0x2] =	wrdreg s24  }
0xaf: {  	[dreg:$0x3] =	wrdreg $0x9  }
0xb0: {  	_ =	task.clear_ibuf [dreg:s6], $0x4FFFF;
	_ =	strace $0x90000052  }
0xb1: {  	s29 =	simm.s32 $0x9;
	_ =	strace $0x80000054  }
0xb2: {  	_ =	swait.ge [sflag:s29], $0x1  }
0xb3: {  	[sflag:s29] =	ssyncadd.s32 $0xFFFFFFFF  }
0xb4: {  	_ =	strace $0x90000054  }
0xb5: {  	_ =	sfence  }
0xb6: {  	s30 =	sld [smem:$0x0];
	_ =	sdelay $0x2  }
0xb7: {  	s31 =	sshll.u32 s1, $0xD;
	s1 =	sshrl.u32 s1, $0x2  }
0xb8: {  	s3 =	sand.u32 $0x4000, s31;
	s1 =	sadd.s32 s1, s30  }
0xb9: {  	s0 =	sor.u32 s3, s0;
	s1 =	sshll.u32 s1, $0x11  }
0xba: {  	s0 =	sor.u32 s1, s0  }
0xbb: {  	s0 =	sadd.s32 $0x8F2B, s0  }
0xbc: {  	[sflag:s0] =	ssyncadd.remote.s32 $0x1  }
0xbd: {  	_ =	sfence.sel $0xFFFF  }
0xbe: {  	[dreg:$0x0] =	wrdreg $0xFFFFFFFF;
	(pc) =	sbr.abs _section_cstart, $3  }
0xbf: {  	[dreg:$0x1] =	wrdreg $0xFFFFFFFF  }
0xc0: {  	_ =	task.clear_ibuf [dreg:s6], $0x2FFFF;
	_ =	strace $0x9FFFFFFF  }
0xc1: {  	(tm) =	ssettm $0x7FFFFFFF  }
tec
execute0_lowered:
.L_overlay_start_1:
0x0: {  	(tag) =	ssettag $0x1  }
0x1: {  	s1 =	srdreg.scid  }
0x2: {  	s0 =	stileid.u32;
	s4 =	rddreg [dreg:$0x0];
	s2 =	simm.s32 $0x0  }
0x3: {  	s16 =	simm.s32 $0x80;
	s17 =	simm.s32 $0x6200;
	s18 =	simm.s32 $0xA200  }
0x4: {  	s19 =	simm.s32 $0x1;
	s20 =	simm.s32 $0x2;
	s21 =	simm.s32 $0x0  }
0x5: {  	s5 =	sand.u32 $0x1, s1;
	s26 =	sshll.u32 s0, $0x1;
	s1 =	rddreg [dreg:$0x1]  }
0x6: {  	[smem:$0x7FF] =	sst s2;
	s3 =	sadd.s32 $0x38000, s4;
	s10 =	smul.u32 $0x620000, s0  }
0x7: {  	s12 =	sadd.s32 $0xFB600, s4;
	s6 =	sor.u32 s5, s26;
	s30 =	smul.u32 $0x310000, s5  }
0x8: {  	s14 =	sadd.s32 $0xD3B600, s4;
	s8 =	ssub.s32 $0x2, s5;
	s7 =	smul.u32 $0xC40, s6  }
0x9: {  	_ =	strace $0x80000053;
	s9 =	smul.u32 $0x310000, s6;
	s28 =	sshrl.u32 s8, $0x1  }
0xa: {  	s29 =	ssub.s32 s8, s28;
	s10 =	sadd.s32 s30, s10;
	s7 =	sadd.s32 s7, s4  }
0xb: {  	s6 =	smax.u32 s29, $0x1;
	s31 =	sshrl.u32 s9, $0x3;
	s13 =	sor.u32 $0x4000, s10  }
0xc: {  	s15 =	sshrl.u32 s10, $0x3;
	s4 =	sadd.s32 $0x7000, s7;
	s5 =	sadd.s32 $0x1F800, s7  }
0xd: {  	s9 =	sadd.s32 $0x61000, s31;
	s11 =	sadd.s32 $0x61800, s31;
	s13 =	sshrl.u32 s13, $0x3  }
0xe: {  	s7 =	sadd.s32 s12, s9;
	s8 =	sadd.s32 s12, s11;
	s9 =	sadd.s32 s14, s9  }
0xf: {  	s10 =	sadd.s32 s14, s11;
	s11 =	sadd.s32 s13, s12;
	s12 =	sadd.s32 s15, s12  }
0x10: {  	s13 =	sadd.s32 s13, s14;
	s14 =	sadd.s32 s15, s14;
	s15 =	simm.s32 $0x3  }
.LBB2_1:
0x11: {  	[tilespmem:s2], [sflag:$0x3] =	stream.linear.gather [hbm4b:s4+s2], $0x6200, $0x38;
	[tilespmem:$0xE200] =	vst v63  }
0x12: {  	_ =	swait.ge [sflag:s15], $0x6200  }
0x13: {  	[sflag:s15] =	ssyncset.done $0x0  }
0x14: {  	[sflag:s15] =	ssyncadd.s32 $0xFFFF9E00  }
0x15: {  	[tilespmem:s17], [sflag:$0x1] =	stream.indirect.gather [hbm4b:s3+s16], $0x80, s2, s16, $0xb8;
	[tilespmem:$0xE200] =	vst v63  }
0x16: {  	_ = 	snop  }
0x17: {  	[tilespmem:s18], [sflag:$0x2] =	stream.indirect.gather [hbm4b:s3+s16], $0x80, s16, s16, $0xb8;
	[tilespmem:$0xE200] =	vst v63  }
0x18: {  	_ =	swait.ge [sflag:s19], $0x4000  }
0x19: {  	[sflag:s19] =	ssyncset.done $0x0  }
0x1a: {  	s22 =	sadd.s32 $0x0, s12;
	[sflag:s19] =	ssyncadd.s32 $0xFFFFC000  }
0x1b: {  	[hbm4b:s22+s2] =	stream.linear.scatter [tilespmem:s17], [sflag:$0x3], $0x4000, $0x38;
	[tilespmem:$0xE200] =	vst v63  }
0x1c: {  	_ =	swait.ge [sflag:s15], $0x4000  }
0x1d: {  	[sflag:s15] =	ssyncset.done $0x0  }
0x1e: {  	s30 =	simm.s32 $0x100;
	[sflag:s15] =	ssyncadd.s32 $0xFFFFC000  }
0x1f: {  	[tilespmem:s17], [sflag:$0x1] =	stream.indirect.gather [hbm4b:s3+s16], $0x80, s30, s16, $0xb8;
	[tilespmem:$0xE200] =	vst v63  }
0x20: {  	_ =	swait.ge [sflag:s20], $0x4000  }
0x21: {  	[sflag:s20] =	ssyncset.done $0x0  }
0x22: {  	s31 =	sadd.s32 $0x0, s11;
	[sflag:s20] =	ssyncadd.s32 $0xFFFFC000  }
0x23: {  	[hbm4b:s31+s2] =	stream.linear.scatter [tilespmem:s18], [sflag:$0x3], $0x4000, $0x38;
	[tilespmem:$0xE200] =	vst v63  }
0x24: {  	_ =	swait.ge [sflag:s15], $0x4000  }
0x25: {  	s23 =	simm.s32 $0x1000;
	[sflag:s15] =	ssyncset.done $0x0  }
0x26: {  	s24 =	simm.s32 $0x280;
	s22 =	simm.s32 $0x180;
	[sflag:s15] =	ssyncadd.s32 $0xFFFFC000  }
.LBB2_2:
0x27: {  	[tilespmem:s18], [sflag:$0x2] =	stream.indirect.gather [hbm4b:s3+s16], $0x80, s22, s16, $0xb8;
	[tilespmem:$0xE200] =	vst v63  }
0x28: {  	s25 =	smov.u32 s23;
	s22 =	smov.u32 s24  }
0x29: {  	p0 =	sne.s32 s23, $0x60000;
	s23 =	sadd.s32 $0x1000, s23;
	_ =	swait.ge [sflag:s19], $0x4000  }
0x2a: {  	[sflag:s19] =	ssyncset.done $0x0  }
0x2b: {  	s26 =	sadd.s32 s25, s12;
	[sflag:s19] =	ssyncadd.s32 $0xFFFFC000  }
0x2c: {  	[hbm4b:s26+s2] =	stream.linear.scatter [tilespmem:s17], [sflag:$0x3], $0x4000, $0x38;
	[tilespmem:$0xE200] =	vst v63  }
0x2d: {  	_ =	swait.ge [sflag:s15], $0x4000  }
0x2e: {  	[sflag:s15] =	ssyncset.done $0x0  }
0x2f: {  	s26 =	sadd.s32 $0xFFFFFF80, s24;
	[sflag:s15] =	ssyncadd.s32 $0xFFFFC000  }
0x30: {  	[tilespmem:s17], [sflag:$0x1] =	stream.indirect.gather [hbm4b:s3+s16], $0x80, s26, s16, $0xb8;
	[tilespmem:$0xE200] =	vst v63  }
0x31: {  	_ =	swait.ge [sflag:s20], $0x4000  }
0x32: {  	[sflag:s20] =	ssyncset.done $0x0  }
.Ltmp0:
0x33: {  	s25 =	sadd.s32 s25, s11;
	[sflag:s20] =	ssyncadd.s32 $0xFFFFC000;
	(pc) =	sbr.rel @p0 .LBB2_2-.Ltmp0, $4  }
0x34: {  	[hbm4b:s25+s2] =	stream.linear.scatter [tilespmem:s18], [sflag:$0x3], $0x4000, $0x38;
	[tilespmem:$0xE200] =	vst v63  }
0x35: {  	_ =	swait.ge [sflag:s15], $0x4000  }
0x36: {  	[sflag:s15] =	ssyncset.done $0x0  }
0x37: {  	s24 =	sadd.s32 $0x100, s24;
	[sflag:s15] =	ssyncadd.s32 $0xFFFFC000  }
0x38: {  	[tilespmem:s18], [sflag:$0x2] =	stream.indirect.gather [hbm4b:s3+s16], $0x80, s22, s16, $0xb8;
	[tilespmem:$0xE200] =	vst v63  }
0x39: {  	_ =	swait.ge [sflag:s19], $0x4000  }
0x3a: {  	[sflag:s19] =	ssyncset.done $0x0  }
0x3b: {  	s28 =	simm.s32 $0x0;
	[sflag:s19] =	ssyncadd.s32 $0xFFFFC000  }
0x3c: {  	[hbm4b:s7+s28] =	stream.linear.scatter [tilespmem:s17], [sflag:$0x3], $0x4000, $0x38;
	[tilespmem:$0xE200] =	vst v63  }
0x3d: {  	_ =	swait.ge [sflag:s15], $0x4000  }
0x3e: {  	[sflag:s15] =	ssyncset.done $0x0  }
0x3f: {  	[sflag:s15] =	ssyncadd.s32 $0xFFFFC000  }
0x40: {  	_ =	swait.ge [sflag:s20], $0x4000  }
0x41: {  	[sflag:s20] =	ssyncset.done $0x0  }
0x42: {  	[sflag:s20] =	ssyncadd.s32 $0xFFFFC000  }
0x43: {  	[hbm4b:s8+s28] =	stream.linear.scatter [tilespmem:s18], [sflag:$0x3], $0x4000, $0x38;
	[tilespmem:$0xE200] =	vst v63  }
0x44: {  	_ =	swait.ge [sflag:s15], $0x4000  }
0x45: {  	[sflag:s15] =	ssyncset.done $0x0  }
0x46: {  	[sflag:s15] =	ssyncadd.s32 $0xFFFFC000  }
0x47: {  	[tilespmem:s28], [sflag:$0x3] =	stream.linear.gather [hbm4b:s5+s28], $0x6200, $0x38;
	[tilespmem:$0xE200] =	vst v63  }
0x48: {  	_ =	swait.ge [sflag:s15], $0x6200  }
0x49: {  	[sflag:s15] =	ssyncset.done $0x0  }
0x4a: {  	[sflag:s15] =	ssyncadd.s32 $0xFFFF9E00  }
0x4b: {  	[tilespmem:s17], [sflag:$0x1] =	stream.indirect.gather [hbm4b:s3+s16], $0x80, s28, s16, $0xb8;
	[tilespmem:$0xE200] =	vst v63  }
0x4c: {  	_ = 	snop  }
0x4d: {  	[tilespmem:s18], [sflag:$0x2] =	stream.indirect.gather [hbm4b:s3+s16], $0x80, s16, s16, $0xb8;
	[tilespmem:$0xE200] =	vst v63  }
0x4e: {  	_ =	swait.ge [sflag:s19], $0x4000  }
0x4f: {  	[sflag:s19] =	ssyncset.done $0x0  }
0x50: {  	s29 =	sadd.s32 $0x0, s14;
	[sflag:s19] =	ssyncadd.s32 $0xFFFFC000  }
0x51: {  	[hbm4b:s29+s2] =	stream.linear.scatter [tilespmem:s17], [sflag:$0x3], $0x4000, $0x38;
	[tilespmem:$0xE200] =	vst v63  }
0x52: {  	_ =	swait.ge [sflag:s15], $0x4000  }
0x53: {  	[sflag:s15] =	ssyncset.done $0x0  }
0x54: {  	s30 =	simm.s32 $0x100;
	[sflag:s15] =	ssyncadd.s32 $0xFFFFC000  }
0x55: {  	[tilespmem:s17], [sflag:$0x1] =	stream.indirect.gather [hbm4b:s3+s16], $0x80, s30, s16, $0xb8;
	[tilespmem:$0xE200] =	vst v63  }
0x56: {  	_ =	swait.ge [sflag:s20], $0x4000  }
0x57: {  	[sflag:s20] =	ssyncset.done $0x0  }
0x58: {  	s31 =	sadd.s32 $0x0, s13;
	[sflag:s20] =	ssyncadd.s32 $0xFFFFC000  }
0x59: {  	[hbm4b:s31+s2] =	stream.linear.scatter [tilespmem:s18], [sflag:$0x3], $0x4000, $0x38;
	[tilespmem:$0xE200] =	vst v63  }
0x5a: {  	_ =	swait.ge [sflag:s15], $0x4000  }
0x5b: {  	s22 =	simm.s32 $0x180;
	[sflag:s15] =	ssyncset.done $0x0  }
0x5c: {  	s23 =	simm.s32 $0x1000;
	s24 =	simm.s32 $0x280;
	[sflag:s15] =	ssyncadd.s32 $0xFFFFC000  }
.LBB2_4:
0x5d: {  	[tilespmem:s18], [sflag:$0x2] =	stream.indirect.gather [hbm4b:s3+s16], $0x80, s22, s16, $0xb8;
	[tilespmem:$0xE200] =	vst v63  }
0x5e: {  	s25 =	smov.u32 s23;
	s22 =	smov.u32 s24  }
0x5f: {  	p0 =	sne.s32 s23, $0x60000;
	s23 =	sadd.s32 $0x1000, s23;
	_ =	swait.ge [sflag:s19], $0x4000  }
0x60: {  	[sflag:s19] =	ssyncset.done $0x0  }
0x61: {  	s26 =	sadd.s32 s25, s14;
	[sflag:s19] =	ssyncadd.s32 $0xFFFFC000  }
0x62: {  	[hbm4b:s26+s2] =	stream.linear.scatter [tilespmem:s17], [sflag:$0x3], $0x4000, $0x38;
	[tilespmem:$0xE200] =	vst v63  }
0x63: {  	_ =	swait.ge [sflag:s15], $0x4000  }
0x64: {  	[sflag:s15] =	ssyncset.done $0x0  }
0x65: {  	s26 =	sadd.s32 $0xFFFFFF80, s24;
	[sflag:s15] =	ssyncadd.s32 $0xFFFFC000  }
0x66: {  	[tilespmem:s17], [sflag:$0x1] =	stream.indirect.gather [hbm4b:s3+s16], $0x80, s26, s16, $0xb8;
	[tilespmem:$0xE200] =	vst v63  }
0x67: {  	_ =	swait.ge [sflag:s20], $0x4000  }
0x68: {  	[sflag:s20] =	ssyncset.done $0x0  }
.Ltmp1:
0x69: {  	s25 =	sadd.s32 s25, s13;
	[sflag:s20] =	ssyncadd.s32 $0xFFFFC000;
	(pc) =	sbr.rel @p0 .LBB2_4-.Ltmp1, $4  }
0x6a: {  	[hbm4b:s25+s2] =	stream.linear.scatter [tilespmem:s18], [sflag:$0x3], $0x4000, $0x38;
	[tilespmem:$0xE200] =	vst v63  }
0x6b: {  	_ =	swait.ge [sflag:s15], $0x4000  }
0x6c: {  	[sflag:s15] =	ssyncset.done $0x0  }
0x6d: {  	s24 =	sadd.s32 $0x100, s24;
	[sflag:s15] =	ssyncadd.s32 $0xFFFFC000  }
0x6e: {  	[tilespmem:s18], [sflag:$0x2] =	stream.indirect.gather [hbm4b:s3+s16], $0x80, s22, s16, $0xb8;
	[tilespmem:$0xE200] =	vst v63  }
0x6f: {  	_ =	swait.ge [sflag:s19], $0x4000  }
0x70: {  	[sflag:s19] =	ssyncset.done $0x0  }
0x71: {  	[sflag:s19] =	ssyncadd.s32 $0xFFFFC000  }
0x72: {  	[hbm4b:s9+s2] =	stream.linear.scatter [tilespmem:s17], [sflag:$0x3], $0x4000, $0x38;
	[tilespmem:$0xE200] =	vst v63  }
0x73: {  	_ =	swait.ge [sflag:s15], $0x4000  }
0x74: {  	[sflag:s15] =	ssyncset.done $0x0  }
0x75: {  	[sflag:s15] =	ssyncadd.s32 $0xFFFFC000  }
0x76: {  	s21 =	sadd.s32 $0x1, s21;
	_ =	swait.ge [sflag:s20], $0x4000  }
0x77: {  	p0 =	sne.s32 s21, s6;
	[sflag:s20] =	ssyncset.done $0x0  }
.Ltmp2:
0x78: {  	[sflag:s20] =	ssyncadd.s32 $0xFFFFC000;
	(pc) =	sbr.rel @p0 .LBB2_1-.Ltmp2, $4  }
0x79: {  	[hbm4b:s10+s2] =	stream.linear.scatter [tilespmem:s18], [sflag:$0x3], $0x4000, $0x38;
	[tilespmem:$0xE200] =	vst v63  }
0x7a: {  	_ =	swait.ge [sflag:s15], $0x4000  }
0x7b: {  	[sflag:s15] =	ssyncset.done $0x0  }
0x7c: {  	[sflag:s15] =	ssyncadd.s32 $0xFFFFC000  }
0x7d: {  	_ =	sfence.sel $0x180000  }
0x7e: {  	[bflag:$0x0] =	sbarrier.arrive $0xFFFF  }
0x7f: {  	p0 =	sne.s32 s0, $0x0;
	_ =	strace $0x90000053  }
0x80: {  	s0 =	sadd.s32 @!p0 $0x100000, s1;
	[bflag:$0x2] =	sbarrier.arrive $0xFFFF  }
0x81: {  	[sflag:s0] =	ssyncadd.tile.s32 @!p0 $0x1;
	_ =	shalt  }
.Lfunc_end2:
_tile_overlayer_lowered:
.L_overlay_start_2:
0x82: {  	(tag) =	ssettag $0x2  }
0x83: {  	s0 =	rddreg [dreg:$0x0];
	s2 =	stileid.u32  }
0x84: {  	s1 =	rddreg [dreg:$0x1];
	p0 =	sne.s32 s2, $0x0  }
0x85: {  	s3 =	rddreg [dreg:$0x2];
	[bflag:$0x3] =	sbarrier.arrive $0xFFFF;
	s2 =	simm.s32 @!p0 $0x1C03  }
0x86: {  	[timem:s3], [sflag:s2] =	dma.local @!p0 [hbm:s0], s1  }
0x87: {  	s0 =	simm.s32 @!p0 $0x3  }
0x88: {  	_ =	swait.ge @!p0 [sflag:s0], s1  }
0x89: {  	s1 =	ssub.s32 @!p0 $0x0, s1;
	[sflag:s0] =	ssyncset.done @!p0 $0x0  }
0x8a: {  	[sflag:s0] =	ssyncadd.s32 @!p0 s1  }
0x8b: {  	[bflag:$0x3] =	sbarrier.arrive $0xFFFF  }
0x8c: {  	_ =	shalt  }

// kernel: scatter_offload_async_start
scs
__scs_entry_jumppad:
0x0: {  	(pc) =	sbr.rel $0x88, $3  }
0x1: {  	(tag) =	ssettag $0x0;
	lr =	simm.s32 $0x1  }
0x2: {  	[smem:$0x3F77] =	sst lr;
	_ =	strace $0xD0000000  }
0x3: {  	_ = 	snop  }
0x4: {  	_ = 	snop  }
0x5: {  	_ = 	snop  }
0x6: {  	_ = 	snop  }
0x7: {  	_ = 	snop  }
__scs_overlays_trampoline_lowered:
0x8: {  	[smem:$0x3F86] =	sst s0  }
0x9: {  	[smem:$0x3F87] =	sst s1  }
0xa: {  	[smem:$0x3F88] =	sst s2  }
0xb: {  	[smem:$0x3F89] =	sst s3  }
0xc: {  	[smem:$0x3F8A] =	sst s4  }
0xd: {  	[smem:$0x3F8B] =	sst s5  }
0xe: {  	[smem:$0x3F8C] =	sst s6  }
0xf: {  	[smem:$0x3F8D] =	sst s7  }
0x10: {  	[smem:$0x3F8E] =	sst s8  }
0x11: {  	[smem:$0x3F8F] =	sst s9;
	s0 =	simm.s32 @!p0 $0x0  }
0x12: {  	s1 =	sld [smem:$0x3F75];
	s0 =	simm.s32 @p0 $0x1  }
0x13: {  	[smem:$0x3F90] =	sst s0;
	s0 =	simm.s32 @!p1 $0x0  }
0x14: {  	s2 =	sld [smem:$0x3F74];
	s0 =	simm.s32 @p1 $0x1  }
0x15: {  	[smem:$0x3F91] =	sst s0;
	s0 =	simm.s32 @!p2 $0x0  }
0x16: {  	s3 =	sld [smem:$0x3FDB];
	s0 =	simm.s32 @p2 $0x1  }
0x17: {  	s4 =	simm.s32 $0x1BF5;
	[smem:$0x3F93] =	sst s0  }
0x18: {  	s0 =	sld [smem:$0x3F76];
	_ =	swait.ge [sflag:s4], $0x0  }
0x19: {  	s7 =	sld [smem:$0x3F77]  }
0x1a: {  	s8 =	sadd.s32 $0xFFFFE003, lr  }
0x1b: {  	s9 =	sadd.s32 $0xFFFFFEF7, lr;
	s5 =	simm.s32 $0xFFFFFFFF;
	p2 =	slt.u32 s8, $0xFFFFF086  }
0x1c: {  	p1 =	slt.u32 s9, $0xF7A;
	s5 =	simm.s32 @!p2 $0x0  }
0x1d: {  	s5 =	simm.s32 @p1 $0x1;
	p0 =	seq.s32 s7, s2  }
0x1e: {  	s7 =	smul.u32 @!p0 $0xF7A, s2;
	p2 =	seq.s32 @!p0 s5, $0x0  }
0x1f: {  	s9 =	smul.u32 $0xF7A, s1;
	s8 =	simm.s32 @!p0 $0x1BF5;
	p2 =	por !p2, p0  }
0x20: {  	[sflag:s8] =	ssyncset.s32 @!p0 $0xFFFFF086;
	s6 =	sadd.s32 @!p0 s3, s7;
	s7 =	simm.s32 @!p0 $0x108  }
0x21: {  	s3 =	sadd.s32 s3, s9;
	s6 =	sadd.s32 @!p0 $0x88, s6;
	s7 =	simm.s32 @p2 $0x1082  }
0x22: {  	[simem:s7], [sflag:s8] =	dma.local @!p0 [hbm:s6], $0xF7A  }
0x23: {  	s9 =	sor.u32 $0xD0000000, s2;
	s6 =	simm.s32 $0x108;
	_ =	swait.ge @!p0 [sflag:s8], $0x0  }
0x24: {  	s3 =	sadd.s32 $0x88, s3;
	s6 =	simm.s32 @!p1 $0x1082;
	[sflag:s4] =	ssyncset.s32 $0xFFFFF086  }
0x25: {  	[simem:s6], [sflag:s4] =	dma.local [hbm:s3], $0xF7A  }
0x26: {  	[smem:$0x3F77] =	sst s1;
	(tag) =	ssettag s2;
	_ =	strace s9  }
0x27: {  	s1 =	sld [smem:$0x3F87]  }
0x28: {  	s2 =	sld [smem:$0x3F88]  }
0x29: {  	s4 =	sld [smem:$0x3F8A]  }
0x2a: {  	p0 =	seq.s32 s5, $0x0;
	s5 =	sld [smem:$0x3F8B]  }
0x2b: {  	s6 =	sld [smem:$0x3F8C]  }
0x2c: {  	s7 =	sld [smem:$0x3F8D]  }
0x2d: {  	s3 =	simm.s32 $0x108;
	s8 =	sld [smem:$0x3F8E]  }
0x2e: {  	s3 =	simm.s32 @!p0 $0x1082;
	s9 =	sld [smem:$0x3F8F]  }
0x2f: {  	lr =	sadd.s32 s0, s3;
	s0 =	sld [smem:$0x3F86]  }
0x30: {  	s3 =	sld [smem:$0x3F89]  }
0x31: {  	[smem:$0x3F92] =	sst s10  }
0x32: {  	s10 =	sld [smem:$0x3F90];
	_ =	sdelay $0x3  }
0x33: {  	p0 =	seq.s32 s10, $0x1;
	s10 =	sld [smem:$0x3F92];
	_ =	sdelay $0x3  }
0x34: {  	[smem:$0x3F92] =	sst s10  }
0x35: {  	s10 =	sld [smem:$0x3F91];
	_ =	sdelay $0x3  }
0x36: {  	p1 =	seq.s32 s10, $0x1;
	s10 =	sld [smem:$0x3F92];
	_ =	sdelay $0x3  }
0x37: {  	[smem:$0x3F92] =	sst s10  }
0x38: {  	s10 =	sld [smem:$0x3F93]  }
0x39: {  	_ = 	snop;
	(pc) =	sbr.ind lr, $3  }
0x3a: {  	_ = 	snop  }
0x3b: {  	_ = 	snop  }
0x3c: {  	p2 =	seq.s32 s10, $0x1;
	s10 =	sld [smem:$0x3F92]  }
0x3d: {  	_ =	shalt  }
0x3e: {  	_ =	shalt  }
0x3f: {  	_ =	shalt  }
0x40: {  	_ =	shalt  }
0x41: {  	_ =	shalt  }
0x42: {  	_ =	shalt  }
0x43: {  	_ =	shalt  }
0x44: {  	_ =	shalt  }
0x45: {  	_ =	shalt  }
0x46: {  	_ =	shalt  }
0x47: {  	_ =	shalt  }
0x48: {  	_ =	shalt  }
0x49: {  	_ =	shalt  }
0x4a: {  	_ =	shalt  }
0x4b: {  	_ =	shalt  }
0x4c: {  	_ =	shalt  }
0x4d: {  	_ =	shalt  }
0x4e: {  	_ =	shalt  }
0x4f: {  	_ =	shalt  }
0x50: {  	_ =	shalt  }
0x51: {  	_ =	shalt  }
0x52: {  	_ =	shalt  }
0x53: {  	_ =	shalt  }
0x54: {  	_ =	shalt  }
0x55: {  	_ =	shalt  }
0x56: {  	_ =	shalt  }
0x57: {  	_ =	shalt  }
0x58: {  	_ =	shalt  }
0x59: {  	_ =	shalt  }
0x5a: {  	_ =	shalt  }
0x5b: {  	_ =	shalt  }
0x5c: {  	_ =	shalt  }
0x5d: {  	_ =	shalt  }
0x5e: {  	_ =	shalt  }
0x5f: {  	_ =	shalt  }
0x60: {  	_ =	shalt  }
0x61: {  	_ =	shalt  }
0x62: {  	_ =	shalt  }
0x63: {  	_ =	shalt  }
0x64: {  	_ =	shalt  }
0x65: {  	_ =	shalt  }
0x66: {  	_ =	shalt  }
0x67: {  	_ =	shalt  }
0x68: {  	_ =	shalt  }
0x69: {  	_ =	shalt  }
0x6a: {  	_ =	shalt  }
0x6b: {  	_ =	shalt  }
0x6c: {  	_ =	shalt  }
0x6d: {  	_ =	shalt  }
0x6e: {  	_ =	shalt  }
0x6f: {  	_ =	shalt  }
0x70: {  	_ =	shalt  }
0x71: {  	_ =	shalt  }
0x72: {  	_ =	shalt  }
0x73: {  	_ =	shalt  }
0x74: {  	_ =	shalt  }
0x75: {  	_ =	shalt  }
0x76: {  	_ =	shalt  }
0x77: {  	_ =	shalt  }
0x78: {  	_ =	shalt  }
0x79: {  	_ =	shalt  }
0x7a: {  	_ =	shalt  }
0x7b: {  	_ =	shalt  }
0x7c: {  	_ =	shalt  }
0x7d: {  	_ =	shalt  }
0x7e: {  	_ =	shalt  }
0x7f: {  	_ =	shalt  }
0x80: {  	_ =	shalt  }
0x81: {  	_ =	shalt  }
0x82: {  	_ =	shalt  }
0x83: {  	_ =	shalt  }
0x84: {  	_ =	shalt  }
0x85: {  	_ =	shalt  }
0x86: {  	_ =	shalt  }
0x87: {  	_ =	shalt  }
.Lfunc_end0:
.L_simem_size_0:
called_computation_lowered:
.L_overlay_start_0:
0x88: {  	s2 =	sld [smem:$0x3FD9]  }
0x89: {  	s3 =	sld [smem:$0x3FFE];
	_ =	sdelay $0x1  }
0x8a: {  	s1 =	srdreg.scid  }
0x8b: {  	s0 =	sand.u32 $0x1, s1  }
0x8c: {  	s13 =	sshll.u32 s0, $0xA;
	s2 =	sadd.s32 s3, s2  }
0x8d: {  	s2 =	sadd.s32 s2, s13  }
0x8e: {  	[smem:$0x3F9E] =	sst s2  }
0x8f: {  	_ = 	snop  }
0x90: {  	s2 =	sld [smem:$0x3FD0];
	_ =	sdelay $0x2  }
0x91: {  	s14 =	simm.s32 $0xA;
	s4 =	simm.s32 $0x10  }
0x92: {  	[smem:s4], [sflag:s14] =	dma.local [hbm:s2], $0x1  }
0x93: {  	_ =	swait.eq [sflag:s14], $0x1  }
0x94: {  	[sflag:s14] =	ssyncset.done $0x0  }
0x95: {  	s15 =	sld [smem:$0x10];
	[sflag:s14] =	ssyncadd.s32 $0xFFFFFFFF  }
0x96: {  	s16 =	sld [smem:$0x11];
	(tm) =	ssettm $0x1  }
0x97: {  	s17 =	sld [smem:$0x3FFB];
	_ =	sdelay $0x3  }
0x98: {  	_ =	strace s17  }
0x99: {  	s4 =	sld [smem:$0x3FFC];
	_ =	sdelay $0x3  }
0x9a: {  	_ =	strace s4  }
0x9b: {  	s4 =	sld [smem:$0x3FFD];
	_ =	sdelay $0x3  }
0x9c: {  	_ =	strace s4  }
0x9d: {  	_ =	strace $0x8FFFFFFF  }
0x9e: {  	s18 =	sld [smem:$0x3FDB];
	_ =	sdelay $0x1  }
0x9f: {  	s5 =	simm.s32 $_scs_section_size  }
0xa0: {  	s6 =	simm.s32 $_size__tile_overlayer_lowered;
	s7 =	simm.s32 $_tile_overlayer_lowered  }
0xa1: {  	s21 =	simm.s32 $0x1BFF;
	s20 =	sshll.u32 s7, $0x1;
	s4 =	sadd.s32 s5, s18  }
0xa2: {  	s8 =	simm.s32 $0x0;
	s19 =	sshll.u32 s6, $0x1;
	s6 =	sadd.s32 s20, s4  }
0xa3: {  	[timem:s8], [sflag:s21] =	dma.local [hbm:s6], s19  }
0xa4: {  	_ =	swait.ge [sflag:s21], s19  }
0xa5: {  	s5 =	ssub.s32 $0x0, s19;
	[sflag:s21] =	ssyncset.done $0x0  }
0xa6: {  	[sflag:s21] =	ssyncadd.s32 s5;
	_ =	sdelay $0x1  }
0xa7: {  	s22 =	simm.s32 $0x1B8B  }
0xa8: {  	_ =	swait.ge [sflag:s22], $0x1  }
0xa9: {  	[sflag:s22] =	ssyncset.done $0x0  }
0xaa: {  	s23 =	sld [smem:$0x3FFE];
	[sflag:s22] =	ssyncadd.s32 $0xFFFFFFFF  }
0xab: {  	s25 =	simm.s32 $0x1B8E;
	s24 =	sld [smem:$0x0]  }
0xac: {  	s26 =	simm.s32 $execute0_lowered;
	[smem:$0x3FD2] =	sst s25  }
0xad: {  	s7 =	sshll.u32 s26, $0x1;
	_ =	strace $0x8000004F;
	[dreg:$0x1] =	wrdreg $0xFFFFFFFF  }
0xae: {  	s28 =	simm.s32 $_size_execute0_lowered;
	s4 =	sadd.s32 s4, s7;
	[dreg:$0x0] =	wrdreg $0x0  }
0xaf: {  	s7 =	sshll.u32 s28, $0x1;
	[dreg:$0x2] =	wrdreg s4  }
0xb0: {  	[dreg:$0x3] =	wrdreg s7  }
0xb1: {  	[dreg:$0x4] =	wrdreg $0xC0  }
0xb2: {  	_ =	task [dreg:s8], $0x5FFFF  }
0xb3: {  	[dreg:$0x1] =	wrdreg $0xFFFFFFFF  }
0xb4: {  	[dreg:$0x0] =	wrdreg $0x60  }
0xb5: {  	[dreg:$0x2] =	wrdreg s16  }
0xb6: {  	[dreg:$0x3] =	wrdreg s15  }
0xb7: {  	[dreg:$0x4] =	wrdreg s23  }
0xb8: {  	[dreg:$0x5] =	wrdreg s1  }
0xb9: {  	[dreg:$0x6] =	wrdreg s24  }
0xba: {  	[dreg:$0x7] =	wrdreg $0x9  }
0xbb: {  	_ =	task.clear_ibuf [dreg:s8], $0x8FFFF;
	_ =	strace $0x9000004F  }
0xbc: {  	s29 =	simm.s32 $0x9;
	_ =	strace $0x80000051  }
0xbd: {  	_ =	swait.ge [sflag:s29], $0x1  }
0xbe: {  	[sflag:s29] =	ssyncadd.s32 $0xFFFFFFFF  }
0xbf: {  	_ =	strace $0x90000051  }
0xc0: {  	_ =	sfence  }
0xc1: {  	s30 =	sld [smem:$0x0];
	_ =	sdelay $0x2  }
0xc2: {  	s31 =	sshll.u32 s1, $0xD;
	s1 =	sshrl.u32 s1, $0x2  }
0xc3: {  	s3 =	sand.u32 $0x4000, s31;
	s1 =	sadd.s32 s1, s30  }
0xc4: {  	s0 =	sor.u32 s3, s0;
	s1 =	sshll.u32 s1, $0x11  }
0xc5: {  	s0 =	sor.u32 s1, s0  }
0xc6: {  	s0 =	sadd.s32 $0x8F2B, s0  }
0xc7: {  	[sflag:s0] =	ssyncadd.remote.s32 $0x1  }
0xc8: {  	_ =	sfence.sel $0xFFFF  }
0xc9: {  	[dreg:$0x0] =	wrdreg $0xFFFFFFFF;
	(pc) =	sbr.abs _section_cstart, $3  }
0xca: {  	[dreg:$0x1] =	wrdreg $0xFFFFFFFF  }
0xcb: {  	_ =	task.clear_ibuf [dreg:s8], $0x2FFFF;
	_ =	strace $0x9FFFFFFF  }
0xcc: {  	(tm) =	ssettm $0x7FFFFFFF  }
0xcd: {  	_ =	shalt  }
tec
execute0_lowered:
.L_overlay_start_1:
0x0: {  	(tag) =	ssettag $0x1  }
0x1: {  	s1 =	rddreg [dreg:$0x0]  }
0x2: {  	s0 =	rddreg [dreg:$0x1]  }
0x3: {  	s2 =	rddreg [dreg:$0x2]  }
0x4: {  	s4 =	rddreg [dreg:$0x3];
	_ =	strace $0x80000050;
	s3 =	simm.s32 $0x1  }
0x5: {  	v0 =	vimm.s32 $0x0;
	[sflag:s3] =	ssyncpa.u1 $0x0;
	s3 =	simm.s32 $0x88  }
0x6: {  	[tilespmem:s3+$0x30] =	vst v0  }
0x7: {  	s6 =	sadd.s32 $0x24C9800, s2;
	[tilespmem:s3+$0x20] =	vst v0  }
0x8: {  	s2 =	sadd.s32 $0x24B1000, s2;
	s7 =	sand.u32 $0x1, s4;
	s4 =	simm.s32 $0x40;
	[tilespmem:s3+$0x10] =	vst v0  }
.LBB2_1:
0x9: {  	s4 =	sadd.s32 $0x40, s4  }
0xa: {  	[tilespmem:s3+$0x0] =	vst v0;
	s3 =	sadd.s32 $0x40, s3;
	p0 =	slt.u32 s4, $0x5040  }
.Ltmp0:
0xb: {  	(pc) =	sbr.rel @p0 .LBB2_1-.Ltmp0, $4  }
0xc: {  	_ = 	snop  }
0xd: {  	[tilespmem:s3+$0x30] =	vst v0  }
0xe: {  	[tilespmem:s3+$0x20] =	vst v0  }
0xf: {  	[tilespmem:s3+$0x10] =	vst v0  }
0x10: {  	s8 =	stileid.u32  }
0x11: {  	s4 =	smul.u32 $0x4E, s8  }
0x12: {  	s5 =	smin.u32 s8, $0x2  }
0x13: {  	s4 =	sadd.s32 s5, s4  }
0x14: {  	p0 =	slt.u32 s8, $0x2;
	s12 =	smul.u32 $0x140, s4;
	s4 =	simm.s32 $0x62C0  }
0x15: {  	s4 =	simm.s32 @!p0 $0x6180  }
0x16: {  	s25 =	simm.s32 $0x2;
	s4 =	sadd.s32 s4, s12  }
0x17: {  	s28 =	simm.s32 $0x9;
	s9 =	simm.s32 $0xA;
	s14 =	smin.u32 s4, $0x61A80  }
0x18: {  	s30 =	simm.s32 $0xB;
	[dreg:$0x6] =	wrdreg s7;
	s4 =	ssub.s32 s14, s12  }
0x19: {  	s31 =	smul.u32 $0xC350, s7;
	s13 =	simm.s32 $0x1;
	p0 =	sgt.s32 s4, $0x0  }
0x1a: {  	s19 =	simm.s32 $0x0;
	s20 =	simm.s32 $0xA808;
	s4 =	simm.s32 @!p0 $0x0  }
0x1b: {  	s21 =	simm.s32 $0xFFFFFFFF;
	p1 =	por $0x0, $0x0;
	s26 =	smulhi.u32 $0x66666667, s4  }
0x1c: {  	[tilespmem:s3+$0x0] =	vst v0;
	s23 =	simm.s32 $0x0;
	[sflag:s25] =	ssyncpa.u1 $0x0;
	s18 =	sshll.u32 s8, $0x7  }
0x1d: {  	s0 =	sadd.s32 s31, s0;
	[dreg:$0xc] =	wrdreg s18;
	s3 =	sshrl.u32 s26, $0x7  }
0x1e: {  	v0 =	vimm.s32 $0xFFFFFFFF;
	s17 =	sadd.s32 s31, s2;
	[dreg:$0xb] =	wrdreg s0;
	s29 =	smul.u32 $0x140, s3  }
0x1f: {  	s25 =	simm.s32 $0x0;
	[tilespmem:$0xA108] =	vst v0;
	[sflag:s28] =	ssyncpa.u1 $0x0;
	[dreg:$0xa] =	wrdreg s17  }
.Ltmp1:
0x20: {  	p0 =	sne.s32 s4, s29;
	s4 =	simm.s32 $0x1;
	(pc) =	sbr.rel .LBB2_3-.Ltmp1, $4  }
0x21: {  	[sflag:s9] =	ssyncpa.u1 $0x0;
	[dreg:$0x7] =	wrdreg s12;
	s4 =	simm.s32 @!p0 $0x0  }
0x22: {  	[sflag:s30] =	ssyncpa.u1 $0x0;
	[dreg:$0x8] =	wrdreg s14;
	s15 =	sadd.s32 s4, s3  }
0x23: {  	s24 =	smov.u32 s12;
	s22 =	sadd.s32 $0x1, s15;
	[dreg:$0x9] =	wrdreg s15  }
0x24: {  	v0 =	vlaneseq.u32;
	s26 =	simm.s32 $0x0;
	p0 =	por $0x1, $0x1;
	[dreg:$0xd] =	wrdreg s22  }
.LBB2_22:
0x25: {  	s0 =	sshrl.u32 s3, $0x2  }
.LBB2_24:
0x26: {  	s3 =	simm.s32 $0xC  }
0x27: {  	_ =	swait.ge [sflag:s3], s0  }
0x28: {  	s31 =	ssub.s32 $0x0, s0;
	v1 =	vmov s4;
	vm0 =	veq.s32 v0, $0x0;
	[sflag:s3] =	ssyncset.done $0x0  }
0x29: {  	vm15 =	veq.s32 v0, $0x2;
	v1 =	vsel vm0, s2, v1;
	[sflag:s3] =	ssyncadd.s32 s31  }
0x2a: {  	v1 =	vsel vm15, s26, v1;
	[sflag:s3] =	ssyncpa.u1 $0x1  }
0x2b: {  	[tilespmem:$0xA108] =	vst v1  }
.LBB2_25:
0x2c: {  	s0 =	sadd.s32 $0x140, s24  }
0x2d: {  	s2 =	smov.u32 s12;
	p2 =	slt.s32 s0, s14  }
0x2e: {  	s2 =	smov.u32 @p2 s0;
	p2 =	sne.s32 s25, s22  }
.Ltmp2:
0x2f: {  	_ = 	snop;
	(pc) =	sbr.rel @!p2 .LBB2_26-.Ltmp2, $4  }
0x30: {  	_ = 	snop  }
0x31: {  	s26 =	smov.u32 s23;
	s31 =	sadd.s32 $0x1, s25;
	p0 =	por !p0, !p0  }
0x32: {  	s23 =	smov.u32 s24;
	s20 =	sadd.s32 $0x140, s20;
	s21 =	sadd.s32 $0x1, s21  }
0x33: {  	p1 =	por !p1, !p1;
	s25 =	smov.u32 s31;
	s24 =	smov.u32 s2  }
.LBB2_3:
0x34: {  	p2 =	sge.u32 s25, s15  }
0x35: {  	s0 =	smulhi.u32 @!p2 $0xAAAAAAAB, s25  }
0x36: {  	s2 =	smov.u32 s24;
	p3 =	sgt.s32 @!p2 s24, $0x61940  }
0x37: {  	s3 =	sshra.s32 @!p2 s24, $0x1F;
	p3 =	por !p3, p2;
	s0 =	sshrl.u32 @!p2 s0, $0x1  }
0x38: {  	s3 =	sand.u32 @!p2 s3, s24;
	s2 =	simm.s32 @p3 $0x61940;
	s0 =	smul.u32 @!p2 $0x3, s0  }
0x39: {  	s2 =	ssub.s32 @!p2 s2, s3  }
0x3a: {  	s2 =	sadd.s32 @!p2 $0xFFF9E6C0, s2;
	s0 =	ssub.s32 @!p2 s25, s0  }
0x3b: {  	s3 =	sshll.u32 @!p2 s2, $0x2;
	p3 =	sgt.s32 @!p2 s2, $0x13F;
	s0 =	smul.u32 @!p2 $0x500, s0  }
0x3c: {  	s4 =	sand.u32 @!p2 $0x7, s24;
	s2 =	ssub.s32 @!p2 $0x500, s3;
	p3 =	por !p3, p2  }
0x3d: {  	s3 =	sshrl.u32 @!p2 s24, $0x3;
	s2 =	sshrl.u32 @!p2 s2, $0x2;
	s0 =	sshrl.u32 @!p2 s0, $0x2  }
0x3e: {  	s3 =	sadd.s32 @!p2 s3, s17;
	s2 =	simm.s32 @!p3 $0x0;
	s0 =	sadd.s32 @!p2 $0xA948, s0  }
0x3f: {  	[tilespmem:s0], [sflag:$0xA] =	stream.linear.gather @!p2 [hbm4b:s3+s4], s2, $0x38;
	[tilespmem:$0x1EF88] =	vst v63  }
0x40: {  	s0 =	sadd.s32 $0xFFFFFFFF, s25  }
0x41: {  	p2 =	sge.u32 s0, s15  }
.Ltmp3:
0x42: {  	_ = 	snop;
	(pc) =	sbr.rel @p2 .LBB2_7-.Ltmp3, $1  }
0x43: {  	_ =	sdelay $0x3  }
0x44: {  	p2 =	sgt.s32 s23, $0x61940;
	s2 =	smov.u32 s23;
	s3 =	sshra.s32 s23, $0x1F  }
0x45: {  	s2 =	simm.s32 @!p2 $0x61940;
	s3 =	sand.u32 s3, s23  }
0x46: {  	s17 =	smulhi.u32 $0xAAAAAAAB, s21;
	s2 =	ssub.s32 s2, s3  }
0x47: {  	s0 =	sand.u32 $0x1, s0;
	s2 =	sadd.s32 $0xFFF9E6C0, s2  }
0x48: {  	s5 =	simm.s32 $0xA;
	s3 =	sshrl.u32 s17, $0x1;
	s4 =	sshll.u32 s2, $0x2  }
0x49: {  	s7 =	sshrl.u32 s23, $0x3;
	s3 =	smul.u32 $0xFFFFF100, s3;
	s4 =	ssub.s32 $0x500, s4  }
0x4a: {  	s18 =	smul.u32 $0x500, s0;
	p2 =	sgt.s32 s2, $0x13F;
	s2 =	sshrl.u32 s4, $0x2  }
0x4b: {  	s9 =	sand.u32 $0x7, s23;
	s3 =	sshra.s32 s3, $0x2;
	s2 =	simm.s32 @p2 $0x0  }
0x4c: {  	s0 =	sadd.s32 s3, s20;
	s4 =	sshrl.u32 s18, $0x2;
	_ =	swait.ge [sflag:s5], s2  }
0x4d: {  	s22 =	ssub.s32 $0x0, s2;
	[sflag:s5] =	ssyncset.done $0x0;
	s8 =	rddreg [dreg:$0xb]  }
0x4e: {  	s4 =	sadd.s32 $0xAD08, s4;
	[sflag:s5] =	ssyncadd.s32 s22;
	s3 =	sadd.s32 s7, s8  }
0x4f: {  	[tilespmem:s4], [sflag:$0xB] =	stream.linear.gather [hbm4b:s3+s9], s2, $0x38;
	[tilespmem:$0x1EF88] =	vst v63  }
0x50: {  	v1 =	vld.msk [tilespmem:s0+$0x0], $0xffff;
	_ =	sdelay $0x4  }
0x51: {  	v1 =	vshll.u32 v1, $0x4  }
0x52: {  	(v2sf) =	vpush v1, $0x0  }
0x53: {  	(v2sf) =	vpush v1, $0x1  }
0x54: {  	(v2sf) =	vpush v1, $0x2;
	_ =	sdelay $0x3  }
0x55: {  	(v2sf) =	vpush v1, $0x3;
	_ =	sdelay $0x1  }
0x56: {  	(v2sf) =	vpush v1, $0x4  }
0x57: {  	s2 =	simm.s32 $0x1;
	(v2sf) =	vpush v1, $0x5  }
0x58: {  	s2 =	simm.s32 @!p0 $0x0  }
0x59: {  	s2 =	smul.u32 $0x28000, s2;
	(v2sf) =	vpush v1, $0x6;
	_ =	sdelay $0x1  }
0x5a: {  	s2 =	sshrl.u32 s2, $0x2  }
0x5b: {  	s28 =	sadd.s32 $0xB708, s2  }
0x5c: {  	s12 =	sadd.s32 $0xFFFFF880, s28;
	s17 =	sadd.s32 $0xFFFFF900, s28;
	s10 =	spop (v2sf);
	(v2sf) =	vpush v1, $0x7  }
0x5d: {  	s18 =	sadd.s32 $0xFFFFF980, s28;
	s11 =	sand.u32 $0x1FFFFFF0, s10;
	s14 =	spop (v2sf)  }
0x5e: {  	(v2sf) =	vpush v1, $0x8;
	s2 =	sadd.s32 s6, s11;
	s15 =	sand.u32 $0x1FFFFFF0, s14;
	s16 =	spop (v2sf)  }
0x5f: {  	[tilespmem:s12], [sflag:$0x9] =	stream.linear.gather [hbm4b:s2+s19], $0x40, $0x38;
	[tilespmem:$0x1EF88] =	vst v63  }
0x60: {  	s5 =	sadd.s32 $0xFFFFFA00, s28;
	s2 =	sadd.s32 s6, s15;
	s3 =	sand.u32 $0x1FFFFFF0, s16  }
0x61: {  	(v2sf) =	vpush v1, $0x9;
	[tilespmem:s17], [sflag:$0x9] =	stream.linear.gather [hbm4b:s2+s19], $0x40, $0x38;
	[tilespmem:$0x1EF88] =	vst v63  }
0x62: {  	s7 =	sadd.s32 $0xFFFFFA80, s28;
	s22 =	spop (v2sf);
	s3 =	sadd.s32 s6, s3  }
0x63: {  	(v2sf) =	vpush v1, $0xA;
	[tilespmem:s18], [sflag:$0x9] =	stream.linear.gather [hbm4b:s3+s19], $0x40, $0x38;
	[tilespmem:$0x1EF88] =	vst v63  }
0x64: {  	s11 =	sadd.s32 $0xFFFFFB00, s28;
	s4 =	spop (v2sf);
	(v2sf) =	vpush v1, $0xB;
	s3 =	sand.u32 $0x1FFFFFF0, s22  }
0x65: {  	s8 =	spop (v2sf);
	s2 =	sadd.s32 s6, s3;
	s3 =	sand.u32 $0x1FFFFFF0, s4  }
0x66: {  	(v2sf) =	vpush v1, $0xC;
	[tilespmem:s5], [sflag:$0x9] =	stream.linear.gather [hbm4b:s2+s19], $0x40, $0x38;
	[tilespmem:$0x1EF88] =	vst v63  }
0x67: {  	s9 =	sand.u32 $0x1FFFFFF0, s8;
	s10 =	spop (v2sf);
	s3 =	sadd.s32 s6, s3  }
0x68: {  	(v2sf) =	vpush v1, $0xD;
	[tilespmem:s7], [sflag:$0x9] =	stream.linear.gather [hbm4b:s3+s19], $0x40, $0x38;
	[tilespmem:$0x1EF88] =	vst v63  }
0x69: {  	s12 =	sadd.s32 $0xFFFFFB80, s28;
	s2 =	sadd.s32 s6, s9;
	s3 =	sand.u32 $0x1FFFFFF0, s10  }
0x6a: {  	[tilespmem:s11], [sflag:$0x9] =	stream.linear.gather [hbm4b:s2+s19], $0x40, $0x38;
	[tilespmem:$0x1EF88] =	vst v63  }
0x6b: {  	s17 =	sadd.s32 $0xFFFFFC00, s28;
	s3 =	sadd.s32 s6, s3;
	s14 =	spop (v2sf)  }
0x6c: {  	[tilespmem:s12], [sflag:$0x9] =	stream.linear.gather [hbm4b:s3+s19], $0x40, $0x38;
	(v2sf) =	vpush v1, $0xE;
	[tilespmem:$0x1EF88] =	vst v63  }
0x6d: {  	s18 =	sadd.s32 $0xFFFFFC80, s28;
	s15 =	sand.u32 $0x1FFFFFF0, s14;
	s16 =	spop (v2sf)  }
0x6e: {  	s5 =	sadd.s32 $0xFFFFFD00, s28;
	(v2sf) =	vpush v1, $0xF;
	s2 =	sadd.s32 s6, s15;
	s3 =	sand.u32 $0x1FFFFFF0, s16  }
0x6f: {  	[tilespmem:s17], [sflag:$0x9] =	stream.linear.gather [hbm4b:s2+s19], $0x40, $0x38;
	[tilespmem:$0x1EF88] =	vst v63  }
0x70: {  	s7 =	sadd.s32 $0xFFFFFD80, s28;
	s22 =	spop (v2sf);
	s3 =	sadd.s32 s6, s3  }
0x71: {  	[tilespmem:s18], [sflag:$0x9] =	stream.linear.gather [hbm4b:s3+s19], $0x40, $0x38;
	[tilespmem:$0x1EF88] =	vst v63  }
0x72: {  	s11 =	sadd.s32 $0xFFFFFE00, s28;
	s4 =	spop (v2sf);
	s3 =	sand.u32 $0x1FFFFFF0, s22  }
0x73: {  	s8 =	spop (v2sf);
	s2 =	sadd.s32 s6, s3;
	s3 =	sand.u32 $0x1FFFFFF0, s4  }
0x74: {  	[tilespmem:s5], [sflag:$0x9] =	stream.linear.gather [hbm4b:s2+s19], $0x40, $0x38;
	[tilespmem:$0x1EF88] =	vst v63  }
0x75: {  	s9 =	sand.u32 $0x1FFFFFF0, s8;
	s10 =	spop (v2sf);
	s3 =	sadd.s32 s6, s3  }
0x76: {  	[tilespmem:s7], [sflag:$0x9] =	stream.linear.gather [hbm4b:s3+s19], $0x40, $0x38;
	[tilespmem:$0x1EF88] =	vst v63  }
0x77: {  	s14 =	spop (v2sf);
	s2 =	sadd.s32 s6, s9;
	s3 =	sand.u32 $0x1FFFFFF0, s10  }
0x78: {  	[tilespmem:s11], [sflag:$0x9] =	stream.linear.gather [hbm4b:s2+s19], $0x40, $0x38;
	[tilespmem:$0x1EF88] =	vst v63  }
0x79: {  	s12 =	sadd.s32 $0xFFFFFE80, s28;
	s15 =	sand.u32 $0x1FFFFFF0, s14;
	s3 =	sadd.s32 s6, s3  }
0x7a: {  	[tilespmem:s12], [sflag:$0x9] =	stream.linear.gather [hbm4b:s3+s19], $0x40, $0x38;
	[tilespmem:$0x1EF88] =	vst v63  }
0x7b: {  	s17 =	sadd.s32 $0xFFFFFF00, s28;
	s2 =	sadd.s32 s6, s15;
	s16 =	spop (v2sf)  }
0x7c: {  	[tilespmem:s17], [sflag:$0x9] =	stream.linear.gather [hbm4b:s2+s19], $0x40, $0x38;
	[tilespmem:$0x1EF88] =	vst v63  }
0x7d: {  	s29 =	simm.s32 $0x0;
	s3 =	sand.u32 $0x1FFFFFF0, s16;
	s18 =	spop (v2sf)  }
0x7e: {  	s22 =	sadd.s32 $0xFFFFFF80, s28;
	s3 =	sadd.s32 s6, s3;
	s2 =	sand.u32 $0x1FFFFFF0, s18  }
0x7f: {  	[tilespmem:s22], [sflag:$0x9] =	stream.linear.gather [hbm4b:s3+s19], $0x40, $0x38;
	[tilespmem:$0x1EF88] =	vst v63  }
0x80: {  	s31 =	sadd.s32 $0x10, s0;
	s30 =	sadd.s32 $0x800, s28;
	s2 =	sadd.s32 s6, s2  }
.LBB2_5:
0x81: {  	[tilespmem:s28], [sflag:$0x9] =	stream.linear.gather [hbm4b:s2+s19], $0x40, $0x38;
	[tilespmem:$0x1EF88] =	vst v63  }
0x82: {  	s29 =	sadd.s32 $0x10, s29;
	s28 =	smov.u32 s30  }
0x83: {  	p2 =	slt.u32 s29, $0x130;
	v1 =	vld.msk [tilespmem:s31+$0x0], $0xffff;
	_ =	sdelay $0x4  }
0x84: {  	v1 =	vshll.u32 v1, $0x4  }
0x85: {  	(v2sf) =	vpush v1, $0x0  }
0x86: {  	(v2sf) =	vpush v1, $0x1  }
0x87: {  	(v2sf) =	vpush v1, $0x2;
	_ =	sdelay $0x1  }
0x88: {  	(v2sf) =	vpush v1, $0x3;
	_ =	sdelay $0x1  }
0x89: {  	(v2sf) =	vpush v1, $0x4;
	_ =	sdelay $0x1  }
0x8a: {  	(v2sf) =	vpush v1, $0x5;
	_ =	sdelay $0x1  }
0x8b: {  	(v2sf) =	vpush v1, $0x6  }
0x8c: {  	s4 =	sadd.s32 $0xFFFFFE80, s30;
	s0 =	sadd.s32 $0xFFFFFF00, s30  }
0x8d: {  	s3 =	sadd.s32 $0xFFFFFD00, s30;
	s2 =	sadd.s32 $0xFFFFFD80, s30;
	s5 =	sadd.s32 $0xFFFFFE00, s30;
	(v2sf) =	vpush v1, $0x7  }
0x8e: {  	s10 =	sadd.s32 $0xFFFFFB80, s30;
	s9 =	sadd.s32 $0xFFFFFC00, s30;
	s16 =	sadd.s32 $0xFFFFFC80, s30  }
0x8f: {  	s11 =	sadd.s32 $0xFFFFFA00, s30;
	s12 =	sadd.s32 $0xFFFFFA80, s30;
	s15 =	sadd.s32 $0xFFFFFB00, s30;
	(v2sf) =	vpush v1, $0x8  }
0x90: {  	s18 =	sadd.s32 $0xFFFFF900, s30;
	s7 =	sadd.s32 $0xFFFFF980, s30;
	s22 =	spop (v2sf)  }
0x91: {  	s8 =	sadd.s32 $0xFFFFF880, s30;
	s22 =	sand.u32 $0x1FFFFFF0, s22;
	s14 =	spop (v2sf);
	(v2sf) =	vpush v1, $0x9  }
0x92: {  	s22 =	sadd.s32 s6, s22;
	s14 =	sand.u32 $0x1FFFFFF0, s14;
	s17 =	spop (v2sf)  }
0x93: {  	[tilespmem:s8], [sflag:$0x9] =	stream.linear.gather [hbm4b:s22+s19], $0x40, $0x38;
	(v2sf) =	vpush v1, $0xA;
	[tilespmem:$0x1EF88] =	vst v63  }
0x94: {  	s8 =	sadd.s32 s6, s14;
	s14 =	sand.u32 $0x1FFFFFF0, s17;
	s17 =	spop (v2sf)  }
0x95: {  	[tilespmem:s18], [sflag:$0x9] =	stream.linear.gather [hbm4b:s8+s19], $0x40, $0x38;
	(v2sf) =	vpush v1, $0xB;
	[tilespmem:$0x1EF88] =	vst v63  }
0x96: {  	s8 =	sadd.s32 s6, s14;
	s14 =	sand.u32 $0x1FFFFFF0, s17;
	s17 =	spop (v2sf)  }
0x97: {  	[tilespmem:s7], [sflag:$0x9] =	stream.linear.gather [hbm4b:s8+s19], $0x40, $0x38;
	(v2sf) =	vpush v1, $0xC;
	[tilespmem:$0x1EF88] =	vst v63  }
0x98: {  	s7 =	sadd.s32 s6, s14;
	s8 =	sand.u32 $0x1FFFFFF0, s17;
	s14 =	spop (v2sf)  }
0x99: {  	[tilespmem:s11], [sflag:$0x9] =	stream.linear.gather [hbm4b:s7+s19], $0x40, $0x38;
	(v2sf) =	vpush v1, $0xD;
	[tilespmem:$0x1EF88] =	vst v63  }
0x9a: {  	s7 =	sadd.s32 s6, s8;
	s8 =	sand.u32 $0x1FFFFFF0, s14;
	s11 =	spop (v2sf)  }
0x9b: {  	[tilespmem:s12], [sflag:$0x9] =	stream.linear.gather [hbm4b:s7+s19], $0x40, $0x38;
	(v2sf) =	vpush v1, $0xE;
	[tilespmem:$0x1EF88] =	vst v63  }
0x9c: {  	s7 =	sadd.s32 s6, s8;
	s8 =	sand.u32 $0x1FFFFFF0, s11;
	s11 =	spop (v2sf)  }
0x9d: {  	[tilespmem:s15], [sflag:$0x9] =	stream.linear.gather [hbm4b:s7+s19], $0x40, $0x38;
	(v2sf) =	vpush v1, $0xF;
	[tilespmem:$0x1EF88] =	vst v63  }
0x9e: {  	s7 =	sadd.s32 s6, s8;
	s8 =	sand.u32 $0x1FFFFFF0, s11;
	s11 =	spop (v2sf)  }
0x9f: {  	[tilespmem:s10], [sflag:$0x9] =	stream.linear.gather [hbm4b:s7+s19], $0x40, $0x38;
	[tilespmem:$0x1EF88] =	vst v63  }
0xa0: {  	s7 =	sadd.s32 s6, s8;
	s8 =	sand.u32 $0x1FFFFFF0, s11;
	s10 =	spop (v2sf)  }
0xa1: {  	[tilespmem:s9], [sflag:$0x9] =	stream.linear.gather [hbm4b:s7+s19], $0x40, $0x38;
	[tilespmem:$0x1EF88] =	vst v63  }
0xa2: {  	s7 =	sadd.s32 s6, s8;
	s8 =	sand.u32 $0x1FFFFFF0, s10;
	s9 =	spop (v2sf)  }
0xa3: {  	[tilespmem:s16], [sflag:$0x9] =	stream.linear.gather [hbm4b:s7+s19], $0x40, $0x38;
	[tilespmem:$0x1EF88] =	vst v63  }
0xa4: {  	s7 =	sadd.s32 s6, s8;
	s8 =	sand.u32 $0x1FFFFFF0, s9;
	s9 =	spop (v2sf)  }
0xa5: {  	[tilespmem:s3], [sflag:$0x9] =	stream.linear.gather [hbm4b:s7+s19], $0x40, $0x38;
	[tilespmem:$0x1EF88] =	vst v63  }
0xa6: {  	s3 =	sadd.s32 s6, s8;
	s7 =	sand.u32 $0x1FFFFFF0, s9;
	s8 =	spop (v2sf)  }
0xa7: {  	[tilespmem:s2], [sflag:$0x9] =	stream.linear.gather [hbm4b:s3+s19], $0x40, $0x38;
	[tilespmem:$0x1EF88] =	vst v63  }
0xa8: {  	s2 =	sadd.s32 s6, s7;
	s3 =	sand.u32 $0x1FFFFFF0, s8;
	s7 =	spop (v2sf)  }
0xa9: {  	[tilespmem:s5], [sflag:$0x9] =	stream.linear.gather [hbm4b:s2+s19], $0x40, $0x38;
	[tilespmem:$0x1EF88] =	vst v63  }
0xaa: {  	s2 =	sadd.s32 s6, s3;
	s3 =	sand.u32 $0x1FFFFFF0, s7;
	s5 =	spop (v2sf)  }
0xab: {  	[tilespmem:s4], [sflag:$0x9] =	stream.linear.gather [hbm4b:s2+s19], $0x40, $0x38;
	[tilespmem:$0x1EF88] =	vst v63  }
0xac: {  	s2 =	sadd.s32 s6, s3  }
.Ltmp4:
0xad: {  	s3 =	sand.u32 $0x1FFFFFF0, s5;
	s4 =	spop (v2sf);
	(pc) =	sbr.rel @p2 .LBB2_5-.Ltmp4, $4  }
0xae: {  	[tilespmem:s0], [sflag:$0x9] =	stream.linear.gather [hbm4b:s2+s19], $0x40, $0x38;
	[tilespmem:$0x1EF88] =	vst v63  }
0xaf: {  	s0 =	sadd.s32 s6, s3;
	s2 =	sadd.s32 $0xFFFFFF80, s30;
	s3 =	sand.u32 $0x1FFFFFF0, s4  }
0xb0: {  	[tilespmem:s2], [sflag:$0x9] =	stream.linear.gather [hbm4b:s0+s19], $0x40, $0x38;
	[tilespmem:$0x1EF88] =	vst v63  }
0xb1: {  	s31 =	sadd.s32 $0x10, s31;
	s30 =	sadd.s32 $0x800, s30;
	s2 =	sadd.s32 s6, s3  }
0xb2: {  	[tilespmem:s28], [sflag:$0x9] =	stream.linear.gather [hbm4b:s2+s19], $0x40, $0x38;
	[tilespmem:$0x1EF88] =	vst v63  }
0xb3: {  	s12 =	rddreg [dreg:$0x7]  }
0xb4: {  	s14 =	rddreg [dreg:$0x8]  }
0xb5: {  	s15 =	rddreg [dreg:$0x9]  }
0xb6: {  	s17 =	rddreg [dreg:$0xa]  }
0xb7: {  	s18 =	rddreg [dreg:$0xc]  }
0xb8: {  	s22 =	rddreg [dreg:$0xd]  }
.LBB2_7:
0xb9: {  	p2 =	slt.u32 s25, $0x2  }
.Ltmp5:
0xba: {  	_ = 	snop;
	(pc) =	sbr.rel @p2 .LBB2_25-.Ltmp5, $1  }
0xbb: {  	_ =	sdelay $0x3  }
0xbc: {  	p2 =	sgt.s32 s26, $0x61940;
	s0 =	smov.u32 s26;
	s2 =	sshra.s32 s26, $0x1F  }
0xbd: {  	s0 =	simm.s32 @!p2 $0x61940;
	s2 =	sand.u32 s2, s26  }
0xbe: {  	s0 =	ssub.s32 s0, s2  }
0xbf: {  	s0 =	sadd.s32 $0xFFF9E6C0, s0  }
0xc0: {  	s3 =	simm.s32 $0x9;
	s29 =	sshll.u32 s0, $0x2  }
0xc1: {  	_ =	swait.ge [sflag:s3], $0x5000;
	s2 =	ssub.s32 $0x500, s29  }
0xc2: {  	[sflag:s3] =	ssyncset.done $0x0;
	p2 =	sgt.s32 s0, $0x13F;
	s0 =	sshrl.u32 s2, $0x2  }
0xc3: {  	s30 =	simm.s32 $0xB;
	[sflag:s3] =	ssyncadd.s32 $0xFFFFB000;
	s0 =	simm.s32 @p2 $0x0  }
0xc4: {  	_ =	swait.ge [sflag:s30], s0  }
0xc5: {  	s0 =	ssub.s32 $0x0, s0;
	[sflag:s30] =	ssyncset.done $0x0  }
0xc6: {  	[sflag:s30] =	ssyncadd.s32 s0  }
0xc7: {  	v1 =	vld [tilespmem:$0xA108];
	_ =	sdelay $0x4  }
0xc8: {  	(v2sf) =	vpush v1, $0x0  }
0xc9: {  	(v2sf) =	vpush v1, $0x1  }
0xca: {  	(v2sf) =	vpush v1, $0x2;
	_ =	sdelay $0x3  }
0xcb: {  	s0 =	sadd.s32 $0x140, s26  }
0xcc: {  	s4 =	ssub.s32 $0xC3500, s26;
	p2 =	slt.s32 s14, s0  }
0xcd: {  	s0 =	smov.u32 @p2 s14;
	p2 =	sgt.s32 s4, $0x0  }
0xce: {  	s0 =	ssub.s32 s0, s26;
	s4 =	simm.s32 @!p2 $0x0  }
0xcf: {  	p2 =	slt.s32 s4, s0  }
0xd0: {  	s0 =	smov.u32 @p2 s4  }
0xd1: {  	s2 =	simm.s32 $0x1;
	p2 =	slt.s32 s0, $0x1  }
.Ltmp6:
0xd2: {  	s2 =	simm.s32 @!p1 $0x0;
	(pc) =	sbr.rel @p2 .LBB2_12-.Ltmp6, $4  }
0xd3: {  	s7 =	smul.u32 $0x500, s2  }
0xd4: {  	s3 =	spop (v2sf)  }
0xd5: {  	s31 =	sshrl.u32 s7, $0x2;
	s5 =	spop (v2sf)  }
0xd6: {  	s28 =	sadd.s32 $0xAD08, s31;
	s26 =	spop (v2sf)  }
0xd7: {  	s4 =	smin.u32 s0, $0x10  }
0xd8: {  	v1 =	vmov s4  }
0xd9: {  	p3 =	sgt.s32 s0, $0x10;
	vm1 =	vgt.u32 v1, v0  }
.Ltmp7:
0xda: {  	_ = 	snop;
	(pc) =	sbr.rel @!p3 .LBB2_11-.Ltmp7, $2  }
0xdb: {  	_ =	sdelay $0x2  }
0xdc: {  	s9 =	simm.s32 $0x10;
	s10 =	sadd.s32 $0xFFFFFFF0, s0;
	s4 =	smov.u32 s28;
	vm0 =	vmmov vm1  }
.LBB2_10:
0xdd: {  	s7 =	smin.u32 s10, $0x10;
	s9 =	sadd.s32 $0x10, s9;
	v1 =	vld.msk [tilespmem:s4+$0x0 ss:$0x1], vm1  }
0xde: {  	v2 =	vmov s7;
	p3 =	slt.s32 s9, s0  }
0xdf: {  	vm1 =	vgt.u32 v2, v0  }
.Ltmp8:
0xe0: {  	(pc) =	sbr.rel @p3 .LBB2_10-.Ltmp8, $3  }
0xe1: {  	_ =	sdelay $0x1  }
0xe2: {  	v1 =	vshll.u32 v1, $0x4  }
0xe3: {  	s10 =	sadd.s32 $0xFFFFFFF0, s10;
	[tilespmem:s4+$0x0] =	vst.msk vm0, v1;
	s4 =	sadd.s32 $0x10, s4;
	vm0 =	vmmov vm1  }
.LBB2_11:
0xe4: {  	_ =	sdelay $0x4  }
0xe5: {  	v1 =	vld.msk [tilespmem:s4+$0x0 ss:$0x1], vm1;
	_ =	sdelay $0x4  }
0xe6: {  	v1 =	vshll.u32 v1, $0x4  }
0xe7: {  	[tilespmem:s4+$0x0] =	vst.msk vm0, v1  }
.LBB2_12:
0xe8: {  	s4 =	sand.u32 $0x1, s25  }
0xe9: {  	s4 =	smul.u32 $0x140, s4  }
0xea: {  	p3 =	sne.s32 s5, $0xFFFFFFFF  }
0xeb: {  	v1 =	vld.msk @!p3 [tilespmem:s4+$0xAD08], $0x1;
	_ =	sdelay $0x4  }
0xec: {  	(v2sf) =	vpush @!p3 v1, $0x0;
	_ =	sdelay $0xc  }
.Ltmp9:
0xed: {  	_ = 	snop;
	(pc) =	sbr.rel @p2 .LBB2_23-.Ltmp9, $4  }
0xee: {  	_ = 	snop  }
0xef: {  	s29 =	spop @!p3 (v2sf)  }
0xf0: {  	s31 =	simm.s32 $0xC;
	s26 =	simm.s32 @!p3 $0x0;
	s4 =	smov.u32 s29  }
0xf1: {  	[sflag:s31] =	ssyncpa.u1 $0x0;
	s29 =	smov.u32 @p3 s3;
	s4 =	smov.u32 @p3 s5  }
0xf2: {  	v1 =	vld.msk [tilespmem:s28+$0x0], $0x1;
	_ =	sdelay $0x4  }
0xf3: {  	(v2sf) =	vpush v1, $0x0;
	_ =	sdelay $0xe  }
0xf4: {  	s2 =	smul.u32 $0x28000, s2;
	s5 =	spop (v2sf)  }
0xf5: {  	s31 =	ssub.s32 $0x0, s0;
	p2 =	seq.s32 s29, s5  }
0xf6: {  	s3 =	smov.u32 s29;
	s2 =	sshrl.u32 s2, $0x2;
	p3 =	sgt.s32 @!p2 s29, $0x0  }
0xf7: {  	s30 =	sadd.s32 $0xAFA8, s2;
	s2 =	sadd.s32 $0x1, s31;
	p3 =	por !p3, p2  }
0xf8: {  	s3 =	simm.s32 @p3 $0x0;
	p3 =	seq.s32 s2, $0x0  }
.Ltmp10:
0xf9: {  	_ = 	snop;
	(pc) =	sbr.rel @p3 .LBB2_15-.Ltmp10, $4  }
0xfa: {  	_ = 	snop  }
0xfb: {  	s0 =	simm.s32 $0x0;
	s9 =	simm.s32 @!p2 $0x1;
	s3 =	smin.u32 @!p2 s3, $0xC34F8  }
0xfc: {  	s10 =	simm.s32 @!p2 $0x50C8;
	s9 =	smov.u32 @p2 s0;
	s7 =	sand.u32 @!p2 $0xFFFF8, s3  }
0xfd: {  	s16 =	sand.u32 @!p2 $0x7, s3;
	s3 =	sadd.s32 $0x1, s28;
	s11 =	sadd.s32 @!p2 s1, s7  }
.LBB2_14:
0xfe: {  	s7 =	smov.u32 s9  }
0xff: {  	[tilespmem:s10], [sflag:$0x2] =	stream.linear.gather @!p2 [hbm4b:s11+s16], $0x40, $0x38;
	[tilespmem:$0x1EF88] =	vst v63  }
0x100: {  	s2 =	sadd.s32 $0x1, s2;
	s8 =	smov.u32 s5;
	v1 =	vld.msk [tilespmem:s3+$0x0], $0x1  }
0x101: {  	p3 =	seq.s32 s2, $0x0;
	_ =	sdelay $0x3  }
0x102: {  	(v2sf) =	vpush v1, $0x0;
	_ =	sdelay $0xe  }
0x103: {  	s5 =	spop (v2sf)  }
0x104: {  	p2 =	seq.s32 s8, s5  }
0x105: {  	p4 =	sgt.s32 @!p2 s8, $0x0;
	s10 =	sshll.u32 @!p2 s9, $0x8;
	s9 =	sadd.s32 @!p2 $0x1, s9  }
.Ltmp11:
0x106: {  	p4 =	por !p4, p2;
	s10 =	sshra.s32 @!p2 s10, $0x2;
	(pc) =	sbr.rel @!p3 .LBB2_14-.Ltmp11, $4  }
0x107: {  	s9 =	smov.u32 @p2 s7;
	s8 =	simm.s32 @p4 $0x0;
	s10 =	sadd.s32 @!p2 $0x50C8, s10  }
0x108: {  	s7 =	smin.u32 @!p2 s8, $0xC34F8  }
0x109: {  	s8 =	sand.u32 @!p2 $0xFFFF8, s7;
	s16 =	sand.u32 @!p2 $0x7, s7  }
0x10a: {  	s3 =	sadd.s32 $0x1, s3;
	s11 =	sadd.s32 @!p2 s1, s8  }
.LBB2_15:
0x10b: {  	[tilespmem:s10], [sflag:$0x2] =	stream.linear.gather @!p2 [hbm4b:s11+s16], $0x40, $0x38;
	[tilespmem:$0x1EF88] =	vst v63  }
.Ltmp12:
0x10c: {  	s2 =	sshll.u32 s9, $0x6;
	(pc) =	sbr.rel .LBB2_16-.Ltmp12, $4  }
0x10d: {  	s3 =	simm.s32 $0x2;
	s2 =	sand.u32 $0x3FFFFFC0, s2  }
0x10e: {  	_ =	swait.ge [sflag:s3], s2  }
0x10f: {  	s2 =	ssub.s32 $0x0, s2;
	[sflag:s3] =	ssyncset.done $0x0  }
0x110: {  	[sflag:s3] =	ssyncadd.s32 s2;
	s3 =	simm.s32 $0x0  }
.LBB2_17:
0x111: {  	v1 =	vld [tilespmem:s30+$0xFFFFFFE0];
	_ =	sdelay $0x4  }
0x112: {  	[tilespmem:s5+$0x88] =	vst.add.f32.msk $0xffff, v1  }
0x113: {  	v1 =	vld [tilespmem:s30+$0xFFFFFFF0];
	_ =	sdelay $0x4  }
0x114: {  	[tilespmem:s5+$0x98] =	vst.add.f32.msk $0xffff, v1  }
0x115: {  	v1 =	vld [tilespmem:s30+$0x0];
	_ =	sdelay $0x4  }
0x116: {  	[tilespmem:s5+$0xA8] =	vst.add.f32.msk $0xffff, v1  }
0x117: {  	v1 =	vld [tilespmem:s30+$0x10];
	_ =	sdelay $0x4  }
0x118: {  	[tilespmem:s5+$0xB8] =	vst.add.f32.msk $0xffff, v1  }
.LBB2_21:
0x119: {  	s31 =	sadd.s32 $0x1, s31  }
0x11a: {  	p2 =	seq.s32 s31, $0x0  }
.Ltmp13:
0x11b: {  	_ = 	snop;
	(pc) =	sbr.rel @p2 .LBB2_22-.Ltmp13, $2  }
0x11c: {  	_ =	sdelay $0x2  }
0x11d: {  	s30 =	sadd.s32 $0x80, s30;
	s28 =	sadd.s32 $0x1, s28;
	s29 =	smov.u32 s2  }
.LBB2_16:
0x11e: {  	v1 =	vld.msk [tilespmem:s28+$0x0], $0x1;
	_ =	sdelay $0x4  }
0x11f: {  	(v2sf) =	vpush v1, $0x0;
	_ =	sdelay $0xe  }
0x120: {  	s2 =	spop (v2sf)  }
0x121: {  	p2 =	sne.s32 s29, s2  }
.Ltmp14:
0x122: {  	_ = 	snop;
	(pc) =	sbr.rel @!p2 .LBB2_17-.Ltmp14, $3  }
0x123: {  	_ =	sdelay $0x1  }
0x124: {  	s5 =	sshll.u32 s26, $0x8  }
0x125: {  	s5 =	sshra.s32 s5, $0x2  }
0x126: {  	p2 =	seq.s32 s29, s4  }
.Ltmp15:
0x127: {  	_ = 	snop;
	(pc) =	sbr.rel @!p2 .LBB2_19-.Ltmp15, $1  }
0x128: {  	_ =	sdelay $0x3  }
.Ltmp16:
0x129: {  	s5 =	sadd.s32 $0x88, s5;
	(pc) =	sbr.rel .LBB2_20-.Ltmp16, $4  }
0x12a: {  	[spmem:s18] =	stream.linear.scatter [tilespmem:s5], [sflag:$0x1], $0x40, $0x38;
	[tilespmem:$0x1EF88] =	vst v63  }
0x12b: {  	_ =	swait.ge [sflag:s13], $0x40  }
0x12c: {  	[sflag:s13] =	ssyncset.done $0x0  }
0x12d: {  	[sflag:s13] =	ssyncadd.s32 $0xFFFFFFC0  }
.LBB2_19:
0x12e: {  	s7 =	sshll.u32 s0, $0x8  }
0x12f: {  	s7 =	sshra.s32 s7, $0x2  }
0x130: {  	v1 =	vld [tilespmem:s7+$0x50C8];
	_ =	sdelay $0x4  }
0x131: {  	[tilespmem:s5+$0x88] =	vst.add.f32.msk $0xffff, v1  }
0x132: {  	v1 =	vld [tilespmem:s7+$0x50D8];
	_ =	sdelay $0x4  }
0x133: {  	[tilespmem:s5+$0x98] =	vst.add.f32.msk $0xffff, v1  }
0x134: {  	v1 =	vld [tilespmem:s7+$0x50E8];
	_ =	sdelay $0x4  }
0x135: {  	[tilespmem:s5+$0xA8] =	vst.add.f32.msk $0xffff, v1  }
0x136: {  	v1 =	vld [tilespmem:s7+$0x50F8];
	_ =	sdelay $0x2  }
0x137: {  	p2 =	sgt.u32 s29, $0xC34F8  }
0x138: {  	s7 =	sand.u32 @!p2 $0xFFFF8, s29  }
0x139: {  	s8 =	sadd.s32 $0x88, s5;
	[tilespmem:s5+$0xB8] =	vst.add.f32.msk $0xffff, v1;
	s5 =	sadd.s32 @!p2 s1, s7;
	s7 =	sand.u32 @!p2 $0x7, s29  }
0x13a: {  	[hbm4b:s5+s7] =	stream.linear.scatter @!p2 [tilespmem:s8], [sflag:$0xC], $0x40, $0x38;
	[tilespmem:$0x1EF88] =	vst v63  }
0x13b: {  	s5 =	simm.s32 $0x0  }
0x13c: {  	s5 =	simm.s32 @!p2 $0x100  }
0x13d: {  	s3 =	sadd.s32 s5, s3  }
.LBB2_20:
0x13e: {  	s5 =	sadd.s32 $0x1, s26  }
0x13f: {  	s7 =	smulhi.u32 $0xCCCCCCCD, s5;
	_ =	sdelay $0x1  }
0x140: {  	v1 =	vld [tilespmem:s30+$0xFFFFFFE0];
	s7 =	sshrl.u32 s7, $0x8  }
0x141: {  	s7 =	smul.u32 $0x140, s7;
	_ =	sdelay $0x1  }
0x142: {  	s26 =	ssub.s32 s5, s7  }
0x143: {  	s5 =	sshll.u32 s26, $0x6  }
0x144: {  	[tilespmem:s5+$0x88] =	vst v1  }
0x145: {  	v1 =	vld [tilespmem:s30+$0xFFFFFFF0];
	_ =	sdelay $0x4  }
0x146: {  	[tilespmem:s5+$0x98] =	vst v1  }
0x147: {  	v1 =	vld [tilespmem:s30+$0x0];
	_ =	sdelay $0x4  }
0x148: {  	[tilespmem:s5+$0xA8] =	vst v1  }
0x149: {  	v1 =	vld [tilespmem:s30+$0x10]  }
.Ltmp17:
0x14a: {  	_ = 	snop;
	(pc) =	sbr.rel .LBB2_21-.Ltmp17, $2  }
0x14b: {  	_ =	sdelay $0x2  }
0x14c: {  	s0 =	sadd.s32 $0x1, s0;
	[tilespmem:s5+$0xB8] =	vst v1  }
.LBB2_23:
.Ltmp18:
0x14d: {  	(pc) =	sbr.rel .LBB2_24-.Ltmp18, $4  }
0x14e: {  	_ = 	snop  }
0x14f: {  	s0 =	simm.s32 $0x2  }
0x150: {  	_ =	swait.ge [sflag:s0], $0x0  }
0x151: {  	s2 =	smov.u32 s29;
	[sflag:s0] =	ssyncset.done $0x0;
	s0 =	simm.s32 $0x0  }
.LBB2_26:
0x152: {  	_ =	sfence.sel $0x180000  }
0x153: {  	s0 =	simm.s32 $0x9;
	[bflag:$0x0] =	sbarrier.arrive $0xFFFF  }
0x154: {  	s24 =	simm.s32 $0xA;
	[sflag:s0] =	ssyncpa.u1 $0x1  }
0x155: {  	s25 =	simm.s32 $0xB;
	[sflag:s24] =	ssyncpa.u1 $0x1  }
0x156: {  	s26 =	simm.s32 $0x2;
	[sflag:s25] =	ssyncpa.u1 $0x1  }
0x157: {  	[sflag:s26] =	ssyncpa.u1 $0x1  }
0x158: {  	v0 =	vld [tilespmem:$0xA108];
	_ =	sdelay $0x4  }
0x159: {  	(v2sf) =	vpush v0, $0x0  }
0x15a: {  	(v2sf) =	vpush v0, $0x1;
	_ =	sdelay $0x1  }
0x15b: {  	(v2sf) =	vpush v0, $0x2;
	_ =	sdelay $0xb  }
0x15c: {  	s0 =	spop (v2sf)  }
0x15d: {  	s2 =	spop (v2sf)  }
0x15e: {  	s3 =	smov.u32 s0;
	p0 =	sne.s32 s0, s2  }
0x15f: {  	s4 =	spop (v2sf);
	s3 =	simm.s32 @!p0 $0xFFFFFFFF  }
0x160: {  	v2 =	vimm.s32 $0x1;
	v3 =	vlaneseq.u32;
	p0 =	seq.s32 s4, $0xFFFFFFFF;
	v1 =	vmov s3  }
0x161: {  	s14 =	stileid.u32;
	v0 =	vperm.xlane v0, v2;
	p1 =	sne.s32 @!p0 s0, s2;
	v1 =	vperm.xlane v1, v3  }
0x162: {  	vm0 =	vcmask $0x3F04;
	s6 =	simm.s32 $0xA108;
	s0 =	simm.s32 @!p0 $0x1;
	p1 =	por !p1, p0  }
0x163: {  	s3 =	sshll.u32 s14, $0x1;
	s2 =	sshll.u32 @!p0 s4, $0x8;
	s0 =	simm.s32 @p1 $0x0;
	v0 =	vsel vm0, v1, v0  }
0x164: {  	s5 =	sor.u32 $0x800, s3;
	s2 =	sshra.s32 @!p0 s2, $0x2;
	s0 =	sor.u32 @!p0 s0, s3;
	[tilespmem:$0xA108] =	vst v0  }
0x165: {  	[spmem:s5] =	stream.linear.scatter [tilespmem:s6], [sflag:$0x1], $0x2, $0x38;
	[tilespmem:$0x1EF88] =	vst v63  }
0x166: {  	s2 =	sadd.s32 @!p0 $0x88, s2;
	s0 =	sshll.u32 @!p0 s0, $0x6  }
0x167: {  	[spmem:s0] =	stream.linear.scatter @!p0 [tilespmem:s2], [sflag:$0x1], $0x40, $0x38;
	[tilespmem:$0x1EF88] =	vst v63  }
0x168: {  	s0 =	simm.s32 @!p0 $0x42  }
0x169: {  	s28 =	simm.s32 $0x1;
	s0 =	simm.s32 @p0 $0x2  }
0x16a: {  	_ =	swait.ge [sflag:s28], s0  }
0x16b: {  	s0 =	ssub.s32 $0x0, s0;
	[sflag:s28] =	ssyncset.done $0x0  }
0x16c: {  	p0 =	sne.s32 s14, $0x0;
	[sflag:s28] =	ssyncadd.s32 s0  }
.Ltmp19:
0x16d: {  	_ =	sfence.stream.spmem;
	(pc) =	sbr.rel @p0 .LBB2_43-.Ltmp19, $4  }
0x16e: {  	s29 =	simm.s32 $0x3;
	[bflag:$0x0] =	sbarrier.arrive $0xFFFF  }
0x16f: {  	s30 =	simm.s32 $0x4;
	[sflag:s29] =	ssyncpa.u1 $0x1  }
0x170: {  	s31 =	simm.s32 $0x3C;
	[sflag:s30] =	ssyncpa.u1 $0x1  }
0x171: {  	s13 =	rddreg [dreg:$0x6];
	[sflag:s31] =	ssyncpa.u1 $0x1  }
0x172: {  	_ =	sfence.stream.spmem;
	s0 =	simm.s32 $0x5  }
0x173: {  	s2 =	simm.s32 $0x800;
	s3 =	simm.s32 $0xA118;
	[sflag:s0] =	ssyncpa.u1 $0x0  }
0x174: {  	[tilespmem:s3], [sflag:$0x5] =	stream.linear.gather [spmem:s2], $0x20, $0x38;
	[tilespmem:$0x1EF88] =	vst v63  }
0x175: {  	s26 =	simm.s32 $0x0;
	s28 =	simm.s32 $0xA138  }
0x176: {  	[tilespmem:s28], [sflag:$0x5] =	stream.linear.gather [spmem:s26], $0x800, $0x38;
	[tilespmem:$0x1EF88] =	vst v63  }
0x177: {  	_ =	swait.ge [sflag:s0], $0x820  }
0x178: {  	[sflag:s0] =	ssyncset.done $0x0  }
0x179: {  	s29 =	simm.s32 $0x0;
	[sflag:s0] =	ssyncadd.s32 $0xFFFFF7E0  }
0x17a: {  	v0 =	vld.msk [tilespmem:s29+$0xA118], $0x1;
	_ =	sdelay $0x1  }
0x17b: {  	s30 =	simm.s32 $0x1  }
0x17c: {  	v1 =	vld.msk [tilespmem:s30+$0xA118], $0x1;
	_ =	sdelay $0x1  }
0x17d: {  	(v2sf) =	vpush v0, $0x0;
	_ =	sdelay $0x2  }
0x17e: {  	(v2sf) =	vpush v1, $0x0;
	_ =	sdelay $0x2  }
0x17f: {  	s31 =	simm.s32 $0x2  }
0x180: {  	v0 =	vld.msk [tilespmem:s31+$0xA118], $0x1;
	_ =	sdelay $0x2  }
0x181: {  	s2 =	simm.s32 $0xFFFFFFFF;
	s3 =	simm.s32 $0xFFFFFFFF;
	s0 =	simm.s32 $0xC  }
.LBB2_28:
0x182: {  	s4 =	smov.u32 s3;
	s5 =	smov.u32 s2  }
0x183: {  	s2 =	sshra.s32 s0, $0x2;
	p1 =	sne.s32 s0, $0x7C;
	s0 =	sadd.s32 $0x4, s0;
	(v2sf) =	vpush v0, $0x0  }
0x184: {  	v0 =	vld.msk [tilespmem:s2+$0xA118], $0x1  }
.Ltmp20:
0x185: {  	(pc) =	sbr.rel @p1 .LBB2_28-.Ltmp20, $4  }
0x186: {  	s3 =	spop (v2sf)  }
0x187: {  	p2 =	sne.s32 s5, $0xFFFFFFFF;
	s2 =	smov.u32 s3  }
0x188: {  	p3 =	seq.s32 s3, $0xFFFFFFFF;
	s2 =	smov.u32 @p2 s5  }
0x189: {  	s3 =	smov.u32 @p3 s4;
	s2 =	smov.u32 @p3 s5  }
0x18a: {  	(v2sf) =	vpush v0, $0x0;
	_ =	sdelay $0x8  }
0x18b: {  	s0 =	spop (v2sf)  }
0x18c: {  	p1 =	sne.s32 s2, $0xFFFFFFFF;
	s4 =	smov.u32 s0  }
0x18d: {  	s6 =	simm.s32 $0x0;
	p2 =	seq.s32 s0, $0xFFFFFFFF;
	s4 =	smov.u32 @p1 s2  }
0x18e: {  	s9 =	simm.s32 $0xA0C8;
	s4 =	smov.u32 @p2 s2;
	s2 =	spop (v2sf)  }
0x18f: {  	s0 =	smov.u32 @p2 s3;
	p1 =	sne.s32 s4, $0xFFFFFFFF;
	s5 =	smov.u32 s2  }
.Ltmp21:
0x190: {  	p2 =	seq.s32 s2, $0xFFFFFFFF;
	s5 =	smov.u32 @p1 s4;
	(pc) =	sbr.rel .LBB2_30-.Ltmp21, $4  }
0x191: {  	s10 =	simm.s32 $0x0;
	s5 =	smov.u32 @p2 s4;
	s7 =	spop (v2sf)  }
0x192: {  	s2 =	smov.u32 @p2 s0;
	p1 =	sne.s32 s5, $0xFFFFFFFF;
	s8 =	smov.u32 s7  }
0x193: {  	s0 =	simm.s32 $0x6;
	p2 =	seq.s32 s7, $0xFFFFFFFF;
	s8 =	smov.u32 @p1 s5  }
0x194: {  	[sflag:s0] =	ssyncpa.u1 $0x0;
	s7 =	smov.u32 @p2 s2;
	s8 =	smov.u32 @p2 s5  }
.LBB2_36:
0x195: {  	p1 =	sgt.u32 s2, $0xC34F8  }
0x196: {  	p2 =	seq.s32 @!p1 s2, s8  }
0x197: {  	p1 =	por p1, p2  }
0x198: {  	p2 =	sne.s32 @!p1 s2, s7  }
0x199: {  	p1 =	por p1, !p2  }
0x19a: {  	s2 =	sshll.u32 @p1 s10, $0x8  }
0x19b: {  	s3 =	sand.u32 @!p1 $0xFFFF8, s2  }
0x19c: {  	s2 =	sand.u32 @!p1 $0x7, s2;
	s3 =	sadd.s32 @!p1 s1, s3  }
0x19d: {  	[tilespmem:s9], [sflag:$0x6] =	stream.linear.gather @!p1 [hbm4b:s3+s2], $0x40, $0x38;
	[tilespmem:$0x1EF88] =	vst v63  }
0x19e: {  	_ =	swait.ge @!p1 [sflag:s0], $0x40  }
0x19f: {  	[sflag:s0] =	ssyncset.done @!p1 $0x0  }
0x1a0: {  	[sflag:s0] =	ssyncadd.s32 @!p1 $0xFFFFFFC0  }
0x1a1: {  	v1 =	vld @!p1 [tilespmem:$0xA0C8];
	_ =	sdelay $0x2  }
0x1a2: {  	s2 =	sshll.u32 @!p1 s10, $0x8  }
0x1a3: {  	s3 =	sshrl.u32 @!p1 s2, $0x2  }
0x1a4: {  	[tilespmem:s3+$0xA138] =	vst.add.f32.msk @!p1 $0xffff, v1  }
0x1a5: {  	v1 =	vld @!p1 [tilespmem:$0xA0D8];
	_ =	sdelay $0x4  }
0x1a6: {  	[tilespmem:s3+$0xA148] =	vst.add.f32.msk @!p1 $0xffff, v1  }
0x1a7: {  	v1 =	vld @!p1 [tilespmem:$0xA0E8];
	_ =	sdelay $0x4  }
0x1a8: {  	[tilespmem:s3+$0xA158] =	vst.add.f32.msk @!p1 $0xffff, v1  }
0x1a9: {  	v1 =	vld @!p1 [tilespmem:$0xA0F8];
	_ =	sdelay $0x4  }
0x1aa: {  	[tilespmem:s3+$0xA168] =	vst.add.f32.msk @!p1 $0xffff, v1  }
0x1ab: {  	s2 =	sshrl.u32 s2, $0x2;
	[tilespmem:s6+$0xA118] =	vst.msk $0x1, v0  }
0x1ac: {  	v0 =	vld [tilespmem:s2+$0xA138];
	_ =	sdelay $0x2  }
0x1ad: {  	s31 =	sshll.u32 s6, $0x8  }
0x1ae: {  	s3 =	sshra.s32 s31, $0x2  }
0x1af: {  	[tilespmem:s3+$0xA138] =	vst v0  }
0x1b0: {  	v0 =	vld [tilespmem:s2+$0xA148];
	_ =	sdelay $0x4  }
0x1b1: {  	[tilespmem:s3+$0xA148] =	vst v0  }
0x1b2: {  	v0 =	vld [tilespmem:s2+$0xA158];
	_ =	sdelay $0x4  }
0x1b3: {  	[tilespmem:s3+$0xA158] =	vst v0  }
0x1b4: {  	v0 =	vld [tilespmem:s2+$0xA168];
	_ =	sdelay $0x4  }
0x1b5: {  	s6 =	sadd.s32 $0x1, s6;
	[tilespmem:s3+$0xA168] =	vst v0  }
.LBB2_37:
0x1b6: {  	s10 =	sadd.s32 $0x1, s10  }
0x1b7: {  	p1 =	sne.s32 s10, $0x20  }
.Ltmp22:
0x1b8: {  	_ = 	snop;
	(pc) =	sbr.rel @!p1 .LBB2_38-.Ltmp22, $1  }
0x1b9: {  	_ =	sdelay $0x3  }
.LBB2_30:
0x1ba: {  	v0 =	vld.msk [tilespmem:s10+$0xA118], $0x1;
	_ =	sdelay $0x4  }
0x1bb: {  	(v2sf) =	vpush v0, $0x0;
	_ =	sdelay $0xe  }
0x1bc: {  	s2 =	spop (v2sf)  }
0x1bd: {  	p1 =	seq.s32 s2, $0xFFFFFFFF  }
.Ltmp23:
0x1be: {  	_ = 	snop;
	(pc) =	sbr.rel @p1 .LBB2_37-.Ltmp23, $1  }
0x1bf: {  	_ =	sdelay $0x3  }
0x1c0: {  	p1 =	slt.s32 s6, $0x1  }
.Ltmp24:
0x1c1: {  	_ = 	snop;
	(pc) =	sbr.rel @p1 .LBB2_36-.Ltmp24, $1  }
0x1c2: {  	_ =	sdelay $0x3  }
0x1c3: {  	s3 =	simm.s32 $0xA118;
	p1 =	por $0x0, $0x0  }
0x1c4: {  	v1 =	vld.msk @!p1 [tilespmem:s3+$0x0], $0x1;
	_ =	sdelay $0x4  }
0x1c5: {  	(v2sf) =	vpush @!p1 v1, $0x0;
	_ =	sdelay $0xd  }
0x1c6: {  	p3 =	sne.s32 s6, $0x1  }
.Ltmp25:
0x1c7: {  	s4 =	spop @!p1 (v2sf);
	(pc) =	sbr.rel @!p3 .LBB2_34-.Ltmp25, $4  }
0x1c8: {  	p2 =	seq.s32 @!p1 s2, s4  }
0x1c9: {  	s4 =	simm.s32 $0x0;
	p2 =	por !p2, p1  }
0x1ca: {  	s11 =	simm.s32 $0xFFFFFFFF;
	s4 =	simm.s32 @p2 $0xFFFFFFFF  }
0x1cb: {  	s5 =	simm.s32 $0x1;
	s4 =	smov.u32 @p1 s11  }
.LBB2_33:
0x1cc: {  	s11 =	smov.u32 s4;
	p1 =	sne.s32 s4, $0xFFFFFFFF  }
0x1cd: {  	s3 =	sadd.s32 $0x1, s3;
	s4 =	smov.u32 s5;
	s5 =	sadd.s32 $0x1, s5  }
0x1ce: {  	p2 =	sne.s32 s6, s5;
	v1 =	vld.msk @!p1 [tilespmem:s3+$0x0], $0x1;
	_ =	sdelay $0x4  }
0x1cf: {  	(v2sf) =	vpush @!p1 v1, $0x0;
	_ =	sdelay $0xe  }
.Ltmp26:
0x1d0: {  	s12 =	spop @!p1 (v2sf);
	(pc) =	sbr.rel @p2 .LBB2_33-.Ltmp26, $4  }
0x1d1: {  	p3 =	seq.s32 @!p1 s2, s12  }
0x1d2: {  	p3 =	por !p3, p1  }
0x1d3: {  	s4 =	simm.s32 @p3 $0xFFFFFFFF  }
0x1d4: {  	s4 =	smov.u32 @p1 s11  }
.LBB2_34:
0x1d5: {  	p1 =	seq.s32 s4, $0xFFFFFFFF  }
.Ltmp27:
0x1d6: {  	_ = 	snop;
	(pc) =	sbr.rel @p1 .LBB2_36-.Ltmp27, $1  }
0x1d7: {  	_ =	sdelay $0x3  }
0x1d8: {  	s2 =	sshll.u32 s10, $0x6  }
0x1d9: {  	s2 =	sand.u32 $0x3FFFFFC0, s2  }
0x1da: {  	v0 =	vld [tilespmem:s2+$0xA138];
	_ =	sdelay $0x2  }
0x1db: {  	s3 =	sshll.u32 s4, $0x8  }
0x1dc: {  	s3 =	sshra.s32 s3, $0x2  }
0x1dd: {  	[tilespmem:s3+$0xA138] =	vst.add.f32.msk $0xffff, v0  }
0x1de: {  	v0 =	vld [tilespmem:s2+$0xA148];
	_ =	sdelay $0x4  }
0x1df: {  	[tilespmem:s3+$0xA148] =	vst.add.f32.msk $0xffff, v0  }
0x1e0: {  	v0 =	vld [tilespmem:s2+$0xA158];
	_ =	sdelay $0x4  }
0x1e1: {  	[tilespmem:s3+$0xA158] =	vst.add.f32.msk $0xffff, v0  }
0x1e2: {  	v0 =	vld [tilespmem:s2+$0xA168]  }
.Ltmp28:
0x1e3: {  	_ = 	snop;
	(pc) =	sbr.rel .LBB2_37-.Ltmp28, $2  }
0x1e4: {  	_ =	sdelay $0x2  }
0x1e5: {  	[tilespmem:s3+$0xA168] =	vst.add.f32.msk $0xffff, v0  }
.LBB2_38:
0x1e6: {  	s0 =	simm.s32 $0x6;
	p1 =	seq.s32 s6, $0x0  }
0x1e7: {  	[sflag:s0] =	ssyncpa.u1 $0x1;
	v0 =	vimm.s32 @p1 $0xFFFFFFFF  }
0x1e8: {  	s0 =	sadd.s32 $0xFFFFFFFF, s6;
	[tilespmem:$0xA938] =	vst @p1 v0  }
0x1e9: {  	v0 =	vld.msk @!p1 [tilespmem:s0+$0xA118], $0x1;
	_ =	sdelay $0x1  }
0x1ea: {  	v1 =	vld.msk @!p1 [tilespmem:$0xA118], $0x1;
	_ =	sdelay $0x2  }
0x1eb: {  	p2 =	seq.s32 @!p1 s0, $0x0;
	v0 =	vbroadcast @!p1 v0, $0x0  }
0x1ec: {  	vm0 =	vmmov @!p1 $0x1;
	p2 =	por !p2, p1  }
0x1ed: {  	v1 =	vnsel @!p1 vm0, $0xFFFFFFFF, v1;
	vm0 =	vcmask @!p1 $0x308;
	v0 =	vpsel !p2, $0xFFFFFFFF, v0  }
0x1ee: {  	p2 =	sne.s32 @!p1 s8, s7;
	v0 =	vsel @!p1 vm0, v1, v0  }
0x1ef: {  	s2 =	simm.s32 @!p1 $0xA138;
	s3 =	simm.s32 @!p1 $0x0;
	p3 =	por !p2, p1;
	[tilespmem:$0xA938] =	vst @!p1 v0  }
0x1f0: {  	[spmem:s3] =	stream.linear.scatter @!p1 [tilespmem:s2], [sflag:$0x1], $0x40, $0x38;
	[tilespmem:$0x1EF88] =	vst v63  }
0x1f1: {  	s2 =	sshll.u32 @!p3 s0, $0x8  }
0x1f2: {  	s2 =	sshra.s32 @!p3 s2, $0x2  }
0x1f3: {  	s3 =	simm.s32 @!p3 $0x40;
	s2 =	sadd.s32 @!p3 $0xA138, s2  }
0x1f4: {  	[spmem:s3] =	stream.linear.scatter @!p3 [tilespmem:s2], [sflag:$0x1], $0x40, $0x38;
	[tilespmem:$0x1EF88] =	vst v63  }
0x1f5: {  	s2 =	simm.s32 @!p3 $0x1  }
0x1f6: {  	_ =	swait.ge @!p3 [sflag:s2], $0x80  }
0x1f7: {  	p1 =	por p2, p1;
	[sflag:s2] =	ssyncset.done @!p3 $0x0  }
0x1f8: {  	[sflag:s2] =	ssyncadd.s32 @!p3 $0xFFFFFF80;
	s2 =	simm.s32 @!p1 $0x1  }
0x1f9: {  	_ =	swait.ge @!p1 [sflag:s2], $0x40  }
0x1fa: {  	s29 =	simm.s32 $0xA938;
	[sflag:s2] =	ssyncset.done @!p1 $0x0  }
0x1fb: {  	s30 =	simm.s32 $0x800;
	s31 =	simm.s32 $0x1;
	[sflag:s2] =	ssyncadd.s32 @!p1 $0xFFFFFFC0  }
0x1fc: {  	[spmem:s30] =	stream.linear.scatter [tilespmem:s29], [sflag:$0x1], $0x10, $0x38;
	[tilespmem:$0x1EF88] =	vst v63  }
0x1fd: {  	_ =	swait.ge [sflag:s31], $0x10  }
0x1fe: {  	[sflag:s31] =	ssyncset.done $0x0  }
0x1ff: {  	p1 =	seq.s32 s13, $0x0;
	s9 =	rddreg [dreg:$0x3];
	[sflag:s31] =	ssyncadd.s32 $0xFFFFFFF0  }
0x200: {  	s3 =	sshll.u32 @p1 s9, $0xE;
	s8 =	rddreg [dreg:$0x4]  }
0x201: {  	s2 =	sadd.s32 @p1 $0x15C3C, s3;
	s3 =	sshll.u32 @p1 s8, $0x11  }
0x202: {  	_ =	sfence.stream.spmem;
	s2 =	sor.u32 @p1 s3, s2  }
0x203: {  	[sflag:s2] =	ssyncadd.remote.s32 @p1 $0x1;
	s2 =	simm.s32 @p1 $0x4  }
0x204: {  	s4 =	simm.s32 @!p1 $0x3C;
	s3 =	sand.u32 $0xFFFFFFFE, s9;
	_ =	swait.ge @p1 [sflag:s2], $0x12  }
0x205: {  	s5 =	simm.s32 @!p1 $0x0;
	s3 =	sadd.s32 @!p1 $0x4, s3;
	[sflag:s2] =	ssyncset.done @p1 $0x0  }
0x206: {  	s7 =	simm.s32 @!p1 $0x80;
	[sflag:s2] =	ssyncadd.s32 @p1 $0xFFFFFFEE;
	s2 =	sshll.u32 @!p1 s3, $0x1A  }
0x207: {  	s3 =	sshll.u32 @!p1 s3, $0xD;
	s2 =	sor.u32 @!p1 s2, s8;
	_ =	swait.eq @!p1 [sflag:s4], $0x1  }
0x208: {  	s3 =	sor.u32 @!p1 $0x1C04, s3;
	s4 =	simm.s32 @!p1 $0x1C03;
	s2 =	sor.u32 @!p1 $0x80004000, s2  }
0x209: {  	[spmem:s7], [sflag:s3] =	dma.general @!p1 [spmem:s5], [sflag:s4], length:$0x10, [dreg:$0x0], stride_count:$0x0, ici_dest:s2, dma_misc:DstOpCode:WRITE  }
0x20a: {  	p2 =	slt.s32 s0, $0x2;
	s5 =	simm.s32 @!p1 $0x100;
	s7 =	simm.s32 @!p1 $0x102  }
0x20b: {  	[spmem:s7], [sflag:s3] =	dma.general @!p1 [spmem:s5], [sflag:s4], length:$0x2, [dreg:$0x0], stride_count:$0x0, ici_dest:s2, dma_misc:DstOpCode:WRITE  }
.Ltmp29:
0x20c: {  	s2 =	simm.s32 @!p1 $0x3;
	(pc) =	sbr.rel @p2 .LBB2_42-.Ltmp29, $4  }
0x20d: {  	s3 =	sshll.u32 @!p1 s9, $0xE;
	_ =	swait.ge @!p1 [sflag:s2], $0x12  }
0x20e: {  	s4 =	sshll.u32 @!p1 s8, $0x11;
	s3 =	sadd.s32 @!p1 $0x11C3C, s3;
	[sflag:s2] =	ssyncset.done @!p1 $0x0  }
0x20f: {  	[sflag:s2] =	ssyncadd.s32 @!p1 $0xFFFFFFEE;
	s2 =	sor.u32 @!p1 s4, s3  }
0x210: {  	s0 =	simm.s32 $0x0;
	[sflag:s2] =	ssyncadd.remote.s32 @!p1 $0xFFFFFFFF  }
0x211: {  	s0 =	simm.s32 $0xA119  }
0x212: {  	v0 =	vld.msk [tilespmem:s0+$0x0], $0x1;
	_ =	sdelay $0x4  }
0x213: {  	(v2sf) =	vpush v0, $0x0;
	_ =	sdelay $0xc  }
0x214: {  	s2 =	sadd.s32 $0xFFFFFFFE, s6  }
0x215: {  	s2 =	sadd.s32 $0xFFFFFFFF, s2  }
0x216: {  	p2 =	sne.s32 s2, $0x0;
	s3 =	spop (v2sf)  }
.Ltmp30:
0x217: {  	p1 =	sgt.u32 s3, $0xC34F8;
	(pc) =	sbr.rel @!p2 .LBB2_41-.Ltmp30, $4  }
0x218: {  	s5 =	simm.s32 $0x0;
	s4 =	sand.u32 @!p1 $0xFFFF8, s3  }
0x219: {  	s0 =	simm.s32 $0xA178;
	s3 =	sand.u32 @!p1 $0x7, s3;
	s4 =	sadd.s32 @!p1 s1, s4  }
0x21a: {  	[hbm4b:s4+s3] =	stream.linear.scatter @!p1 [tilespmem:s0], [sflag:$0x5], $0x40, $0x38;
	[tilespmem:$0x1EF88] =	vst v63  }
0x21b: {  	s5 =	simm.s32 @!p1 $0x100;
	s3 =	simm.s32 $0x0;
	s4 =	simm.s32 $0xA11A  }
.LBB2_40:
0x21c: {  	v0 =	vld.msk [tilespmem:s4+$0x0], $0x1;
	s2 =	sadd.s32 $0xFFFFFFFF, s2;
	s3 =	sadd.s32 s3, s5  }
0x21d: {  	p1 =	sne.s32 s2, $0x0;
	_ =	sdelay $0x3  }
0x21e: {  	(v2sf) =	vpush v0, $0x0;
	_ =	sdelay $0xe  }
.Ltmp31:
0x21f: {  	s6 =	spop (v2sf);
	(pc) =	sbr.rel @p1 .LBB2_40-.Ltmp31, $4  }
0x220: {  	s5 =	simm.s32 $0x0;
	p2 =	sgt.u32 s6, $0xC34F8  }
0x221: {  	s0 =	sadd.s32 $0x40, s0;
	s5 =	simm.s32 @!p2 $0x100;
	s7 =	sand.u32 @!p2 $0xFFFF8, s6  }
0x222: {  	s4 =	sadd.s32 $0x1, s4;
	s6 =	sand.u32 @!p2 $0x7, s6;
	s7 =	sadd.s32 @!p2 s1, s7  }
0x223: {  	[hbm4b:s7+s6] =	stream.linear.scatter @!p2 [tilespmem:s0], [sflag:$0x5], $0x40, $0x38;
	[tilespmem:$0x1EF88] =	vst v63  }
.LBB2_41:
0x224: {  	s0 =	sadd.s32 s3, s5  }
0x225: {  	s0 =	sshrl.u32 s0, $0x2  }
.LBB2_42:
0x226: {  	s2 =	simm.s32 $0x5  }
0x227: {  	_ =	swait.ge [sflag:s2], s0  }
0x228: {  	s31 =	ssub.s32 $0x0, s0;
	[sflag:s2] =	ssyncset.done $0x0  }
0x229: {  	[sflag:s2] =	ssyncadd.s32 s31  }
0x22a: {  	[sflag:s2] =	ssyncpa.u1 $0x1  }
.LBB2_43:
0x22b: {  	s0 =	sor.u32 s13, s14  }
0x22c: {  	p1 =	sne.s32 s0, $0x0  }
.Ltmp32:
0x22d: {  	_ = 	snop;
	(pc) =	sbr.rel @p1 .LBB2_58-.Ltmp32, $3  }
0x22e: {  	_ =	sdelay $0x1  }
0x22f: {  	[bflag:$0x0] =	sbarrier.arrive $0xFFFF  }
0x230: {  	_ =	sfence  }
0x231: {  	s2 =	simm.s32 $0x7  }
0x232: {  	s0 =	simm.s32 $0x800;
	s3 =	simm.s32 $0xA118;
	[sflag:s2] =	ssyncpa.u1 $0x0  }
0x233: {  	[tilespmem:s3], [sflag:$0x7] =	stream.linear.gather [spmem:s0], $0x20, $0x38;
	[tilespmem:$0x1EF88] =	vst v63  }
0x234: {  	s30 =	simm.s32 $0xA138;
	s0 =	simm.s32 $0x0  }
0x235: {  	[tilespmem:s30], [sflag:$0x7] =	stream.linear.gather [spmem:s0], $0x800, $0x38;
	[tilespmem:$0x1EF88] =	vst v63  }
.Ltmp33:
0x236: {  	_ = 	snop;
	(pc) =	sbr.rel .LBB2_45-.Ltmp33, $4  }
0x237: {  	_ =	swait.ge [sflag:s2], $0x820  }
0x238: {  	[sflag:s2] =	ssyncset.done $0x0  }
0x239: {  	s31 =	simm.s32 $0x8;
	[sflag:s2] =	ssyncadd.s32 $0xFFFFF7E0  }
0x23a: {  	s2 =	simm.s32 $0x0;
	[sflag:s31] =	ssyncpa.u1 $0x0  }
.LBB2_51:
0x23b: {  	p1 =	slt.u32 s3, $0xC34F9  }
0x23c: {  	s4 =	sand.u32 @p1 $0xFFFF8, s3  }
0x23d: {  	s3 =	sand.u32 @p1 $0x7, s3;
	s5 =	simm.s32 @p1 $0xA0C8;
	s4 =	sadd.s32 @p1 s1, s4  }
0x23e: {  	[tilespmem:s5], [sflag:$0x8] =	stream.linear.gather @p1 [hbm4b:s4+s3], $0x40, $0x38;
	[tilespmem:$0x1EF88] =	vst v63  }
0x23f: {  	s3 =	simm.s32 @p1 $0x8  }
0x240: {  	_ =	swait.ge @p1 [sflag:s3], $0x40  }
0x241: {  	[sflag:s3] =	ssyncset.done @p1 $0x0  }
0x242: {  	[sflag:s3] =	ssyncadd.s32 @p1 $0xFFFFFFC0  }
0x243: {  	v1 =	vld @p1 [tilespmem:$0xA0C8];
	_ =	sdelay $0x2  }
0x244: {  	s3 =	sshll.u32 @p1 s2, $0x8  }
0x245: {  	s4 =	sshrl.u32 @p1 s3, $0x2  }
0x246: {  	[tilespmem:s4+$0xA138] =	vst.add.f32.msk @p1 $0xffff, v1  }
0x247: {  	v1 =	vld @p1 [tilespmem:$0xA0D8];
	_ =	sdelay $0x4  }
0x248: {  	[tilespmem:s4+$0xA148] =	vst.add.f32.msk @p1 $0xffff, v1  }
0x249: {  	v1 =	vld @p1 [tilespmem:$0xA0E8];
	_ =	sdelay $0x4  }
0x24a: {  	[tilespmem:s4+$0xA158] =	vst.add.f32.msk @p1 $0xffff, v1  }
0x24b: {  	v1 =	vld @p1 [tilespmem:$0xA0F8];
	_ =	sdelay $0x3  }
0x24c: {  	s5 =	sshll.u32 @!p1 s2, $0x8  }
0x24d: {  	s5 =	smov.u32 @p1 s3;
	[tilespmem:s4+$0xA168] =	vst.add.f32.msk @p1 $0xffff, v1  }
0x24e: {  	s3 =	sshrl.u32 s5, $0x2;
	[tilespmem:s0+$0xA118] =	vst.msk $0x1, v0  }
0x24f: {  	v0 =	vld [tilespmem:s3+$0xA138];
	_ =	sdelay $0x2  }
0x250: {  	s31 =	sshll.u32 s0, $0x8  }
0x251: {  	s4 =	sshra.s32 s31, $0x2  }
0x252: {  	[tilespmem:s4+$0xA138] =	vst v0  }
0x253: {  	v0 =	vld [tilespmem:s3+$0xA148];
	_ =	sdelay $0x4  }
0x254: {  	[tilespmem:s4+$0xA148] =	vst v0  }
0x255: {  	v0 =	vld [tilespmem:s3+$0xA158];
	_ =	sdelay $0x4  }
0x256: {  	[tilespmem:s4+$0xA158] =	vst v0  }
0x257: {  	v0 =	vld [tilespmem:s3+$0xA168];
	_ =	sdelay $0x4  }
0x258: {  	s0 =	sadd.s32 $0x1, s0;
	[tilespmem:s4+$0xA168] =	vst v0  }
.LBB2_52:
0x259: {  	s2 =	sadd.s32 $0x1, s2  }
0x25a: {  	p1 =	sne.s32 s2, $0x20  }
.Ltmp34:
0x25b: {  	_ = 	snop;
	(pc) =	sbr.rel @!p1 .LBB2_53-.Ltmp34, $1  }
0x25c: {  	_ =	sdelay $0x3  }
.LBB2_45:
0x25d: {  	v0 =	vld.msk [tilespmem:s2+$0xA118], $0x1;
	_ =	sdelay $0x4  }
0x25e: {  	(v2sf) =	vpush v0, $0x0;
	_ =	sdelay $0xe  }
0x25f: {  	s3 =	spop (v2sf)  }
0x260: {  	p1 =	seq.s32 s3, $0xFFFFFFFF  }
.Ltmp35:
0x261: {  	_ = 	snop;
	(pc) =	sbr.rel @p1 .LBB2_52-.Ltmp35, $1  }
0x262: {  	_ =	sdelay $0x3  }
0x263: {  	p1 =	slt.s32 s0, $0x1  }
.Ltmp36:
0x264: {  	_ = 	snop;
	(pc) =	sbr.rel @p1 .LBB2_51-.Ltmp36, $1  }
0x265: {  	_ =	sdelay $0x3  }
0x266: {  	s4 =	simm.s32 $0xA118;
	p1 =	por $0x0, $0x0  }
0x267: {  	v1 =	vld.msk @!p1 [tilespmem:s4+$0x0], $0x1;
	_ =	sdelay $0x4  }
0x268: {  	(v2sf) =	vpush @!p1 v1, $0x0;
	_ =	sdelay $0xd  }
0x269: {  	p3 =	sne.s32 s0, $0x1  }
.Ltmp37:
0x26a: {  	s5 =	spop @!p1 (v2sf);
	(pc) =	sbr.rel @!p3 .LBB2_49-.Ltmp37, $4  }
0x26b: {  	p2 =	seq.s32 @!p1 s3, s5  }
0x26c: {  	s5 =	simm.s32 $0x0;
	p2 =	por !p2, p1  }
0x26d: {  	s7 =	simm.s32 $0xFFFFFFFF;
	s5 =	simm.s32 @p2 $0xFFFFFFFF  }
0x26e: {  	s6 =	simm.s32 $0x1;
	s5 =	smov.u32 @p1 s7  }
.LBB2_48:
0x26f: {  	s7 =	smov.u32 s5;
	p1 =	sne.s32 s5, $0xFFFFFFFF  }
0x270: {  	s4 =	sadd.s32 $0x1, s4;
	s5 =	smov.u32 s6;
	s6 =	sadd.s32 $0x1, s6  }
0x271: {  	p2 =	sne.s32 s0, s6;
	v1 =	vld.msk @!p1 [tilespmem:s4+$0x0], $0x1;
	_ =	sdelay $0x4  }
0x272: {  	(v2sf) =	vpush @!p1 v1, $0x0;
	_ =	sdelay $0xe  }
.Ltmp38:
0x273: {  	s8 =	spop @!p1 (v2sf);
	(pc) =	sbr.rel @p2 .LBB2_48-.Ltmp38, $4  }
0x274: {  	p3 =	seq.s32 @!p1 s3, s8  }
0x275: {  	p3 =	por !p3, p1  }
0x276: {  	s5 =	simm.s32 @p3 $0xFFFFFFFF  }
0x277: {  	s5 =	smov.u32 @p1 s7  }
.LBB2_49:
0x278: {  	p1 =	seq.s32 s5, $0xFFFFFFFF  }
.Ltmp39:
0x279: {  	_ = 	snop;
	(pc) =	sbr.rel @p1 .LBB2_51-.Ltmp39, $1  }
0x27a: {  	_ =	sdelay $0x3  }
0x27b: {  	s3 =	sshll.u32 s2, $0x6  }
0x27c: {  	s3 =	sand.u32 $0x3FFFFFC0, s3  }
0x27d: {  	v0 =	vld [tilespmem:s3+$0xA138];
	_ =	sdelay $0x2  }
0x27e: {  	s4 =	sshll.u32 s5, $0x8  }
0x27f: {  	s4 =	sshra.s32 s4, $0x2  }
0x280: {  	[tilespmem:s4+$0xA138] =	vst.add.f32.msk $0xffff, v0  }
0x281: {  	v0 =	vld [tilespmem:s3+$0xA148];
	_ =	sdelay $0x4  }
0x282: {  	[tilespmem:s4+$0xA148] =	vst.add.f32.msk $0xffff, v0  }
0x283: {  	v0 =	vld [tilespmem:s3+$0xA158];
	_ =	sdelay $0x4  }
0x284: {  	[tilespmem:s4+$0xA158] =	vst.add.f32.msk $0xffff, v0  }
0x285: {  	v0 =	vld [tilespmem:s3+$0xA168]  }
.Ltmp40:
0x286: {  	_ = 	snop;
	(pc) =	sbr.rel .LBB2_52-.Ltmp40, $2  }
0x287: {  	_ =	sdelay $0x2  }
0x288: {  	[tilespmem:s4+$0xA168] =	vst.add.f32.msk $0xffff, v0  }
.LBB2_53:
0x289: {  	p1 =	slt.s32 s0, $0x1  }
.Ltmp41:
0x28a: {  	_ = 	snop;
	(pc) =	sbr.rel @p1 .LBB2_57-.Ltmp41, $3  }
0x28b: {  	_ =	sdelay $0x1  }
0x28c: {  	s2 =	simm.s32 $0x8  }
0x28d: {  	[sflag:s2] =	ssyncpa.u1 $0x1;
	s2 =	simm.s32 $0x0  }
0x28e: {  	s3 =	simm.s32 $0xA118  }
0x28f: {  	v0 =	vld.msk [tilespmem:s3+$0x0], $0x1;
	_ =	sdelay $0x4  }
0x290: {  	(v2sf) =	vpush v0, $0x0;
	_ =	sdelay $0xe  }
0x291: {  	s0 =	sadd.s32 $0xFFFFFFFF, s0;
	s4 =	spop (v2sf)  }
0x292: {  	p2 =	sne.s32 s0, $0x0;
	p1 =	sgt.u32 s4, $0xC34F8  }
.Ltmp42:
0x293: {  	s5 =	sand.u32 @!p1 $0xFFFF8, s4;
	(pc) =	sbr.rel @!p2 .LBB2_56-.Ltmp42, $4  }
0x294: {  	s3 =	simm.s32 $0xA138;
	s4 =	sand.u32 @!p1 $0x7, s4;
	s5 =	sadd.s32 @!p1 s1, s5  }
0x295: {  	[hbm4b:s5+s4] =	stream.linear.scatter @!p1 [tilespmem:s3], [sflag:$0x7], $0x40, $0x38;
	[tilespmem:$0x1EF88] =	vst v63  }
0x296: {  	s5 =	simm.s32 $0x0  }
0x297: {  	s4 =	simm.s32 $0xA119;
	s5 =	simm.s32 @!p1 $0x100  }
.LBB2_55:
0x298: {  	v0 =	vld.msk [tilespmem:s4+$0x0], $0x1;
	s0 =	sadd.s32 $0xFFFFFFFF, s0;
	s2 =	sadd.s32 s2, s5  }
0x299: {  	p1 =	sne.s32 s0, $0x0;
	_ =	sdelay $0x3  }
0x29a: {  	(v2sf) =	vpush v0, $0x0;
	_ =	sdelay $0xe  }
.Ltmp43:
0x29b: {  	s6 =	spop (v2sf);
	(pc) =	sbr.rel @p1 .LBB2_55-.Ltmp43, $4  }
0x29c: {  	s5 =	simm.s32 $0x0;
	p2 =	sgt.u32 s6, $0xC34F8  }
0x29d: {  	s3 =	sadd.s32 $0x40, s3;
	s5 =	simm.s32 @!p2 $0x100;
	s7 =	sand.u32 @!p2 $0xFFFF8, s6  }
0x29e: {  	s4 =	sadd.s32 $0x1, s4;
	s6 =	sand.u32 @!p2 $0x7, s6;
	s7 =	sadd.s32 @!p2 s1, s7  }
0x29f: {  	[hbm4b:s7+s6] =	stream.linear.scatter @!p2 [tilespmem:s3], [sflag:$0x7], $0x40, $0x38;
	[tilespmem:$0x1EF88] =	vst v63  }
.LBB2_56:
0x2a0: {  	s0 =	sadd.s32 s2, s5  }
0x2a1: {  	s2 =	sshrl.u32 s0, $0x2  }
.LBB2_57:
0x2a2: {  	s0 =	simm.s32 $0x7  }
0x2a3: {  	_ =	swait.ge [sflag:s0], s2  }
0x2a4: {  	s1 =	ssub.s32 $0x0, s2;
	[sflag:s0] =	ssyncset.done $0x0  }
0x2a5: {  	[sflag:s0] =	ssyncadd.s32 s1  }
0x2a6: {  	[sflag:s0] =	ssyncpa.u1 $0x1  }
.LBB2_58:
0x2a7: {  	_ =	sfence;
	s0 =	simm.s32 $0x1  }
0x2a8: {  	[sflag:s0] =	ssyncpa.u1 $0x1  }
0x2a9: {  	_ =	strace $0x90000050  }
0x2aa: {  	[bflag:$0x2] =	sbarrier.arrive $0xFFFF  }
0x2ab: {  	s0 =	rddreg [dreg:$0x5]  }
0x2ac: {  	s0 =	sadd.s32 @!p0 $0x100000, s0  }
0x2ad: {  	[sflag:s0] =	ssyncadd.tile.s32 @!p0 $0x1;
	_ =	shalt  }
.Lfunc_end2:
_tile_overlayer_lowered:
.L_overlay_start_2:
0x2ae: {  	(tag) =	ssettag $0x2  }
0x2af: {  	s0 =	rddreg [dreg:$0x0];
	s2 =	stileid.u32  }
0x2b0: {  	s1 =	rddreg [dreg:$0x1];
	p0 =	sne.s32 s2, $0x0  }
0x2b1: {  	s3 =	rddreg [dreg:$0x2];
	[bflag:$0x3] =	sbarrier.arrive $0xFFFF;
	s2 =	simm.s32 @!p0 $0x1C01  }
0x2b2: {  	[timem:s3], [sflag:s2] =	dma.local @!p0 [hbm:s0], s1  }
0x2b3: {  	s0 =	simm.s32 @!p0 $0x1  }
0x2b4: {  	_ =	swait.ge @!p0 [sflag:s0], s1  }
0x2b5: {  	s1 =	ssub.s32 @!p0 $0x0, s1;
	[sflag:s0] =	ssyncset.done @!p0 $0x0  }
0x2b6: {  	[sflag:s0] =	ssyncadd.s32 @!p0 s1  }
0x2b7: {  	[bflag:$0x3] =	sbarrier.arrive $0xFFFF  }
0x2b8: {  	_ =	shalt  }

</sc_bundles>
